<compile_context>
chip_gen: v7x
topology: tpu7x:2x2x1
jax: 0.10.2.dev20260603
libtpu: 0.0.44.dev20260713+nightly
codegen_flags: <defaults>
</compile_context>

<pallas_src>
import jax
import jax.numpy as jnp
from jax import lax
from jax.experimental import pallas as pl
from jax.experimental.pallas import tpu as pltpu
from jax.experimental.pallas import tpu_sc as plsc

_NC = 19
_NCP = 24
_T = 8192

_NW = 32
_CH = 1536


def _sc_route(preds):
    b, nc, hw = preds.shape
    per_w = hw // _NW
    nch = per_w // _CH
    mesh = plsc.VectorSubcoreMesh(core_axis_name="c", subcore_axis_name="s")

    def body(preds_hbm, m_hbm, k_hbm, rows_v, m_buf, k_buf, sem):
        wid = lax.axis_index("s") * 2 + lax.axis_index("c")
        base = wid * per_w
        for bi in range(b):
            for ci in range(nch):
                start = base + ci * _CH
                cps = [
                    pltpu.async_copy(
                        preds_hbm.at[pl.ds((bi * nc + cls) * hw + start, _CH)],
                        rows_v.at[pl.ds(cls * _CH, _CH)], sem)
                    for cls in range(nc)
                ]
                for cp in cps:
                    cp.wait()

                def step(i, carry):
                    off = i * 16
                    mv = rows_v[pl.ds(off, 16)]
                    kv = jnp.zeros((16,), jnp.int32)
                    for cls in range(1, nc):
                        v = rows_v[pl.ds(cls * _CH + off, 16)]
                        gt = v > mv
                        mv = jnp.where(gt, v, mv)
                        kv = jnp.where(gt, cls, kv)
                    m_buf[pl.ds(off, 16)] = mv
                    k_buf[pl.ds(off, 16)] = kv
                    return carry

                lax.fori_loop(0, _CH // 16, step, 0)
                pltpu.sync_copy(m_buf, m_hbm.at[pl.ds(bi * hw + start, _CH)])
                pltpu.sync_copy(k_buf, k_hbm.at[pl.ds(bi * hw + start, _CH)])

    f = pl.kernel(
        body,
        mesh=mesh,
        out_type=[
            jax.ShapeDtypeStruct((b * hw,), jnp.float32),
            jax.ShapeDtypeStruct((b * hw,), jnp.int32),
        ],
        scratch_types=[
            pltpu.VMEM((nc * _CH,), jnp.float32),
            pltpu.VMEM((_CH,), jnp.float32),
            pltpu.VMEM((_CH,), jnp.int32),
            pltpu.SemaphoreType.DMA,
        ],
    )
    return f(preds.reshape(-1))


def _tc_body(x_ref, m_ref, k_ref, w1_ref, b1_ref, w2_ref, b2_ref, out_ref,
             nw_ref, at_ref, mr_ref, d_ref):
    j = pl.program_id(1)
    nblk = pl.num_programs(1)
    c = x_ref.shape[1]

    @pl.when(j == 0)
    def _init():
        nw_ref[...] = jnp.zeros_like(nw_ref)
        at_ref[...] = jnp.zeros_like(at_ref)
        d_ref[...] = jnp.zeros_like(d_ref)
        mr_ref[...] = jnp.full_like(mr_ref, -jnp.inf)

    x = x_ref[0]
    m = m_ref[0]
    k = k_ref[0]
    rows = jax.lax.broadcasted_iota(jnp.int32, (_NCP, _T), 0)
    sel = rows == k
    maskf = sel.astype(jnp.float32)

    mb = jnp.where(sel, jnp.broadcast_to(m, (_NCP, _T)), -jnp.inf)
    pm = jnp.max(mb, axis=1, keepdims=True)
    m_old = mr_ref[...]
    m_new = jnp.maximum(m_old, pm)
    resc = jnp.where(m_old > -jnp.inf, jnp.exp(m_old - m_new), 0.0)

    m_new_col = m_new[:, 0:1]
    mv = jnp.where(sel, jnp.broadcast_to(m_new_col, (_NCP, _T)), -jnp.inf)
    m_pp = jnp.max(mv, axis=0, keepdims=True)
    w = jnp.exp(m - m_pp)
    wm = maskf * w

    x_bf = x.astype(jnp.bfloat16)
    x_lo = (x - x_bf.astype(jnp.float32)).astype(jnp.bfloat16)
    wm_bf = wm.astype(jnp.bfloat16)
    wm_lo = (wm - wm_bf.astype(jnp.float32)).astype(jnp.bfloat16)
    dims = (((1,), (1,)), ((), ()))
    r = (jax.lax.dot_general(wm_bf, x_bf, dims,
                             preferred_element_type=jnp.float32)
         + jax.lax.dot_general(wm_bf, x_lo, dims,
                               preferred_element_type=jnp.float32)
         + jax.lax.dot_general(wm_lo, x_bf, dims,
                               preferred_element_type=jnp.float32))
    se = jnp.sum(wm, axis=1, keepdims=True)

    x1 = jax.lax.dot_general(
        w1_ref[...].astype(jnp.bfloat16), x_bf,
        (((1,), (0,)), ((), ())), preferred_element_type=jnp.float32)
    x1 = x1 + b1_ref[:, 0:1]
    ra = jax.lax.dot_general(
        maskf.astype(jnp.bfloat16), x1.astype(jnp.bfloat16),
        (((1,), (1,)), ((), ())),
        preferred_element_type=jnp.float32)

    nw_ref[...] = nw_ref[...] * resc + r
    at_ref[...] = at_ref[...] + ra
    d_ref[...] = d_ref[...] * resc + se
    mr_ref[...] = m_new

    @pl.when(j == nblk - 1)
    def _fin():
        d = d_ref[...]
        d_safe = jnp.where(d > 0, d, 1.0)
        cls_feat = nw_ref[...] / d_safe
        cf2 = jax.lax.dot_general(
            cls_feat.astype(jnp.bfloat16), w2_ref[...].astype(jnp.bfloat16),
            (((1,), (1,)), ((), ())),
            preferred_element_type=jnp.float32) + b2_ref[...]
        cf2 = cf2.astype(jnp.bfloat16).astype(jnp.float32)
        gc = jax.lax.dot_general(at_ref[...], cf2, (((0,), (0,)), ((), ())),
                                 precision=jax.lax.Precision.HIGHEST,
                                 preferred_element_type=jnp.float32)
        gc = gc * (c ** -0.5)
        gmax = jnp.max(gc, axis=1, keepdims=True)
        e = jnp.exp(gc - gmax)
        out_ref[0] = e / jnp.sum(e, axis=1, keepdims=True)


def kernel(x, preds, W1, b1, W2, b2):
    b, c, h, w = x.shape
    hw = h * w
    nc = preds.shape[1]
    x2 = x.reshape(b, c, hw)
    p2 = preds.reshape(b, nc, hw)
    nblk = hw // _T
    m, k = _sc_route(p2)
    m3 = m.reshape(b * nblk, 1, _T)
    k3 = k.reshape(b * nblk, 1, _T)
    b1t = jnp.broadcast_to(b1[:, None], (c, 128))
    out = pl.pallas_call(
        _tc_body,
        grid=(b, nblk),
        in_specs=[
            pl.BlockSpec((1, c, _T), lambda i, j: (i, 0, j)),
            pl.BlockSpec((1, 1, _T), lambda i, j, n=nblk: (i * n + j, 0, 0)),
            pl.BlockSpec((1, 1, _T), lambda i, j, n=nblk: (i * n + j, 0, 0)),
            pl.BlockSpec((c, c), lambda i, j: (0, 0)),
            pl.BlockSpec((c, 128), lambda i, j: (0, 0)),
            pl.BlockSpec((c, c), lambda i, j: (0, 0)),
            pl.BlockSpec((1, c), lambda i, j: (0, 0)),
        ],
        out_specs=pl.BlockSpec((1, c, c), lambda i, j: (i, 0, 0)),
        out_shape=jax.ShapeDtypeStruct((b, c, c), jnp.float32),
        scratch_shapes=[pltpu.VMEM((_NCP, 128), jnp.float32)] * 4,
        compiler_params=pltpu.CompilerParams(
            dimension_semantics=("arbitrary", "arbitrary")),
    )(x2, m3, k3, W1, b1t, W2, b2.reshape(1, c))
    return out

# --- scband reference (transcript-rebuilt; emitter-appended) ---
"""Pipeline reference for scband-global-class-gather-module-38577396253240 (READ-ONLY COPY).

The authoritative reference and input builder live on the scoring server;
editing this copy changes nothing except your own understanding.
"""

import jax, jax.numpy as jnp
import numpy as np

B, C, H, W = 2, 128, 384, 384
NC = 19


def setup_inputs(seed: int = 0) -> dict:
    key = jax.random.key(seed)
    k1, k2, k3, k4, k5, k6 = jax.random.split(key, 6)
    x = jax.random.normal(k1, (B, C, H, W), dtype=jnp.float32)
    preds = jax.random.normal(k2, (B, NC, H, W), dtype=jnp.float32)
    s = 1.0 / np.sqrt(C)
    W1 = jax.random.uniform(k3, (C, C), minval=-s, maxval=s, dtype=jnp.float32)
    b1 = jax.random.uniform(k4, (C,), minval=-s, maxval=s, dtype=jnp.float32)
    W2 = jax.random.uniform(k5, (C, C), minval=-s, maxval=s, dtype=jnp.float32)
    b2 = jax.random.uniform(k6, (C,), minval=-s, maxval=s, dtype=jnp.float32)
    return {"x": x, "preds": preds, "W1": W1, "b1": b1, "W2": W2, "b2": b2}


def _gcg(x, preds):
    b, c, h, w = x.shape
    nc = preds.shape[1]
    hw = h * w
    feats = x.reshape(b, c, hw).transpose(0, 2, 1).reshape(b * hw, c)  # [b*hw, c]
    p = preds.reshape(b, nc, hw).transpose(0, 2, 1)  # [b, hw, nc]
    argmax = jnp.argmax(p, axis=-1)  # [b, hw]
    pred_sel = jnp.take_along_axis(p, argmax[..., None], axis=-1)[..., 0].reshape(-1)  # [b*hw]
    seg = (argmax + nc * jnp.arange(b)[:, None]).reshape(-1)  # [b*hw], segment id = batch*nc + class
    nseg = b * nc
    # softmax of pred_sel within each (batch, argmax-class) segment (max-subtracted, numerically equal)
    seg_max = jax.ops.segment_max(pred_sel, seg, num_segments=nseg)
    ex = jnp.exp(pred_sel - seg_max[seg])
    denom = jax.ops.segment_sum(ex, seg, num_segments=nseg)
    wgt = ex / denom[seg]
    # weighted sum of features per segment, then scatter back to every pixel of that segment
    cls_feat = jax.ops.segment_sum(feats * wgt[:, None], seg, num_segments=nseg)  # [b*nc, c]
    fs = cls_feat[seg].reshape(b, h, w, c).transpose(0, 3, 1, 2)  # [b, c, h, w]
    return fs


def reference(x, preds, W1, b1, W2, b2):
    b, c, h, w = x.shape
    fs = _gcg(x, preds)
    x1 = jnp.einsum('oc,bchw->bohw', W1, x) + b1[None, :, None, None]      # conv1 (1x1)
    fs2 = jnp.einsum('oc,bchw->bohw', W2, fs) + b2[None, :, None, None]    # conv2 (1x1)
    x1 = x1.reshape(b, c, -1)                       # [b, c, hw]
    fs2 = fs2.reshape(b, c, -1).transpose(0, 2, 1)  # [b, hw, c]
    gc = jnp.matmul(x1, fs2) * (c ** (-0.5))        # [b, c, c]
    return jax.nn.softmax(gc, axis=-1)

if __name__ == "__main__":
    import jax
    _d = setup_inputs()
    print(jax.jit(kernel)(*tuple(_d.values())))

</pallas_src>

<mosaic_0001>
#map = affine_map<(d0, d1) -> (0)>
module attributes {stable_mosaic.version = 14 : i64} {
  func.func @body(%arg0: i32, %arg1: i32, %arg2: memref<5603328xf32, #tpu.memory_space<hbm>>, %arg3: memref<294912xf32, #tpu.memory_space<hbm>>, %arg4: memref<294912xi32, #tpu.memory_space<hbm>>, %arg5: memref<29184xf32, #tpu.memory_space<vmem>>, %arg6: memref<1536xf32, #tpu.memory_space<vmem>>, %arg7: memref<1536xi32, #tpu.memory_space<vmem>>, %arg8: memref<!tpu.dma_semaphore, #tpu.memory_space<semaphore_mem>>) attributes {dimension_semantics = [#tpu.dimension_semantics<core_parallel>, #tpu.dimension_semantics<subcore_parallel>], iteration_bounds = array<i64: 2, 16>, scalar_prefetch = 0 : i64, scratch_operands = 4 : i64, tpu.core_type = #tpu.core_type<sc_vector_subcore>, window_params = [{transform_indices = #map}, {transform_indices = #map}, {transform_indices = #map}]} {
    %mul3A = arith.constant 2 : i32
    %mul3A_0 = arith.muli %arg1, %mul3A : i32
    %add3A = arith.addi %mul3A_0, %arg0 : i32
    %mul3A_1 = arith.constant 4608 : i32
    %mul3A_2 = arith.muli %add3A, %mul3A_1 : i32
    %add3A_3 = arith.constant 0 : i32
    %add3A_4 = arith.addi %mul3A_2, %add3A_3 : i32
    %add3A_5 = arith.constant 0 : i32
    %add3A_6 = arith.addi %add3A_5, %add3A_4 : i32
    %dma_start3A = arith.constant 0 : i32
    %dma_start3A_7 = tpu.memref_slice %arg5[%dma_start3A] : memref<29184xf32, #tpu.memory_space<vmem>> -> memref<1536xf32, #tpu.memory_space<vmem>>
    %dma_start3A_8 = tpu.memref_slice %arg2[%add3A_6] : memref<5603328xf32, #tpu.memory_space<hbm>> -> memref<1536xf32, #tpu.memory_space<hbm>>
    %dma_start3A_9 = arith.constant 0 : i32
    %dma_start3A_10 = tpu.memref_slice %arg5[%dma_start3A_9] : memref<29184xf32, #tpu.memory_space<vmem>> -> memref<1536xf32, #tpu.memory_space<vmem>>
    %dma_start3A_11 = tpu.memref_slice %arg2[%add3A_6] : memref<5603328xf32, #tpu.memory_space<hbm>> -> memref<1536xf32, #tpu.memory_space<hbm>>
    tpu.enqueue_dma source(%dma_start3A_11 : memref<1536xf32, #tpu.memory_space<hbm>>) target(%dma_start3A_10 : memref<1536xf32, #tpu.memory_space<vmem>>) target_semaphore(%arg8 : memref<!tpu.dma_semaphore, #tpu.memory_space<semaphore_mem>>)
    %add3A_12 = arith.constant 147456 : i32
    %add3A_13 = arith.addi %add3A_12, %add3A_4 : i32
    %dma_start3A_14 = arith.constant 1536 : i32
    %dma_start3A_15 = tpu.memref_slice %arg5[%dma_start3A_14] : memref<29184xf32, #tpu.memory_space<vmem>> -> memref<1536xf32, #tpu.memory_space<vmem>>
    %dma_start3A_16 = tpu.memref_slice %arg2[%add3A_13] : memref<5603328xf32, #tpu.memory_space<hbm>> -> memref<1536xf32, #tpu.memory_space<hbm>>
    %dma_start3A_17 = arith.constant 1536 : i32
    %dma_start3A_18 = tpu.memref_slice %arg5[%dma_start3A_17] : memref<29184xf32, #tpu.memory_space<vmem>> -> memref<1536xf32, #tpu.memory_space<vmem>>
    %dma_start3A_19 = tpu.memref_slice %arg2[%add3A_13] : memref<5603328xf32, #tpu.memory_space<hbm>> -> memref<1536xf32, #tpu.memory_space<hbm>>
    tpu.enqueue_dma source(%dma_start3A_19 : memref<1536xf32, #tpu.memory_space<hbm>>) target(%dma_start3A_18 : memref<1536xf32, #tpu.memory_space<vmem>>) target_semaphore(%arg8 : memref<!tpu.dma_semaphore, #tpu.memory_space<semaphore_mem>>)
    %add3A_20 = arith.constant 294912 : i32
    %add3A_21 = arith.addi %add3A_20, %add3A_4 : i32
    %dma_start3A_22 = arith.constant 3072 : i32
    %dma_start3A_23 = tpu.memref_slice %arg5[%dma_start3A_22] : memref<29184xf32, #tpu.memory_space<vmem>> -> memref<1536xf32, #tpu.memory_space<vmem>>
    %dma_start3A_24 = tpu.memref_slice %arg2[%add3A_21] : memref<5603328xf32, #tpu.memory_space<hbm>> -> memref<1536xf32, #tpu.memory_space<hbm>>
    %dma_start3A_25 = arith.constant 3072 : i32
    %dma_start3A_26 = tpu.memref_slice %arg5[%dma_start3A_25] : memref<29184xf32, #tpu.memory_space<vmem>> -> memref<1536xf32, #tpu.memory_space<vmem>>
    %dma_start3A_27 = tpu.memref_slice %arg2[%add3A_21] : memref<5603328xf32, #tpu.memory_space<hbm>> -> memref<1536xf32, #tpu.memory_space<hbm>>
    tpu.enqueue_dma source(%dma_start3A_27 : memref<1536xf32, #tpu.memory_space<hbm>>) target(%dma_start3A_26 : memref<1536xf32, #tpu.memory_space<vmem>>) target_semaphore(%arg8 : memref<!tpu.dma_semaphore, #tpu.memory_space<semaphore_mem>>)
    %add3A_28 = arith.constant 442368 : i32
    %add3A_29 = arith.addi %add3A_28, %add3A_4 : i32
    %dma_start3A_30 = arith.constant 4608 : i32
    %dma_start3A_31 = tpu.memref_slice %arg5[%dma_start3A_30] : memref<29184xf32, #tpu.memory_space<vmem>> -> memref<1536xf32, #tpu.memory_space<vmem>>
    %dma_start3A_32 = tpu.memref_slice %arg2[%add3A_29] : memref<5603328xf32, #tpu.memory_space<hbm>> -> memref<1536xf32, #tpu.memory_space<hbm>>
    %dma_start3A_33 = arith.constant 4608 : i32
    %dma_start3A_34 = tpu.memref_slice %arg5[%dma_start3A_33] : memref<29184xf32, #tpu.memory_space<vmem>> -> memref<1536xf32, #tpu.memory_space<vmem>>
    %dma_start3A_35 = tpu.memref_slice %arg2[%add3A_29] : memref<5603328xf32, #tpu.memory_space<hbm>> -> memref<1536xf32, #tpu.memory_space<hbm>>
    tpu.enqueue_dma source(%dma_start3A_35 : memref<1536xf32, #tpu.memory_space<hbm>>) target(%dma_start3A_34 : memref<1536xf32, #tpu.memory_space<vmem>>) target_semaphore(%arg8 : memref<!tpu.dma_semaphore, #tpu.memory_space<semaphore_mem>>)
    %add3A_36 = arith.constant 589824 : i32
    %add3A_37 = arith.addi %add3A_36, %add3A_4 : i32
    %dma_start3A_38 = arith.constant 6144 : i32
    %dma_start3A_39 = tpu.memref_slice %arg5[%dma_start3A_38] : memref<29184xf32, #tpu.memory_space<vmem>> -> memref<1536xf32, #tpu.memory_space<vmem>>
    %dma_start3A_40 = tpu.memref_slice %arg2[%add3A_37] : memref<5603328xf32, #tpu.memory_space<hbm>> -> memref<1536xf32, #tpu.memory_space<hbm>>
    %dma_start3A_41 = arith.constant 6144 : i32
    %dma_start3A_42 = tpu.memref_slice %arg5[%dma_start3A_41] : memref<29184xf32, #tpu.memory_space<vmem>> -> memref<1536xf32, #tpu.memory_space<vmem>>
    %dma_start3A_43 = tpu.memref_slice %arg2[%add3A_37] : memref<5603328xf32, #tpu.memory_space<hbm>> -> memref<1536xf32, #tpu.memory_space<hbm>>
    tpu.enqueue_dma source(%dma_start3A_43 : memref<1536xf32, #tpu.memory_space<hbm>>) target(%dma_start3A_42 : memref<1536xf32, #tpu.memory_space<vmem>>) target_semaphore(%arg8 : memref<!tpu.dma_semaphore, #tpu.memory_space<semaphore_mem>>)
    %add3A_44 = arith.constant 737280 : i32
    %add3A_45 = arith.addi %add3A_44, %add3A_4 : i32
    %dma_start3A_46 = arith.constant 7680 : i32
    %dma_start3A_47 = tpu.memref_slice %arg5[%dma_start3A_46] : memref<29184xf32, #tpu.memory_space<vmem>> -> memref<1536xf32, #tpu.memory_space<vmem>>
    %dma_start3A_48 = tpu.memref_slice %arg2[%add3A_45] : memref<5603328xf32, #tpu.memory_space<hbm>> -> memref<1536xf32, #tpu.memory_space<hbm>>
    %dma_start3A_49 = arith.constant 7680 : i32
    %dma_start3A_50 = tpu.memref_slice %arg5[%dma_start3A_49] : memref<29184xf32, #tpu.memory_space<vmem>> -> memref<1536xf32, #tpu.memory_space<vmem>>
    %dma_start3A_51 = tpu.memref_slice %arg2[%add3A_45] : memref<5603328xf32, #tpu.memory_space<hbm>> -> memref<1536xf32, #tpu.memory_space<hbm>>
    tpu.enqueue_dma source(%dma_start3A_51 : memref<1536xf32, #tpu.memory_space<hbm>>) target(%dma_start3A_50 : memref<1536xf32, #tpu.memory_space<vmem>>) target_semaphore(%arg8 : memref<!tpu.dma_semaphore, #tpu.memory_space<semaphore_mem>>)
    %add3A_52 = arith.constant 884736 : i32
    %add3A_53 = arith.addi %add3A_52, %add3A_4 : i32
    %dma_start3A_54 = arith.constant 9216 : i32
    %dma_start3A_55 = tpu.memref_slice %arg5[%dma_start3A_54] : memref<29184xf32, #tpu.memory_space<vmem>> -> memref<1536xf32, #tpu.memory_space<vmem>>
    %dma_start3A_56 = tpu.memref_slice %arg2[%add3A_53] : memref<5603328xf32, #tpu.memory_space<hbm>> -> memref<1536xf32, #tpu.memory_space<hbm>>
    %dma_start3A_57 = arith.constant 9216 : i32
    %dma_start3A_58 = tpu.memref_slice %arg5[%dma_start3A_57] : memref<29184xf32, #tpu.memory_space<vmem>> -> memref<1536xf32, #tpu.memory_space<vmem>>
    %dma_start3A_59 = tpu.memref_slice %arg2[%add3A_53] : memref<5603328xf32, #tpu.memory_space<hbm>> -> memref<1536xf32, #tpu.memory_space<hbm>>
    tpu.enqueue_dma source(%dma_start3A_59 : memref<1536xf32, #tpu.memory_space<hbm>>) target(%dma_start3A_58 : memref<1536xf32, #tpu.memory_space<vmem>>) target_semaphore(%arg8 : memref<!tpu.dma_semaphore, #tpu.memory_space<semaphore_mem>>)
    %add3A_60 = arith.constant 1032192 : i32
    %add3A_61 = arith.addi %add3A_60, %add3A_4 : i32
    %dma_start3A_62 = arith.constant 10752 : i32
    %dma_start3A_63 = tpu.memref_slice %arg5[%dma_start3A_62] : memref<29184xf32, #tpu.memory_space<vmem>> -> memref<1536xf32, #tpu.memory_space<vmem>>
    %dma_start3A_64 = tpu.memref_slice %arg2[%add3A_61] : memref<5603328xf32, #tpu.memory_space<hbm>> -> memref<1536xf32, #tpu.memory_space<hbm>>
    %dma_start3A_65 = arith.constant 10752 : i32
    %dma_start3A_66 = tpu.memref_slice %arg5[%dma_start3A_65] : memref<29184xf32, #tpu.memory_space<vmem>> -> memref<1536xf32, #tpu.memory_space<vmem>>
    %dma_start3A_67 = tpu.memref_slice %arg2[%add3A_61] : memref<5603328xf32, #tpu.memory_space<hbm>> -> memref<1536xf32, #tpu.memory_space<hbm>>
    tpu.enqueue_dma source(%dma_start3A_67 : memref<1536xf32, #tpu.memory_space<hbm>>) target(%dma_start3A_66 : memref<1536xf32, #tpu.memory_space<vmem>>) target_semaphore(%arg8 : memref<!tpu.dma_semaphore, #tpu.memory_space<semaphore_mem>>)
    %add3A_68 = arith.constant 1179648 : i32
    %add3A_69 = arith.addi %add3A_68, %add3A_4 : i32
    %dma_start3A_70 = arith.constant 12288 : i32
    %dma_start3A_71 = tpu.memref_slice %arg5[%dma_start3A_70] : memref<29184xf32, #tpu.memory_space<vmem>> -> memref<1536xf32, #tpu.memory_space<vmem>>
    %dma_start3A_72 = tpu.memref_slice %arg2[%add3A_69] : memref<5603328xf32, #tpu.memory_space<hbm>> -> memref<1536xf32, #tpu.memory_space<hbm>>
    %dma_start3A_73 = arith.constant 12288 : i32
    %dma_start3A_74 = tpu.memref_slice %arg5[%dma_start3A_73] : memref<29184xf32, #tpu.memory_space<vmem>> -> memref<1536xf32, #tpu.memory_space<vmem>>
    %dma_start3A_75 = tpu.memref_slice %arg2[%add3A_69] : memref<5603328xf32, #tpu.memory_space<hbm>> -> memref<1536xf32, #tpu.memory_space<hbm>>
    tpu.enqueue_dma source(%dma_start3A_75 : memref<1536xf32, #tpu.memory_space<hbm>>) target(%dma_start3A_74 : memref<1536xf32, #tpu.memory_space<vmem>>) target_semaphore(%arg8 : memref<!tpu.dma_semaphore, #tpu.memory_space<semaphore_mem>>)
    %add3A_76 = arith.constant 1327104 : i32
    %add3A_77 = arith.addi %add3A_76, %add3A_4 : i32
    %dma_start3A_78 = arith.constant 13824 : i32
    %dma_start3A_79 = tpu.memref_slice %arg5[%dma_start3A_78] : memref<29184xf32, #tpu.memory_space<vmem>> -> memref<1536xf32, #tpu.memory_space<vmem>>
    %dma_start3A_80 = tpu.memref_slice %arg2[%add3A_77] : memref<5603328xf32, #tpu.memory_space<hbm>> -> memref<1536xf32, #tpu.memory_space<hbm>>
    %dma_start3A_81 = arith.constant 13824 : i32
    %dma_start3A_82 = tpu.memref_slice %arg5[%dma_start3A_81] : memref<29184xf32, #tpu.memory_space<vmem>> -> memref<1536xf32, #tpu.memory_space<vmem>>
    %dma_start3A_83 = tpu.memref_slice %arg2[%add3A_77] : memref<5603328xf32, #tpu.memory_space<hbm>> -> memref<1536xf32, #tpu.memory_space<hbm>>
    tpu.enqueue_dma source(%dma_start3A_83 : memref<1536xf32, #tpu.memory_space<hbm>>) target(%dma_start3A_82 : memref<1536xf32, #tpu.memory_space<vmem>>) target_semaphore(%arg8 : memref<!tpu.dma_semaphore, #tpu.memory_space<semaphore_mem>>)
    %add3A_84 = arith.constant 1474560 : i32
    %add3A_85 = arith.addi %add3A_84, %add3A_4 : i32
    %dma_start3A_86 = arith.constant 15360 : i32
    %dma_start3A_87 = tpu.memref_slice %arg5[%dma_start3A_86] : memref<29184xf32, #tpu.memory_space<vmem>> -> memref<1536xf32, #tpu.memory_space<vmem>>
    %dma_start3A_88 = tpu.memref_slice %arg2[%add3A_85] : memref<5603328xf32, #tpu.memory_space<hbm>> -> memref<1536xf32, #tpu.memory_space<hbm>>
    %dma_start3A_89 = arith.constant 15360 : i32
    %dma_start3A_90 = tpu.memref_slice %arg5[%dma_start3A_89] : memref<29184xf32, #tpu.memory_space<vmem>> -> memref<1536xf32, #tpu.memory_space<vmem>>
    %dma_start3A_91 = tpu.memref_slice %arg2[%add3A_85] : memref<5603328xf32, #tpu.memory_space<hbm>> -> memref<1536xf32, #tpu.memory_space<hbm>>
    tpu.enqueue_dma source(%dma_start3A_91 : memref<1536xf32, #tpu.memory_space<hbm>>) target(%dma_start3A_90 : memref<1536xf32, #tpu.memory_space<vmem>>) target_semaphore(%arg8 : memref<!tpu.dma_semaphore, #tpu.memory_space<semaphore_mem>>)
    %add3A_92 = arith.constant 1622016 : i32
    %add3A_93 = arith.addi %add3A_92, %add3A_4 : i32
    %dma_start3A_94 = arith.constant 16896 : i32
    %dma_start3A_95 = tpu.memref_slice %arg5[%dma_start3A_94] : memref<29184xf32, #tpu.memory_space<vmem>> -> memref<1536xf32, #tpu.memory_space<vmem>>
    %dma_start3A_96 = tpu.memref_slice %arg2[%add3A_93] : memref<5603328xf32, #tpu.memory_space<hbm>> -> memref<1536xf32, #tpu.memory_space<hbm>>
    %dma_start3A_97 = arith.constant 16896 : i32
    %dma_start3A_98 = tpu.memref_slice %arg5[%dma_start3A_97] : memref<29184xf32, #tpu.memory_space<vmem>> -> memref<1536xf32, #tpu.memory_space<vmem>>
    %dma_start3A_99 = tpu.memref_slice %arg2[%add3A_93] : memref<5603328xf32, #tpu.memory_space<hbm>> -> memref<1536xf32, #tpu.memory_space<hbm>>
    tpu.enqueue_dma source(%dma_start3A_99 : memref<1536xf32, #tpu.memory_space<hbm>>) target(%dma_start3A_98 : memref<1536xf32, #tpu.memory_space<vmem>>) target_semaphore(%arg8 : memref<!tpu.dma_semaphore, #tpu.memory_space<semaphore_mem>>)
    %add3A_100 = arith.constant 1769472 : i32
    %add3A_101 = arith.addi %add3A_100, %add3A_4 : i32
    %dma_start3A_102 = arith.constant 18432 : i32
    %dma_start3A_103 = tpu.memref_slice %arg5[%dma_start3A_102] : memref<29184xf32, #tpu.memory_space<vmem>> -> memref<1536xf32, #tpu.memory_space<vmem>>
    %dma_start3A_104 = tpu.memref_slice %arg2[%add3A_101] : memref<5603328xf32, #tpu.memory_space<hbm>> -> memref<1536xf32, #tpu.memory_space<hbm>>
    %dma_start3A_105 = arith.constant 18432 : i32
    %dma_start3A_106 = tpu.memref_slice %arg5[%dma_start3A_105] : memref<29184xf32, #tpu.memory_space<vmem>> -> memref<1536xf32, #tpu.memory_space<vmem>>
    %dma_start3A_107 = tpu.memref_slice %arg2[%add3A_101] : memref<5603328xf32, #tpu.memory_space<hbm>> -> memref<1536xf32, #tpu.memory_space<hbm>>
    tpu.enqueue_dma source(%dma_start3A_107 : memref<1536xf32, #tpu.memory_space<hbm>>) target(%dma_start3A_106 : memref<1536xf32, #tpu.memory_space<vmem>>) target_semaphore(%arg8 : memref<!tpu.dma_semaphore, #tpu.memory_space<semaphore_mem>>)
    %add3A_108 = arith.constant 1916928 : i32
    %add3A_109 = arith.addi %add3A_108, %add3A_4 : i32
    %dma_start3A_110 = arith.constant 19968 : i32
    %dma_start3A_111 = tpu.memref_slice %arg5[%dma_start3A_110] : memref<29184xf32, #tpu.memory_space<vmem>> -> memref<1536xf32, #tpu.memory_space<vmem>>
    %dma_start3A_112 = tpu.memref_slice %arg2[%add3A_109] : memref<5603328xf32, #tpu.memory_space<hbm>> -> memref<1536xf32, #tpu.memory_space<hbm>>
    %dma_start3A_113 = arith.constant 19968 : i32
    %dma_start3A_114 = tpu.memref_slice %arg5[%dma_start3A_113] : memref<29184xf32, #tpu.memory_space<vmem>> -> memref<1536xf32, #tpu.memory_space<vmem>>
    %dma_start3A_115 = tpu.memref_slice %arg2[%add3A_109] : memref<5603328xf32, #tpu.memory_space<hbm>> -> memref<1536xf32, #tpu.memory_space<hbm>>
    tpu.enqueue_dma source(%dma_start3A_115 : memref<1536xf32, #tpu.memory_space<hbm>>) target(%dma_start3A_114 : memref<1536xf32, #tpu.memory_space<vmem>>) target_semaphore(%arg8 : memref<!tpu.dma_semaphore, #tpu.memory_space<semaphore_mem>>)
    %add3A_116 = arith.constant 2064384 : i32
    %add3A_117 = arith.addi %add3A_116, %add3A_4 : i32
    %dma_start3A_118 = arith.constant 21504 : i32
    %dma_start3A_119 = tpu.memref_slice %arg5[%dma_start3A_118] : memref<29184xf32, #tpu.memory_space<vmem>> -> memref<1536xf32, #tpu.memory_space<vmem>>
    %dma_start3A_120 = tpu.memref_slice %arg2[%add3A_117] : memref<5603328xf32, #tpu.memory_space<hbm>> -> memref<1536xf32, #tpu.memory_space<hbm>>
    %dma_start3A_121 = arith.constant 21504 : i32
    %dma_start3A_122 = tpu.memref_slice %arg5[%dma_start3A_121] : memref<29184xf32, #tpu.memory_space<vmem>> -> memref<1536xf32, #tpu.memory_space<vmem>>
    %dma_start3A_123 = tpu.memref_slice %arg2[%add3A_117] : memref<5603328xf32, #tpu.memory_space<hbm>> -> memref<1536xf32, #tpu.memory_space<hbm>>
    tpu.enqueue_dma source(%dma_start3A_123 : memref<1536xf32, #tpu.memory_space<hbm>>) target(%dma_start3A_122 : memref<1536xf32, #tpu.memory_space<vmem>>) target_semaphore(%arg8 : memref<!tpu.dma_semaphore, #tpu.memory_space<semaphore_mem>>)
    %add3A_124 = arith.constant 2211840 : i32
    %add3A_125 = arith.addi %add3A_124, %add3A_4 : i32
    %dma_start3A_126 = arith.constant 23040 : i32
    %dma_start3A_127 = tpu.memref_slice %arg5[%dma_start3A_126] : memref<29184xf32, #tpu.memory_space<vmem>> -> memref<1536xf32, #tpu.memory_space<vmem>>
    %dma_start3A_128 = tpu.memref_slice %arg2[%add3A_125] : memref<5603328xf32, #tpu.memory_space<hbm>> -> memref<1536xf32, #tpu.memory_space<hbm>>
    %dma_start3A_129 = arith.constant 23040 : i32
    %dma_start3A_130 = tpu.memref_slice %arg5[%dma_start3A_129] : memref<29184xf32, #tpu.memory_space<vmem>> -> memref<1536xf32, #tpu.memory_space<vmem>>
    %dma_start3A_131 = tpu.memref_slice %arg2[%add3A_125] : memref<5603328xf32, #tpu.memory_space<hbm>> -> memref<1536xf32, #tpu.memory_space<hbm>>
    tpu.enqueue_dma source(%dma_start3A_131 : memref<1536xf32, #tpu.memory_space<hbm>>) target(%dma_start3A_130 : memref<1536xf32, #tpu.memory_space<vmem>>) target_semaphore(%arg8 : memref<!tpu.dma_semaphore, #tpu.memory_space<semaphore_mem>>)
    %add3A_132 = arith.constant 2359296 : i32
    %add3A_133 = arith.addi %add3A_132, %add3A_4 : i32
    %dma_start3A_134 = arith.constant 24576 : i32
    %dma_start3A_135 = tpu.memref_slice %arg5[%dma_start3A_134] : memref<29184xf32, #tpu.memory_space<vmem>> -> memref<1536xf32, #tpu.memory_space<vmem>>
    %dma_start3A_136 = tpu.memref_slice %arg2[%add3A_133] : memref<5603328xf32, #tpu.memory_space<hbm>> -> memref<1536xf32, #tpu.memory_space<hbm>>
    %dma_start3A_137 = arith.constant 24576 : i32
    %dma_start3A_138 = tpu.memref_slice %arg5[%dma_start3A_137] : memref<29184xf32, #tpu.memory_space<vmem>> -> memref<1536xf32, #tpu.memory_space<vmem>>
    %dma_start3A_139 = tpu.memref_slice %arg2[%add3A_133] : memref<5603328xf32, #tpu.memory_space<hbm>> -> memref<1536xf32, #tpu.memory_space<hbm>>
    tpu.enqueue_dma source(%dma_start3A_139 : memref<1536xf32, #tpu.memory_space<hbm>>) target(%dma_start3A_138 : memref<1536xf32, #tpu.memory_space<vmem>>) target_semaphore(%arg8 : memref<!tpu.dma_semaphore, #tpu.memory_space<semaphore_mem>>)
    %add3A_140 = arith.constant 2506752 : i32
    %add3A_141 = arith.addi %add3A_140, %add3A_4 : i32
    %dma_start3A_142 = arith.constant 26112 : i32
    %dma_start3A_143 = tpu.memref_slice %arg5[%dma_start3A_142] : memref<29184xf32, #tpu.memory_space<vmem>> -> memref<1536xf32, #tpu.memory_space<vmem>>
    %dma_start3A_144 = tpu.memref_slice %arg2[%add3A_141] : memref<5603328xf32, #tpu.memory_space<hbm>> -> memref<1536xf32, #tpu.memory_space<hbm>>
    %dma_start3A_145 = arith.constant 26112 : i32
    %dma_start3A_146 = tpu.memref_slice %arg5[%dma_start3A_145] : memref<29184xf32, #tpu.memory_space<vmem>> -> memref<1536xf32, #tpu.memory_space<vmem>>
    %dma_start3A_147 = tpu.memref_slice %arg2[%add3A_141] : memref<5603328xf32, #tpu.memory_space<hbm>> -> memref<1536xf32, #tpu.memory_space<hbm>>
    tpu.enqueue_dma source(%dma_start3A_147 : memref<1536xf32, #tpu.memory_space<hbm>>) target(%dma_start3A_146 : memref<1536xf32, #tpu.memory_space<vmem>>) target_semaphore(%arg8 : memref<!tpu.dma_semaphore, #tpu.memory_space<semaphore_mem>>)
    %add3A_148 = arith.constant 2654208 : i32
    %add3A_149 = arith.addi %add3A_148, %add3A_4 : i32
    %dma_start3A_150 = arith.constant 27648 : i32
    %dma_start3A_151 = tpu.memref_slice %arg5[%dma_start3A_150] : memref<29184xf32, #tpu.memory_space<vmem>> -> memref<1536xf32, #tpu.memory_space<vmem>>
    %dma_start3A_152 = tpu.memref_slice %arg2[%add3A_149] : memref<5603328xf32, #tpu.memory_space<hbm>> -> memref<1536xf32, #tpu.memory_space<hbm>>
    %dma_start3A_153 = arith.constant 27648 : i32
    %dma_start3A_154 = tpu.memref_slice %arg5[%dma_start3A_153] : memref<29184xf32, #tpu.memory_space<vmem>> -> memref<1536xf32, #tpu.memory_space<vmem>>
    %dma_start3A_155 = tpu.memref_slice %arg2[%add3A_149] : memref<5603328xf32, #tpu.memory_space<hbm>> -> memref<1536xf32, #tpu.memory_space<hbm>>
    tpu.enqueue_dma source(%dma_start3A_155 : memref<1536xf32, #tpu.memory_space<hbm>>) target(%dma_start3A_154 : memref<1536xf32, #tpu.memory_space<vmem>>) target_semaphore(%arg8 : memref<!tpu.dma_semaphore, #tpu.memory_space<semaphore_mem>>)
    %dma_wait3A = arith.constant 0 : i32
    %dma_wait3A_156 = tpu.memref_slice %arg5[%dma_wait3A] : memref<29184xf32, #tpu.memory_space<vmem>> -> memref<1536xf32, #tpu.memory_space<vmem>>
    %dma_wait3A_157 = tpu.memref_slice %arg2[%add3A_6] : memref<5603328xf32, #tpu.memory_space<hbm>> -> memref<1536xf32, #tpu.memory_space<hbm>>
    %dma_wait3A_158 = arith.constant 0 : i32
    %dma_wait3A_159 = tpu.memref_slice %arg5[%dma_wait3A_158] : memref<29184xf32, #tpu.memory_space<vmem>> -> memref<1536xf32, #tpu.memory_space<vmem>>
    %dma_wait3A_160 = tpu.memref_slice %arg2[%add3A_6] : memref<5603328xf32, #tpu.memory_space<hbm>> -> memref<1536xf32, #tpu.memory_space<hbm>>
    tpu.wait_dma2 semaphore(%arg8 : memref<!tpu.dma_semaphore, #tpu.memory_space<semaphore_mem>>) src(%dma_wait3A_160 : memref<1536xf32, #tpu.memory_space<hbm>>) dst(%dma_wait3A_159 : memref<1536xf32, #tpu.memory_space<vmem>>)
    %dma_wait3A_161 = arith.constant 1536 : i32
    %dma_wait3A_162 = tpu.memref_slice %arg5[%dma_wait3A_161] : memref<29184xf32, #tpu.memory_space<vmem>> -> memref<1536xf32, #tpu.memory_space<vmem>>
    %dma_wait3A_163 = tpu.memref_slice %arg2[%add3A_13] : memref<5603328xf32, #tpu.memory_space<hbm>> -> memref<1536xf32, #tpu.memory_space<hbm>>
    %dma_wait3A_164 = arith.constant 1536 : i32
    %dma_wait3A_165 = tpu.memref_slice %arg5[%dma_wait3A_164] : memref<29184xf32, #tpu.memory_space<vmem>> -> memref<1536xf32, #tpu.memory_space<vmem>>
    %dma_wait3A_166 = tpu.memref_slice %arg2[%add3A_13] : memref<5603328xf32, #tpu.memory_space<hbm>> -> memref<1536xf32, #tpu.memory_space<hbm>>
    tpu.wait_dma2 semaphore(%arg8 : memref<!tpu.dma_semaphore, #tpu.memory_space<semaphore_mem>>) src(%dma_wait3A_166 : memref<1536xf32, #tpu.memory_space<hbm>>) dst(%dma_wait3A_165 : memref<1536xf32, #tpu.memory_space<vmem>>)
    %dma_wait3A_167 = arith.constant 3072 : i32
    %dma_wait3A_168 = tpu.memref_slice %arg5[%dma_wait3A_167] : memref<29184xf32, #tpu.memory_space<vmem>> -> memref<1536xf32, #tpu.memory_space<vmem>>
    %dma_wait3A_169 = tpu.memref_slice %arg2[%add3A_21] : memref<5603328xf32, #tpu.memory_space<hbm>> -> memref<1536xf32, #tpu.memory_space<hbm>>
    %dma_wait3A_170 = arith.constant 3072 : i32
    %dma_wait3A_171 = tpu.memref_slice %arg5[%dma_wait3A_170] : memref<29184xf32, #tpu.memory_space<vmem>> -> memref<1536xf32, #tpu.memory_space<vmem>>
    %dma_wait3A_172 = tpu.memref_slice %arg2[%add3A_21] : memref<5603328xf32, #tpu.memory_space<hbm>> -> memref<1536xf32, #tpu.memory_space<hbm>>
    tpu.wait_dma2 semaphore(%arg8 : memref<!tpu.dma_semaphore, #tpu.memory_space<semaphore_mem>>) src(%dma_wait3A_172 : memref<1536xf32, #tpu.memory_space<hbm>>) dst(%dma_wait3A_171 : memref<1536xf32, #tpu.memory_space<vmem>>)
    %dma_wait3A_173 = arith.constant 4608 : i32
    %dma_wait3A_174 = tpu.memref_slice %arg5[%dma_wait3A_173] : memref<29184xf32, #tpu.memory_space<vmem>> -> memref<1536xf32, #tpu.memory_space<vmem>>
    %dma_wait3A_175 = tpu.memref_slice %arg2[%add3A_29] : memref<5603328xf32, #tpu.memory_space<hbm>> -> memref<1536xf32, #tpu.memory_space<hbm>>
    %dma_wait3A_176 = arith.constant 4608 : i32
    %dma_wait3A_177 = tpu.memref_slice %arg5[%dma_wait3A_176] : memref<29184xf32, #tpu.memory_space<vmem>> -> memref<1536xf32, #tpu.memory_space<vmem>>
    %dma_wait3A_178 = tpu.memref_slice %arg2[%add3A_29] : memref<5603328xf32, #tpu.memory_space<hbm>> -> memref<1536xf32, #tpu.memory_space<hbm>>
    tpu.wait_dma2 semaphore(%arg8 : memref<!tpu.dma_semaphore, #tpu.memory_space<semaphore_mem>>) src(%dma_wait3A_178 : memref<1536xf32, #tpu.memory_space<hbm>>) dst(%dma_wait3A_177 : memref<1536xf32, #tpu.memory_space<vmem>>)
    %dma_wait3A_179 = arith.constant 6144 : i32
    %dma_wait3A_180 = tpu.memref_slice %arg5[%dma_wait3A_179] : memref<29184xf32, #tpu.memory_space<vmem>> -> memref<1536xf32, #tpu.memory_space<vmem>>
    %dma_wait3A_181 = tpu.memref_slice %arg2[%add3A_37] : memref<5603328xf32, #tpu.memory_space<hbm>> -> memref<1536xf32, #tpu.memory_space<hbm>>
    %dma_wait3A_182 = arith.constant 6144 : i32
    %dma_wait3A_183 = tpu.memref_slice %arg5[%dma_wait3A_182] : memref<29184xf32, #tpu.memory_space<vmem>> -> memref<1536xf32, #tpu.memory_space<vmem>>
    %dma_wait3A_184 = tpu.memref_slice %arg2[%add3A_37] : memref<5603328xf32, #tpu.memory_space<hbm>> -> memref<1536xf32, #tpu.memory_space<hbm>>
    tpu.wait_dma2 semaphore(%arg8 : memref<!tpu.dma_semaphore, #tpu.memory_space<semaphore_mem>>) src(%dma_wait3A_184 : memref<1536xf32, #tpu.memory_space<hbm>>) dst(%dma_wait3A_183 : memref<1536xf32, #tpu.memory_space<vmem>>)
    %dma_wait3A_185 = arith.constant 7680 : i32
    %dma_wait3A_186 = tpu.memref_slice %arg5[%dma_wait3A_185] : memref<29184xf32, #tpu.memory_space<vmem>> -> memref<1536xf32, #tpu.memory_space<vmem>>
    %dma_wait3A_187 = tpu.memref_slice %arg2[%add3A_45] : memref<5603328xf32, #tpu.memory_space<hbm>> -> memref<1536xf32, #tpu.memory_space<hbm>>
    %dma_wait3A_188 = arith.constant 7680 : i32
    %dma_wait3A_189 = tpu.memref_slice %arg5[%dma_wait3A_188] : memref<29184xf32, #tpu.memory_space<vmem>> -> memref<1536xf32, #tpu.memory_space<vmem>>
    %dma_wait3A_190 = tpu.memref_slice %arg2[%add3A_45] : memref<5603328xf32, #tpu.memory_space<hbm>> -> memref<1536xf32, #tpu.memory_space<hbm>>
    tpu.wait_dma2 semaphore(%arg8 : memref<!tpu.dma_semaphore, #tpu.memory_space<semaphore_mem>>) src(%dma_wait3A_190 : memref<1536xf32, #tpu.memory_space<hbm>>) dst(%dma_wait3A_189 : memref<1536xf32, #tpu.memory_space<vmem>>)
    %dma_wait3A_191 = arith.constant 9216 : i32
    %dma_wait3A_192 = tpu.memref_slice %arg5[%dma_wait3A_191] : memref<29184xf32, #tpu.memory_space<vmem>> -> memref<1536xf32, #tpu.memory_space<vmem>>
    %dma_wait3A_193 = tpu.memref_slice %arg2[%add3A_53] : memref<5603328xf32, #tpu.memory_space<hbm>> -> memref<1536xf32, #tpu.memory_space<hbm>>
    %dma_wait3A_194 = arith.constant 9216 : i32
    %dma_wait3A_195 = tpu.memref_slice %arg5[%dma_wait3A_194] : memref<29184xf32, #tpu.memory_space<vmem>> -> memref<1536xf32, #tpu.memory_space<vmem>>
    %dma_wait3A_196 = tpu.memref_slice %arg2[%add3A_53] : memref<5603328xf32, #tpu.memory_space<hbm>> -> memref<1536xf32, #tpu.memory_space<hbm>>
    tpu.wait_dma2 semaphore(%arg8 : memref<!tpu.dma_semaphore, #tpu.memory_space<semaphore_mem>>) src(%dma_wait3A_196 : memref<1536xf32, #tpu.memory_space<hbm>>) dst(%dma_wait3A_195 : memref<1536xf32, #tpu.memory_space<vmem>>)
    %dma_wait3A_197 = arith.constant 10752 : i32
    %dma_wait3A_198 = tpu.memref_slice %arg5[%dma_wait3A_197] : memref<29184xf32, #tpu.memory_space<vmem>> -> memref<1536xf32, #tpu.memory_space<vmem>>
    %dma_wait3A_199 = tpu.memref_slice %arg2[%add3A_61] : memref<5603328xf32, #tpu.memory_space<hbm>> -> memref<1536xf32, #tpu.memory_space<hbm>>
    %dma_wait3A_200 = arith.constant 10752 : i32
    %dma_wait3A_201 = tpu.memref_slice %arg5[%dma_wait3A_200] : memref<29184xf32, #tpu.memory_space<vmem>> -> memref<1536xf32, #tpu.memory_space<vmem>>
    %dma_wait3A_202 = tpu.memref_slice %arg2[%add3A_61] : memref<5603328xf32, #tpu.memory_space<hbm>> -> memref<1536xf32, #tpu.memory_space<hbm>>
    tpu.wait_dma2 semaphore(%arg8 : memref<!tpu.dma_semaphore, #tpu.memory_space<semaphore_mem>>) src(%dma_wait3A_202 : memref<1536xf32, #tpu.memory_space<hbm>>) dst(%dma_wait3A_201 : memref<1536xf32, #tpu.memory_space<vmem>>)
    %dma_wait3A_203 = arith.constant 12288 : i32
    %dma_wait3A_204 = tpu.memref_slice %arg5[%dma_wait3A_203] : memref<29184xf32, #tpu.memory_space<vmem>> -> memref<1536xf32, #tpu.memory_space<vmem>>
    %dma_wait3A_205 = tpu.memref_slice %arg2[%add3A_69] : memref<5603328xf32, #tpu.memory_space<hbm>> -> memref<1536xf32, #tpu.memory_space<hbm>>
    %dma_wait3A_206 = arith.constant 12288 : i32
    %dma_wait3A_207 = tpu.memref_slice %arg5[%dma_wait3A_206] : memref<29184xf32, #tpu.memory_space<vmem>> -> memref<1536xf32, #tpu.memory_space<vmem>>
    %dma_wait3A_208 = tpu.memref_slice %arg2[%add3A_69] : memref<5603328xf32, #tpu.memory_space<hbm>> -> memref<1536xf32, #tpu.memory_space<hbm>>
    tpu.wait_dma2 semaphore(%arg8 : memref<!tpu.dma_semaphore, #tpu.memory_space<semaphore_mem>>) src(%dma_wait3A_208 : memref<1536xf32, #tpu.memory_space<hbm>>) dst(%dma_wait3A_207 : memref<1536xf32, #tpu.memory_space<vmem>>)
    %dma_wait3A_209 = arith.constant 13824 : i32
    %dma_wait3A_210 = tpu.memref_slice %arg5[%dma_wait3A_209] : memref<29184xf32, #tpu.memory_space<vmem>> -> memref<1536xf32, #tpu.memory_space<vmem>>
    %dma_wait3A_211 = tpu.memref_slice %arg2[%add3A_77] : memref<5603328xf32, #tpu.memory_space<hbm>> -> memref<1536xf32, #tpu.memory_space<hbm>>
    %dma_wait3A_212 = arith.constant 13824 : i32
    %dma_wait3A_213 = tpu.memref_slice %arg5[%dma_wait3A_212] : memref<29184xf32, #tpu.memory_space<vmem>> -> memref<1536xf32, #tpu.memory_space<vmem>>
    %dma_wait3A_214 = tpu.memref_slice %arg2[%add3A_77] : memref<5603328xf32, #tpu.memory_space<hbm>> -> memref<1536xf32, #tpu.memory_space<hbm>>
    tpu.wait_dma2 semaphore(%arg8 : memref<!tpu.dma_semaphore, #tpu.memory_space<semaphore_mem>>) src(%dma_wait3A_214 : memref<1536xf32, #tpu.memory_space<hbm>>) dst(%dma_wait3A_213 : memref<1536xf32, #tpu.memory_space<vmem>>)
    %dma_wait3A_215 = arith.constant 15360 : i32
    %dma_wait3A_216 = tpu.memref_slice %arg5[%dma_wait3A_215] : memref<29184xf32, #tpu.memory_space<vmem>> -> memref<1536xf32, #tpu.memory_space<vmem>>
    %dma_wait3A_217 = tpu.memref_slice %arg2[%add3A_85] : memref<5603328xf32, #tpu.memory_space<hbm>> -> memref<1536xf32, #tpu.memory_space<hbm>>
    %dma_wait3A_218 = arith.constant 15360 : i32
    %dma_wait3A_219 = tpu.memref_slice %arg5[%dma_wait3A_218] : memref<29184xf32, #tpu.memory_space<vmem>> -> memref<1536xf32, #tpu.memory_space<vmem>>
    %dma_wait3A_220 = tpu.memref_slice %arg2[%add3A_85] : memref<5603328xf32, #tpu.memory_space<hbm>> -> memref<1536xf32, #tpu.memory_space<hbm>>
    tpu.wait_dma2 semaphore(%arg8 : memref<!tpu.dma_semaphore, #tpu.memory_space<semaphore_mem>>) src(%dma_wait3A_220 : memref<1536xf32, #tpu.memory_space<hbm>>) dst(%dma_wait3A_219 : memref<1536xf32, #tpu.memory_space<vmem>>)
    %dma_wait3A_221 = arith.constant 16896 : i32
    %dma_wait3A_222 = tpu.memref_slice %arg5[%dma_wait3A_221] : memref<29184xf32, #tpu.memory_space<vmem>> -> memref<1536xf32, #tpu.memory_space<vmem>>
    %dma_wait3A_223 = tpu.memref_slice %arg2[%add3A_93] : memref<5603328xf32, #tpu.memory_space<hbm>> -> memref<1536xf32, #tpu.memory_space<hbm>>
    %dma_wait3A_224 = arith.constant 16896 : i32
    %dma_wait3A_225 = tpu.memref_slice %arg5[%dma_wait3A_224] : memref<29184xf32, #tpu.memory_space<vmem>> -> memref<1536xf32, #tpu.memory_space<vmem>>
    %dma_wait3A_226 = tpu.memref_slice %arg2[%add3A_93] : memref<5603328xf32, #tpu.memory_space<hbm>> -> memref<1536xf32, #tpu.memory_space<hbm>>
    tpu.wait_dma2 semaphore(%arg8 : memref<!tpu.dma_semaphore, #tpu.memory_space<semaphore_mem>>) src(%dma_wait3A_226 : memref<1536xf32, #tpu.memory_space<hbm>>) dst(%dma_wait3A_225 : memref<1536xf32, #tpu.memory_space<vmem>>)
    %dma_wait3A_227 = arith.constant 18432 : i32
    %dma_wait3A_228 = tpu.memref_slice %arg5[%dma_wait3A_227] : memref<29184xf32, #tpu.memory_space<vmem>> -> memref<1536xf32, #tpu.memory_space<vmem>>
    %dma_wait3A_229 = tpu.memref_slice %arg2[%add3A_101] : memref<5603328xf32, #tpu.memory_space<hbm>> -> memref<1536xf32, #tpu.memory_space<hbm>>
    %dma_wait3A_230 = arith.constant 18432 : i32
    %dma_wait3A_231 = tpu.memref_slice %arg5[%dma_wait3A_230] : memref<29184xf32, #tpu.memory_space<vmem>> -> memref<1536xf32, #tpu.memory_space<vmem>>
    %dma_wait3A_232 = tpu.memref_slice %arg2[%add3A_101] : memref<5603328xf32, #tpu.memory_space<hbm>> -> memref<1536xf32, #tpu.memory_space<hbm>>
    tpu.wait_dma2 semaphore(%arg8 : memref<!tpu.dma_semaphore, #tpu.memory_space<semaphore_mem>>) src(%dma_wait3A_232 : memref<1536xf32, #tpu.memory_space<hbm>>) dst(%dma_wait3A_231 : memref<1536xf32, #tpu.memory_space<vmem>>)
    %dma_wait3A_233 = arith.constant 19968 : i32
    %dma_wait3A_234 = tpu.memref_slice %arg5[%dma_wait3A_233] : memref<29184xf32, #tpu.memory_space<vmem>> -> memref<1536xf32, #tpu.memory_space<vmem>>
    %dma_wait3A_235 = tpu.memref_slice %arg2[%add3A_109] : memref<5603328xf32, #tpu.memory_space<hbm>> -> memref<1536xf32, #tpu.memory_space<hbm>>
    %dma_wait3A_236 = arith.constant 19968 : i32
    %dma_wait3A_237 = tpu.memref_slice %arg5[%dma_wait3A_236] : memref<29184xf32, #tpu.memory_space<vmem>> -> memref<1536xf32, #tpu.memory_space<vmem>>
    %dma_wait3A_238 = tpu.memref_slice %arg2[%add3A_109] : memref<5603328xf32, #tpu.memory_space<hbm>> -> memref<1536xf32, #tpu.memory_space<hbm>>
    tpu.wait_dma2 semaphore(%arg8 : memref<!tpu.dma_semaphore, #tpu.memory_space<semaphore_mem>>) src(%dma_wait3A_238 : memref<1536xf32, #tpu.memory_space<hbm>>) dst(%dma_wait3A_237 : memref<1536xf32, #tpu.memory_space<vmem>>)
    %dma_wait3A_239 = arith.constant 21504 : i32
    %dma_wait3A_240 = tpu.memref_slice %arg5[%dma_wait3A_239] : memref<29184xf32, #tpu.memory_space<vmem>> -> memref<1536xf32, #tpu.memory_space<vmem>>
    %dma_wait3A_241 = tpu.memref_slice %arg2[%add3A_117] : memref<5603328xf32, #tpu.memory_space<hbm>> -> memref<1536xf32, #tpu.memory_space<hbm>>
    %dma_wait3A_242 = arith.constant 21504 : i32
    %dma_wait3A_243 = tpu.memref_slice %arg5[%dma_wait3A_242] : memref<29184xf32, #tpu.memory_space<vmem>> -> memref<1536xf32, #tpu.memory_space<vmem>>
    %dma_wait3A_244 = tpu.memref_slice %arg2[%add3A_117] : memref<5603328xf32, #tpu.memory_space<hbm>> -> memref<1536xf32, #tpu.memory_space<hbm>>
    tpu.wait_dma2 semaphore(%arg8 : memref<!tpu.dma_semaphore, #tpu.memory_space<semaphore_mem>>) src(%dma_wait3A_244 : memref<1536xf32, #tpu.memory_space<hbm>>) dst(%dma_wait3A_243 : memref<1536xf32, #tpu.memory_space<vmem>>)
    %dma_wait3A_245 = arith.constant 23040 : i32
    %dma_wait3A_246 = tpu.memref_slice %arg5[%dma_wait3A_245] : memref<29184xf32, #tpu.memory_space<vmem>> -> memref<1536xf32, #tpu.memory_space<vmem>>
    %dma_wait3A_247 = tpu.memref_slice %arg2[%add3A_125] : memref<5603328xf32, #tpu.memory_space<hbm>> -> memref<1536xf32, #tpu.memory_space<hbm>>
    %dma_wait3A_248 = arith.constant 23040 : i32
    %dma_wait3A_249 = tpu.memref_slice %arg5[%dma_wait3A_248] : memref<29184xf32, #tpu.memory_space<vmem>> -> memref<1536xf32, #tpu.memory_space<vmem>>
    %dma_wait3A_250 = tpu.memref_slice %arg2[%add3A_125] : memref<5603328xf32, #tpu.memory_space<hbm>> -> memref<1536xf32, #tpu.memory_space<hbm>>
    tpu.wait_dma2 semaphore(%arg8 : memref<!tpu.dma_semaphore, #tpu.memory_space<semaphore_mem>>) src(%dma_wait3A_250 : memref<1536xf32, #tpu.memory_space<hbm>>) dst(%dma_wait3A_249 : memref<1536xf32, #tpu.memory_space<vmem>>)
    %dma_wait3A_251 = arith.constant 24576 : i32
    %dma_wait3A_252 = tpu.memref_slice %arg5[%dma_wait3A_251] : memref<29184xf32, #tpu.memory_space<vmem>> -> memref<1536xf32, #tpu.memory_space<vmem>>
    %dma_wait3A_253 = tpu.memref_slice %arg2[%add3A_133] : memref<5603328xf32, #tpu.memory_space<hbm>> -> memref<1536xf32, #tpu.memory_space<hbm>>
    %dma_wait3A_254 = arith.constant 24576 : i32
    %dma_wait3A_255 = tpu.memref_slice %arg5[%dma_wait3A_254] : memref<29184xf32, #tpu.memory_space<vmem>> -> memref<1536xf32, #tpu.memory_space<vmem>>
    %dma_wait3A_256 = tpu.memref_slice %arg2[%add3A_133] : memref<5603328xf32, #tpu.memory_space<hbm>> -> memref<1536xf32, #tpu.memory_space<hbm>>
    tpu.wait_dma2 semaphore(%arg8 : memref<!tpu.dma_semaphore, #tpu.memory_space<semaphore_mem>>) src(%dma_wait3A_256 : memref<1536xf32, #tpu.memory_space<hbm>>) dst(%dma_wait3A_255 : memref<1536xf32, #tpu.memory_space<vmem>>)
    %dma_wait3A_257 = arith.constant 26112 : i32
    %dma_wait3A_258 = tpu.memref_slice %arg5[%dma_wait3A_257] : memref<29184xf32, #tpu.memory_space<vmem>> -> memref<1536xf32, #tpu.memory_space<vmem>>
    %dma_wait3A_259 = tpu.memref_slice %arg2[%add3A_141] : memref<5603328xf32, #tpu.memory_space<hbm>> -> memref<1536xf32, #tpu.memory_space<hbm>>
    %dma_wait3A_260 = arith.constant 26112 : i32
    %dma_wait3A_261 = tpu.memref_slice %arg5[%dma_wait3A_260] : memref<29184xf32, #tpu.memory_space<vmem>> -> memref<1536xf32, #tpu.memory_space<vmem>>
    %dma_wait3A_262 = tpu.memref_slice %arg2[%add3A_141] : memref<5603328xf32, #tpu.memory_space<hbm>> -> memref<1536xf32, #tpu.memory_space<hbm>>
    tpu.wait_dma2 semaphore(%arg8 : memref<!tpu.dma_semaphore, #tpu.memory_space<semaphore_mem>>) src(%dma_wait3A_262 : memref<1536xf32, #tpu.memory_space<hbm>>) dst(%dma_wait3A_261 : memref<1536xf32, #tpu.memory_space<vmem>>)
    %dma_wait3A_263 = arith.constant 27648 : i32
    %dma_wait3A_264 = tpu.memref_slice %arg5[%dma_wait3A_263] : memref<29184xf32, #tpu.memory_space<vmem>> -> memref<1536xf32, #tpu.memory_space<vmem>>
    %dma_wait3A_265 = tpu.memref_slice %arg2[%add3A_149] : memref<5603328xf32, #tpu.memory_space<hbm>> -> memref<1536xf32, #tpu.memory_space<hbm>>
    %dma_wait3A_266 = arith.constant 27648 : i32
    %dma_wait3A_267 = tpu.memref_slice %arg5[%dma_wait3A_266] : memref<29184xf32, #tpu.memory_space<vmem>> -> memref<1536xf32, #tpu.memory_space<vmem>>
    %dma_wait3A_268 = tpu.memref_slice %arg2[%add3A_149] : memref<5603328xf32, #tpu.memory_space<hbm>> -> memref<1536xf32, #tpu.memory_space<hbm>>
    tpu.wait_dma2 semaphore(%arg8 : memref<!tpu.dma_semaphore, #tpu.memory_space<semaphore_mem>>) src(%dma_wait3A_268 : memref<1536xf32, #tpu.memory_space<hbm>>) dst(%dma_wait3A_267 : memref<1536xf32, #tpu.memory_space<vmem>>)
    %scan3A = arith.constant 0 : i32
    %scan3A_269 = arith.constant 0 : i32
    %scan3A_270 = arith.constant 96 : i32
    %scan3A_271 = arith.addi %scan3A_269, %scan3A_270 : i32
    %scan3A_272 = arith.constant 1 : i32
    scf.for %scan3A_1668 = %scan3A_269 to %scan3A_271 step %scan3A_272  : i32 {
      %mul3A_1669 = arith.constant 16 : i32
      %mul3A_1670 = arith.muli %scan3A_1668, %mul3A_1669 : i32
      %get3A = arith.index_cast %mul3A_1670 : i32 to index
      %get3A_1671 = tpu.vector_load %arg5[%get3A] {strides = array<i32>} : memref<29184xf32, #tpu.memory_space<vmem>>, vector<16xf32>,
      %get3A_1672 = vector.shape_cast %get3A_1671 : vector<16xf32> to vector<16xf32>
      %broadcast_in_dim3A = arith.constant 0 : i32
      %broadcast_in_dim3A_1673 = vector.broadcast %broadcast_in_dim3A : i32 to vector<16xi32>
      %add3A_1674 = arith.constant 1536 : i32
      %add3A_1675 = arith.addi %add3A_1674, %mul3A_1670 : i32
      %get3A_1676 = arith.index_cast %add3A_1675 : i32 to index
      %get3A_1677 = tpu.vector_load %arg5[%get3A_1676] {strides = array<i32>} : memref<29184xf32, #tpu.memory_space<vmem>>, vector<16xf32>,
      %get3A_1678 = vector.shape_cast %get3A_1677 : vector<16xf32> to vector<16xf32>
      %gt3A = arith.cmpf ogt, %get3A_1678, %get3A_1672 : vector<16xf32>
      %select_n3A = arith.select %gt3A, %get3A_1678, %get3A_1672 : vector<16xi1>, vector<16xf32>
      %jit3A = arith.constant 1 : i32
      %broadcast_in_dim3A_1679 = vector.broadcast %jit3A : i32 to vector<16xi32>
      %select_n3A_1680 = arith.select %gt3A, %broadcast_in_dim3A_1679, %broadcast_in_dim3A_1673 : vector<16xi1>, vector<16xi32>
      %add3A_1681 = arith.constant 3072 : i32
      %add3A_1682 = arith.addi %add3A_1681, %mul3A_1670 : i32
      %get3A_1683 = arith.index_cast %add3A_1682 : i32 to index
      %get3A_1684 = tpu.vector_load %arg5[%get3A_1683] {strides = array<i32>} : memref<29184xf32, #tpu.memory_space<vmem>>, vector<16xf32>,
      %get3A_1685 = vector.shape_cast %get3A_1684 : vector<16xf32> to vector<16xf32>
      %gt3A_1686 = arith.cmpf ogt, %get3A_1685, %select_n3A : vector<16xf32>
      %select_n3A_1687 = arith.select %gt3A_1686, %get3A_1685, %select_n3A : vector<16xi1>, vector<16xf32>
      %jit3A_1688 = arith.constant 2 : i32
      %broadcast_in_dim3A_1689 = vector.broadcast %jit3A_1688 : i32 to vector<16xi32>
      %select_n3A_1690 = arith.select %gt3A_1686, %broadcast_in_dim3A_1689, %select_n3A_1680 : vector<16xi1>, vector<16xi32>
      %add3A_1691 = arith.constant 4608 : i32
      %add3A_1692 = arith.addi %add3A_1691, %mul3A_1670 : i32
      %get3A_1693 = arith.index_cast %add3A_1692 : i32 to index
      %get3A_1694 = tpu.vector_load %arg5[%get3A_1693] {strides = array<i32>} : memref<29184xf32, #tpu.memory_space<vmem>>, vector<16xf32>,
      %get3A_1695 = vector.shape_cast %get3A_1694 : vector<16xf32> to vector<16xf32>
      %gt3A_1696 = arith.cmpf ogt, %get3A_1695, %select_n3A_1687 : vector<16xf32>
      %select_n3A_1697 = arith.select %gt3A_1696, %get3A_1695, %select_n3A_1687 : vector<16xi1>, vector<16xf32>
      %jit3A_1698 = arith.constant 3 : i32
      %broadcast_in_dim3A_1699 = vector.broadcast %jit3A_1698 : i32 to vector<16xi32>
      %select_n3A_1700 = arith.select %gt3A_1696, %broadcast_in_dim3A_1699, %select_n3A_1690 : vector<16xi1>, vector<16xi32>
      %add3A_1701 = arith.constant 6144 : i32
      %add3A_1702 = arith.addi %add3A_1701, %mul3A_1670 : i32
      %get3A_1703 = arith.index_cast %add3A_1702 : i32 to index
      %get3A_1704 = tpu.vector_load %arg5[%get3A_1703] {strides = array<i32>} : memref<29184xf32, #tpu.memory_space<vmem>>, vector<16xf32>,
      %get3A_1705 = vector.shape_cast %get3A_1704 : vector<16xf32> to vector<16xf32>
      %gt3A_1706 = arith.cmpf ogt, %get3A_1705, %select_n3A_1697 : vector<16xf32>
      %select_n3A_1707 = arith.select %gt3A_1706, %get3A_1705, %select_n3A_1697 : vector<16xi1>, vector<16xf32>
      %jit3A_1708 = arith.constant 4 : i32
      %broadcast_in_dim3A_1709 = vector.broadcast %jit3A_1708 : i32 to vector<16xi32>
      %select_n3A_1710 = arith.select %gt3A_1706, %broadcast_in_dim3A_1709, %select_n3A_1700 : vector<16xi1>, vector<16xi32>
      %add3A_1711 = arith.constant 7680 : i32
      %add3A_1712 = arith.addi %add3A_1711, %mul3A_1670 : i32
      %get3A_1713 = arith.index_cast %add3A_1712 : i32 to index
      %get3A_1714 = tpu.vector_load %arg5[%get3A_1713] {strides = array<i32>} : memref<29184xf32, #tpu.memory_space<vmem>>, vector<16xf32>,
      %get3A_1715 = vector.shape_cast %get3A_1714 : vector<16xf32> to vector<16xf32>
      %gt3A_1716 = arith.cmpf ogt, %get3A_1715, %select_n3A_1707 : vector<16xf32>
      %select_n3A_1717 = arith.select %gt3A_1716, %get3A_1715, %select_n3A_1707 : vector<16xi1>, vector<16xf32>
      %jit3A_1718 = arith.constant 5 : i32
      %broadcast_in_dim3A_1719 = vector.broadcast %jit3A_1718 : i32 to vector<16xi32>
      %select_n3A_1720 = arith.select %gt3A_1716, %broadcast_in_dim3A_1719, %select_n3A_1710 : vector<16xi1>, vector<16xi32>
      %add3A_1721 = arith.constant 9216 : i32
      %add3A_1722 = arith.addi %add3A_1721, %mul3A_1670 : i32
      %get3A_1723 = arith.index_cast %add3A_1722 : i32 to index
      %get3A_1724 = tpu.vector_load %arg5[%get3A_1723] {strides = array<i32>} : memref<29184xf32, #tpu.memory_space<vmem>>, vector<16xf32>,
      %get3A_1725 = vector.shape_cast %get3A_1724 : vector<16xf32> to vector<16xf32>
      %gt3A_1726 = arith.cmpf ogt, %get3A_1725, %select_n3A_1717 : vector<16xf32>
      %select_n3A_1727 = arith.select %gt3A_1726, %get3A_1725, %select_n3A_1717 : vector<16xi1>, vector<16xf32>
      %jit3A_1728 = arith.constant 6 : i32
      %broadcast_in_dim3A_1729 = vector.broadcast %jit3A_1728 : i32 to vector<16xi32>
      %select_n3A_1730 = arith.select %gt3A_1726, %broadcast_in_dim3A_1729, %select_n3A_1720 : vector<16xi1>, vector<16xi32>
      %add3A_1731 = arith.constant 10752 : i32
      %add3A_1732 = arith.addi %add3A_1731, %mul3A_1670 : i32
      %get3A_1733 = arith.index_cast %add3A_1732 : i32 to index
      %get3A_1734 = tpu.vector_load %arg5[%get3A_1733] {strides = array<i32>} : memref<29184xf32, #tpu.memory_space<vmem>>, vector<16xf32>,
      %get3A_1735 = vector.shape_cast %get3A_1734 : vector<16xf32> to vector<16xf32>
      %gt3A_1736 = arith.cmpf ogt, %get3A_1735, %select_n3A_1727 : vector<16xf32>
      %select_n3A_1737 = arith.select %gt3A_1736, %get3A_1735, %select_n3A_1727 : vector<16xi1>, vector<16xf32>
      %jit3A_1738 = arith.constant 7 : i32
      %broadcast_in_dim3A_1739 = vector.broadcast %jit3A_1738 : i32 to vector<16xi32>
      %select_n3A_1740 = arith.select %gt3A_1736, %broadcast_in_dim3A_1739, %select_n3A_1730 : vector<16xi1>, vector<16xi32>
      %add3A_1741 = arith.constant 12288 : i32
      %add3A_1742 = arith.addi %add3A_1741, %mul3A_1670 : i32
      %get3A_1743 = arith.index_cast %add3A_1742 : i32 to index
      %get3A_1744 = tpu.vector_load %arg5[%get3A_1743] {strides = array<i32>} : memref<29184xf32, #tpu.memory_space<vmem>>, vector<16xf32>,
      %get3A_1745 = vector.shape_cast %get3A_1744 : vector<16xf32> to vector<16xf32>
      %gt3A_1746 = arith.cmpf ogt, %get3A_1745, %select_n3A_1737 : vector<16xf32>
      %select_n3A_1747 = arith.select %gt3A_1746, %get3A_1745, %select_n3A_1737 : vector<16xi1>, vector<16xf32>
      %jit3A_1748 = arith.constant 8 : i32
      %broadcast_in_dim3A_1749 = vector.broadcast %jit3A_1748 : i32 to vector<16xi32>
      %select_n3A_1750 = arith.select %gt3A_1746, %broadcast_in_dim3A_1749, %select_n3A_1740 : vector<16xi1>, vector<16xi32>
      %add3A_1751 = arith.constant 13824 : i32
      %add3A_1752 = arith.addi %add3A_1751, %mul3A_1670 : i32
      %get3A_1753 = arith.index_cast %add3A_1752 : i32 to index
      %get3A_1754 = tpu.vector_load %arg5[%get3A_1753] {strides = array<i32>} : memref<29184xf32, #tpu.memory_space<vmem>>, vector<16xf32>,
      %get3A_1755 = vector.shape_cast %get3A_1754 : vector<16xf32> to vector<16xf32>
      %gt3A_1756 = arith.cmpf ogt, %get3A_1755, %select_n3A_1747 : vector<16xf32>
      %select_n3A_1757 = arith.select %gt3A_1756, %get3A_1755, %select_n3A_1747 : vector<16xi1>, vector<16xf32>
      %jit3A_1758 = arith.constant 9 : i32
      %broadcast_in_dim3A_1759 = vector.broadcast %jit3A_1758 : i32 to vector<16xi32>
      %select_n3A_1760 = arith.select %gt3A_1756, %broadcast_in_dim3A_1759, %select_n3A_1750 : vector<16xi1>, vector<16xi32>
      %add3A_1761 = arith.constant 15360 : i32
      %add3A_1762 = arith.addi %add3A_1761, %mul3A_1670 : i32
      %get3A_1763 = arith.index_cast %add3A_1762 : i32 to index
      %get3A_1764 = tpu.vector_load %arg5[%get3A_1763] {strides = array<i32>} : memref<29184xf32, #tpu.memory_space<vmem>>, vector<16xf32>,
      %get3A_1765 = vector.shape_cast %get3A_1764 : vector<16xf32> to vector<16xf32>
      %gt3A_1766 = arith.cmpf ogt, %get3A_1765, %select_n3A_1757 : vector<16xf32>
      %select_n3A_1767 = arith.select %gt3A_1766, %get3A_1765, %select_n3A_1757 : vector<16xi1>, vector<16xf32>
      %jit3A_1768 = arith.constant 10 : i32
      %broadcast_in_dim3A_1769 = vector.broadcast %jit3A_1768 : i32 to vector<16xi32>
      %select_n3A_1770 = arith.select %gt3A_1766, %broadcast_in_dim3A_1769, %select_n3A_1760 : vector<16xi1>, vector<16xi32>
      %add3A_1771 = arith.constant 16896 : i32
      %add3A_1772 = arith.addi %add3A_1771, %mul3A_1670 : i32
      %get3A_1773 = arith.index_cast %add3A_1772 : i32 to index
      %get3A_1774 = tpu.vector_load %arg5[%get3A_1773] {strides = array<i32>} : memref<29184xf32, #tpu.memory_space<vmem>>, vector<16xf32>,
      %get3A_1775 = vector.shape_cast %get3A_1774 : vector<16xf32> to vector<16xf32>
      %gt3A_1776 = arith.cmpf ogt, %get3A_1775, %select_n3A_1767 : vector<16xf32>
      %select_n3A_1777 = arith.select %gt3A_1776, %get3A_1775, %select_n3A_1767 : vector<16xi1>, vector<16xf32>
      %jit3A_1778 = arith.constant 11 : i32
      %broadcast_in_dim3A_1779 = vector.broadcast %jit3A_1778 : i32 to vector<16xi32>
      %select_n3A_1780 = arith.select %gt3A_1776, %broadcast_in_dim3A_1779, %select_n3A_1770 : vector<16xi1>, vector<16xi32>
      %add3A_1781 = arith.constant 18432 : i32
      %add3A_1782 = arith.addi %add3A_1781, %mul3A_1670 : i32
      %get3A_1783 = arith.index_cast %add3A_1782 : i32 to index
      %get3A_1784 = tpu.vector_load %arg5[%get3A_1783] {strides = array<i32>} : memref<29184xf32, #tpu.memory_space<vmem>>, vector<16xf32>,
      %get3A_1785 = vector.shape_cast %get3A_1784 : vector<16xf32> to vector<16xf32>
      %gt3A_1786 = arith.cmpf ogt, %get3A_1785, %select_n3A_1777 : vector<16xf32>
      %select_n3A_1787 = arith.select %gt3A_1786, %get3A_1785, %select_n3A_1777 : vector<16xi1>, vector<16xf32>
      %jit3A_1788 = arith.constant 12 : i32
      %broadcast_in_dim3A_1789 = vector.broadcast %jit3A_1788 : i32 to vector<16xi32>
      %select_n3A_1790 = arith.select %gt3A_1786, %broadcast_in_dim3A_1789, %select_n3A_1780 : vector<16xi1>, vector<16xi32>
      %add3A_1791 = arith.constant 19968 : i32
      %add3A_1792 = arith.addi %add3A_1791, %mul3A_1670 : i32
      %get3A_1793 = arith.index_cast %add3A_1792 : i32 to index
      %get3A_1794 = tpu.vector_load %arg5[%get3A_1793] {strides = array<i32>} : memref<29184xf32, #tpu.memory_space<vmem>>, vector<16xf32>,
      %get3A_1795 = vector.shape_cast %get3A_1794 : vector<16xf32> to vector<16xf32>
      %gt3A_1796 = arith.cmpf ogt, %get3A_1795, %select_n3A_1787 : vector<16xf32>
      %select_n3A_1797 = arith.select %gt3A_1796, %get3A_1795, %select_n3A_1787 : vector<16xi1>, vector<16xf32>
      %jit3A_1798 = arith.constant 13 : i32
      %broadcast_in_dim3A_1799 = vector.broadcast %jit3A_1798 : i32 to vector<16xi32>
      %select_n3A_1800 = arith.select %gt3A_1796, %broadcast_in_dim3A_1799, %select_n3A_1790 : vector<16xi1>, vector<16xi32>
      %add3A_1801 = arith.constant 21504 : i32
      %add3A_1802 = arith.addi %add3A_1801, %mul3A_1670 : i32
      %get3A_1803 = arith.index_cast %add3A_1802 : i32 to index
      %get3A_1804 = tpu.vector_load %arg5[%get3A_1803] {strides = array<i32>} : memref<29184xf32, #tpu.memory_space<vmem>>, vector<16xf32>,
      %get3A_1805 = vector.shape_cast %get3A_1804 : vector<16xf32> to vector<16xf32>
      %gt3A_1806 = arith.cmpf ogt, %get3A_1805, %select_n3A_1797 : vector<16xf32>
      %select_n3A_1807 = arith.select %gt3A_1806, %get3A_1805, %select_n3A_1797 : vector<16xi1>, vector<16xf32>
      %jit3A_1808 = arith.constant 14 : i32
      %broadcast_in_dim3A_1809 = vector.broadcast %jit3A_1808 : i32 to vector<16xi32>
      %select_n3A_1810 = arith.select %gt3A_1806, %broadcast_in_dim3A_1809, %select_n3A_1800 : vector<16xi1>, vector<16xi32>
      %add3A_1811 = arith.constant 23040 : i32
      %add3A_1812 = arith.addi %add3A_1811, %mul3A_1670 : i32
      %get3A_1813 = arith.index_cast %add3A_1812 : i32 to index
      %get3A_1814 = tpu.vector_load %arg5[%get3A_1813] {strides = array<i32>} : memref<29184xf32, #tpu.memory_space<vmem>>, vector<16xf32>,
      %get3A_1815 = vector.shape_cast %get3A_1814 : vector<16xf32> to vector<16xf32>
      %gt3A_1816 = arith.cmpf ogt, %get3A_1815, %select_n3A_1807 : vector<16xf32>
      %select_n3A_1817 = arith.select %gt3A_1816, %get3A_1815, %select_n3A_1807 : vector<16xi1>, vector<16xf32>
      %jit3A_1818 = arith.constant 15 : i32
      %broadcast_in_dim3A_1819 = vector.broadcast %jit3A_1818 : i32 to vector<16xi32>
      %select_n3A_1820 = arith.select %gt3A_1816, %broadcast_in_dim3A_1819, %select_n3A_1810 : vector<16xi1>, vector<16xi32>
      %add3A_1821 = arith.constant 24576 : i32
      %add3A_1822 = arith.addi %add3A_1821, %mul3A_1670 : i32
      %get3A_1823 = arith.index_cast %add3A_1822 : i32 to index
      %get3A_1824 = tpu.vector_load %arg5[%get3A_1823] {strides = array<i32>} : memref<29184xf32, #tpu.memory_space<vmem>>, vector<16xf32>,
      %get3A_1825 = vector.shape_cast %get3A_1824 : vector<16xf32> to vector<16xf32>
      %gt3A_1826 = arith.cmpf ogt, %get3A_1825, %select_n3A_1817 : vector<16xf32>
      %select_n3A_1827 = arith.select %gt3A_1826, %get3A_1825, %select_n3A_1817 : vector<16xi1>, vector<16xf32>
      %jit3A_1828 = arith.constant 16 : i32
      %broadcast_in_dim3A_1829 = vector.broadcast %jit3A_1828 : i32 to vector<16xi32>
      %select_n3A_1830 = arith.select %gt3A_1826, %broadcast_in_dim3A_1829, %select_n3A_1820 : vector<16xi1>, vector<16xi32>
      %add3A_1831 = arith.constant 26112 : i32
      %add3A_1832 = arith.addi %add3A_1831, %mul3A_1670 : i32
      %get3A_1833 = arith.index_cast %add3A_1832 : i32 to index
      %get3A_1834 = tpu.vector_load %arg5[%get3A_1833] {strides = array<i32>} : memref<29184xf32, #tpu.memory_space<vmem>>, vector<16xf32>,
      %get3A_1835 = vector.shape_cast %get3A_1834 : vector<16xf32> to vector<16xf32>
      %gt3A_1836 = arith.cmpf ogt, %get3A_1835, %select_n3A_1827 : vector<16xf32>
      %select_n3A_1837 = arith.select %gt3A_1836, %get3A_1835, %select_n3A_1827 : vector<16xi1>, vector<16xf32>
      %jit3A_1838 = arith.constant 17 : i32
      %broadcast_in_dim3A_1839 = vector.broadcast %jit3A_1838 : i32 to vector<16xi32>
      %select_n3A_1840 = arith.select %gt3A_1836, %broadcast_in_dim3A_1839, %select_n3A_1830 : vector<16xi1>, vector<16xi32>
      %add3A_1841 = arith.constant 27648 : i32
      %add3A_1842 = arith.addi %add3A_1841, %mul3A_1670 : i32
      %get3A_1843 = arith.index_cast %add3A_1842 : i32 to index
      %get3A_1844 = tpu.vector_load %arg5[%get3A_1843] {strides = array<i32>} : memref<29184xf32, #tpu.memory_space<vmem>>, vector<16xf32>,
      %get3A_1845 = vector.shape_cast %get3A_1844 : vector<16xf32> to vector<16xf32>
      %gt3A_1846 = arith.cmpf ogt, %get3A_1845, %select_n3A_1837 : vector<16xf32>
      %select_n3A_1847 = arith.select %gt3A_1846, %get3A_1845, %select_n3A_1837 : vector<16xi1>, vector<16xf32>
      %jit3A_1848 = arith.constant 18 : i32
      %broadcast_in_dim3A_1849 = vector.broadcast %jit3A_1848 : i32 to vector<16xi32>
      %select_n3A_1850 = arith.select %gt3A_1846, %broadcast_in_dim3A_1849, %select_n3A_1840 : vector<16xi1>, vector<16xi32>
      %swap3A = arith.index_cast %mul3A_1670 : i32 to index
      %swap3A_1851 = tpu.vector_load %arg6[%swap3A] {strides = array<i32>} : memref<1536xf32, #tpu.memory_space<vmem>>, vector<16xf32>,
      %swap3A_1852 = vector.shape_cast %swap3A_1851 : vector<16xf32> to vector<16xf32>
      %swap3A_1853 = vector.shape_cast %select_n3A_1847 : vector<16xf32> to vector<16xf32>
      tpu.vector_store %arg6[%swap3A], %swap3A_1853 {strides = array<i32>} : memref<1536xf32, #tpu.memory_space<vmem>>, vector<16xf32>,
      %swap3A_1854 = arith.index_cast %mul3A_1670 : i32 to index
      %swap3A_1855 = tpu.vector_load %arg7[%swap3A_1854] {strides = array<i32>} : memref<1536xi32, #tpu.memory_space<vmem>>, vector<16xi32>,
      %swap3A_1856 = vector.shape_cast %swap3A_1855 : vector<16xi32> to vector<16xi32>
      %swap3A_1857 = vector.shape_cast %select_n3A_1850 : vector<16xi32> to vector<16xi32>
      tpu.vector_store %arg7[%swap3A_1854], %swap3A_1857 {strides = array<i32>} : memref<1536xi32, #tpu.memory_space<vmem>>, vector<16xi32>,
    }
    %scan3A_273 = arith.constant 96 : i32
    %add3A_274 = arith.constant 0 : i32
    %add3A_275 = arith.addi %add3A_274, %add3A_4 : i32
    "tpu.region"() ({
      %run_scoped3A = tpu.sem_alloc : memref<!tpu.dma_semaphore, #tpu.memory_space<semaphore_mem>>
      %dma_start3A_1668 = tpu.memref_slice %arg3[%add3A_275] : memref<294912xf32, #tpu.memory_space<hbm>> -> memref<1536xf32, #tpu.memory_space<hbm>>
      %dma_start3A_1669 = tpu.memref_slice %arg3[%add3A_275] : memref<294912xf32, #tpu.memory_space<hbm>> -> memref<1536xf32, #tpu.memory_space<hbm>>
      tpu.enqueue_dma source(%arg6 : memref<1536xf32, #tpu.memory_space<vmem>>) target(%dma_start3A_1669 : memref<1536xf32, #tpu.memory_space<hbm>>) target_semaphore(%run_scoped3A : memref<!tpu.dma_semaphore, #tpu.memory_space<semaphore_mem>>)
      %dma_wait3A_1670 = tpu.memref_slice %arg3[%add3A_275] : memref<294912xf32, #tpu.memory_space<hbm>> -> memref<1536xf32, #tpu.memory_space<hbm>>
      %dma_wait3A_1671 = tpu.memref_slice %arg3[%add3A_275] : memref<294912xf32, #tpu.memory_space<hbm>> -> memref<1536xf32, #tpu.memory_space<hbm>>
      tpu.wait_dma2 semaphore(%run_scoped3A : memref<!tpu.dma_semaphore, #tpu.memory_space<semaphore_mem>>) src(%arg6 : memref<1536xf32, #tpu.memory_space<vmem>>) dst(%dma_wait3A_1671 : memref<1536xf32, #tpu.memory_space<hbm>>)
      tpu.yield
    }) : () -> ()
    %add3A_276 = arith.constant 0 : i32
    %add3A_277 = arith.addi %add3A_276, %add3A_4 : i32
    "tpu.region"() ({
      %run_scoped3A = tpu.sem_alloc : memref<!tpu.dma_semaphore, #tpu.memory_space<semaphore_mem>>
      %dma_start3A_1668 = tpu.memref_slice %arg4[%add3A_277] : memref<294912xi32, #tpu.memory_space<hbm>> -> memref<1536xi32, #tpu.memory_space<hbm>>
      %dma_start3A_1669 = tpu.memref_slice %arg4[%add3A_277] : memref<294912xi32, #tpu.memory_space<hbm>> -> memref<1536xi32, #tpu.memory_space<hbm>>
      tpu.enqueue_dma source(%arg7 : memref<1536xi32, #tpu.memory_space<vmem>>) target(%dma_start3A_1669 : memref<1536xi32, #tpu.memory_space<hbm>>) target_semaphore(%run_scoped3A : memref<!tpu.dma_semaphore, #tpu.memory_space<semaphore_mem>>)
      %dma_wait3A_1670 = tpu.memref_slice %arg4[%add3A_277] : memref<294912xi32, #tpu.memory_space<hbm>> -> memref<1536xi32, #tpu.memory_space<hbm>>
      %dma_wait3A_1671 = tpu.memref_slice %arg4[%add3A_277] : memref<294912xi32, #tpu.memory_space<hbm>> -> memref<1536xi32, #tpu.memory_space<hbm>>
      tpu.wait_dma2 semaphore(%run_scoped3A : memref<!tpu.dma_semaphore, #tpu.memory_space<semaphore_mem>>) src(%arg7 : memref<1536xi32, #tpu.memory_space<vmem>>) dst(%dma_wait3A_1671 : memref<1536xi32, #tpu.memory_space<hbm>>)
      tpu.yield
    }) : () -> ()
    %add3A_278 = arith.constant 1536 : i32
    %add3A_279 = arith.addi %mul3A_2, %add3A_278 : i32
    %add3A_280 = arith.constant 0 : i32
    %add3A_281 = arith.addi %add3A_280, %add3A_279 : i32
    %dma_start3A_282 = arith.constant 0 : i32
    %dma_start3A_283 = tpu.memref_slice %arg5[%dma_start3A_282] : memref<29184xf32, #tpu.memory_space<vmem>> -> memref<1536xf32, #tpu.memory_space<vmem>>
    %dma_start3A_284 = tpu.memref_slice %arg2[%add3A_281] : memref<5603328xf32, #tpu.memory_space<hbm>> -> memref<1536xf32, #tpu.memory_space<hbm>>
    %dma_start3A_285 = arith.constant 0 : i32
    %dma_start3A_286 = tpu.memref_slice %arg5[%dma_start3A_285] : memref<29184xf32, #tpu.memory_space<vmem>> -> memref<1536xf32, #tpu.memory_space<vmem>>
    %dma_start3A_287 = tpu.memref_slice %arg2[%add3A_281] : memref<5603328xf32, #tpu.memory_space<hbm>> -> memref<1536xf32, #tpu.memory_space<hbm>>
    tpu.enqueue_dma source(%dma_start3A_287 : memref<1536xf32, #tpu.memory_space<hbm>>) target(%dma_start3A_286 : memref<1536xf32, #tpu.memory_space<vmem>>) target_semaphore(%arg8 : memref<!tpu.dma_semaphore, #tpu.memory_space<semaphore_mem>>)
    %add3A_288 = arith.constant 147456 : i32
    %add3A_289 = arith.addi %add3A_288, %add3A_279 : i32
    %dma_start3A_290 = arith.constant 1536 : i32
    %dma_start3A_291 = tpu.memref_slice %arg5[%dma_start3A_290] : memref<29184xf32, #tpu.memory_space<vmem>> -> memref<1536xf32, #tpu.memory_space<vmem>>
    %dma_start3A_292 = tpu.memref_slice %arg2[%add3A_289] : memref<5603328xf32, #tpu.memory_space<hbm>> -> memref<1536xf32, #tpu.memory_space<hbm>>
    %dma_start3A_293 = arith.constant 1536 : i32
    %dma_start3A_294 = tpu.memref_slice %arg5[%dma_start3A_293] : memref<29184xf32, #tpu.memory_space<vmem>> -> memref<1536xf32, #tpu.memory_space<vmem>>
    %dma_start3A_295 = tpu.memref_slice %arg2[%add3A_289] : memref<5603328xf32, #tpu.memory_space<hbm>> -> memref<1536xf32, #tpu.memory_space<hbm>>
    tpu.enqueue_dma source(%dma_start3A_295 : memref<1536xf32, #tpu.memory_space<hbm>>) target(%dma_start3A_294 : memref<1536xf32, #tpu.memory_space<vmem>>) target_semaphore(%arg8 : memref<!tpu.dma_semaphore, #tpu.memory_space<semaphore_mem>>)
    %add3A_296 = arith.constant 294912 : i32
    %add3A_297 = arith.addi %add3A_296, %add3A_279 : i32
    %dma_start3A_298 = arith.constant 3072 : i32
    %dma_start3A_299 = tpu.memref_slice %arg5[%dma_start3A_298] : memref<29184xf32, #tpu.memory_space<vmem>> -> memref<1536xf32, #tpu.memory_space<vmem>>
    %dma_start3A_300 = tpu.memref_slice %arg2[%add3A_297] : memref<5603328xf32, #tpu.memory_space<hbm>> -> memref<1536xf32, #tpu.memory_space<hbm>>
    %dma_start3A_301 = arith.constant 3072 : i32
    %dma_start3A_302 = tpu.memref_slice %arg5[%dma_start3A_301] : memref<29184xf32, #tpu.memory_space<vmem>> -> memref<1536xf32, #tpu.memory_space<vmem>>
    %dma_start3A_303 = tpu.memref_slice %arg2[%add3A_297] : memref<5603328xf32, #tpu.memory_space<hbm>> -> memref<1536xf32, #tpu.memory_space<hbm>>
    tpu.enqueue_dma source(%dma_start3A_303 : memref<1536xf32, #tpu.memory_space<hbm>>) target(%dma_start3A_302 : memref<1536xf32, #tpu.memory_space<vmem>>) target_semaphore(%arg8 : memref<!tpu.dma_semaphore, #tpu.memory_space<semaphore_mem>>)
    %add3A_304 = arith.constant 442368 : i32
    %add3A_305 = arith.addi %add3A_304, %add3A_279 : i32
    %dma_start3A_306 = arith.constant 4608 : i32
    %dma_start3A_307 = tpu.memref_slice %arg5[%dma_start3A_306] : memref<29184xf32, #tpu.memory_space<vmem>> -> memref<1536xf32, #tpu.memory_space<vmem>>
    %dma_start3A_308 = tpu.memref_slice %arg2[%add3A_305] : memref<5603328xf32, #tpu.memory_space<hbm>> -> memref<1536xf32, #tpu.memory_space<hbm>>
    %dma_start3A_309 = arith.constant 4608 : i32
    %dma_start3A_310 = tpu.memref_slice %arg5[%dma_start3A_309] : memref<29184xf32, #tpu.memory_space<vmem>> -> memref<1536xf32, #tpu.memory_space<vmem>>
    %dma_start3A_311 = tpu.memref_slice %arg2[%add3A_305] : memref<5603328xf32, #tpu.memory_space<hbm>> -> memref<1536xf32, #tpu.memory_space<hbm>>
    tpu.enqueue_dma source(%dma_start3A_311 : memref<1536xf32, #tpu.memory_space<hbm>>) target(%dma_start3A_310 : memref<1536xf32, #tpu.memory_space<vmem>>) target_semaphore(%arg8 : memref<!tpu.dma_semaphore, #tpu.memory_space<semaphore_mem>>)
    %add3A_312 = arith.constant 589824 : i32
    %add3A_313 = arith.addi %add3A_312, %add3A_279 : i32
    %dma_start3A_314 = arith.constant 6144 : i32
    %dma_start3A_315 = tpu.memref_slice %arg5[%dma_start3A_314] : memref<29184xf32, #tpu.memory_space<vmem>> -> memref<1536xf32, #tpu.memory_space<vmem>>
    %dma_start3A_316 = tpu.memref_slice %arg2[%add3A_313] : memref<5603328xf32, #tpu.memory_space<hbm>> -> memref<1536xf32, #tpu.memory_space<hbm>>
    %dma_start3A_317 = arith.constant 6144 : i32
    %dma_start3A_318 = tpu.memref_slice %arg5[%dma_start3A_317] : memref<29184xf32, #tpu.memory_space<vmem>> -> memref<1536xf32, #tpu.memory_space<vmem>>
    %dma_start3A_319 = tpu.memref_slice %arg2[%add3A_313] : memref<5603328xf32, #tpu.memory_space<hbm>> -> memref<1536xf32, #tpu.memory_space<hbm>>
    tpu.enqueue_dma source(%dma_start3A_319 : memref<1536xf32, #tpu.memory_space<hbm>>) target(%dma_start3A_318 : memref<1536xf32, #tpu.memory_space<vmem>>) target_semaphore(%arg8 : memref<!tpu.dma_semaphore, #tpu.memory_space<semaphore_mem>>)
    %add3A_320 = arith.constant 737280 : i32
    %add3A_321 = arith.addi %add3A_320, %add3A_279 : i32
    %dma_start3A_322 = arith.constant 7680 : i32
    %dma_start3A_323 = tpu.memref_slice %arg5[%dma_start3A_322] : memref<29184xf32, #tpu.memory_space<vmem>> -> memref<1536xf32, #tpu.memory_space<vmem>>
    %dma_start3A_324 = tpu.memref_slice %arg2[%add3A_321] : memref<5603328xf32, #tpu.memory_space<hbm>> -> memref<1536xf32, #tpu.memory_space<hbm>>
    %dma_start3A_325 = arith.constant 7680 : i32
    %dma_start3A_326 = tpu.memref_slice %arg5[%dma_start3A_325] : memref<29184xf32, #tpu.memory_space<vmem>> -> memref<1536xf32, #tpu.memory_space<vmem>>
    %dma_start3A_327 = tpu.memref_slice %arg2[%add3A_321] : memref<5603328xf32, #tpu.memory_space<hbm>> -> memref<1536xf32, #tpu.memory_space<hbm>>
    tpu.enqueue_dma source(%dma_start3A_327 : memref<1536xf32, #tpu.memory_space<hbm>>) target(%dma_start3A_326 : memref<1536xf32, #tpu.memory_space<vmem>>) target_semaphore(%arg8 : memref<!tpu.dma_semaphore, #tpu.memory_space<semaphore_mem>>)
    %add3A_328 = arith.constant 884736 : i32
    %add3A_329 = arith.addi %add3A_328, %add3A_279 : i32
    %dma_start3A_330 = arith.constant 9216 : i32
    %dma_start3A_331 = tpu.memref_slice %arg5[%dma_start3A_330] : memref<29184xf32, #tpu.memory_space<vmem>> -> memref<1536xf32, #tpu.memory_space<vmem>>
    %dma_start3A_332 = tpu.memref_slice %arg2[%add3A_329] : memref<5603328xf32, #tpu.memory_space<hbm>> -> memref<1536xf32, #tpu.memory_space<hbm>>
    %dma_start3A_333 = arith.constant 9216 : i32
    %dma_start3A_334 = tpu.memref_slice %arg5[%dma_start3A_333] : memref<29184xf32, #tpu.memory_space<vmem>> -> memref<1536xf32, #tpu.memory_space<vmem>>
    %dma_start3A_335 = tpu.memref_slice %arg2[%add3A_329] : memref<5603328xf32, #tpu.memory_space<hbm>> -> memref<1536xf32, #tpu.memory_space<hbm>>
    tpu.enqueue_dma source(%dma_start3A_335 : memref<1536xf32, #tpu.memory_space<hbm>>) target(%dma_start3A_334 : memref<1536xf32, #tpu.memory_space<vmem>>) target_semaphore(%arg8 : memref<!tpu.dma_semaphore, #tpu.memory_space<semaphore_mem>>)
    %add3A_336 = arith.constant 1032192 : i32
    %add3A_337 = arith.addi %add3A_336, %add3A_279 : i32
    %dma_start3A_338 = arith.constant 10752 : i32
    %dma_start3A_339 = tpu.memref_slice %arg5[%dma_start3A_338] : memref<29184xf32, #tpu.memory_space<vmem>> -> memref<1536xf32, #tpu.memory_space<vmem>>
    %dma_start3A_340 = tpu.memref_slice %arg2[%add3A_337] : memref<5603328xf32, #tpu.memory_space<hbm>> -> memref<1536xf32, #tpu.memory_space<hbm>>
    %dma_start3A_341 = arith.constant 10752 : i32
    %dma_start3A_342 = tpu.memref_slice %arg5[%dma_start3A_341] : memref<29184xf32, #tpu.memory_space<vmem>> -> memref<1536xf32, #tpu.memory_space<vmem>>
    %dma_start3A_343 = tpu.memref_slice %arg2[%add3A_337] : memref<5603328xf32, #tpu.memory_space<hbm>> -> memref<1536xf32, #tpu.memory_space<hbm>>
    tpu.enqueue_dma source(%dma_start3A_343 : memref<1536xf32, #tpu.memory_space<hbm>>) target(%dma_start3A_342 : memref<1536xf32, #tpu.memory_space<vmem>>) target_semaphore(%arg8 : memref<!tpu.dma_semaphore, #tpu.memory_space<semaphore_mem>>)
    %add3A_344 = arith.constant 1179648 : i32
    %add3A_345 = arith.addi %add3A_344, %add3A_279 : i32
    %dma_start3A_346 = arith.constant 12288 : i32
    %dma_start3A_347 = tpu.memref_slice %arg5[%dma_start3A_346] : memref<29184xf32, #tpu.memory_space<vmem>> -> memref<1536xf32, #tpu.memory_space<vmem>>
    %dma_start3A_348 = tpu.memref_slice %arg2[%add3A_345] : memref<5603328xf32, #tpu.memory_space<hbm>> -> memref<1536xf32, #tpu.memory_space<hbm>>
    %dma_start3A_349 = arith.constant 12288 : i32
    %dma_start3A_350 = tpu.memref_slice %arg5[%dma_start3A_349] : memref<29184xf32, #tpu.memory_space<vmem>> -> memref<1536xf32, #tpu.memory_space<vmem>>
    %dma_start3A_351 = tpu.memref_slice %arg2[%add3A_345] : memref<5603328xf32, #tpu.memory_space<hbm>> -> memref<1536xf32, #tpu.memory_space<hbm>>
    tpu.enqueue_dma source(%dma_start3A_351 : memref<1536xf32, #tpu.memory_space<hbm>>) target(%dma_start3A_350 : memref<1536xf32, #tpu.memory_space<vmem>>) target_semaphore(%arg8 : memref<!tpu.dma_semaphore, #tpu.memory_space<semaphore_mem>>)
    %add3A_352 = arith.constant 1327104 : i32
    %add3A_353 = arith.addi %add3A_352, %add3A_279 : i32
    %dma_start3A_354 = arith.constant 13824 : i32
    %dma_start3A_355 = tpu.memref_slice %arg5[%dma_start3A_354] : memref<29184xf32, #tpu.memory_space<vmem>> -> memref<1536xf32, #tpu.memory_space<vmem>>
    %dma_start3A_356 = tpu.memref_slice %arg2[%add3A_353] : memref<5603328xf32, #tpu.memory_space<hbm>> -> memref<1536xf32, #tpu.memory_space<hbm>>
    %dma_start3A_357 = arith.constant 13824 : i32
    %dma_start3A_358 = tpu.memref_slice %arg5[%dma_start3A_357] : memref<29184xf32, #tpu.memory_space<vmem>> -> memref<1536xf32, #tpu.memory_space<vmem>>
    %dma_start3A_359 = tpu.memref_slice %arg2[%add3A_353] : memref<5603328xf32, #tpu.memory_space<hbm>> -> memref<1536xf32, #tpu.memory_space<hbm>>
    tpu.enqueue_dma source(%dma_start3A_359 : memref<1536xf32, #tpu.memory_space<hbm>>) target(%dma_start3A_358 : memref<1536xf32, #tpu.memory_space<vmem>>) target_semaphore(%arg8 : memref<!tpu.dma_semaphore, #tpu.memory_space<semaphore_mem>>)
    %add3A_360 = arith.constant 1474560 : i32
    %add3A_361 = arith.addi %add3A_360, %add3A_279 : i32
    %dma_start3A_362 = arith.constant 15360 : i32
    %dma_start3A_363 = tpu.memref_slice %arg5[%dma_start3A_362] : memref<29184xf32, #tpu.memory_space<vmem>> -> memref<1536xf32, #tpu.memory_space<vmem>>
    %dma_start3A_364 = tpu.memref_slice %arg2[%add3A_361] : memref<5603328xf32, #tpu.memory_space<hbm>> -> memref<1536xf32, #tpu.memory_space<hbm>>
    %dma_start3A_365 = arith.constant 15360 : i32
    %dma_start3A_366 = tpu.memref_slice %arg5[%dma_start3A_365] : memref<29184xf32, #tpu.memory_space<vmem>> -> memref<1536xf32, #tpu.memory_space<vmem>>
    %dma_start3A_367 = tpu.memref_slice %arg2[%add3A_361] : memref<5603328xf32, #tpu.memory_space<hbm>> -> memref<1536xf32, #tpu.memory_space<hbm>>
    tpu.enqueue_dma source(%dma_start3A_367 : memref<1536xf32, #tpu.memory_space<hbm>>) target(%dma_start3A_366 : memref<1536xf32, #tpu.memory_space<vmem>>) target_semaphore(%arg8 : memref<!tpu.dma_semaphore, #tpu.memory_space<semaphore_mem>>)
    %add3A_368 = arith.constant 1622016 : i32
    %add3A_369 = arith.addi %add3A_368, %add3A_279 : i32
    %dma_start3A_370 = arith.constant 16896 : i32
    %dma_start3A_371 = tpu.memref_slice %arg5[%dma_start3A_370] : memref<29184xf32, #tpu.memory_space<vmem>> -> memref<1536xf32, #tpu.memory_space<vmem>>
    %dma_start3A_372 = tpu.memref_slice %arg2[%add3A_369] : memref<5603328xf32, #tpu.memory_space<hbm>> -> memref<1536xf32, #tpu.memory_space<hbm>>
    %dma_start3A_373 = arith.constant 16896 : i32
    %dma_start3A_374 = tpu.memref_slice %arg5[%dma_start3A_373] : memref<29184xf32, #tpu.memory_space<vmem>> -> memref<1536xf32, #tpu.memory_space<vmem>>
    %dma_start3A_375 = tpu.memref_slice %arg2[%add3A_369] : memref<5603328xf32, #tpu.memory_space<hbm>> -> memref<1536xf32, #tpu.memory_space<hbm>>
    tpu.enqueue_dma source(%dma_start3A_375 : memref<1536xf32, #tpu.memory_space<hbm>>) target(%dma_start3A_374 : memref<1536xf32, #tpu.memory_space<vmem>>) target_semaphore(%arg8 : memref<!tpu.dma_semaphore, #tpu.memory_space<semaphore_mem>>)
    %add3A_376 = arith.constant 1769472 : i32
    %add3A_377 = arith.addi %add3A_376, %add3A_279 : i32
    %dma_start3A_378 = arith.constant 18432 : i32
    %dma_start3A_379 = tpu.memref_slice %arg5[%dma_start3A_378] : memref<29184xf32, #tpu.memory_space<vmem>> -> memref<1536xf32, #tpu.memory_space<vmem>>
    %dma_start3A_380 = tpu.memref_slice %arg2[%add3A_377] : memref<5603328xf32, #tpu.memory_space<hbm>> -> memref<1536xf32, #tpu.memory_space<hbm>>
    %dma_start3A_381 = arith.constant 18432 : i32
    %dma_start3A_382 = tpu.memref_slice %arg5[%dma_start3A_381] : memref<29184xf32, #tpu.memory_space<vmem>> -> memref<1536xf32, #tpu.memory_space<vmem>>
    %dma_start3A_383 = tpu.memref_slice %arg2[%add3A_377] : memref<5603328xf32, #tpu.memory_space<hbm>> -> memref<1536xf32, #tpu.memory_space<hbm>>
    tpu.enqueue_dma source(%dma_start3A_383 : memref<1536xf32, #tpu.memory_space<hbm>>) target(%dma_start3A_382 : memref<1536xf32, #tpu.memory_space<vmem>>) target_semaphore(%arg8 : memref<!tpu.dma_semaphore, #tpu.memory_space<semaphore_mem>>)
    %add3A_384 = arith.constant 1916928 : i32
    %add3A_385 = arith.addi %add3A_384, %add3A_279 : i32
    %dma_start3A_386 = arith.constant 19968 : i32
    %dma_start3A_387 = tpu.memref_slice %arg5[%dma_start3A_386] : memref<29184xf32, #tpu.memory_space<vmem>> -> memref<1536xf32, #tpu.memory_space<vmem>>
    %dma_start3A_388 = tpu.memref_slice %arg2[%add3A_385] : memref<5603328xf32, #tpu.memory_space<hbm>> -> memref<1536xf32, #tpu.memory_space<hbm>>
    %dma_start3A_389 = arith.constant 19968 : i32
    %dma_start3A_390 = tpu.memref_slice %arg5[%dma_start3A_389] : memref<29184xf32, #tpu.memory_space<vmem>> -> memref<1536xf32, #tpu.memory_space<vmem>>
    %dma_start3A_391 = tpu.memref_slice %arg2[%add3A_385] : memref<5603328xf32, #tpu.memory_space<hbm>> -> memref<1536xf32, #tpu.memory_space<hbm>>
    tpu.enqueue_dma source(%dma_start3A_391 : memref<1536xf32, #tpu.memory_space<hbm>>) target(%dma_start3A_390 : memref<1536xf32, #tpu.memory_space<vmem>>) target_semaphore(%arg8 : memref<!tpu.dma_semaphore, #tpu.memory_space<semaphore_mem>>)
    %add3A_392 = arith.constant 2064384 : i32
    %add3A_393 = arith.addi %add3A_392, %add3A_279 : i32
    %dma_start3A_394 = arith.constant 21504 : i32
    %dma_start3A_395 = tpu.memref_slice %arg5[%dma_start3A_394] : memref<29184xf32, #tpu.memory_space<vmem>> -> memref<1536xf32, #tpu.memory_space<vmem>>
    %dma_start3A_396 = tpu.memref_slice %arg2[%add3A_393] : memref<5603328xf32, #tpu.memory_space<hbm>> -> memref<1536xf32, #tpu.memory_space<hbm>>
    %dma_start3A_397 = arith.constant 21504 : i32
    %dma_start3A_398 = tpu.memref_slice %arg5[%dma_start3A_397] : memref<29184xf32, #tpu.memory_space<vmem>> -> memref<1536xf32, #tpu.memory_space<vmem>>
    %dma_start3A_399 = tpu.memref_slice %arg2[%add3A_393] : memref<5603328xf32, #tpu.memory_space<hbm>> -> memref<1536xf32, #tpu.memory_space<hbm>>
    tpu.enqueue_dma source(%dma_start3A_399 : memref<1536xf32, #tpu.memory_space<hbm>>) target(%dma_start3A_398 : memref<1536xf32, #tpu.memory_space<vmem>>) target_semaphore(%arg8 : memref<!tpu.dma_semaphore, #tpu.memory_space<semaphore_mem>>)
    %add3A_400 = arith.constant 2211840 : i32
    %add3A_401 = arith.addi %add3A_400, %add3A_279 : i32
    %dma_start3A_402 = arith.constant 23040 : i32
    %dma_start3A_403 = tpu.memref_slice %arg5[%dma_start3A_402] : memref<29184xf32, #tpu.memory_space<vmem>> -> memref<1536xf32, #tpu.memory_space<vmem>>
    %dma_start3A_404 = tpu.memref_slice %arg2[%add3A_401] : memref<5603328xf32, #tpu.memory_space<hbm>> -> memref<1536xf32, #tpu.memory_space<hbm>>
    %dma_start3A_405 = arith.constant 23040 : i32
    %dma_start3A_406 = tpu.memref_slice %arg5[%dma_start3A_405] : memref<29184xf32, #tpu.memory_space<vmem>> -> memref<1536xf32, #tpu.memory_space<vmem>>
    %dma_start3A_407 = tpu.memref_slice %arg2[%add3A_401] : memref<5603328xf32, #tpu.memory_space<hbm>> -> memref<1536xf32, #tpu.memory_space<hbm>>
    tpu.enqueue_dma source(%dma_start3A_407 : memref<1536xf32, #tpu.memory_space<hbm>>) target(%dma_start3A_406 : memref<1536xf32, #tpu.memory_space<vmem>>) target_semaphore(%arg8 : memref<!tpu.dma_semaphore, #tpu.memory_space<semaphore_mem>>)
    %add3A_408 = arith.constant 2359296 : i32
    %add3A_409 = arith.addi %add3A_408, %add3A_279 : i32
    %dma_start3A_410 = arith.constant 24576 : i32
    %dma_start3A_411 = tpu.memref_slice %arg5[%dma_start3A_410] : memref<29184xf32, #tpu.memory_space<vmem>> -> memref<1536xf32, #tpu.memory_space<vmem>>
    %dma_start3A_412 = tpu.memref_slice %arg2[%add3A_409] : memref<5603328xf32, #tpu.memory_space<hbm>> -> memref<1536xf32, #tpu.memory_space<hbm>>
    %dma_start3A_413 = arith.constant 24576 : i32
    %dma_start3A_414 = tpu.memref_slice %arg5[%dma_start3A_413] : memref<29184xf32, #tpu.memory_space<vmem>> -> memref<1536xf32, #tpu.memory_space<vmem>>
    %dma_start3A_415 = tpu.memref_slice %arg2[%add3A_409] : memref<5603328xf32, #tpu.memory_space<hbm>> -> memref<1536xf32, #tpu.memory_space<hbm>>
    tpu.enqueue_dma source(%dma_start3A_415 : memref<1536xf32, #tpu.memory_space<hbm>>) target(%dma_start3A_414 : memref<1536xf32, #tpu.memory_space<vmem>>) target_semaphore(%arg8 : memref<!tpu.dma_semaphore, #tpu.memory_space<semaphore_mem>>)
    %add3A_416 = arith.constant 2506752 : i32
    %add3A_417 = arith.addi %add3A_416, %add3A_279 : i32
    %dma_start3A_418 = arith.constant 26112 : i32
    %dma_start3A_419 = tpu.memref_slice %arg5[%dma_start3A_418] : memref<29184xf32, #tpu.memory_space<vmem>> -> memref<1536xf32, #tpu.memory_space<vmem>>
    %dma_start3A_420 = tpu.memref_slice %arg2[%add3A_417] : memref<5603328xf32, #tpu.memory_space<hbm>> -> memref<1536xf32, #tpu.memory_space<hbm>>
    %dma_start3A_421 = arith.constant 26112 : i32
    %dma_start3A_422 = tpu.memref_slice %arg5[%dma_start3A_421] : memref<29184xf32, #tpu.memory_space<vmem>> -> memref<1536xf32, #tpu.memory_space<vmem>>
    %dma_start3A_423 = tpu.memref_slice %arg2[%add3A_417] : memref<5603328xf32, #tpu.memory_space<hbm>> -> memref<1536xf32, #tpu.memory_space<hbm>>
    tpu.enqueue_dma source(%dma_start3A_423 : memref<1536xf32, #tpu.memory_space<hbm>>) target(%dma_start3A_422 : memref<1536xf32, #tpu.memory_space<vmem>>) target_semaphore(%arg8 : memref<!tpu.dma_semaphore, #tpu.memory_space<semaphore_mem>>)
    %add3A_424 = arith.constant 2654208 : i32
    %add3A_425 = arith.addi %add3A_424, %add3A_279 : i32
    %dma_start3A_426 = arith.constant 27648 : i32
    %dma_start3A_427 = tpu.memref_slice %arg5[%dma_start3A_426] : memref<29184xf32, #tpu.memory_space<vmem>> -> memref<1536xf32, #tpu.memory_space<vmem>>
    %dma_start3A_428 = tpu.memref_slice %arg2[%add3A_425] : memref<5603328xf32, #tpu.memory_space<hbm>> -> memref<1536xf32, #tpu.memory_space<hbm>>
    %dma_start3A_429 = arith.constant 27648 : i32
    %dma_start3A_430 = tpu.memref_slice %arg5[%dma_start3A_429] : memref<29184xf32, #tpu.memory_space<vmem>> -> memref<1536xf32, #tpu.memory_space<vmem>>
    %dma_start3A_431 = tpu.memref_slice %arg2[%add3A_425] : memref<5603328xf32, #tpu.memory_space<hbm>> -> memref<1536xf32, #tpu.memory_space<hbm>>
    tpu.enqueue_dma source(%dma_start3A_431 : memref<1536xf32, #tpu.memory_space<hbm>>) target(%dma_start3A_430 : memref<1536xf32, #tpu.memory_space<vmem>>) target_semaphore(%arg8 : memref<!tpu.dma_semaphore, #tpu.memory_space<semaphore_mem>>)
    %dma_wait3A_432 = arith.constant 0 : i32
    %dma_wait3A_433 = tpu.memref_slice %arg5[%dma_wait3A_432] : memref<29184xf32, #tpu.memory_space<vmem>> -> memref<1536xf32, #tpu.memory_space<vmem>>
    %dma_wait3A_434 = tpu.memref_slice %arg2[%add3A_281] : memref<5603328xf32, #tpu.memory_space<hbm>> -> memref<1536xf32, #tpu.memory_space<hbm>>
    %dma_wait3A_435 = arith.constant 0 : i32
    %dma_wait3A_436 = tpu.memref_slice %arg5[%dma_wait3A_435] : memref<29184xf32, #tpu.memory_space<vmem>> -> memref<1536xf32, #tpu.memory_space<vmem>>
    %dma_wait3A_437 = tpu.memref_slice %arg2[%add3A_281] : memref<5603328xf32, #tpu.memory_space<hbm>> -> memref<1536xf32, #tpu.memory_space<hbm>>
    tpu.wait_dma2 semaphore(%arg8 : memref<!tpu.dma_semaphore, #tpu.memory_space<semaphore_mem>>) src(%dma_wait3A_437 : memref<1536xf32, #tpu.memory_space<hbm>>) dst(%dma_wait3A_436 : memref<1536xf32, #tpu.memory_space<vmem>>)
    %dma_wait3A_438 = arith.constant 1536 : i32
    %dma_wait3A_439 = tpu.memref_slice %arg5[%dma_wait3A_438] : memref<29184xf32, #tpu.memory_space<vmem>> -> memref<1536xf32, #tpu.memory_space<vmem>>
    %dma_wait3A_440 = tpu.memref_slice %arg2[%add3A_289] : memref<5603328xf32, #tpu.memory_space<hbm>> -> memref<1536xf32, #tpu.memory_space<hbm>>
    %dma_wait3A_441 = arith.constant 1536 : i32
    %dma_wait3A_442 = tpu.memref_slice %arg5[%dma_wait3A_441] : memref<29184xf32, #tpu.memory_space<vmem>> -> memref<1536xf32, #tpu.memory_space<vmem>>
    %dma_wait3A_443 = tpu.memref_slice %arg2[%add3A_289] : memref<5603328xf32, #tpu.memory_space<hbm>> -> memref<1536xf32, #tpu.memory_space<hbm>>
    tpu.wait_dma2 semaphore(%arg8 : memref<!tpu.dma_semaphore, #tpu.memory_space<semaphore_mem>>) src(%dma_wait3A_443 : memref<1536xf32, #tpu.memory_space<hbm>>) dst(%dma_wait3A_442 : memref<1536xf32, #tpu.memory_space<vmem>>)
    %dma_wait3A_444 = arith.constant 3072 : i32
    %dma_wait3A_445 = tpu.memref_slice %arg5[%dma_wait3A_444] : memref<29184xf32, #tpu.memory_space<vmem>> -> memref<1536xf32, #tpu.memory_space<vmem>>
    %dma_wait3A_446 = tpu.memref_slice %arg2[%add3A_297] : memref<5603328xf32, #tpu.memory_space<hbm>> -> memref<1536xf32, #tpu.memory_space<hbm>>
    %dma_wait3A_447 = arith.constant 3072 : i32
    %dma_wait3A_448 = tpu.memref_slice %arg5[%dma_wait3A_447] : memref<29184xf32, #tpu.memory_space<vmem>> -> memref<1536xf32, #tpu.memory_space<vmem>>
    %dma_wait3A_449 = tpu.memref_slice %arg2[%add3A_297] : memref<5603328xf32, #tpu.memory_space<hbm>> -> memref<1536xf32, #tpu.memory_space<hbm>>
    tpu.wait_dma2 semaphore(%arg8 : memref<!tpu.dma_semaphore, #tpu.memory_space<semaphore_mem>>) src(%dma_wait3A_449 : memref<1536xf32, #tpu.memory_space<hbm>>) dst(%dma_wait3A_448 : memref<1536xf32, #tpu.memory_space<vmem>>)
    %dma_wait3A_450 = arith.constant 4608 : i32
    %dma_wait3A_451 = tpu.memref_slice %arg5[%dma_wait3A_450] : memref<29184xf32, #tpu.memory_space<vmem>> -> memref<1536xf32, #tpu.memory_space<vmem>>
    %dma_wait3A_452 = tpu.memref_slice %arg2[%add3A_305] : memref<5603328xf32, #tpu.memory_space<hbm>> -> memref<1536xf32, #tpu.memory_space<hbm>>
    %dma_wait3A_453 = arith.constant 4608 : i32
    %dma_wait3A_454 = tpu.memref_slice %arg5[%dma_wait3A_453] : memref<29184xf32, #tpu.memory_space<vmem>> -> memref<1536xf32, #tpu.memory_space<vmem>>
    %dma_wait3A_455 = tpu.memref_slice %arg2[%add3A_305] : memref<5603328xf32, #tpu.memory_space<hbm>> -> memref<1536xf32, #tpu.memory_space<hbm>>
    tpu.wait_dma2 semaphore(%arg8 : memref<!tpu.dma_semaphore, #tpu.memory_space<semaphore_mem>>) src(%dma_wait3A_455 : memref<1536xf32, #tpu.memory_space<hbm>>) dst(%dma_wait3A_454 : memref<1536xf32, #tpu.memory_space<vmem>>)
    %dma_wait3A_456 = arith.constant 6144 : i32
    %dma_wait3A_457 = tpu.memref_slice %arg5[%dma_wait3A_456] : memref<29184xf32, #tpu.memory_space<vmem>> -> memref<1536xf32, #tpu.memory_space<vmem>>
    %dma_wait3A_458 = tpu.memref_slice %arg2[%add3A_313] : memref<5603328xf32, #tpu.memory_space<hbm>> -> memref<1536xf32, #tpu.memory_space<hbm>>
    %dma_wait3A_459 = arith.constant 6144 : i32
    %dma_wait3A_460 = tpu.memref_slice %arg5[%dma_wait3A_459] : memref<29184xf32, #tpu.memory_space<vmem>> -> memref<1536xf32, #tpu.memory_space<vmem>>
    %dma_wait3A_461 = tpu.memref_slice %arg2[%add3A_313] : memref<5603328xf32, #tpu.memory_space<hbm>> -> memref<1536xf32, #tpu.memory_space<hbm>>
    tpu.wait_dma2 semaphore(%arg8 : memref<!tpu.dma_semaphore, #tpu.memory_space<semaphore_mem>>) src(%dma_wait3A_461 : memref<1536xf32, #tpu.memory_space<hbm>>) dst(%dma_wait3A_460 : memref<1536xf32, #tpu.memory_space<vmem>>)
    %dma_wait3A_462 = arith.constant 7680 : i32
    %dma_wait3A_463 = tpu.memref_slice %arg5[%dma_wait3A_462] : memref<29184xf32, #tpu.memory_space<vmem>> -> memref<1536xf32, #tpu.memory_space<vmem>>
    %dma_wait3A_464 = tpu.memref_slice %arg2[%add3A_321] : memref<5603328xf32, #tpu.memory_space<hbm>> -> memref<1536xf32, #tpu.memory_space<hbm>>
    %dma_wait3A_465 = arith.constant 7680 : i32
    %dma_wait3A_466 = tpu.memref_slice %arg5[%dma_wait3A_465] : memref<29184xf32, #tpu.memory_space<vmem>> -> memref<1536xf32, #tpu.memory_space<vmem>>
    %dma_wait3A_467 = tpu.memref_slice %arg2[%add3A_321] : memref<5603328xf32, #tpu.memory_space<hbm>> -> memref<1536xf32, #tpu.memory_space<hbm>>
    tpu.wait_dma2 semaphore(%arg8 : memref<!tpu.dma_semaphore, #tpu.memory_space<semaphore_mem>>) src(%dma_wait3A_467 : memref<1536xf32, #tpu.memory_space<hbm>>) dst(%dma_wait3A_466 : memref<1536xf32, #tpu.memory_space<vmem>>)
    %dma_wait3A_468 = arith.constant 9216 : i32
    %dma_wait3A_469 = tpu.memref_slice %arg5[%dma_wait3A_468] : memref<29184xf32, #tpu.memory_space<vmem>> -> memref<1536xf32, #tpu.memory_space<vmem>>
    %dma_wait3A_470 = tpu.memref_slice %arg2[%add3A_329] : memref<5603328xf32, #tpu.memory_space<hbm>> -> memref<1536xf32, #tpu.memory_space<hbm>>
    %dma_wait3A_471 = arith.constant 9216 : i32
    %dma_wait3A_472 = tpu.memref_slice %arg5[%dma_wait3A_471] : memref<29184xf32, #tpu.memory_space<vmem>> -> memref<1536xf32, #tpu.memory_space<vmem>>
    %dma_wait3A_473 = tpu.memref_slice %arg2[%add3A_329] : memref<5603328xf32, #tpu.memory_space<hbm>> -> memref<1536xf32, #tpu.memory_space<hbm>>
    tpu.wait_dma2 semaphore(%arg8 : memref<!tpu.dma_semaphore, #tpu.memory_space<semaphore_mem>>) src(%dma_wait3A_473 : memref<1536xf32, #tpu.memory_space<hbm>>) dst(%dma_wait3A_472 : memref<1536xf32, #tpu.memory_space<vmem>>)
    %dma_wait3A_474 = arith.constant 10752 : i32
    %dma_wait3A_475 = tpu.memref_slice %arg5[%dma_wait3A_474] : memref<29184xf32, #tpu.memory_space<vmem>> -> memref<1536xf32, #tpu.memory_space<vmem>>
    %dma_wait3A_476 = tpu.memref_slice %arg2[%add3A_337] : memref<5603328xf32, #tpu.memory_space<hbm>> -> memref<1536xf32, #tpu.memory_space<hbm>>
    %dma_wait3A_477 = arith.constant 10752 : i32
    %dma_wait3A_478 = tpu.memref_slice %arg5[%dma_wait3A_477] : memref<29184xf32, #tpu.memory_space<vmem>> -> memref<1536xf32, #tpu.memory_space<vmem>>
    %dma_wait3A_479 = tpu.memref_slice %arg2[%add3A_337] : memref<5603328xf32, #tpu.memory_space<hbm>> -> memref<1536xf32, #tpu.memory_space<hbm>>
    tpu.wait_dma2 semaphore(%arg8 : memref<!tpu.dma_semaphore, #tpu.memory_space<semaphore_mem>>) src(%dma_wait3A_479 : memref<1536xf32, #tpu.memory_space<hbm>>) dst(%dma_wait3A_478 : memref<1536xf32, #tpu.memory_space<vmem>>)
    %dma_wait3A_480 = arith.constant 12288 : i32
    %dma_wait3A_481 = tpu.memref_slice %arg5[%dma_wait3A_480] : memref<29184xf32, #tpu.memory_space<vmem>> -> memref<1536xf32, #tpu.memory_space<vmem>>
    %dma_wait3A_482 = tpu.memref_slice %arg2[%add3A_345] : memref<5603328xf32, #tpu.memory_space<hbm>> -> memref<1536xf32, #tpu.memory_space<hbm>>
    %dma_wait3A_483 = arith.constant 12288 : i32
    %dma_wait3A_484 = tpu.memref_slice %arg5[%dma_wait3A_483] : memref<29184xf32, #tpu.memory_space<vmem>> -> memref<1536xf32, #tpu.memory_space<vmem>>
    %dma_wait3A_485 = tpu.memref_slice %arg2[%add3A_345] : memref<5603328xf32, #tpu.memory_space<hbm>> -> memref<1536xf32, #tpu.memory_space<hbm>>
    tpu.wait_dma2 semaphore(%arg8 : memref<!tpu.dma_semaphore, #tpu.memory_space<semaphore_mem>>) src(%dma_wait3A_485 : memref<1536xf32, #tpu.memory_space<hbm>>) dst(%dma_wait3A_484 : memref<1536xf32, #tpu.memory_space<vmem>>)
    %dma_wait3A_486 = arith.constant 13824 : i32
    %dma_wait3A_487 = tpu.memref_slice %arg5[%dma_wait3A_486] : memref<29184xf32, #tpu.memory_space<vmem>> -> memref<1536xf32, #tpu.memory_space<vmem>>
    %dma_wait3A_488 = tpu.memref_slice %arg2[%add3A_353] : memref<5603328xf32, #tpu.memory_space<hbm>> -> memref<1536xf32, #tpu.memory_space<hbm>>
    %dma_wait3A_489 = arith.constant 13824 : i32
    %dma_wait3A_490 = tpu.memref_slice %arg5[%dma_wait3A_489] : memref<29184xf32, #tpu.memory_space<vmem>> -> memref<1536xf32, #tpu.memory_space<vmem>>
    %dma_wait3A_491 = tpu.memref_slice %arg2[%add3A_353] : memref<5603328xf32, #tpu.memory_space<hbm>> -> memref<1536xf32, #tpu.memory_space<hbm>>
    tpu.wait_dma2 semaphore(%arg8 : memref<!tpu.dma_semaphore, #tpu.memory_space<semaphore_mem>>) src(%dma_wait3A_491 : memref<1536xf32, #tpu.memory_space<hbm>>) dst(%dma_wait3A_490 : memref<1536xf32, #tpu.memory_space<vmem>>)
    %dma_wait3A_492 = arith.constant 15360 : i32
    %dma_wait3A_493 = tpu.memref_slice %arg5[%dma_wait3A_492] : memref<29184xf32, #tpu.memory_space<vmem>> -> memref<1536xf32, #tpu.memory_space<vmem>>
    %dma_wait3A_494 = tpu.memref_slice %arg2[%add3A_361] : memref<5603328xf32, #tpu.memory_space<hbm>> -> memref<1536xf32, #tpu.memory_space<hbm>>
    %dma_wait3A_495 = arith.constant 15360 : i32
    %dma_wait3A_496 = tpu.memref_slice %arg5[%dma_wait3A_495] : memref<29184xf32, #tpu.memory_space<vmem>> -> memref<1536xf32, #tpu.memory_space<vmem>>
    %dma_wait3A_497 = tpu.memref_slice %arg2[%add3A_361] : memref<5603328xf32, #tpu.memory_space<hbm>> -> memref<1536xf32, #tpu.memory_space<hbm>>
    tpu.wait_dma2 semaphore(%arg8 : memref<!tpu.dma_semaphore, #tpu.memory_space<semaphore_mem>>) src(%dma_wait3A_497 : memref<1536xf32, #tpu.memory_space<hbm>>) dst(%dma_wait3A_496 : memref<1536xf32, #tpu.memory_space<vmem>>)
    %dma_wait3A_498 = arith.constant 16896 : i32
    %dma_wait3A_499 = tpu.memref_slice %arg5[%dma_wait3A_498] : memref<29184xf32, #tpu.memory_space<vmem>> -> memref<1536xf32, #tpu.memory_space<vmem>>
    %dma_wait3A_500 = tpu.memref_slice %arg2[%add3A_369] : memref<5603328xf32, #tpu.memory_space<hbm>> -> memref<1536xf32, #tpu.memory_space<hbm>>
    %dma_wait3A_501 = arith.constant 16896 : i32
    %dma_wait3A_502 = tpu.memref_slice %arg5[%dma_wait3A_501] : memref<29184xf32, #tpu.memory_space<vmem>> -> memref<1536xf32, #tpu.memory_space<vmem>>
    %dma_wait3A_503 = tpu.memref_slice %arg2[%add3A_369] : memref<5603328xf32, #tpu.memory_space<hbm>> -> memref<1536xf32, #tpu.memory_space<hbm>>
    tpu.wait_dma2 semaphore(%arg8 : memref<!tpu.dma_semaphore, #tpu.memory_space<semaphore_mem>>) src(%dma_wait3A_503 : memref<1536xf32, #tpu.memory_space<hbm>>) dst(%dma_wait3A_502 : memref<1536xf32, #tpu.memory_space<vmem>>)
    %dma_wait3A_504 = arith.constant 18432 : i32
    %dma_wait3A_505 = tpu.memref_slice %arg5[%dma_wait3A_504] : memref<29184xf32, #tpu.memory_space<vmem>> -> memref<1536xf32, #tpu.memory_space<vmem>>
    %dma_wait3A_506 = tpu.memref_slice %arg2[%add3A_377] : memref<5603328xf32, #tpu.memory_space<hbm>> -> memref<1536xf32, #tpu.memory_space<hbm>>
    %dma_wait3A_507 = arith.constant 18432 : i32
    %dma_wait3A_508 = tpu.memref_slice %arg5[%dma_wait3A_507] : memref<29184xf32, #tpu.memory_space<vmem>> -> memref<1536xf32, #tpu.memory_space<vmem>>
    %dma_wait3A_509 = tpu.memref_slice %arg2[%add3A_377] : memref<5603328xf32, #tpu.memory_space<hbm>> -> memref<1536xf32, #tpu.memory_space<hbm>>
    tpu.wait_dma2 semaphore(%arg8 : memref<!tpu.dma_semaphore, #tpu.memory_space<semaphore_mem>>) src(%dma_wait3A_509 : memref<1536xf32, #tpu.memory_space<hbm>>) dst(%dma_wait3A_508 : memref<1536xf32, #tpu.memory_space<vmem>>)
    %dma_wait3A_510 = arith.constant 19968 : i32
    %dma_wait3A_511 = tpu.memref_slice %arg5[%dma_wait3A_510] : memref<29184xf32, #tpu.memory_space<vmem>> -> memref<1536xf32, #tpu.memory_space<vmem>>
    %dma_wait3A_512 = tpu.memref_slice %arg2[%add3A_385] : memref<5603328xf32, #tpu.memory_space<hbm>> -> memref<1536xf32, #tpu.memory_space<hbm>>
    %dma_wait3A_513 = arith.constant 19968 : i32
    %dma_wait3A_514 = tpu.memref_slice %arg5[%dma_wait3A_513] : memref<29184xf32, #tpu.memory_space<vmem>> -> memref<1536xf32, #tpu.memory_space<vmem>>
    %dma_wait3A_515 = tpu.memref_slice %arg2[%add3A_385] : memref<5603328xf32, #tpu.memory_space<hbm>> -> memref<1536xf32, #tpu.memory_space<hbm>>
    tpu.wait_dma2 semaphore(%arg8 : memref<!tpu.dma_semaphore, #tpu.memory_space<semaphore_mem>>) src(%dma_wait3A_515 : memref<1536xf32, #tpu.memory_space<hbm>>) dst(%dma_wait3A_514 : memref<1536xf32, #tpu.memory_space<vmem>>)
    %dma_wait3A_516 = arith.constant 21504 : i32
    %dma_wait3A_517 = tpu.memref_slice %arg5[%dma_wait3A_516] : memref<29184xf32, #tpu.memory_space<vmem>> -> memref<1536xf32, #tpu.memory_space<vmem>>
    %dma_wait3A_518 = tpu.memref_slice %arg2[%add3A_393] : memref<5603328xf32, #tpu.memory_space<hbm>> -> memref<1536xf32, #tpu.memory_space<hbm>>
    %dma_wait3A_519 = arith.constant 21504 : i32
    %dma_wait3A_520 = tpu.memref_slice %arg5[%dma_wait3A_519] : memref<29184xf32, #tpu.memory_space<vmem>> -> memref<1536xf32, #tpu.memory_space<vmem>>
    %dma_wait3A_521 = tpu.memref_slice %arg2[%add3A_393] : memref<5603328xf32, #tpu.memory_space<hbm>> -> memref<1536xf32, #tpu.memory_space<hbm>>
    tpu.wait_dma2 semaphore(%arg8 : memref<!tpu.dma_semaphore, #tpu.memory_space<semaphore_mem>>) src(%dma_wait3A_521 : memref<1536xf32, #tpu.memory_space<hbm>>) dst(%dma_wait3A_520 : memref<1536xf32, #tpu.memory_space<vmem>>)
    %dma_wait3A_522 = arith.constant 23040 : i32
    %dma_wait3A_523 = tpu.memref_slice %arg5[%dma_wait3A_522] : memref<29184xf32, #tpu.memory_space<vmem>> -> memref<1536xf32, #tpu.memory_space<vmem>>
    %dma_wait3A_524 = tpu.memref_slice %arg2[%add3A_401] : memref<5603328xf32, #tpu.memory_space<hbm>> -> memref<1536xf32, #tpu.memory_space<hbm>>
    %dma_wait3A_525 = arith.constant 23040 : i32
    %dma_wait3A_526 = tpu.memref_slice %arg5[%dma_wait3A_525] : memref<29184xf32, #tpu.memory_space<vmem>> -> memref<1536xf32, #tpu.memory_space<vmem>>
    %dma_wait3A_527 = tpu.memref_slice %arg2[%add3A_401] : memref<5603328xf32, #tpu.memory_space<hbm>> -> memref<1536xf32, #tpu.memory_space<hbm>>
    tpu.wait_dma2 semaphore(%arg8 : memref<!tpu.dma_semaphore, #tpu.memory_space<semaphore_mem>>) src(%dma_wait3A_527 : memref<1536xf32, #tpu.memory_space<hbm>>) dst(%dma_wait3A_526 : memref<1536xf32, #tpu.memory_space<vmem>>)
    %dma_wait3A_528 = arith.constant 24576 : i32
    %dma_wait3A_529 = tpu.memref_slice %arg5[%dma_wait3A_528] : memref<29184xf32, #tpu.memory_space<vmem>> -> memref<1536xf32, #tpu.memory_space<vmem>>
    %dma_wait3A_530 = tpu.memref_slice %arg2[%add3A_409] : memref<5603328xf32, #tpu.memory_space<hbm>> -> memref<1536xf32, #tpu.memory_space<hbm>>
    %dma_wait3A_531 = arith.constant 24576 : i32
    %dma_wait3A_532 = tpu.memref_slice %arg5[%dma_wait3A_531] : memref<29184xf32, #tpu.memory_space<vmem>> -> memref<1536xf32, #tpu.memory_space<vmem>>
    %dma_wait3A_533 = tpu.memref_slice %arg2[%add3A_409] : memref<5603328xf32, #tpu.memory_space<hbm>> -> memref<1536xf32, #tpu.memory_space<hbm>>
    tpu.wait_dma2 semaphore(%arg8 : memref<!tpu.dma_semaphore, #tpu.memory_space<semaphore_mem>>) src(%dma_wait3A_533 : memref<1536xf32, #tpu.memory_space<hbm>>) dst(%dma_wait3A_532 : memref<1536xf32, #tpu.memory_space<vmem>>)
    %dma_wait3A_534 = arith.constant 26112 : i32
    %dma_wait3A_535 = tpu.memref_slice %arg5[%dma_wait3A_534] : memref<29184xf32, #tpu.memory_space<vmem>> -> memref<1536xf32, #tpu.memory_space<vmem>>
    %dma_wait3A_536 = tpu.memref_slice %arg2[%add3A_417] : memref<5603328xf32, #tpu.memory_space<hbm>> -> memref<1536xf32, #tpu.memory_space<hbm>>
    %dma_wait3A_537 = arith.constant 26112 : i32
    %dma_wait3A_538 = tpu.memref_slice %arg5[%dma_wait3A_537] : memref<29184xf32, #tpu.memory_space<vmem>> -> memref<1536xf32, #tpu.memory_space<vmem>>
    %dma_wait3A_539 = tpu.memref_slice %arg2[%add3A_417] : memref<5603328xf32, #tpu.memory_space<hbm>> -> memref<1536xf32, #tpu.memory_space<hbm>>
    tpu.wait_dma2 semaphore(%arg8 : memref<!tpu.dma_semaphore, #tpu.memory_space<semaphore_mem>>) src(%dma_wait3A_539 : memref<1536xf32, #tpu.memory_space<hbm>>) dst(%dma_wait3A_538 : memref<1536xf32, #tpu.memory_space<vmem>>)
    %dma_wait3A_540 = arith.constant 27648 : i32
    %dma_wait3A_541 = tpu.memref_slice %arg5[%dma_wait3A_540] : memref<29184xf32, #tpu.memory_space<vmem>> -> memref<1536xf32, #tpu.memory_space<vmem>>
    %dma_wait3A_542 = tpu.memref_slice %arg2[%add3A_425] : memref<5603328xf32, #tpu.memory_space<hbm>> -> memref<1536xf32, #tpu.memory_space<hbm>>
    %dma_wait3A_543 = arith.constant 27648 : i32
    %dma_wait3A_544 = tpu.memref_slice %arg5[%dma_wait3A_543] : memref<29184xf32, #tpu.memory_space<vmem>> -> memref<1536xf32, #tpu.memory_space<vmem>>
    %dma_wait3A_545 = tpu.memref_slice %arg2[%add3A_425] : memref<5603328xf32, #tpu.memory_space<hbm>> -> memref<1536xf32, #tpu.memory_space<hbm>>
    tpu.wait_dma2 semaphore(%arg8 : memref<!tpu.dma_semaphore, #tpu.memory_space<semaphore_mem>>) src(%dma_wait3A_545 : memref<1536xf32, #tpu.memory_space<hbm>>) dst(%dma_wait3A_544 : memref<1536xf32, #tpu.memory_space<vmem>>)
    %scan3A_546 = arith.constant 0 : i32
    %scan3A_547 = arith.constant 0 : i32
    %scan3A_548 = arith.constant 96 : i32
    %scan3A_549 = arith.addi %scan3A_547, %scan3A_548 : i32
    %scan3A_550 = arith.constant 1 : i32
    scf.for %scan3A_1668 = %scan3A_547 to %scan3A_549 step %scan3A_550  : i32 {
      %mul3A_1669 = arith.constant 16 : i32
      %mul3A_1670 = arith.muli %scan3A_1668, %mul3A_1669 : i32
      %get3A = arith.index_cast %mul3A_1670 : i32 to index
      %get3A_1671 = tpu.vector_load %arg5[%get3A] {strides = array<i32>} : memref<29184xf32, #tpu.memory_space<vmem>>, vector<16xf32>,
      %get3A_1672 = vector.shape_cast %get3A_1671 : vector<16xf32> to vector<16xf32>
      %broadcast_in_dim3A = arith.constant 0 : i32
      %broadcast_in_dim3A_1673 = vector.broadcast %broadcast_in_dim3A : i32 to vector<16xi32>
      %add3A_1674 = arith.constant 1536 : i32
      %add3A_1675 = arith.addi %add3A_1674, %mul3A_1670 : i32
      %get3A_1676 = arith.index_cast %add3A_1675 : i32 to index
      %get3A_1677 = tpu.vector_load %arg5[%get3A_1676] {strides = array<i32>} : memref<29184xf32, #tpu.memory_space<vmem>>, vector<16xf32>,
      %get3A_1678 = vector.shape_cast %get3A_1677 : vector<16xf32> to vector<16xf32>
      %gt3A = arith.cmpf ogt, %get3A_1678, %get3A_1672 : vector<16xf32>
      %select_n3A = arith.select %gt3A, %get3A_1678, %get3A_1672 : vector<16xi1>, vector<16xf32>
      %jit3A = arith.constant 1 : i32
      %broadcast_in_dim3A_1679 = vector.broadcast %jit3A : i32 to vector<16xi32>
      %select_n3A_1680 = arith.select %gt3A, %broadcast_in_dim3A_1679, %broadcast_in_dim3A_1673 : vector<16xi1>, vector<16xi32>
      %add3A_1681 = arith.constant 3072 : i32
      %add3A_1682 = arith.addi %add3A_1681, %mul3A_1670 : i32
      %get3A_1683 = arith.index_cast %add3A_1682 : i32 to index
      %get3A_1684 = tpu.vector_load %arg5[%get3A_1683] {strides = array<i32>} : memref<29184xf32, #tpu.memory_space<vmem>>, vector<16xf32>,
      %get3A_1685 = vector.shape_cast %get3A_1684 : vector<16xf32> to vector<16xf32>
      %gt3A_1686 = arith.cmpf ogt, %get3A_1685, %select_n3A : vector<16xf32>
      %select_n3A_1687 = arith.select %gt3A_1686, %get3A_1685, %select_n3A : vector<16xi1>, vector<16xf32>
      %jit3A_1688 = arith.constant 2 : i32
      %broadcast_in_dim3A_1689 = vector.broadcast %jit3A_1688 : i32 to vector<16xi32>
      %select_n3A_1690 = arith.select %gt3A_1686, %broadcast_in_dim3A_1689, %select_n3A_1680 : vector<16xi1>, vector<16xi32>
      %add3A_1691 = arith.constant 4608 : i32
      %add3A_1692 = arith.addi %add3A_1691, %mul3A_1670 : i32
      %get3A_1693 = arith.index_cast %add3A_1692 : i32 to index
      %get3A_1694 = tpu.vector_load %arg5[%get3A_1693] {strides = array<i32>} : memref<29184xf32, #tpu.memory_space<vmem>>, vector<16xf32>,
      %get3A_1695 = vector.shape_cast %get3A_1694 : vector<16xf32> to vector<16xf32>
      %gt3A_1696 = arith.cmpf ogt, %get3A_1695, %select_n3A_1687 : vector<16xf32>
      %select_n3A_1697 = arith.select %gt3A_1696, %get3A_1695, %select_n3A_1687 : vector<16xi1>, vector<16xf32>
      %jit3A_1698 = arith.constant 3 : i32
      %broadcast_in_dim3A_1699 = vector.broadcast %jit3A_1698 : i32 to vector<16xi32>
      %select_n3A_1700 = arith.select %gt3A_1696, %broadcast_in_dim3A_1699, %select_n3A_1690 : vector<16xi1>, vector<16xi32>
      %add3A_1701 = arith.constant 6144 : i32
      %add3A_1702 = arith.addi %add3A_1701, %mul3A_1670 : i32
      %get3A_1703 = arith.index_cast %add3A_1702 : i32 to index
      %get3A_1704 = tpu.vector_load %arg5[%get3A_1703] {strides = array<i32>} : memref<29184xf32, #tpu.memory_space<vmem>>, vector<16xf32>,
      %get3A_1705 = vector.shape_cast %get3A_1704 : vector<16xf32> to vector<16xf32>
      %gt3A_1706 = arith.cmpf ogt, %get3A_1705, %select_n3A_1697 : vector<16xf32>
      %select_n3A_1707 = arith.select %gt3A_1706, %get3A_1705, %select_n3A_1697 : vector<16xi1>, vector<16xf32>
      %jit3A_1708 = arith.constant 4 : i32
      %broadcast_in_dim3A_1709 = vector.broadcast %jit3A_1708 : i32 to vector<16xi32>
      %select_n3A_1710 = arith.select %gt3A_1706, %broadcast_in_dim3A_1709, %select_n3A_1700 : vector<16xi1>, vector<16xi32>
      %add3A_1711 = arith.constant 7680 : i32
      %add3A_1712 = arith.addi %add3A_1711, %mul3A_1670 : i32
      %get3A_1713 = arith.index_cast %add3A_1712 : i32 to index
      %get3A_1714 = tpu.vector_load %arg5[%get3A_1713] {strides = array<i32>} : memref<29184xf32, #tpu.memory_space<vmem>>, vector<16xf32>,
      %get3A_1715 = vector.shape_cast %get3A_1714 : vector<16xf32> to vector<16xf32>
      %gt3A_1716 = arith.cmpf ogt, %get3A_1715, %select_n3A_1707 : vector<16xf32>
      %select_n3A_1717 = arith.select %gt3A_1716, %get3A_1715, %select_n3A_1707 : vector<16xi1>, vector<16xf32>
      %jit3A_1718 = arith.constant 5 : i32
      %broadcast_in_dim3A_1719 = vector.broadcast %jit3A_1718 : i32 to vector<16xi32>
      %select_n3A_1720 = arith.select %gt3A_1716, %broadcast_in_dim3A_1719, %select_n3A_1710 : vector<16xi1>, vector<16xi32>
      %add3A_1721 = arith.constant 9216 : i32
      %add3A_1722 = arith.addi %add3A_1721, %mul3A_1670 : i32
      %get3A_1723 = arith.index_cast %add3A_1722 : i32 to index
      %get3A_1724 = tpu.vector_load %arg5[%get3A_1723] {strides = array<i32>} : memref<29184xf32, #tpu.memory_space<vmem>>, vector<16xf32>,
      %get3A_1725 = vector.shape_cast %get3A_1724 : vector<16xf32> to vector<16xf32>
      %gt3A_1726 = arith.cmpf ogt, %get3A_1725, %select_n3A_1717 : vector<16xf32>
      %select_n3A_1727 = arith.select %gt3A_1726, %get3A_1725, %select_n3A_1717 : vector<16xi1>, vector<16xf32>
      %jit3A_1728 = arith.constant 6 : i32
      %broadcast_in_dim3A_1729 = vector.broadcast %jit3A_1728 : i32 to vector<16xi32>
      %select_n3A_1730 = arith.select %gt3A_1726, %broadcast_in_dim3A_1729, %select_n3A_1720 : vector<16xi1>, vector<16xi32>
      %add3A_1731 = arith.constant 10752 : i32
      %add3A_1732 = arith.addi %add3A_1731, %mul3A_1670 : i32
      %get3A_1733 = arith.index_cast %add3A_1732 : i32 to index
      %get3A_1734 = tpu.vector_load %arg5[%get3A_1733] {strides = array<i32>} : memref<29184xf32, #tpu.memory_space<vmem>>, vector<16xf32>,
      %get3A_1735 = vector.shape_cast %get3A_1734 : vector<16xf32> to vector<16xf32>
      %gt3A_1736 = arith.cmpf ogt, %get3A_1735, %select_n3A_1727 : vector<16xf32>
      %select_n3A_1737 = arith.select %gt3A_1736, %get3A_1735, %select_n3A_1727 : vector<16xi1>, vector<16xf32>
      %jit3A_1738 = arith.constant 7 : i32
      %broadcast_in_dim3A_1739 = vector.broadcast %jit3A_1738 : i32 to vector<16xi32>
      %select_n3A_1740 = arith.select %gt3A_1736, %broadcast_in_dim3A_1739, %select_n3A_1730 : vector<16xi1>, vector<16xi32>
      %add3A_1741 = arith.constant 12288 : i32
      %add3A_1742 = arith.addi %add3A_1741, %mul3A_1670 : i32
      %get3A_1743 = arith.index_cast %add3A_1742 : i32 to index
      %get3A_1744 = tpu.vector_load %arg5[%get3A_1743] {strides = array<i32>} : memref<29184xf32, #tpu.memory_space<vmem>>, vector<16xf32>,
      %get3A_1745 = vector.shape_cast %get3A_1744 : vector<16xf32> to vector<16xf32>
      %gt3A_1746 = arith.cmpf ogt, %get3A_1745, %select_n3A_1737 : vector<16xf32>
      %select_n3A_1747 = arith.select %gt3A_1746, %get3A_1745, %select_n3A_1737 : vector<16xi1>, vector<16xf32>
      %jit3A_1748 = arith.constant 8 : i32
      %broadcast_in_dim3A_1749 = vector.broadcast %jit3A_1748 : i32 to vector<16xi32>
      %select_n3A_1750 = arith.select %gt3A_1746, %broadcast_in_dim3A_1749, %select_n3A_1740 : vector<16xi1>, vector<16xi32>
      %add3A_1751 = arith.constant 13824 : i32
      %add3A_1752 = arith.addi %add3A_1751, %mul3A_1670 : i32
      %get3A_1753 = arith.index_cast %add3A_1752 : i32 to index
      %get3A_1754 = tpu.vector_load %arg5[%get3A_1753] {strides = array<i32>} : memref<29184xf32, #tpu.memory_space<vmem>>, vector<16xf32>,
      %get3A_1755 = vector.shape_cast %get3A_1754 : vector<16xf32> to vector<16xf32>
      %gt3A_1756 = arith.cmpf ogt, %get3A_1755, %select_n3A_1747 : vector<16xf32>
      %select_n3A_1757 = arith.select %gt3A_1756, %get3A_1755, %select_n3A_1747 : vector<16xi1>, vector<16xf32>
      %jit3A_1758 = arith.constant 9 : i32
      %broadcast_in_dim3A_1759 = vector.broadcast %jit3A_1758 : i32 to vector<16xi32>
      %select_n3A_1760 = arith.select %gt3A_1756, %broadcast_in_dim3A_1759, %select_n3A_1750 : vector<16xi1>, vector<16xi32>
      %add3A_1761 = arith.constant 15360 : i32
      %add3A_1762 = arith.addi %add3A_1761, %mul3A_1670 : i32
      %get3A_1763 = arith.index_cast %add3A_1762 : i32 to index
      %get3A_1764 = tpu.vector_load %arg5[%get3A_1763] {strides = array<i32>} : memref<29184xf32, #tpu.memory_space<vmem>>, vector<16xf32>,
      %get3A_1765 = vector.shape_cast %get3A_1764 : vector<16xf32> to vector<16xf32>
      %gt3A_1766 = arith.cmpf ogt, %get3A_1765, %select_n3A_1757 : vector<16xf32>
      %select_n3A_1767 = arith.select %gt3A_1766, %get3A_1765, %select_n3A_1757 : vector<16xi1>, vector<16xf32>
      %jit3A_1768 = arith.constant 10 : i32
      %broadcast_in_dim3A_1769 = vector.broadcast %jit3A_1768 : i32 to vector<16xi32>
      %select_n3A_1770 = arith.select %gt3A_1766, %broadcast_in_dim3A_1769, %select_n3A_1760 : vector<16xi1>, vector<16xi32>
      %add3A_1771 = arith.constant 16896 : i32
      %add3A_1772 = arith.addi %add3A_1771, %mul3A_1670 : i32
      %get3A_1773 = arith.index_cast %add3A_1772 : i32 to index
      %get3A_1774 = tpu.vector_load %arg5[%get3A_1773] {strides = array<i32>} : memref<29184xf32, #tpu.memory_space<vmem>>, vector<16xf32>,
      %get3A_1775 = vector.shape_cast %get3A_1774 : vector<16xf32> to vector<16xf32>
      %gt3A_1776 = arith.cmpf ogt, %get3A_1775, %select_n3A_1767 : vector<16xf32>
      %select_n3A_1777 = arith.select %gt3A_1776, %get3A_1775, %select_n3A_1767 : vector<16xi1>, vector<16xf32>
      %jit3A_1778 = arith.constant 11 : i32
      %broadcast_in_dim3A_1779 = vector.broadcast %jit3A_1778 : i32 to vector<16xi32>
      %select_n3A_1780 = arith.select %gt3A_1776, %broadcast_in_dim3A_1779, %select_n3A_1770 : vector<16xi1>, vector<16xi32>
      %add3A_1781 = arith.constant 18432 : i32
      %add3A_1782 = arith.addi %add3A_1781, %mul3A_1670 : i32
      %get3A_1783 = arith.index_cast %add3A_1782 : i32 to index
      %get3A_1784 = tpu.vector_load %arg5[%get3A_1783] {strides = array<i32>} : memref<29184xf32, #tpu.memory_space<vmem>>, vector<16xf32>,
      %get3A_1785 = vector.shape_cast %get3A_1784 : vector<16xf32> to vector<16xf32>
      %gt3A_1786 = arith.cmpf ogt, %get3A_1785, %select_n3A_1777 : vector<16xf32>
      %select_n3A_1787 = arith.select %gt3A_1786, %get3A_1785, %select_n3A_1777 : vector<16xi1>, vector<16xf32>
      %jit3A_1788 = arith.constant 12 : i32
      %broadcast_in_dim3A_1789 = vector.broadcast %jit3A_1788 : i32 to vector<16xi32>
      %select_n3A_1790 = arith.select %gt3A_1786, %broadcast_in_dim3A_1789, %select_n3A_1780 : vector<16xi1>, vector<16xi32>
      %add3A_1791 = arith.constant 19968 : i32
      %add3A_1792 = arith.addi %add3A_1791, %mul3A_1670 : i32
      %get3A_1793 = arith.index_cast %add3A_1792 : i32 to index
      %get3A_1794 = tpu.vector_load %arg5[%get3A_1793] {strides = array<i32>} : memref<29184xf32, #tpu.memory_space<vmem>>, vector<16xf32>,
      %get3A_1795 = vector.shape_cast %get3A_1794 : vector<16xf32> to vector<16xf32>
      %gt3A_1796 = arith.cmpf ogt, %get3A_1795, %select_n3A_1787 : vector<16xf32>
      %select_n3A_1797 = arith.select %gt3A_1796, %get3A_1795, %select_n3A_1787 : vector<16xi1>, vector<16xf32>
      %jit3A_1798 = arith.constant 13 : i32
      %broadcast_in_dim3A_1799 = vector.broadcast %jit3A_1798 : i32 to vector<16xi32>
      %select_n3A_1800 = arith.select %gt3A_1796, %broadcast_in_dim3A_1799, %select_n3A_1790 : vector<16xi1>, vector<16xi32>
      %add3A_1801 = arith.constant 21504 : i32
      %add3A_1802 = arith.addi %add3A_1801, %mul3A_1670 : i32
      %get3A_1803 = arith.index_cast %add3A_1802 : i32 to index
      %get3A_1804 = tpu.vector_load %arg5[%get3A_1803] {strides = array<i32>} : memref<29184xf32, #tpu.memory_space<vmem>>, vector<16xf32>,
      %get3A_1805 = vector.shape_cast %get3A_1804 : vector<16xf32> to vector<16xf32>
      %gt3A_1806 = arith.cmpf ogt, %get3A_1805, %select_n3A_1797 : vector<16xf32>
      %select_n3A_1807 = arith.select %gt3A_1806, %get3A_1805, %select_n3A_1797 : vector<16xi1>, vector<16xf32>
      %jit3A_1808 = arith.constant 14 : i32
      %broadcast_in_dim3A_1809 = vector.broadcast %jit3A_1808 : i32 to vector<16xi32>
      %select_n3A_1810 = arith.select %gt3A_1806, %broadcast_in_dim3A_1809, %select_n3A_1800 : vector<16xi1>, vector<16xi32>
      %add3A_1811 = arith.constant 23040 : i32
      %add3A_1812 = arith.addi %add3A_1811, %mul3A_1670 : i32
      %get3A_1813 = arith.index_cast %add3A_1812 : i32 to index
      %get3A_1814 = tpu.vector_load %arg5[%get3A_1813] {strides = array<i32>} : memref<29184xf32, #tpu.memory_space<vmem>>, vector<16xf32>,
      %get3A_1815 = vector.shape_cast %get3A_1814 : vector<16xf32> to vector<16xf32>
      %gt3A_1816 = arith.cmpf ogt, %get3A_1815, %select_n3A_1807 : vector<16xf32>
      %select_n3A_1817 = arith.select %gt3A_1816, %get3A_1815, %select_n3A_1807 : vector<16xi1>, vector<16xf32>
      %jit3A_1818 = arith.constant 15 : i32
      %broadcast_in_dim3A_1819 = vector.broadcast %jit3A_1818 : i32 to vector<16xi32>
      %select_n3A_1820 = arith.select %gt3A_1816, %broadcast_in_dim3A_1819, %select_n3A_1810 : vector<16xi1>, vector<16xi32>
      %add3A_1821 = arith.constant 24576 : i32
      %add3A_1822 = arith.addi %add3A_1821, %mul3A_1670 : i32
      %get3A_1823 = arith.index_cast %add3A_1822 : i32 to index
      %get3A_1824 = tpu.vector_load %arg5[%get3A_1823] {strides = array<i32>} : memref<29184xf32, #tpu.memory_space<vmem>>, vector<16xf32>,
      %get3A_1825 = vector.shape_cast %get3A_1824 : vector<16xf32> to vector<16xf32>
      %gt3A_1826 = arith.cmpf ogt, %get3A_1825, %select_n3A_1817 : vector<16xf32>
      %select_n3A_1827 = arith.select %gt3A_1826, %get3A_1825, %select_n3A_1817 : vector<16xi1>, vector<16xf32>
      %jit3A_1828 = arith.constant 16 : i32
      %broadcast_in_dim3A_1829 = vector.broadcast %jit3A_1828 : i32 to vector<16xi32>
      %select_n3A_1830 = arith.select %gt3A_1826, %broadcast_in_dim3A_1829, %select_n3A_1820 : vector<16xi1>, vector<16xi32>
      %add3A_1831 = arith.constant 26112 : i32
      %add3A_1832 = arith.addi %add3A_1831, %mul3A_1670 : i32
      %get3A_1833 = arith.index_cast %add3A_1832 : i32 to index
      %get3A_1834 = tpu.vector_load %arg5[%get3A_1833] {strides = array<i32>} : memref<29184xf32, #tpu.memory_space<vmem>>, vector<16xf32>,
      %get3A_1835 = vector.shape_cast %get3A_1834 : vector<16xf32> to vector<16xf32>
      %gt3A_1836 = arith.cmpf ogt, %get3A_1835, %select_n3A_1827 : vector<16xf32>
      %select_n3A_1837 = arith.select %gt3A_1836, %get3A_1835, %select_n3A_1827 : vector<16xi1>, vector<16xf32>
      %jit3A_1838 = arith.constant 17 : i32
      %broadcast_in_dim3A_1839 = vector.broadcast %jit3A_1838 : i32 to vector<16xi32>
      %select_n3A_1840 = arith.select %gt3A_1836, %broadcast_in_dim3A_1839, %select_n3A_1830 : vector<16xi1>, vector<16xi32>
      %add3A_1841 = arith.constant 27648 : i32
      %add3A_1842 = arith.addi %add3A_1841, %mul3A_1670 : i32
      %get3A_1843 = arith.index_cast %add3A_1842 : i32 to index
      %get3A_1844 = tpu.vector_load %arg5[%get3A_1843] {strides = array<i32>} : memref<29184xf32, #tpu.memory_space<vmem>>, vector<16xf32>,
      %get3A_1845 = vector.shape_cast %get3A_1844 : vector<16xf32> to vector<16xf32>
      %gt3A_1846 = arith.cmpf ogt, %get3A_1845, %select_n3A_1837 : vector<16xf32>
      %select_n3A_1847 = arith.select %gt3A_1846, %get3A_1845, %select_n3A_1837 : vector<16xi1>, vector<16xf32>
      %jit3A_1848 = arith.constant 18 : i32
      %broadcast_in_dim3A_1849 = vector.broadcast %jit3A_1848 : i32 to vector<16xi32>
      %select_n3A_1850 = arith.select %gt3A_1846, %broadcast_in_dim3A_1849, %select_n3A_1840 : vector<16xi1>, vector<16xi32>
      %swap3A = arith.index_cast %mul3A_1670 : i32 to index
      %swap3A_1851 = tpu.vector_load %arg6[%swap3A] {strides = array<i32>} : memref<1536xf32, #tpu.memory_space<vmem>>, vector<16xf32>,
      %swap3A_1852 = vector.shape_cast %swap3A_1851 : vector<16xf32> to vector<16xf32>
      %swap3A_1853 = vector.shape_cast %select_n3A_1847 : vector<16xf32> to vector<16xf32>
      tpu.vector_store %arg6[%swap3A], %swap3A_1853 {strides = array<i32>} : memref<1536xf32, #tpu.memory_space<vmem>>, vector<16xf32>,
      %swap3A_1854 = arith.index_cast %mul3A_1670 : i32 to index
      %swap3A_1855 = tpu.vector_load %arg7[%swap3A_1854] {strides = array<i32>} : memref<1536xi32, #tpu.memory_space<vmem>>, vector<16xi32>,
      %swap3A_1856 = vector.shape_cast %swap3A_1855 : vector<16xi32> to vector<16xi32>
      %swap3A_1857 = vector.shape_cast %select_n3A_1850 : vector<16xi32> to vector<16xi32>
      tpu.vector_store %arg7[%swap3A_1854], %swap3A_1857 {strides = array<i32>} : memref<1536xi32, #tpu.memory_space<vmem>>, vector<16xi32>,
    }
    %scan3A_551 = arith.constant 96 : i32
    %add3A_552 = arith.constant 0 : i32
    %add3A_553 = arith.addi %add3A_552, %add3A_279 : i32
    "tpu.region"() ({
      %run_scoped3A = tpu.sem_alloc : memref<!tpu.dma_semaphore, #tpu.memory_space<semaphore_mem>>
      %dma_start3A_1668 = tpu.memref_slice %arg3[%add3A_553] : memref<294912xf32, #tpu.memory_space<hbm>> -> memref<1536xf32, #tpu.memory_space<hbm>>
      %dma_start3A_1669 = tpu.memref_slice %arg3[%add3A_553] : memref<294912xf32, #tpu.memory_space<hbm>> -> memref<1536xf32, #tpu.memory_space<hbm>>
      tpu.enqueue_dma source(%arg6 : memref<1536xf32, #tpu.memory_space<vmem>>) target(%dma_start3A_1669 : memref<1536xf32, #tpu.memory_space<hbm>>) target_semaphore(%run_scoped3A : memref<!tpu.dma_semaphore, #tpu.memory_space<semaphore_mem>>)
      %dma_wait3A_1670 = tpu.memref_slice %arg3[%add3A_553] : memref<294912xf32, #tpu.memory_space<hbm>> -> memref<1536xf32, #tpu.memory_space<hbm>>
      %dma_wait3A_1671 = tpu.memref_slice %arg3[%add3A_553] : memref<294912xf32, #tpu.memory_space<hbm>> -> memref<1536xf32, #tpu.memory_space<hbm>>
      tpu.wait_dma2 semaphore(%run_scoped3A : memref<!tpu.dma_semaphore, #tpu.memory_space<semaphore_mem>>) src(%arg6 : memref<1536xf32, #tpu.memory_space<vmem>>) dst(%dma_wait3A_1671 : memref<1536xf32, #tpu.memory_space<hbm>>)
      tpu.yield
    }) : () -> ()
    %add3A_554 = arith.constant 0 : i32
    %add3A_555 = arith.addi %add3A_554, %add3A_279 : i32
    "tpu.region"() ({
      %run_scoped3A = tpu.sem_alloc : memref<!tpu.dma_semaphore, #tpu.memory_space<semaphore_mem>>
      %dma_start3A_1668 = tpu.memref_slice %arg4[%add3A_555] : memref<294912xi32, #tpu.memory_space<hbm>> -> memref<1536xi32, #tpu.memory_space<hbm>>
      %dma_start3A_1669 = tpu.memref_slice %arg4[%add3A_555] : memref<294912xi32, #tpu.memory_space<hbm>> -> memref<1536xi32, #tpu.memory_space<hbm>>
      tpu.enqueue_dma source(%arg7 : memref<1536xi32, #tpu.memory_space<vmem>>) target(%dma_start3A_1669 : memref<1536xi32, #tpu.memory_space<hbm>>) target_semaphore(%run_scoped3A : memref<!tpu.dma_semaphore, #tpu.memory_space<semaphore_mem>>)
      %dma_wait3A_1670 = tpu.memref_slice %arg4[%add3A_555] : memref<294912xi32, #tpu.memory_space<hbm>> -> memref<1536xi32, #tpu.memory_space<hbm>>
      %dma_wait3A_1671 = tpu.memref_slice %arg4[%add3A_555] : memref<294912xi32, #tpu.memory_space<hbm>> -> memref<1536xi32, #tpu.memory_space<hbm>>
      tpu.wait_dma2 semaphore(%run_scoped3A : memref<!tpu.dma_semaphore, #tpu.memory_space<semaphore_mem>>) src(%arg7 : memref<1536xi32, #tpu.memory_space<vmem>>) dst(%dma_wait3A_1671 : memref<1536xi32, #tpu.memory_space<hbm>>)
      tpu.yield
    }) : () -> ()
    %add3A_556 = arith.constant 3072 : i32
    %add3A_557 = arith.addi %mul3A_2, %add3A_556 : i32
    %add3A_558 = arith.constant 0 : i32
    %add3A_559 = arith.addi %add3A_558, %add3A_557 : i32
    %dma_start3A_560 = arith.constant 0 : i32
    %dma_start3A_561 = tpu.memref_slice %arg5[%dma_start3A_560] : memref<29184xf32, #tpu.memory_space<vmem>> -> memref<1536xf32, #tpu.memory_space<vmem>>
    %dma_start3A_562 = tpu.memref_slice %arg2[%add3A_559] : memref<5603328xf32, #tpu.memory_space<hbm>> -> memref<1536xf32, #tpu.memory_space<hbm>>
    %dma_start3A_563 = arith.constant 0 : i32
    %dma_start3A_564 = tpu.memref_slice %arg5[%dma_start3A_563] : memref<29184xf32, #tpu.memory_space<vmem>> -> memref<1536xf32, #tpu.memory_space<vmem>>
    %dma_start3A_565 = tpu.memref_slice %arg2[%add3A_559] : memref<5603328xf32, #tpu.memory_space<hbm>> -> memref<1536xf32, #tpu.memory_space<hbm>>
    tpu.enqueue_dma source(%dma_start3A_565 : memref<1536xf32, #tpu.memory_space<hbm>>) target(%dma_start3A_564 : memref<1536xf32, #tpu.memory_space<vmem>>) target_semaphore(%arg8 : memref<!tpu.dma_semaphore, #tpu.memory_space<semaphore_mem>>)
    %add3A_566 = arith.constant 147456 : i32
    %add3A_567 = arith.addi %add3A_566, %add3A_557 : i32
    %dma_start3A_568 = arith.constant 1536 : i32
    %dma_start3A_569 = tpu.memref_slice %arg5[%dma_start3A_568] : memref<29184xf32, #tpu.memory_space<vmem>> -> memref<1536xf32, #tpu.memory_space<vmem>>
    %dma_start3A_570 = tpu.memref_slice %arg2[%add3A_567] : memref<5603328xf32, #tpu.memory_space<hbm>> -> memref<1536xf32, #tpu.memory_space<hbm>>
    %dma_start3A_571 = arith.constant 1536 : i32
    %dma_start3A_572 = tpu.memref_slice %arg5[%dma_start3A_571] : memref<29184xf32, #tpu.memory_space<vmem>> -> memref<1536xf32, #tpu.memory_space<vmem>>
    %dma_start3A_573 = tpu.memref_slice %arg2[%add3A_567] : memref<5603328xf32, #tpu.memory_space<hbm>> -> memref<1536xf32, #tpu.memory_space<hbm>>
    tpu.enqueue_dma source(%dma_start3A_573 : memref<1536xf32, #tpu.memory_space<hbm>>) target(%dma_start3A_572 : memref<1536xf32, #tpu.memory_space<vmem>>) target_semaphore(%arg8 : memref<!tpu.dma_semaphore, #tpu.memory_space<semaphore_mem>>)
    %add3A_574 = arith.constant 294912 : i32
    %add3A_575 = arith.addi %add3A_574, %add3A_557 : i32
    %dma_start3A_576 = arith.constant 3072 : i32
    %dma_start3A_577 = tpu.memref_slice %arg5[%dma_start3A_576] : memref<29184xf32, #tpu.memory_space<vmem>> -> memref<1536xf32, #tpu.memory_space<vmem>>
    %dma_start3A_578 = tpu.memref_slice %arg2[%add3A_575] : memref<5603328xf32, #tpu.memory_space<hbm>> -> memref<1536xf32, #tpu.memory_space<hbm>>
    %dma_start3A_579 = arith.constant 3072 : i32
    %dma_start3A_580 = tpu.memref_slice %arg5[%dma_start3A_579] : memref<29184xf32, #tpu.memory_space<vmem>> -> memref<1536xf32, #tpu.memory_space<vmem>>
    %dma_start3A_581 = tpu.memref_slice %arg2[%add3A_575] : memref<5603328xf32, #tpu.memory_space<hbm>> -> memref<1536xf32, #tpu.memory_space<hbm>>
    tpu.enqueue_dma source(%dma_start3A_581 : memref<1536xf32, #tpu.memory_space<hbm>>) target(%dma_start3A_580 : memref<1536xf32, #tpu.memory_space<vmem>>) target_semaphore(%arg8 : memref<!tpu.dma_semaphore, #tpu.memory_space<semaphore_mem>>)
    %add3A_582 = arith.constant 442368 : i32
    %add3A_583 = arith.addi %add3A_582, %add3A_557 : i32
    %dma_start3A_584 = arith.constant 4608 : i32
    %dma_start3A_585 = tpu.memref_slice %arg5[%dma_start3A_584] : memref<29184xf32, #tpu.memory_space<vmem>> -> memref<1536xf32, #tpu.memory_space<vmem>>
    %dma_start3A_586 = tpu.memref_slice %arg2[%add3A_583] : memref<5603328xf32, #tpu.memory_space<hbm>> -> memref<1536xf32, #tpu.memory_space<hbm>>
    %dma_start3A_587 = arith.constant 4608 : i32
    %dma_start3A_588 = tpu.memref_slice %arg5[%dma_start3A_587] : memref<29184xf32, #tpu.memory_space<vmem>> -> memref<1536xf32, #tpu.memory_space<vmem>>
    %dma_start3A_589 = tpu.memref_slice %arg2[%add3A_583] : memref<5603328xf32, #tpu.memory_space<hbm>> -> memref<1536xf32, #tpu.memory_space<hbm>>
    tpu.enqueue_dma source(%dma_start3A_589 : memref<1536xf32, #tpu.memory_space<hbm>>) target(%dma_start3A_588 : memref<1536xf32, #tpu.memory_space<vmem>>) target_semaphore(%arg8 : memref<!tpu.dma_semaphore, #tpu.memory_space<semaphore_mem>>)
    %add3A_590 = arith.constant 589824 : i32
    %add3A_591 = arith.addi %add3A_590, %add3A_557 : i32
    %dma_start3A_592 = arith.constant 6144 : i32
    %dma_start3A_593 = tpu.memref_slice %arg5[%dma_start3A_592] : memref<29184xf32, #tpu.memory_space<vmem>> -> memref<1536xf32, #tpu.memory_space<vmem>>
    %dma_start3A_594 = tpu.memref_slice %arg2[%add3A_591] : memref<5603328xf32, #tpu.memory_space<hbm>> -> memref<1536xf32, #tpu.memory_space<hbm>>
    %dma_start3A_595 = arith.constant 6144 : i32
    %dma_start3A_596 = tpu.memref_slice %arg5[%dma_start3A_595] : memref<29184xf32, #tpu.memory_space<vmem>> -> memref<1536xf32, #tpu.memory_space<vmem>>
    %dma_start3A_597 = tpu.memref_slice %arg2[%add3A_591] : memref<5603328xf32, #tpu.memory_space<hbm>> -> memref<1536xf32, #tpu.memory_space<hbm>>
    tpu.enqueue_dma source(%dma_start3A_597 : memref<1536xf32, #tpu.memory_space<hbm>>) target(%dma_start3A_596 : memref<1536xf32, #tpu.memory_space<vmem>>) target_semaphore(%arg8 : memref<!tpu.dma_semaphore, #tpu.memory_space<semaphore_mem>>)
    %add3A_598 = arith.constant 737280 : i32
    %add3A_599 = arith.addi %add3A_598, %add3A_557 : i32
    %dma_start3A_600 = arith.constant 7680 : i32
    %dma_start3A_601 = tpu.memref_slice %arg5[%dma_start3A_600] : memref<29184xf32, #tpu.memory_space<vmem>> -> memref<1536xf32, #tpu.memory_space<vmem>>
    %dma_start3A_602 = tpu.memref_slice %arg2[%add3A_599] : memref<5603328xf32, #tpu.memory_space<hbm>> -> memref<1536xf32, #tpu.memory_space<hbm>>
    %dma_start3A_603 = arith.constant 7680 : i32
    %dma_start3A_604 = tpu.memref_slice %arg5[%dma_start3A_603] : memref<29184xf32, #tpu.memory_space<vmem>> -> memref<1536xf32, #tpu.memory_space<vmem>>
    %dma_start3A_605 = tpu.memref_slice %arg2[%add3A_599] : memref<5603328xf32, #tpu.memory_space<hbm>> -> memref<1536xf32, #tpu.memory_space<hbm>>
    tpu.enqueue_dma source(%dma_start3A_605 : memref<1536xf32, #tpu.memory_space<hbm>>) target(%dma_start3A_604 : memref<1536xf32, #tpu.memory_space<vmem>>) target_semaphore(%arg8 : memref<!tpu.dma_semaphore, #tpu.memory_space<semaphore_mem>>)
    %add3A_606 = arith.constant 884736 : i32
    %add3A_607 = arith.addi %add3A_606, %add3A_557 : i32
    %dma_start3A_608 = arith.constant 9216 : i32
    %dma_start3A_609 = tpu.memref_slice %arg5[%dma_start3A_608] : memref<29184xf32, #tpu.memory_space<vmem>> -> memref<1536xf32, #tpu.memory_space<vmem>>
    %dma_start3A_610 = tpu.memref_slice %arg2[%add3A_607] : memref<5603328xf32, #tpu.memory_space<hbm>> -> memref<1536xf32, #tpu.memory_space<hbm>>
    %dma_start3A_611 = arith.constant 9216 : i32
    %dma_start3A_612 = tpu.memref_slice %arg5[%dma_start3A_611] : memref<29184xf32, #tpu.memory_space<vmem>> -> memref<1536xf32, #tpu.memory_space<vmem>>
    %dma_start3A_613 = tpu.memref_slice %arg2[%add3A_607] : memref<5603328xf32, #tpu.memory_space<hbm>> -> memref<1536xf32, #tpu.memory_space<hbm>>
    tpu.enqueue_dma source(%dma_start3A_613 : memref<1536xf32, #tpu.memory_space<hbm>>) target(%dma_start3A_612 : memref<1536xf32, #tpu.memory_space<vmem>>) target_semaphore(%arg8 : memref<!tpu.dma_semaphore, #tpu.memory_space<semaphore_mem>>)
    %add3A_614 = arith.constant 1032192 : i32
    %add3A_615 = arith.addi %add3A_614, %add3A_557 : i32
    %dma_start3A_616 = arith.constant 10752 : i32
    %dma_start3A_617 = tpu.memref_slice %arg5[%dma_start3A_616] : memref<29184xf32, #tpu.memory_space<vmem>> -> memref<1536xf32, #tpu.memory_space<vmem>>
    %dma_start3A_618 = tpu.memref_slice %arg2[%add3A_615] : memref<5603328xf32, #tpu.memory_space<hbm>> -> memref<1536xf32, #tpu.memory_space<hbm>>
    %dma_start3A_619 = arith.constant 10752 : i32
    %dma_start3A_620 = tpu.memref_slice %arg5[%dma_start3A_619] : memref<29184xf32, #tpu.memory_space<vmem>> -> memref<1536xf32, #tpu.memory_space<vmem>>
    %dma_start3A_621 = tpu.memref_slice %arg2[%add3A_615] : memref<5603328xf32, #tpu.memory_space<hbm>> -> memref<1536xf32, #tpu.memory_space<hbm>>
    tpu.enqueue_dma source(%dma_start3A_621 : memref<1536xf32, #tpu.memory_space<hbm>>) target(%dma_start3A_620 : memref<1536xf32, #tpu.memory_space<vmem>>) target_semaphore(%arg8 : memref<!tpu.dma_semaphore, #tpu.memory_space<semaphore_mem>>)
    %add3A_622 = arith.constant 1179648 : i32
    %add3A_623 = arith.addi %add3A_622, %add3A_557 : i32
    %dma_start3A_624 = arith.constant 12288 : i32
    %dma_start3A_625 = tpu.memref_slice %arg5[%dma_start3A_624] : memref<29184xf32, #tpu.memory_space<vmem>> -> memref<1536xf32, #tpu.memory_space<vmem>>
    %dma_start3A_626 = tpu.memref_slice %arg2[%add3A_623] : memref<5603328xf32, #tpu.memory_space<hbm>> -> memref<1536xf32, #tpu.memory_space<hbm>>
    %dma_start3A_627 = arith.constant 12288 : i32
    %dma_start3A_628 = tpu.memref_slice %arg5[%dma_start3A_627] : memref<29184xf32, #tpu.memory_space<vmem>> -> memref<1536xf32, #tpu.memory_space<vmem>>
    %dma_start3A_629 = tpu.memref_slice %arg2[%add3A_623] : memref<5603328xf32, #tpu.memory_space<hbm>> -> memref<1536xf32, #tpu.memory_space<hbm>>
    tpu.enqueue_dma source(%dma_start3A_629 : memref<1536xf32, #tpu.memory_space<hbm>>) target(%dma_start3A_628 : memref<1536xf32, #tpu.memory_space<vmem>>) target_semaphore(%arg8 : memref<!tpu.dma_semaphore, #tpu.memory_space<semaphore_mem>>)
    %add3A_630 = arith.constant 1327104 : i32
    %add3A_631 = arith.addi %add3A_630, %add3A_557 : i32
    %dma_start3A_632 = arith.constant 13824 : i32
    %dma_start3A_633 = tpu.memref_slice %arg5[%dma_start3A_632] : memref<29184xf32, #tpu.memory_space<vmem>> -> memref<1536xf32, #tpu.memory_space<vmem>>
    %dma_start3A_634 = tpu.memref_slice %arg2[%add3A_631] : memref<5603328xf32, #tpu.memory_space<hbm>> -> memref<1536xf32, #tpu.memory_space<hbm>>
    %dma_start3A_635 = arith.constant 13824 : i32
    %dma_start3A_636 = tpu.memref_slice %arg5[%dma_start3A_635] : memref<29184xf32, #tpu.memory_space<vmem>> -> memref<1536xf32, #tpu.memory_space<vmem>>
    %dma_start3A_637 = tpu.memref_slice %arg2[%add3A_631] : memref<5603328xf32, #tpu.memory_space<hbm>> -> memref<1536xf32, #tpu.memory_space<hbm>>
    tpu.enqueue_dma source(%dma_start3A_637 : memref<1536xf32, #tpu.memory_space<hbm>>) target(%dma_start3A_636 : memref<1536xf32, #tpu.memory_space<vmem>>) target_semaphore(%arg8 : memref<!tpu.dma_semaphore, #tpu.memory_space<semaphore_mem>>)
    %add3A_638 = arith.constant 1474560 : i32
    %add3A_639 = arith.addi %add3A_638, %add3A_557 : i32
    %dma_start3A_640 = arith.constant 15360 : i32
    %dma_start3A_641 = tpu.memref_slice %arg5[%dma_start3A_640] : memref<29184xf32, #tpu.memory_space<vmem>> -> memref<1536xf32, #tpu.memory_space<vmem>>
    %dma_start3A_642 = tpu.memref_slice %arg2[%add3A_639] : memref<5603328xf32, #tpu.memory_space<hbm>> -> memref<1536xf32, #tpu.memory_space<hbm>>
    %dma_start3A_643 = arith.constant 15360 : i32
    %dma_start3A_644 = tpu.memref_slice %arg5[%dma_start3A_643] : memref<29184xf32, #tpu.memory_space<vmem>> -> memref<1536xf32, #tpu.memory_space<vmem>>
    %dma_start3A_645 = tpu.memref_slice %arg2[%add3A_639] : memref<5603328xf32, #tpu.memory_space<hbm>> -> memref<1536xf32, #tpu.memory_space<hbm>>
    tpu.enqueue_dma source(%dma_start3A_645 : memref<1536xf32, #tpu.memory_space<hbm>>) target(%dma_start3A_644 : memref<1536xf32, #tpu.memory_space<vmem>>) target_semaphore(%arg8 : memref<!tpu.dma_semaphore, #tpu.memory_space<semaphore_mem>>)
    %add3A_646 = arith.constant 1622016 : i32
    %add3A_647 = arith.addi %add3A_646, %add3A_557 : i32
    %dma_start3A_648 = arith.constant 16896 : i32
    %dma_start3A_649 = tpu.memref_slice %arg5[%dma_start3A_648] : memref<29184xf32, #tpu.memory_space<vmem>> -> memref<1536xf32, #tpu.memory_space<vmem>>
    %dma_start3A_650 = tpu.memref_slice %arg2[%add3A_647] : memref<5603328xf32, #tpu.memory_space<hbm>> -> memref<1536xf32, #tpu.memory_space<hbm>>
    %dma_start3A_651 = arith.constant 16896 : i32
    %dma_start3A_652 = tpu.memref_slice %arg5[%dma_start3A_651] : memref<29184xf32, #tpu.memory_space<vmem>> -> memref<1536xf32, #tpu.memory_space<vmem>>
    %dma_start3A_653 = tpu.memref_slice %arg2[%add3A_647] : memref<5603328xf32, #tpu.memory_space<hbm>> -> memref<1536xf32, #tpu.memory_space<hbm>>
    tpu.enqueue_dma source(%dma_start3A_653 : memref<1536xf32, #tpu.memory_space<hbm>>) target(%dma_start3A_652 : memref<1536xf32, #tpu.memory_space<vmem>>) target_semaphore(%arg8 : memref<!tpu.dma_semaphore, #tpu.memory_space<semaphore_mem>>)
    %add3A_654 = arith.constant 1769472 : i32
    %add3A_655 = arith.addi %add3A_654, %add3A_557 : i32
    %dma_start3A_656 = arith.constant 18432 : i32
    %dma_start3A_657 = tpu.memref_slice %arg5[%dma_start3A_656] : memref<29184xf32, #tpu.memory_space<vmem>> -> memref<1536xf32, #tpu.memory_space<vmem>>
    %dma_start3A_658 = tpu.memref_slice %arg2[%add3A_655] : memref<5603328xf32, #tpu.memory_space<hbm>> -> memref<1536xf32, #tpu.memory_space<hbm>>
    %dma_start3A_659 = arith.constant 18432 : i32
    %dma_start3A_660 = tpu.memref_slice %arg5[%dma_start3A_659] : memref<29184xf32, #tpu.memory_space<vmem>> -> memref<1536xf32, #tpu.memory_space<vmem>>
    %dma_start3A_661 = tpu.memref_slice %arg2[%add3A_655] : memref<5603328xf32, #tpu.memory_space<hbm>> -> memref<1536xf32, #tpu.memory_space<hbm>>
    tpu.enqueue_dma source(%dma_start3A_661 : memref<1536xf32, #tpu.memory_space<hbm>>) target(%dma_start3A_660 : memref<1536xf32, #tpu.memory_space<vmem>>) target_semaphore(%arg8 : memref<!tpu.dma_semaphore, #tpu.memory_space<semaphore_mem>>)
    %add3A_662 = arith.constant 1916928 : i32
    %add3A_663 = arith.addi %add3A_662, %add3A_557 : i32
    %dma_start3A_664 = arith.constant 19968 : i32
    %dma_start3A_665 = tpu.memref_slice %arg5[%dma_start3A_664] : memref<29184xf32, #tpu.memory_space<vmem>> -> memref<1536xf32, #tpu.memory_space<vmem>>
    %dma_start3A_666 = tpu.memref_slice %arg2[%add3A_663] : memref<5603328xf32, #tpu.memory_space<hbm>> -> memref<1536xf32, #tpu.memory_space<hbm>>
    %dma_start3A_667 = arith.constant 19968 : i32
    %dma_start3A_668 = tpu.memref_slice %arg5[%dma_start3A_667] : memref<29184xf32, #tpu.memory_space<vmem>> -> memref<1536xf32, #tpu.memory_space<vmem>>
    %dma_start3A_669 = tpu.memref_slice %arg2[%add3A_663] : memref<5603328xf32, #tpu.memory_space<hbm>> -> memref<1536xf32, #tpu.memory_space<hbm>>
    tpu.enqueue_dma source(%dma_start3A_669 : memref<1536xf32, #tpu.memory_space<hbm>>) target(%dma_start3A_668 : memref<1536xf32, #tpu.memory_space<vmem>>) target_semaphore(%arg8 : memref<!tpu.dma_semaphore, #tpu.memory_space<semaphore_mem>>)
    %add3A_670 = arith.constant 2064384 : i32
    %add3A_671 = arith.addi %add3A_670, %add3A_557 : i32
    %dma_start3A_672 = arith.constant 21504 : i32
    %dma_start3A_673 = tpu.memref_slice %arg5[%dma_start3A_672] : memref<29184xf32, #tpu.memory_space<vmem>> -> memref<1536xf32, #tpu.memory_space<vmem>>
    %dma_start3A_674 = tpu.memref_slice %arg2[%add3A_671] : memref<5603328xf32, #tpu.memory_space<hbm>> -> memref<1536xf32, #tpu.memory_space<hbm>>
    %dma_start3A_675 = arith.constant 21504 : i32
    %dma_start3A_676 = tpu.memref_slice %arg5[%dma_start3A_675] : memref<29184xf32, #tpu.memory_space<vmem>> -> memref<1536xf32, #tpu.memory_space<vmem>>
    %dma_start3A_677 = tpu.memref_slice %arg2[%add3A_671] : memref<5603328xf32, #tpu.memory_space<hbm>> -> memref<1536xf32, #tpu.memory_space<hbm>>
    tpu.enqueue_dma source(%dma_start3A_677 : memref<1536xf32, #tpu.memory_space<hbm>>) target(%dma_start3A_676 : memref<1536xf32, #tpu.memory_space<vmem>>) target_semaphore(%arg8 : memref<!tpu.dma_semaphore, #tpu.memory_space<semaphore_mem>>)
    %add3A_678 = arith.constant 2211840 : i32
    %add3A_679 = arith.addi %add3A_678, %add3A_557 : i32
    %dma_start3A_680 = arith.constant 23040 : i32
    %dma_start3A_681 = tpu.memref_slice %arg5[%dma_start3A_680] : memref<29184xf32, #tpu.memory_space<vmem>> -> memref<1536xf32, #tpu.memory_space<vmem>>
    %dma_start3A_682 = tpu.memref_slice %arg2[%add3A_679] : memref<5603328xf32, #tpu.memory_space<hbm>> -> memref<1536xf32, #tpu.memory_space<hbm>>
    %dma_start3A_683 = arith.constant 23040 : i32
    %dma_start3A_684 = tpu.memref_slice %arg5[%dma_start3A_683] : memref<29184xf32, #tpu.memory_space<vmem>> -> memref<1536xf32, #tpu.memory_space<vmem>>
    %dma_start3A_685 = tpu.memref_slice %arg2[%add3A_679] : memref<5603328xf32, #tpu.memory_space<hbm>> -> memref<1536xf32, #tpu.memory_space<hbm>>
    tpu.enqueue_dma source(%dma_start3A_685 : memref<1536xf32, #tpu.memory_space<hbm>>) target(%dma_start3A_684 : memref<1536xf32, #tpu.memory_space<vmem>>) target_semaphore(%arg8 : memref<!tpu.dma_semaphore, #tpu.memory_space<semaphore_mem>>)
    %add3A_686 = arith.constant 2359296 : i32
    %add3A_687 = arith.addi %add3A_686, %add3A_557 : i32
    %dma_start3A_688 = arith.constant 24576 : i32
    %dma_start3A_689 = tpu.memref_slice %arg5[%dma_start3A_688] : memref<29184xf32, #tpu.memory_space<vmem>> -> memref<1536xf32, #tpu.memory_space<vmem>>
    %dma_start3A_690 = tpu.memref_slice %arg2[%add3A_687] : memref<5603328xf32, #tpu.memory_space<hbm>> -> memref<1536xf32, #tpu.memory_space<hbm>>
    %dma_start3A_691 = arith.constant 24576 : i32
    %dma_start3A_692 = tpu.memref_slice %arg5[%dma_start3A_691] : memref<29184xf32, #tpu.memory_space<vmem>> -> memref<1536xf32, #tpu.memory_space<vmem>>
    %dma_start3A_693 = tpu.memref_slice %arg2[%add3A_687] : memref<5603328xf32, #tpu.memory_space<hbm>> -> memref<1536xf32, #tpu.memory_space<hbm>>
    tpu.enqueue_dma source(%dma_start3A_693 : memref<1536xf32, #tpu.memory_space<hbm>>) target(%dma_start3A_692 : memref<1536xf32, #tpu.memory_space<vmem>>) target_semaphore(%arg8 : memref<!tpu.dma_semaphore, #tpu.memory_space<semaphore_mem>>)
    %add3A_694 = arith.constant 2506752 : i32
    %add3A_695 = arith.addi %add3A_694, %add3A_557 : i32
    %dma_start3A_696 = arith.constant 26112 : i32
    %dma_start3A_697 = tpu.memref_slice %arg5[%dma_start3A_696] : memref<29184xf32, #tpu.memory_space<vmem>> -> memref<1536xf32, #tpu.memory_space<vmem>>
    %dma_start3A_698 = tpu.memref_slice %arg2[%add3A_695] : memref<5603328xf32, #tpu.memory_space<hbm>> -> memref<1536xf32, #tpu.memory_space<hbm>>
    %dma_start3A_699 = arith.constant 26112 : i32
    %dma_start3A_700 = tpu.memref_slice %arg5[%dma_start3A_699] : memref<29184xf32, #tpu.memory_space<vmem>> -> memref<1536xf32, #tpu.memory_space<vmem>>
    %dma_start3A_701 = tpu.memref_slice %arg2[%add3A_695] : memref<5603328xf32, #tpu.memory_space<hbm>> -> memref<1536xf32, #tpu.memory_space<hbm>>
    tpu.enqueue_dma source(%dma_start3A_701 : memref<1536xf32, #tpu.memory_space<hbm>>) target(%dma_start3A_700 : memref<1536xf32, #tpu.memory_space<vmem>>) target_semaphore(%arg8 : memref<!tpu.dma_semaphore, #tpu.memory_space<semaphore_mem>>)
    %add3A_702 = arith.constant 2654208 : i32
    %add3A_703 = arith.addi %add3A_702, %add3A_557 : i32
    %dma_start3A_704 = arith.constant 27648 : i32
    %dma_start3A_705 = tpu.memref_slice %arg5[%dma_start3A_704] : memref<29184xf32, #tpu.memory_space<vmem>> -> memref<1536xf32, #tpu.memory_space<vmem>>
    %dma_start3A_706 = tpu.memref_slice %arg2[%add3A_703] : memref<5603328xf32, #tpu.memory_space<hbm>> -> memref<1536xf32, #tpu.memory_space<hbm>>
    %dma_start3A_707 = arith.constant 27648 : i32
    %dma_start3A_708 = tpu.memref_slice %arg5[%dma_start3A_707] : memref<29184xf32, #tpu.memory_space<vmem>> -> memref<1536xf32, #tpu.memory_space<vmem>>
    %dma_start3A_709 = tpu.memref_slice %arg2[%add3A_703] : memref<5603328xf32, #tpu.memory_space<hbm>> -> memref<1536xf32, #tpu.memory_space<hbm>>
    tpu.enqueue_dma source(%dma_start3A_709 : memref<1536xf32, #tpu.memory_space<hbm>>) target(%dma_start3A_708 : memref<1536xf32, #tpu.memory_space<vmem>>) target_semaphore(%arg8 : memref<!tpu.dma_semaphore, #tpu.memory_space<semaphore_mem>>)
    %dma_wait3A_710 = arith.constant 0 : i32
    %dma_wait3A_711 = tpu.memref_slice %arg5[%dma_wait3A_710] : memref<29184xf32, #tpu.memory_space<vmem>> -> memref<1536xf32, #tpu.memory_space<vmem>>
    %dma_wait3A_712 = tpu.memref_slice %arg2[%add3A_559] : memref<5603328xf32, #tpu.memory_space<hbm>> -> memref<1536xf32, #tpu.memory_space<hbm>>
    %dma_wait3A_713 = arith.constant 0 : i32
    %dma_wait3A_714 = tpu.memref_slice %arg5[%dma_wait3A_713] : memref<29184xf32, #tpu.memory_space<vmem>> -> memref<1536xf32, #tpu.memory_space<vmem>>
    %dma_wait3A_715 = tpu.memref_slice %arg2[%add3A_559] : memref<5603328xf32, #tpu.memory_space<hbm>> -> memref<1536xf32, #tpu.memory_space<hbm>>
    tpu.wait_dma2 semaphore(%arg8 : memref<!tpu.dma_semaphore, #tpu.memory_space<semaphore_mem>>) src(%dma_wait3A_715 : memref<1536xf32, #tpu.memory_space<hbm>>) dst(%dma_wait3A_714 : memref<1536xf32, #tpu.memory_space<vmem>>)
    %dma_wait3A_716 = arith.constant 1536 : i32
    %dma_wait3A_717 = tpu.memref_slice %arg5[%dma_wait3A_716] : memref<29184xf32, #tpu.memory_space<vmem>> -> memref<1536xf32, #tpu.memory_space<vmem>>
    %dma_wait3A_718 = tpu.memref_slice %arg2[%add3A_567] : memref<5603328xf32, #tpu.memory_space<hbm>> -> memref<1536xf32, #tpu.memory_space<hbm>>
    %dma_wait3A_719 = arith.constant 1536 : i32
    %dma_wait3A_720 = tpu.memref_slice %arg5[%dma_wait3A_719] : memref<29184xf32, #tpu.memory_space<vmem>> -> memref<1536xf32, #tpu.memory_space<vmem>>
    %dma_wait3A_721 = tpu.memref_slice %arg2[%add3A_567] : memref<5603328xf32, #tpu.memory_space<hbm>> -> memref<1536xf32, #tpu.memory_space<hbm>>
    tpu.wait_dma2 semaphore(%arg8 : memref<!tpu.dma_semaphore, #tpu.memory_space<semaphore_mem>>) src(%dma_wait3A_721 : memref<1536xf32, #tpu.memory_space<hbm>>) dst(%dma_wait3A_720 : memref<1536xf32, #tpu.memory_space<vmem>>)
    %dma_wait3A_722 = arith.constant 3072 : i32
    %dma_wait3A_723 = tpu.memref_slice %arg5[%dma_wait3A_722] : memref<29184xf32, #tpu.memory_space<vmem>> -> memref<1536xf32, #tpu.memory_space<vmem>>
    %dma_wait3A_724 = tpu.memref_slice %arg2[%add3A_575] : memref<5603328xf32, #tpu.memory_space<hbm>> -> memref<1536xf32, #tpu.memory_space<hbm>>
    %dma_wait3A_725 = arith.constant 3072 : i32
    %dma_wait3A_726 = tpu.memref_slice %arg5[%dma_wait3A_725] : memref<29184xf32, #tpu.memory_space<vmem>> -> memref<1536xf32, #tpu.memory_space<vmem>>
    %dma_wait3A_727 = tpu.memref_slice %arg2[%add3A_575] : memref<5603328xf32, #tpu.memory_space<hbm>> -> memref<1536xf32, #tpu.memory_space<hbm>>
    tpu.wait_dma2 semaphore(%arg8 : memref<!tpu.dma_semaphore, #tpu.memory_space<semaphore_mem>>) src(%dma_wait3A_727 : memref<1536xf32, #tpu.memory_space<hbm>>) dst(%dma_wait3A_726 : memref<1536xf32, #tpu.memory_space<vmem>>)
    %dma_wait3A_728 = arith.constant 4608 : i32
    %dma_wait3A_729 = tpu.memref_slice %arg5[%dma_wait3A_728] : memref<29184xf32, #tpu.memory_space<vmem>> -> memref<1536xf32, #tpu.memory_space<vmem>>
    %dma_wait3A_730 = tpu.memref_slice %arg2[%add3A_583] : memref<5603328xf32, #tpu.memory_space<hbm>> -> memref<1536xf32, #tpu.memory_space<hbm>>
    %dma_wait3A_731 = arith.constant 4608 : i32
    %dma_wait3A_732 = tpu.memref_slice %arg5[%dma_wait3A_731] : memref<29184xf32, #tpu.memory_space<vmem>> -> memref<1536xf32, #tpu.memory_space<vmem>>
    %dma_wait3A_733 = tpu.memref_slice %arg2[%add3A_583] : memref<5603328xf32, #tpu.memory_space<hbm>> -> memref<1536xf32, #tpu.memory_space<hbm>>
    tpu.wait_dma2 semaphore(%arg8 : memref<!tpu.dma_semaphore, #tpu.memory_space<semaphore_mem>>) src(%dma_wait3A_733 : memref<1536xf32, #tpu.memory_space<hbm>>) dst(%dma_wait3A_732 : memref<1536xf32, #tpu.memory_space<vmem>>)
    %dma_wait3A_734 = arith.constant 6144 : i32
    %dma_wait3A_735 = tpu.memref_slice %arg5[%dma_wait3A_734] : memref<29184xf32, #tpu.memory_space<vmem>> -> memref<1536xf32, #tpu.memory_space<vmem>>
    %dma_wait3A_736 = tpu.memref_slice %arg2[%add3A_591] : memref<5603328xf32, #tpu.memory_space<hbm>> -> memref<1536xf32, #tpu.memory_space<hbm>>
    %dma_wait3A_737 = arith.constant 6144 : i32
    %dma_wait3A_738 = tpu.memref_slice %arg5[%dma_wait3A_737] : memref<29184xf32, #tpu.memory_space<vmem>> -> memref<1536xf32, #tpu.memory_space<vmem>>
    %dma_wait3A_739 = tpu.memref_slice %arg2[%add3A_591] : memref<5603328xf32, #tpu.memory_space<hbm>> -> memref<1536xf32, #tpu.memory_space<hbm>>
    tpu.wait_dma2 semaphore(%arg8 : memref<!tpu.dma_semaphore, #tpu.memory_space<semaphore_mem>>) src(%dma_wait3A_739 : memref<1536xf32, #tpu.memory_space<hbm>>) dst(%dma_wait3A_738 : memref<1536xf32, #tpu.memory_space<vmem>>)
    %dma_wait3A_740 = arith.constant 7680 : i32
    %dma_wait3A_741 = tpu.memref_slice %arg5[%dma_wait3A_740] : memref<29184xf32, #tpu.memory_space<vmem>> -> memref<1536xf32, #tpu.memory_space<vmem>>
    %dma_wait3A_742 = tpu.memref_slice %arg2[%add3A_599] : memref<5603328xf32, #tpu.memory_space<hbm>> -> memref<1536xf32, #tpu.memory_space<hbm>>
    %dma_wait3A_743 = arith.constant 7680 : i32
    %dma_wait3A_744 = tpu.memref_slice %arg5[%dma_wait3A_743] : memref<29184xf32, #tpu.memory_space<vmem>> -> memref<1536xf32, #tpu.memory_space<vmem>>
    %dma_wait3A_745 = tpu.memref_slice %arg2[%add3A_599] : memref<5603328xf32, #tpu.memory_space<hbm>> -> memref<1536xf32, #tpu.memory_space<hbm>>
    tpu.wait_dma2 semaphore(%arg8 : memref<!tpu.dma_semaphore, #tpu.memory_space<semaphore_mem>>) src(%dma_wait3A_745 : memref<1536xf32, #tpu.memory_space<hbm>>) dst(%dma_wait3A_744 : memref<1536xf32, #tpu.memory_space<vmem>>)
    %dma_wait3A_746 = arith.constant 9216 : i32
    %dma_wait3A_747 = tpu.memref_slice %arg5[%dma_wait3A_746] : memref<29184xf32, #tpu.memory_space<vmem>> -> memref<1536xf32, #tpu.memory_space<vmem>>
    %dma_wait3A_748 = tpu.memref_slice %arg2[%add3A_607] : memref<5603328xf32, #tpu.memory_space<hbm>> -> memref<1536xf32, #tpu.memory_space<hbm>>
    %dma_wait3A_749 = arith.constant 9216 : i32
    %dma_wait3A_750 = tpu.memref_slice %arg5[%dma_wait3A_749] : memref<29184xf32, #tpu.memory_space<vmem>> -> memref<1536xf32, #tpu.memory_space<vmem>>
    %dma_wait3A_751 = tpu.memref_slice %arg2[%add3A_607] : memref<5603328xf32, #tpu.memory_space<hbm>> -> memref<1536xf32, #tpu.memory_space<hbm>>
    tpu.wait_dma2 semaphore(%arg8 : memref<!tpu.dma_semaphore, #tpu.memory_space<semaphore_mem>>) src(%dma_wait3A_751 : memref<1536xf32, #tpu.memory_space<hbm>>) dst(%dma_wait3A_750 : memref<1536xf32, #tpu.memory_space<vmem>>)
    %dma_wait3A_752 = arith.constant 10752 : i32
    %dma_wait3A_753 = tpu.memref_slice %arg5[%dma_wait3A_752] : memref<29184xf32, #tpu.memory_space<vmem>> -> memref<1536xf32, #tpu.memory_space<vmem>>
    %dma_wait3A_754 = tpu.memref_slice %arg2[%add3A_615] : memref<5603328xf32, #tpu.memory_space<hbm>> -> memref<1536xf32, #tpu.memory_space<hbm>>
    %dma_wait3A_755 = arith.constant 10752 : i32
    %dma_wait3A_756 = tpu.memref_slice %arg5[%dma_wait3A_755] : memref<29184xf32, #tpu.memory_space<vmem>> -> memref<1536xf32, #tpu.memory_space<vmem>>
    %dma_wait3A_757 = tpu.memref_slice %arg2[%add3A_615] : memref<5603328xf32, #tpu.memory_space<hbm>> -> memref<1536xf32, #tpu.memory_space<hbm>>
    tpu.wait_dma2 semaphore(%arg8 : memref<!tpu.dma_semaphore, #tpu.memory_space<semaphore_mem>>) src(%dma_wait3A_757 : memref<1536xf32, #tpu.memory_space<hbm>>) dst(%dma_wait3A_756 : memref<1536xf32, #tpu.memory_space<vmem>>)
    %dma_wait3A_758 = arith.constant 12288 : i32
    %dma_wait3A_759 = tpu.memref_slice %arg5[%dma_wait3A_758] : memref<29184xf32, #tpu.memory_space<vmem>> -> memref<1536xf32, #tpu.memory_space<vmem>>
    %dma_wait3A_760 = tpu.memref_slice %arg2[%add3A_623] : memref<5603328xf32, #tpu.memory_space<hbm>> -> memref<1536xf32, #tpu.memory_space<hbm>>
    %dma_wait3A_761 = arith.constant 12288 : i32
    %dma_wait3A_762 = tpu.memref_slice %arg5[%dma_wait3A_761] : memref<29184xf32, #tpu.memory_space<vmem>> -> memref<1536xf32, #tpu.memory_space<vmem>>
    %dma_wait3A_763 = tpu.memref_slice %arg2[%add3A_623] : memref<5603328xf32, #tpu.memory_space<hbm>> -> memref<1536xf32, #tpu.memory_space<hbm>>
    tpu.wait_dma2 semaphore(%arg8 : memref<!tpu.dma_semaphore, #tpu.memory_space<semaphore_mem>>) src(%dma_wait3A_763 : memref<1536xf32, #tpu.memory_space<hbm>>) dst(%dma_wait3A_762 : memref<1536xf32, #tpu.memory_space<vmem>>)
    %dma_wait3A_764 = arith.constant 13824 : i32
    %dma_wait3A_765 = tpu.memref_slice %arg5[%dma_wait3A_764] : memref<29184xf32, #tpu.memory_space<vmem>> -> memref<1536xf32, #tpu.memory_space<vmem>>
    %dma_wait3A_766 = tpu.memref_slice %arg2[%add3A_631] : memref<5603328xf32, #tpu.memory_space<hbm>> -> memref<1536xf32, #tpu.memory_space<hbm>>
    %dma_wait3A_767 = arith.constant 13824 : i32
    %dma_wait3A_768 = tpu.memref_slice %arg5[%dma_wait3A_767] : memref<29184xf32, #tpu.memory_space<vmem>> -> memref<1536xf32, #tpu.memory_space<vmem>>
    %dma_wait3A_769 = tpu.memref_slice %arg2[%add3A_631] : memref<5603328xf32, #tpu.memory_space<hbm>> -> memref<1536xf32, #tpu.memory_space<hbm>>
    tpu.wait_dma2 semaphore(%arg8 : memref<!tpu.dma_semaphore, #tpu.memory_space<semaphore_mem>>) src(%dma_wait3A_769 : memref<1536xf32, #tpu.memory_space<hbm>>) dst(%dma_wait3A_768 : memref<1536xf32, #tpu.memory_space<vmem>>)
    %dma_wait3A_770 = arith.constant 15360 : i32
    %dma_wait3A_771 = tpu.memref_slice %arg5[%dma_wait3A_770] : memref<29184xf32, #tpu.memory_space<vmem>> -> memref<1536xf32, #tpu.memory_space<vmem>>
    %dma_wait3A_772 = tpu.memref_slice %arg2[%add3A_639] : memref<5603328xf32, #tpu.memory_space<hbm>> -> memref<1536xf32, #tpu.memory_space<hbm>>
    %dma_wait3A_773 = arith.constant 15360 : i32
    %dma_wait3A_774 = tpu.memref_slice %arg5[%dma_wait3A_773] : memref<29184xf32, #tpu.memory_space<vmem>> -> memref<1536xf32, #tpu.memory_space<vmem>>
    %dma_wait3A_775 = tpu.memref_slice %arg2[%add3A_639] : memref<5603328xf32, #tpu.memory_space<hbm>> -> memref<1536xf32, #tpu.memory_space<hbm>>
    tpu.wait_dma2 semaphore(%arg8 : memref<!tpu.dma_semaphore, #tpu.memory_space<semaphore_mem>>) src(%dma_wait3A_775 : memref<1536xf32, #tpu.memory_space<hbm>>) dst(%dma_wait3A_774 : memref<1536xf32, #tpu.memory_space<vmem>>)
    %dma_wait3A_776 = arith.constant 16896 : i32
    %dma_wait3A_777 = tpu.memref_slice %arg5[%dma_wait3A_776] : memref<29184xf32, #tpu.memory_space<vmem>> -> memref<1536xf32, #tpu.memory_space<vmem>>
    %dma_wait3A_778 = tpu.memref_slice %arg2[%add3A_647] : memref<5603328xf32, #tpu.memory_space<hbm>> -> memref<1536xf32, #tpu.memory_space<hbm>>
    %dma_wait3A_779 = arith.constant 16896 : i32
    %dma_wait3A_780 = tpu.memref_slice %arg5[%dma_wait3A_779] : memref<29184xf32, #tpu.memory_space<vmem>> -> memref<1536xf32, #tpu.memory_space<vmem>>
    %dma_wait3A_781 = tpu.memref_slice %arg2[%add3A_647] : memref<5603328xf32, #tpu.memory_space<hbm>> -> memref<1536xf32, #tpu.memory_space<hbm>>
    tpu.wait_dma2 semaphore(%arg8 : memref<!tpu.dma_semaphore, #tpu.memory_space<semaphore_mem>>) src(%dma_wait3A_781 : memref<1536xf32, #tpu.memory_space<hbm>>) dst(%dma_wait3A_780 : memref<1536xf32, #tpu.memory_space<vmem>>)
    %dma_wait3A_782 = arith.constant 18432 : i32
    %dma_wait3A_783 = tpu.memref_slice %arg5[%dma_wait3A_782] : memref<29184xf32, #tpu.memory_space<vmem>> -> memref<1536xf32, #tpu.memory_space<vmem>>
    %dma_wait3A_784 = tpu.memref_slice %arg2[%add3A_655] : memref<5603328xf32, #tpu.memory_space<hbm>> -> memref<1536xf32, #tpu.memory_space<hbm>>
    %dma_wait3A_785 = arith.constant 18432 : i32
    %dma_wait3A_786 = tpu.memref_slice %arg5[%dma_wait3A_785] : memref<29184xf32, #tpu.memory_space<vmem>> -> memref<1536xf32, #tpu.memory_space<vmem>>
    %dma_wait3A_787 = tpu.memref_slice %arg2[%add3A_655] : memref<5603328xf32, #tpu.memory_space<hbm>> -> memref<1536xf32, #tpu.memory_space<hbm>>
    tpu.wait_dma2 semaphore(%arg8 : memref<!tpu.dma_semaphore, #tpu.memory_space<semaphore_mem>>) src(%dma_wait3A_787 : memref<1536xf32, #tpu.memory_space<hbm>>) dst(%dma_wait3A_786 : memref<1536xf32, #tpu.memory_space<vmem>>)
    %dma_wait3A_788 = arith.constant 19968 : i32
    %dma_wait3A_789 = tpu.memref_slice %arg5[%dma_wait3A_788] : memref<29184xf32, #tpu.memory_space<vmem>> -> memref<1536xf32, #tpu.memory_space<vmem>>
    %dma_wait3A_790 = tpu.memref_slice %arg2[%add3A_663] : memref<5603328xf32, #tpu.memory_space<hbm>> -> memref<1536xf32, #tpu.memory_space<hbm>>
    %dma_wait3A_791 = arith.constant 19968 : i32
    %dma_wait3A_792 = tpu.memref_slice %arg5[%dma_wait3A_791] : memref<29184xf32, #tpu.memory_space<vmem>> -> memref<1536xf32, #tpu.memory_space<vmem>>
    %dma_wait3A_793 = tpu.memref_slice %arg2[%add3A_663] : memref<5603328xf32, #tpu.memory_space<hbm>> -> memref<1536xf32, #tpu.memory_space<hbm>>
    tpu.wait_dma2 semaphore(%arg8 : memref<!tpu.dma_semaphore, #tpu.memory_space<semaphore_mem>>) src(%dma_wait3A_793 : memref<1536xf32, #tpu.memory_space<hbm>>) dst(%dma_wait3A_792 : memref<1536xf32, #tpu.memory_space<vmem>>)
    %dma_wait3A_794 = arith.constant 21504 : i32
    %dma_wait3A_795 = tpu.memref_slice %arg5[%dma_wait3A_794] : memref<29184xf32, #tpu.memory_space<vmem>> -> memref<1536xf32, #tpu.memory_space<vmem>>
    %dma_wait3A_796 = tpu.memref_slice %arg2[%add3A_671] : memref<5603328xf32, #tpu.memory_space<hbm>> -> memref<1536xf32, #tpu.memory_space<hbm>>
    %dma_wait3A_797 = arith.constant 21504 : i32
    %dma_wait3A_798 = tpu.memref_slice %arg5[%dma_wait3A_797] : memref<29184xf32, #tpu.memory_space<vmem>> -> memref<1536xf32, #tpu.memory_space<vmem>>
    %dma_wait3A_799 = tpu.memref_slice %arg2[%add3A_671] : memref<5603328xf32, #tpu.memory_space<hbm>> -> memref<1536xf32, #tpu.memory_space<hbm>>
    tpu.wait_dma2 semaphore(%arg8 : memref<!tpu.dma_semaphore, #tpu.memory_space<semaphore_mem>>) src(%dma_wait3A_799 : memref<1536xf32, #tpu.memory_space<hbm>>) dst(%dma_wait3A_798 : memref<1536xf32, #tpu.memory_space<vmem>>)
    %dma_wait3A_800 = arith.constant 23040 : i32
    %dma_wait3A_801 = tpu.memref_slice %arg5[%dma_wait3A_800] : memref<29184xf32, #tpu.memory_space<vmem>> -> memref<1536xf32, #tpu.memory_space<vmem>>
    %dma_wait3A_802 = tpu.memref_slice %arg2[%add3A_679] : memref<5603328xf32, #tpu.memory_space<hbm>> -> memref<1536xf32, #tpu.memory_space<hbm>>
    %dma_wait3A_803 = arith.constant 23040 : i32
    %dma_wait3A_804 = tpu.memref_slice %arg5[%dma_wait3A_803] : memref<29184xf32, #tpu.memory_space<vmem>> -> memref<1536xf32, #tpu.memory_space<vmem>>
    %dma_wait3A_805 = tpu.memref_slice %arg2[%add3A_679] : memref<5603328xf32, #tpu.memory_space<hbm>> -> memref<1536xf32, #tpu.memory_space<hbm>>
    tpu.wait_dma2 semaphore(%arg8 : memref<!tpu.dma_semaphore, #tpu.memory_space<semaphore_mem>>) src(%dma_wait3A_805 : memref<1536xf32, #tpu.memory_space<hbm>>) dst(%dma_wait3A_804 : memref<1536xf32, #tpu.memory_space<vmem>>)
    %dma_wait3A_806 = arith.constant 24576 : i32
    %dma_wait3A_807 = tpu.memref_slice %arg5[%dma_wait3A_806] : memref<29184xf32, #tpu.memory_space<vmem>> -> memref<1536xf32, #tpu.memory_space<vmem>>
    %dma_wait3A_808 = tpu.memref_slice %arg2[%add3A_687] : memref<5603328xf32, #tpu.memory_space<hbm>> -> memref<1536xf32, #tpu.memory_space<hbm>>
    %dma_wait3A_809 = arith.constant 24576 : i32
    %dma_wait3A_810 = tpu.memref_slice %arg5[%dma_wait3A_809] : memref<29184xf32, #tpu.memory_space<vmem>> -> memref<1536xf32, #tpu.memory_space<vmem>>
    %dma_wait3A_811 = tpu.memref_slice %arg2[%add3A_687] : memref<5603328xf32, #tpu.memory_space<hbm>> -> memref<1536xf32, #tpu.memory_space<hbm>>
    tpu.wait_dma2 semaphore(%arg8 : memref<!tpu.dma_semaphore, #tpu.memory_space<semaphore_mem>>) src(%dma_wait3A_811 : memref<1536xf32, #tpu.memory_space<hbm>>) dst(%dma_wait3A_810 : memref<1536xf32, #tpu.memory_space<vmem>>)
    %dma_wait3A_812 = arith.constant 26112 : i32
    %dma_wait3A_813 = tpu.memref_slice %arg5[%dma_wait3A_812] : memref<29184xf32, #tpu.memory_space<vmem>> -> memref<1536xf32, #tpu.memory_space<vmem>>
    %dma_wait3A_814 = tpu.memref_slice %arg2[%add3A_695] : memref<5603328xf32, #tpu.memory_space<hbm>> -> memref<1536xf32, #tpu.memory_space<hbm>>
    %dma_wait3A_815 = arith.constant 26112 : i32
    %dma_wait3A_816 = tpu.memref_slice %arg5[%dma_wait3A_815] : memref<29184xf32, #tpu.memory_space<vmem>> -> memref<1536xf32, #tpu.memory_space<vmem>>
    %dma_wait3A_817 = tpu.memref_slice %arg2[%add3A_695] : memref<5603328xf32, #tpu.memory_space<hbm>> -> memref<1536xf32, #tpu.memory_space<hbm>>
    tpu.wait_dma2 semaphore(%arg8 : memref<!tpu.dma_semaphore, #tpu.memory_space<semaphore_mem>>) src(%dma_wait3A_817 : memref<1536xf32, #tpu.memory_space<hbm>>) dst(%dma_wait3A_816 : memref<1536xf32, #tpu.memory_space<vmem>>)
    %dma_wait3A_818 = arith.constant 27648 : i32
    %dma_wait3A_819 = tpu.memref_slice %arg5[%dma_wait3A_818] : memref<29184xf32, #tpu.memory_space<vmem>> -> memref<1536xf32, #tpu.memory_space<vmem>>
    %dma_wait3A_820 = tpu.memref_slice %arg2[%add3A_703] : memref<5603328xf32, #tpu.memory_space<hbm>> -> memref<1536xf32, #tpu.memory_space<hbm>>
    %dma_wait3A_821 = arith.constant 27648 : i32
    %dma_wait3A_822 = tpu.memref_slice %arg5[%dma_wait3A_821] : memref<29184xf32, #tpu.memory_space<vmem>> -> memref<1536xf32, #tpu.memory_space<vmem>>
    %dma_wait3A_823 = tpu.memref_slice %arg2[%add3A_703] : memref<5603328xf32, #tpu.memory_space<hbm>> -> memref<1536xf32, #tpu.memory_space<hbm>>
    tpu.wait_dma2 semaphore(%arg8 : memref<!tpu.dma_semaphore, #tpu.memory_space<semaphore_mem>>) src(%dma_wait3A_823 : memref<1536xf32, #tpu.memory_space<hbm>>) dst(%dma_wait3A_822 : memref<1536xf32, #tpu.memory_space<vmem>>)
    %scan3A_824 = arith.constant 0 : i32
    %scan3A_825 = arith.constant 0 : i32
    %scan3A_826 = arith.constant 96 : i32
    %scan3A_827 = arith.addi %scan3A_825, %scan3A_826 : i32
    %scan3A_828 = arith.constant 1 : i32
    scf.for %scan3A_1668 = %scan3A_825 to %scan3A_827 step %scan3A_828  : i32 {
      %mul3A_1669 = arith.constant 16 : i32
      %mul3A_1670 = arith.muli %scan3A_1668, %mul3A_1669 : i32
      %get3A = arith.index_cast %mul3A_1670 : i32 to index
      %get3A_1671 = tpu.vector_load %arg5[%get3A] {strides = array<i32>} : memref<29184xf32, #tpu.memory_space<vmem>>, vector<16xf32>,
      %get3A_1672 = vector.shape_cast %get3A_1671 : vector<16xf32> to vector<16xf32>
      %broadcast_in_dim3A = arith.constant 0 : i32
      %broadcast_in_dim3A_1673 = vector.broadcast %broadcast_in_dim3A : i32 to vector<16xi32>
      %add3A_1674 = arith.constant 1536 : i32
      %add3A_1675 = arith.addi %add3A_1674, %mul3A_1670 : i32
      %get3A_1676 = arith.index_cast %add3A_1675 : i32 to index
      %get3A_1677 = tpu.vector_load %arg5[%get3A_1676] {strides = array<i32>} : memref<29184xf32, #tpu.memory_space<vmem>>, vector<16xf32>,
      %get3A_1678 = vector.shape_cast %get3A_1677 : vector<16xf32> to vector<16xf32>
      %gt3A = arith.cmpf ogt, %get3A_1678, %get3A_1672 : vector<16xf32>
      %select_n3A = arith.select %gt3A, %get3A_1678, %get3A_1672 : vector<16xi1>, vector<16xf32>
      %jit3A = arith.constant 1 : i32
      %broadcast_in_dim3A_1679 = vector.broadcast %jit3A : i32 to vector<16xi32>
      %select_n3A_1680 = arith.select %gt3A, %broadcast_in_dim3A_1679, %broadcast_in_dim3A_1673 : vector<16xi1>, vector<16xi32>
      %add3A_1681 = arith.constant 3072 : i32
      %add3A_1682 = arith.addi %add3A_1681, %mul3A_1670 : i32
      %get3A_1683 = arith.index_cast %add3A_1682 : i32 to index
      %get3A_1684 = tpu.vector_load %arg5[%get3A_1683] {strides = array<i32>} : memref<29184xf32, #tpu.memory_space<vmem>>, vector<16xf32>,
      %get3A_1685 = vector.shape_cast %get3A_1684 : vector<16xf32> to vector<16xf32>
      %gt3A_1686 = arith.cmpf ogt, %get3A_1685, %select_n3A : vector<16xf32>
      %select_n3A_1687 = arith.select %gt3A_1686, %get3A_1685, %select_n3A : vector<16xi1>, vector<16xf32>
      %jit3A_1688 = arith.constant 2 : i32
      %broadcast_in_dim3A_1689 = vector.broadcast %jit3A_1688 : i32 to vector<16xi32>
      %select_n3A_1690 = arith.select %gt3A_1686, %broadcast_in_dim3A_1689, %select_n3A_1680 : vector<16xi1>, vector<16xi32>
      %add3A_1691 = arith.constant 4608 : i32
      %add3A_1692 = arith.addi %add3A_1691, %mul3A_1670 : i32
      %get3A_1693 = arith.index_cast %add3A_1692 : i32 to index
      %get3A_1694 = tpu.vector_load %arg5[%get3A_1693] {strides = array<i32>} : memref<29184xf32, #tpu.memory_space<vmem>>, vector<16xf32>,
      %get3A_1695 = vector.shape_cast %get3A_1694 : vector<16xf32> to vector<16xf32>
      %gt3A_1696 = arith.cmpf ogt, %get3A_1695, %select_n3A_1687 : vector<16xf32>
      %select_n3A_1697 = arith.select %gt3A_1696, %get3A_1695, %select_n3A_1687 : vector<16xi1>, vector<16xf32>
      %jit3A_1698 = arith.constant 3 : i32
      %broadcast_in_dim3A_1699 = vector.broadcast %jit3A_1698 : i32 to vector<16xi32>
      %select_n3A_1700 = arith.select %gt3A_1696, %broadcast_in_dim3A_1699, %select_n3A_1690 : vector<16xi1>, vector<16xi32>
      %add3A_1701 = arith.constant 6144 : i32
      %add3A_1702 = arith.addi %add3A_1701, %mul3A_1670 : i32
      %get3A_1703 = arith.index_cast %add3A_1702 : i32 to index
      %get3A_1704 = tpu.vector_load %arg5[%get3A_1703] {strides = array<i32>} : memref<29184xf32, #tpu.memory_space<vmem>>, vector<16xf32>,
      %get3A_1705 = vector.shape_cast %get3A_1704 : vector<16xf32> to vector<16xf32>
      %gt3A_1706 = arith.cmpf ogt, %get3A_1705, %select_n3A_1697 : vector<16xf32>
      %select_n3A_1707 = arith.select %gt3A_1706, %get3A_1705, %select_n3A_1697 : vector<16xi1>, vector<16xf32>
      %jit3A_1708 = arith.constant 4 : i32
      %broadcast_in_dim3A_1709 = vector.broadcast %jit3A_1708 : i32 to vector<16xi32>
      %select_n3A_1710 = arith.select %gt3A_1706, %broadcast_in_dim3A_1709, %select_n3A_1700 : vector<16xi1>, vector<16xi32>
      %add3A_1711 = arith.constant 7680 : i32
      %add3A_1712 = arith.addi %add3A_1711, %mul3A_1670 : i32
      %get3A_1713 = arith.index_cast %add3A_1712 : i32 to index
      %get3A_1714 = tpu.vector_load %arg5[%get3A_1713] {strides = array<i32>} : memref<29184xf32, #tpu.memory_space<vmem>>, vector<16xf32>,
      %get3A_1715 = vector.shape_cast %get3A_1714 : vector<16xf32> to vector<16xf32>
      %gt3A_1716 = arith.cmpf ogt, %get3A_1715, %select_n3A_1707 : vector<16xf32>
      %select_n3A_1717 = arith.select %gt3A_1716, %get3A_1715, %select_n3A_1707 : vector<16xi1>, vector<16xf32>
      %jit3A_1718 = arith.constant 5 : i32
      %broadcast_in_dim3A_1719 = vector.broadcast %jit3A_1718 : i32 to vector<16xi32>
      %select_n3A_1720 = arith.select %gt3A_1716, %broadcast_in_dim3A_1719, %select_n3A_1710 : vector<16xi1>, vector<16xi32>
      %add3A_1721 = arith.constant 9216 : i32
      %add3A_1722 = arith.addi %add3A_1721, %mul3A_1670 : i32
      %get3A_1723 = arith.index_cast %add3A_1722 : i32 to index
      %get3A_1724 = tpu.vector_load %arg5[%get3A_1723] {strides = array<i32>} : memref<29184xf32, #tpu.memory_space<vmem>>, vector<16xf32>,
      %get3A_1725 = vector.shape_cast %get3A_1724 : vector<16xf32> to vector<16xf32>
      %gt3A_1726 = arith.cmpf ogt, %get3A_1725, %select_n3A_1717 : vector<16xf32>
      %select_n3A_1727 = arith.select %gt3A_1726, %get3A_1725, %select_n3A_1717 : vector<16xi1>, vector<16xf32>
      %jit3A_1728 = arith.constant 6 : i32
      %broadcast_in_dim3A_1729 = vector.broadcast %jit3A_1728 : i32 to vector<16xi32>
      %select_n3A_1730 = arith.select %gt3A_1726, %broadcast_in_dim3A_1729, %select_n3A_1720 : vector<16xi1>, vector<16xi32>
      %add3A_1731 = arith.constant 10752 : i32
      %add3A_1732 = arith.addi %add3A_1731, %mul3A_1670 : i32
      %get3A_1733 = arith.index_cast %add3A_1732 : i32 to index
      %get3A_1734 = tpu.vector_load %arg5[%get3A_1733] {strides = array<i32>} : memref<29184xf32, #tpu.memory_space<vmem>>, vector<16xf32>,
      %get3A_1735 = vector.shape_cast %get3A_1734 : vector<16xf32> to vector<16xf32>
      %gt3A_1736 = arith.cmpf ogt, %get3A_1735, %select_n3A_1727 : vector<16xf32>
      %select_n3A_1737 = arith.select %gt3A_1736, %get3A_1735, %select_n3A_1727 : vector<16xi1>, vector<16xf32>
      %jit3A_1738 = arith.constant 7 : i32
      %broadcast_in_dim3A_1739 = vector.broadcast %jit3A_1738 : i32 to vector<16xi32>
      %select_n3A_1740 = arith.select %gt3A_1736, %broadcast_in_dim3A_1739, %select_n3A_1730 : vector<16xi1>, vector<16xi32>
      %add3A_1741 = arith.constant 12288 : i32
      %add3A_1742 = arith.addi %add3A_1741, %mul3A_1670 : i32
      %get3A_1743 = arith.index_cast %add3A_1742 : i32 to index
      %get3A_1744 = tpu.vector_load %arg5[%get3A_1743] {strides = array<i32>} : memref<29184xf32, #tpu.memory_space<vmem>>, vector<16xf32>,
      %get3A_1745 = vector.shape_cast %get3A_1744 : vector<16xf32> to vector<16xf32>
      %gt3A_1746 = arith.cmpf ogt, %get3A_1745, %select_n3A_1737 : vector<16xf32>
      %select_n3A_1747 = arith.select %gt3A_1746, %get3A_1745, %select_n3A_1737 : vector<16xi1>, vector<16xf32>
      %jit3A_1748 = arith.constant 8 : i32
      %broadcast_in_dim3A_1749 = vector.broadcast %jit3A_1748 : i32 to vector<16xi32>
      %select_n3A_1750 = arith.select %gt3A_1746, %broadcast_in_dim3A_1749, %select_n3A_1740 : vector<16xi1>, vector<16xi32>
      %add3A_1751 = arith.constant 13824 : i32
      %add3A_1752 = arith.addi %add3A_1751, %mul3A_1670 : i32
      %get3A_1753 = arith.index_cast %add3A_1752 : i32 to index
      %get3A_1754 = tpu.vector_load %arg5[%get3A_1753] {strides = array<i32>} : memref<29184xf32, #tpu.memory_space<vmem>>, vector<16xf32>,
      %get3A_1755 = vector.shape_cast %get3A_1754 : vector<16xf32> to vector<16xf32>
      %gt3A_1756 = arith.cmpf ogt, %get3A_1755, %select_n3A_1747 : vector<16xf32>
      %select_n3A_1757 = arith.select %gt3A_1756, %get3A_1755, %select_n3A_1747 : vector<16xi1>, vector<16xf32>
      %jit3A_1758 = arith.constant 9 : i32
      %broadcast_in_dim3A_1759 = vector.broadcast %jit3A_1758 : i32 to vector<16xi32>
      %select_n3A_1760 = arith.select %gt3A_1756, %broadcast_in_dim3A_1759, %select_n3A_1750 : vector<16xi1>, vector<16xi32>
      %add3A_1761 = arith.constant 15360 : i32
      %add3A_1762 = arith.addi %add3A_1761, %mul3A_1670 : i32
      %get3A_1763 = arith.index_cast %add3A_1762 : i32 to index
      %get3A_1764 = tpu.vector_load %arg5[%get3A_1763] {strides = array<i32>} : memref<29184xf32, #tpu.memory_space<vmem>>, vector<16xf32>,
      %get3A_1765 = vector.shape_cast %get3A_1764 : vector<16xf32> to vector<16xf32>
      %gt3A_1766 = arith.cmpf ogt, %get3A_1765, %select_n3A_1757 : vector<16xf32>
      %select_n3A_1767 = arith.select %gt3A_1766, %get3A_1765, %select_n3A_1757 : vector<16xi1>, vector<16xf32>
      %jit3A_1768 = arith.constant 10 : i32
      %broadcast_in_dim3A_1769 = vector.broadcast %jit3A_1768 : i32 to vector<16xi32>
      %select_n3A_1770 = arith.select %gt3A_1766, %broadcast_in_dim3A_1769, %select_n3A_1760 : vector<16xi1>, vector<16xi32>
      %add3A_1771 = arith.constant 16896 : i32
      %add3A_1772 = arith.addi %add3A_1771, %mul3A_1670 : i32
      %get3A_1773 = arith.index_cast %add3A_1772 : i32 to index
      %get3A_1774 = tpu.vector_load %arg5[%get3A_1773] {strides = array<i32>} : memref<29184xf32, #tpu.memory_space<vmem>>, vector<16xf32>,
      %get3A_1775 = vector.shape_cast %get3A_1774 : vector<16xf32> to vector<16xf32>
      %gt3A_1776 = arith.cmpf ogt, %get3A_1775, %select_n3A_1767 : vector<16xf32>
      %select_n3A_1777 = arith.select %gt3A_1776, %get3A_1775, %select_n3A_1767 : vector<16xi1>, vector<16xf32>
      %jit3A_1778 = arith.constant 11 : i32
      %broadcast_in_dim3A_1779 = vector.broadcast %jit3A_1778 : i32 to vector<16xi32>
      %select_n3A_1780 = arith.select %gt3A_1776, %broadcast_in_dim3A_1779, %select_n3A_1770 : vector<16xi1>, vector<16xi32>
      %add3A_1781 = arith.constant 18432 : i32
      %add3A_1782 = arith.addi %add3A_1781, %mul3A_1670 : i32
      %get3A_1783 = arith.index_cast %add3A_1782 : i32 to index
      %get3A_1784 = tpu.vector_load %arg5[%get3A_1783] {strides = array<i32>} : memref<29184xf32, #tpu.memory_space<vmem>>, vector<16xf32>,
      %get3A_1785 = vector.shape_cast %get3A_1784 : vector<16xf32> to vector<16xf32>
      %gt3A_1786 = arith.cmpf ogt, %get3A_1785, %select_n3A_1777 : vector<16xf32>
      %select_n3A_1787 = arith.select %gt3A_1786, %get3A_1785, %select_n3A_1777 : vector<16xi1>, vector<16xf32>
      %jit3A_1788 = arith.constant 12 : i32
      %broadcast_in_dim3A_1789 = vector.broadcast %jit3A_1788 : i32 to vector<16xi32>
      %select_n3A_1790 = arith.select %gt3A_1786, %broadcast_in_dim3A_1789, %select_n3A_1780 : vector<16xi1>, vector<16xi32>
      %add3A_1791 = arith.constant 19968 : i32
      %add3A_1792 = arith.addi %add3A_1791, %mul3A_1670 : i32
      %get3A_1793 = arith.index_cast %add3A_1792 : i32 to index
      %get3A_1794 = tpu.vector_load %arg5[%get3A_1793] {strides = array<i32>} : memref<29184xf32, #tpu.memory_space<vmem>>, vector<16xf32>,
      %get3A_1795 = vector.shape_cast %get3A_1794 : vector<16xf32> to vector<16xf32>
      %gt3A_1796 = arith.cmpf ogt, %get3A_1795, %select_n3A_1787 : vector<16xf32>
      %select_n3A_1797 = arith.select %gt3A_1796, %get3A_1795, %select_n3A_1787 : vector<16xi1>, vector<16xf32>
      %jit3A_1798 = arith.constant 13 : i32
      %broadcast_in_dim3A_1799 = vector.broadcast %jit3A_1798 : i32 to vector<16xi32>
      %select_n3A_1800 = arith.select %gt3A_1796, %broadcast_in_dim3A_1799, %select_n3A_1790 : vector<16xi1>, vector<16xi32>
      %add3A_1801 = arith.constant 21504 : i32
      %add3A_1802 = arith.addi %add3A_1801, %mul3A_1670 : i32
      %get3A_1803 = arith.index_cast %add3A_1802 : i32 to index
      %get3A_1804 = tpu.vector_load %arg5[%get3A_1803] {strides = array<i32>} : memref<29184xf32, #tpu.memory_space<vmem>>, vector<16xf32>,
      %get3A_1805 = vector.shape_cast %get3A_1804 : vector<16xf32> to vector<16xf32>
      %gt3A_1806 = arith.cmpf ogt, %get3A_1805, %select_n3A_1797 : vector<16xf32>
      %select_n3A_1807 = arith.select %gt3A_1806, %get3A_1805, %select_n3A_1797 : vector<16xi1>, vector<16xf32>
      %jit3A_1808 = arith.constant 14 : i32
      %broadcast_in_dim3A_1809 = vector.broadcast %jit3A_1808 : i32 to vector<16xi32>
      %select_n3A_1810 = arith.select %gt3A_1806, %broadcast_in_dim3A_1809, %select_n3A_1800 : vector<16xi1>, vector<16xi32>
      %add3A_1811 = arith.constant 23040 : i32
      %add3A_1812 = arith.addi %add3A_1811, %mul3A_1670 : i32
      %get3A_1813 = arith.index_cast %add3A_1812 : i32 to index
      %get3A_1814 = tpu.vector_load %arg5[%get3A_1813] {strides = array<i32>} : memref<29184xf32, #tpu.memory_space<vmem>>, vector<16xf32>,
      %get3A_1815 = vector.shape_cast %get3A_1814 : vector<16xf32> to vector<16xf32>
      %gt3A_1816 = arith.cmpf ogt, %get3A_1815, %select_n3A_1807 : vector<16xf32>
      %select_n3A_1817 = arith.select %gt3A_1816, %get3A_1815, %select_n3A_1807 : vector<16xi1>, vector<16xf32>
      %jit3A_1818 = arith.constant 15 : i32
      %broadcast_in_dim3A_1819 = vector.broadcast %jit3A_1818 : i32 to vector<16xi32>
      %select_n3A_1820 = arith.select %gt3A_1816, %broadcast_in_dim3A_1819, %select_n3A_1810 : vector<16xi1>, vector<16xi32>
      %add3A_1821 = arith.constant 24576 : i32
      %add3A_1822 = arith.addi %add3A_1821, %mul3A_1670 : i32
      %get3A_1823 = arith.index_cast %add3A_1822 : i32 to index
      %get3A_1824 = tpu.vector_load %arg5[%get3A_1823] {strides = array<i32>} : memref<29184xf32, #tpu.memory_space<vmem>>, vector<16xf32>,
      %get3A_1825 = vector.shape_cast %get3A_1824 : vector<16xf32> to vector<16xf32>
      %gt3A_1826 = arith.cmpf ogt, %get3A_1825, %select_n3A_1817 : vector<16xf32>
      %select_n3A_1827 = arith.select %gt3A_1826, %get3A_1825, %select_n3A_1817 : vector<16xi1>, vector<16xf32>
      %jit3A_1828 = arith.constant 16 : i32
      %broadcast_in_dim3A_1829 = vector.broadcast %jit3A_1828 : i32 to vector<16xi32>
      %select_n3A_1830 = arith.select %gt3A_1826, %broadcast_in_dim3A_1829, %select_n3A_1820 : vector<16xi1>, vector<16xi32>
      %add3A_1831 = arith.constant 26112 : i32
      %add3A_1832 = arith.addi %add3A_1831, %mul3A_1670 : i32
      %get3A_1833 = arith.index_cast %add3A_1832 : i32 to index
      %get3A_1834 = tpu.vector_load %arg5[%get3A_1833] {strides = array<i32>} : memref<29184xf32, #tpu.memory_space<vmem>>, vector<16xf32>,
      %get3A_1835 = vector.shape_cast %get3A_1834 : vector<16xf32> to vector<16xf32>
      %gt3A_1836 = arith.cmpf ogt, %get3A_1835, %select_n3A_1827 : vector<16xf32>
      %select_n3A_1837 = arith.select %gt3A_1836, %get3A_1835, %select_n3A_1827 : vector<16xi1>, vector<16xf32>
      %jit3A_1838 = arith.constant 17 : i32
      %broadcast_in_dim3A_1839 = vector.broadcast %jit3A_1838 : i32 to vector<16xi32>
      %select_n3A_1840 = arith.select %gt3A_1836, %broadcast_in_dim3A_1839, %select_n3A_1830 : vector<16xi1>, vector<16xi32>
      %add3A_1841 = arith.constant 27648 : i32
      %add3A_1842 = arith.addi %add3A_1841, %mul3A_1670 : i32
      %get3A_1843 = arith.index_cast %add3A_1842 : i32 to index
      %get3A_1844 = tpu.vector_load %arg5[%get3A_1843] {strides = array<i32>} : memref<29184xf32, #tpu.memory_space<vmem>>, vector<16xf32>,
      %get3A_1845 = vector.shape_cast %get3A_1844 : vector<16xf32> to vector<16xf32>
      %gt3A_1846 = arith.cmpf ogt, %get3A_1845, %select_n3A_1837 : vector<16xf32>
      %select_n3A_1847 = arith.select %gt3A_1846, %get3A_1845, %select_n3A_1837 : vector<16xi1>, vector<16xf32>
      %jit3A_1848 = arith.constant 18 : i32
      %broadcast_in_dim3A_1849 = vector.broadcast %jit3A_1848 : i32 to vector<16xi32>
      %select_n3A_1850 = arith.select %gt3A_1846, %broadcast_in_dim3A_1849, %select_n3A_1840 : vector<16xi1>, vector<16xi32>
      %swap3A = arith.index_cast %mul3A_1670 : i32 to index
      %swap3A_1851 = tpu.vector_load %arg6[%swap3A] {strides = array<i32>} : memref<1536xf32, #tpu.memory_space<vmem>>, vector<16xf32>,
      %swap3A_1852 = vector.shape_cast %swap3A_1851 : vector<16xf32> to vector<16xf32>
      %swap3A_1853 = vector.shape_cast %select_n3A_1847 : vector<16xf32> to vector<16xf32>
      tpu.vector_store %arg6[%swap3A], %swap3A_1853 {strides = array<i32>} : memref<1536xf32, #tpu.memory_space<vmem>>, vector<16xf32>,
      %swap3A_1854 = arith.index_cast %mul3A_1670 : i32 to index
      %swap3A_1855 = tpu.vector_load %arg7[%swap3A_1854] {strides = array<i32>} : memref<1536xi32, #tpu.memory_space<vmem>>, vector<16xi32>,
      %swap3A_1856 = vector.shape_cast %swap3A_1855 : vector<16xi32> to vector<16xi32>
      %swap3A_1857 = vector.shape_cast %select_n3A_1850 : vector<16xi32> to vector<16xi32>
      tpu.vector_store %arg7[%swap3A_1854], %swap3A_1857 {strides = array<i32>} : memref<1536xi32, #tpu.memory_space<vmem>>, vector<16xi32>,
    }
    %scan3A_829 = arith.constant 96 : i32
    %add3A_830 = arith.constant 0 : i32
    %add3A_831 = arith.addi %add3A_830, %add3A_557 : i32
    "tpu.region"() ({
      %run_scoped3A = tpu.sem_alloc : memref<!tpu.dma_semaphore, #tpu.memory_space<semaphore_mem>>
      %dma_start3A_1668 = tpu.memref_slice %arg3[%add3A_831] : memref<294912xf32, #tpu.memory_space<hbm>> -> memref<1536xf32, #tpu.memory_space<hbm>>
      %dma_start3A_1669 = tpu.memref_slice %arg3[%add3A_831] : memref<294912xf32, #tpu.memory_space<hbm>> -> memref<1536xf32, #tpu.memory_space<hbm>>
      tpu.enqueue_dma source(%arg6 : memref<1536xf32, #tpu.memory_space<vmem>>) target(%dma_start3A_1669 : memref<1536xf32, #tpu.memory_space<hbm>>) target_semaphore(%run_scoped3A : memref<!tpu.dma_semaphore, #tpu.memory_space<semaphore_mem>>)
      %dma_wait3A_1670 = tpu.memref_slice %arg3[%add3A_831] : memref<294912xf32, #tpu.memory_space<hbm>> -> memref<1536xf32, #tpu.memory_space<hbm>>
      %dma_wait3A_1671 = tpu.memref_slice %arg3[%add3A_831] : memref<294912xf32, #tpu.memory_space<hbm>> -> memref<1536xf32, #tpu.memory_space<hbm>>
      tpu.wait_dma2 semaphore(%run_scoped3A : memref<!tpu.dma_semaphore, #tpu.memory_space<semaphore_mem>>) src(%arg6 : memref<1536xf32, #tpu.memory_space<vmem>>) dst(%dma_wait3A_1671 : memref<1536xf32, #tpu.memory_space<hbm>>)
      tpu.yield
    }) : () -> ()
    %add3A_832 = arith.constant 0 : i32
    %add3A_833 = arith.addi %add3A_832, %add3A_557 : i32
    "tpu.region"() ({
      %run_scoped3A = tpu.sem_alloc : memref<!tpu.dma_semaphore, #tpu.memory_space<semaphore_mem>>
      %dma_start3A_1668 = tpu.memref_slice %arg4[%add3A_833] : memref<294912xi32, #tpu.memory_space<hbm>> -> memref<1536xi32, #tpu.memory_space<hbm>>
      %dma_start3A_1669 = tpu.memref_slice %arg4[%add3A_833] : memref<294912xi32, #tpu.memory_space<hbm>> -> memref<1536xi32, #tpu.memory_space<hbm>>
      tpu.enqueue_dma source(%arg7 : memref<1536xi32, #tpu.memory_space<vmem>>) target(%dma_start3A_1669 : memref<1536xi32, #tpu.memory_space<hbm>>) target_semaphore(%run_scoped3A : memref<!tpu.dma_semaphore, #tpu.memory_space<semaphore_mem>>)
      %dma_wait3A_1670 = tpu.memref_slice %arg4[%add3A_833] : memref<294912xi32, #tpu.memory_space<hbm>> -> memref<1536xi32, #tpu.memory_space<hbm>>
      %dma_wait3A_1671 = tpu.memref_slice %arg4[%add3A_833] : memref<294912xi32, #tpu.memory_space<hbm>> -> memref<1536xi32, #tpu.memory_space<hbm>>
      tpu.wait_dma2 semaphore(%run_scoped3A : memref<!tpu.dma_semaphore, #tpu.memory_space<semaphore_mem>>) src(%arg7 : memref<1536xi32, #tpu.memory_space<vmem>>) dst(%dma_wait3A_1671 : memref<1536xi32, #tpu.memory_space<hbm>>)
      tpu.yield
    }) : () -> ()
    %add3A_834 = arith.constant 0 : i32
    %add3A_835 = arith.addi %mul3A_2, %add3A_834 : i32
    %add3A_836 = arith.constant 2801664 : i32
    %add3A_837 = arith.addi %add3A_836, %add3A_835 : i32
    %dma_start3A_838 = arith.constant 0 : i32
    %dma_start3A_839 = tpu.memref_slice %arg5[%dma_start3A_838] : memref<29184xf32, #tpu.memory_space<vmem>> -> memref<1536xf32, #tpu.memory_space<vmem>>
    %dma_start3A_840 = tpu.memref_slice %arg2[%add3A_837] : memref<5603328xf32, #tpu.memory_space<hbm>> -> memref<1536xf32, #tpu.memory_space<hbm>>
    %dma_start3A_841 = arith.constant 0 : i32
    %dma_start3A_842 = tpu.memref_slice %arg5[%dma_start3A_841] : memref<29184xf32, #tpu.memory_space<vmem>> -> memref<1536xf32, #tpu.memory_space<vmem>>
    %dma_start3A_843 = tpu.memref_slice %arg2[%add3A_837] : memref<5603328xf32, #tpu.memory_space<hbm>> -> memref<1536xf32, #tpu.memory_space<hbm>>
    tpu.enqueue_dma source(%dma_start3A_843 : memref<1536xf32, #tpu.memory_space<hbm>>) target(%dma_start3A_842 : memref<1536xf32, #tpu.memory_space<vmem>>) target_semaphore(%arg8 : memref<!tpu.dma_semaphore, #tpu.memory_space<semaphore_mem>>)
    %add3A_844 = arith.constant 2949120 : i32
    %add3A_845 = arith.addi %add3A_844, %add3A_835 : i32
    %dma_start3A_846 = arith.constant 1536 : i32
    %dma_start3A_847 = tpu.memref_slice %arg5[%dma_start3A_846] : memref<29184xf32, #tpu.memory_space<vmem>> -> memref<1536xf32, #tpu.memory_space<vmem>>
    %dma_start3A_848 = tpu.memref_slice %arg2[%add3A_845] : memref<5603328xf32, #tpu.memory_space<hbm>> -> memref<1536xf32, #tpu.memory_space<hbm>>
    %dma_start3A_849 = arith.constant 1536 : i32
    %dma_start3A_850 = tpu.memref_slice %arg5[%dma_start3A_849] : memref<29184xf32, #tpu.memory_space<vmem>> -> memref<1536xf32, #tpu.memory_space<vmem>>
    %dma_start3A_851 = tpu.memref_slice %arg2[%add3A_845] : memref<5603328xf32, #tpu.memory_space<hbm>> -> memref<1536xf32, #tpu.memory_space<hbm>>
    tpu.enqueue_dma source(%dma_start3A_851 : memref<1536xf32, #tpu.memory_space<hbm>>) target(%dma_start3A_850 : memref<1536xf32, #tpu.memory_space<vmem>>) target_semaphore(%arg8 : memref<!tpu.dma_semaphore, #tpu.memory_space<semaphore_mem>>)
    %add3A_852 = arith.constant 3096576 : i32
    %add3A_853 = arith.addi %add3A_852, %add3A_835 : i32
    %dma_start3A_854 = arith.constant 3072 : i32
    %dma_start3A_855 = tpu.memref_slice %arg5[%dma_start3A_854] : memref<29184xf32, #tpu.memory_space<vmem>> -> memref<1536xf32, #tpu.memory_space<vmem>>
    %dma_start3A_856 = tpu.memref_slice %arg2[%add3A_853] : memref<5603328xf32, #tpu.memory_space<hbm>> -> memref<1536xf32, #tpu.memory_space<hbm>>
    %dma_start3A_857 = arith.constant 3072 : i32
    %dma_start3A_858 = tpu.memref_slice %arg5[%dma_start3A_857] : memref<29184xf32, #tpu.memory_space<vmem>> -> memref<1536xf32, #tpu.memory_space<vmem>>
    %dma_start3A_859 = tpu.memref_slice %arg2[%add3A_853] : memref<5603328xf32, #tpu.memory_space<hbm>> -> memref<1536xf32, #tpu.memory_space<hbm>>
    tpu.enqueue_dma source(%dma_start3A_859 : memref<1536xf32, #tpu.memory_space<hbm>>) target(%dma_start3A_858 : memref<1536xf32, #tpu.memory_space<vmem>>) target_semaphore(%arg8 : memref<!tpu.dma_semaphore, #tpu.memory_space<semaphore_mem>>)
    %add3A_860 = arith.constant 3244032 : i32
    %add3A_861 = arith.addi %add3A_860, %add3A_835 : i32
    %dma_start3A_862 = arith.constant 4608 : i32
    %dma_start3A_863 = tpu.memref_slice %arg5[%dma_start3A_862] : memref<29184xf32, #tpu.memory_space<vmem>> -> memref<1536xf32, #tpu.memory_space<vmem>>
    %dma_start3A_864 = tpu.memref_slice %arg2[%add3A_861] : memref<5603328xf32, #tpu.memory_space<hbm>> -> memref<1536xf32, #tpu.memory_space<hbm>>
    %dma_start3A_865 = arith.constant 4608 : i32
    %dma_start3A_866 = tpu.memref_slice %arg5[%dma_start3A_865] : memref<29184xf32, #tpu.memory_space<vmem>> -> memref<1536xf32, #tpu.memory_space<vmem>>
    %dma_start3A_867 = tpu.memref_slice %arg2[%add3A_861] : memref<5603328xf32, #tpu.memory_space<hbm>> -> memref<1536xf32, #tpu.memory_space<hbm>>
    tpu.enqueue_dma source(%dma_start3A_867 : memref<1536xf32, #tpu.memory_space<hbm>>) target(%dma_start3A_866 : memref<1536xf32, #tpu.memory_space<vmem>>) target_semaphore(%arg8 : memref<!tpu.dma_semaphore, #tpu.memory_space<semaphore_mem>>)
    %add3A_868 = arith.constant 3391488 : i32
    %add3A_869 = arith.addi %add3A_868, %add3A_835 : i32
    %dma_start3A_870 = arith.constant 6144 : i32
    %dma_start3A_871 = tpu.memref_slice %arg5[%dma_start3A_870] : memref<29184xf32, #tpu.memory_space<vmem>> -> memref<1536xf32, #tpu.memory_space<vmem>>
    %dma_start3A_872 = tpu.memref_slice %arg2[%add3A_869] : memref<5603328xf32, #tpu.memory_space<hbm>> -> memref<1536xf32, #tpu.memory_space<hbm>>
    %dma_start3A_873 = arith.constant 6144 : i32
    %dma_start3A_874 = tpu.memref_slice %arg5[%dma_start3A_873] : memref<29184xf32, #tpu.memory_space<vmem>> -> memref<1536xf32, #tpu.memory_space<vmem>>
    %dma_start3A_875 = tpu.memref_slice %arg2[%add3A_869] : memref<5603328xf32, #tpu.memory_space<hbm>> -> memref<1536xf32, #tpu.memory_space<hbm>>
    tpu.enqueue_dma source(%dma_start3A_875 : memref<1536xf32, #tpu.memory_space<hbm>>) target(%dma_start3A_874 : memref<1536xf32, #tpu.memory_space<vmem>>) target_semaphore(%arg8 : memref<!tpu.dma_semaphore, #tpu.memory_space<semaphore_mem>>)
    %add3A_876 = arith.constant 3538944 : i32
    %add3A_877 = arith.addi %add3A_876, %add3A_835 : i32
    %dma_start3A_878 = arith.constant 7680 : i32
    %dma_start3A_879 = tpu.memref_slice %arg5[%dma_start3A_878] : memref<29184xf32, #tpu.memory_space<vmem>> -> memref<1536xf32, #tpu.memory_space<vmem>>
    %dma_start3A_880 = tpu.memref_slice %arg2[%add3A_877] : memref<5603328xf32, #tpu.memory_space<hbm>> -> memref<1536xf32, #tpu.memory_space<hbm>>
    %dma_start3A_881 = arith.constant 7680 : i32
    %dma_start3A_882 = tpu.memref_slice %arg5[%dma_start3A_881] : memref<29184xf32, #tpu.memory_space<vmem>> -> memref<1536xf32, #tpu.memory_space<vmem>>
    %dma_start3A_883 = tpu.memref_slice %arg2[%add3A_877] : memref<5603328xf32, #tpu.memory_space<hbm>> -> memref<1536xf32, #tpu.memory_space<hbm>>
    tpu.enqueue_dma source(%dma_start3A_883 : memref<1536xf32, #tpu.memory_space<hbm>>) target(%dma_start3A_882 : memref<1536xf32, #tpu.memory_space<vmem>>) target_semaphore(%arg8 : memref<!tpu.dma_semaphore, #tpu.memory_space<semaphore_mem>>)
    %add3A_884 = arith.constant 3686400 : i32
    %add3A_885 = arith.addi %add3A_884, %add3A_835 : i32
    %dma_start3A_886 = arith.constant 9216 : i32
    %dma_start3A_887 = tpu.memref_slice %arg5[%dma_start3A_886] : memref<29184xf32, #tpu.memory_space<vmem>> -> memref<1536xf32, #tpu.memory_space<vmem>>
    %dma_start3A_888 = tpu.memref_slice %arg2[%add3A_885] : memref<5603328xf32, #tpu.memory_space<hbm>> -> memref<1536xf32, #tpu.memory_space<hbm>>
    %dma_start3A_889 = arith.constant 9216 : i32
    %dma_start3A_890 = tpu.memref_slice %arg5[%dma_start3A_889] : memref<29184xf32, #tpu.memory_space<vmem>> -> memref<1536xf32, #tpu.memory_space<vmem>>
    %dma_start3A_891 = tpu.memref_slice %arg2[%add3A_885] : memref<5603328xf32, #tpu.memory_space<hbm>> -> memref<1536xf32, #tpu.memory_space<hbm>>
    tpu.enqueue_dma source(%dma_start3A_891 : memref<1536xf32, #tpu.memory_space<hbm>>) target(%dma_start3A_890 : memref<1536xf32, #tpu.memory_space<vmem>>) target_semaphore(%arg8 : memref<!tpu.dma_semaphore, #tpu.memory_space<semaphore_mem>>)
    %add3A_892 = arith.constant 3833856 : i32
    %add3A_893 = arith.addi %add3A_892, %add3A_835 : i32
    %dma_start3A_894 = arith.constant 10752 : i32
    %dma_start3A_895 = tpu.memref_slice %arg5[%dma_start3A_894] : memref<29184xf32, #tpu.memory_space<vmem>> -> memref<1536xf32, #tpu.memory_space<vmem>>
    %dma_start3A_896 = tpu.memref_slice %arg2[%add3A_893] : memref<5603328xf32, #tpu.memory_space<hbm>> -> memref<1536xf32, #tpu.memory_space<hbm>>
    %dma_start3A_897 = arith.constant 10752 : i32
    %dma_start3A_898 = tpu.memref_slice %arg5[%dma_start3A_897] : memref<29184xf32, #tpu.memory_space<vmem>> -> memref<1536xf32, #tpu.memory_space<vmem>>
    %dma_start3A_899 = tpu.memref_slice %arg2[%add3A_893] : memref<5603328xf32, #tpu.memory_space<hbm>> -> memref<1536xf32, #tpu.memory_space<hbm>>
    tpu.enqueue_dma source(%dma_start3A_899 : memref<1536xf32, #tpu.memory_space<hbm>>) target(%dma_start3A_898 : memref<1536xf32, #tpu.memory_space<vmem>>) target_semaphore(%arg8 : memref<!tpu.dma_semaphore, #tpu.memory_space<semaphore_mem>>)
    %add3A_900 = arith.constant 3981312 : i32
    %add3A_901 = arith.addi %add3A_900, %add3A_835 : i32
    %dma_start3A_902 = arith.constant 12288 : i32
    %dma_start3A_903 = tpu.memref_slice %arg5[%dma_start3A_902] : memref<29184xf32, #tpu.memory_space<vmem>> -> memref<1536xf32, #tpu.memory_space<vmem>>
    %dma_start3A_904 = tpu.memref_slice %arg2[%add3A_901] : memref<5603328xf32, #tpu.memory_space<hbm>> -> memref<1536xf32, #tpu.memory_space<hbm>>
    %dma_start3A_905 = arith.constant 12288 : i32
    %dma_start3A_906 = tpu.memref_slice %arg5[%dma_start3A_905] : memref<29184xf32, #tpu.memory_space<vmem>> -> memref<1536xf32, #tpu.memory_space<vmem>>
    %dma_start3A_907 = tpu.memref_slice %arg2[%add3A_901] : memref<5603328xf32, #tpu.memory_space<hbm>> -> memref<1536xf32, #tpu.memory_space<hbm>>
    tpu.enqueue_dma source(%dma_start3A_907 : memref<1536xf32, #tpu.memory_space<hbm>>) target(%dma_start3A_906 : memref<1536xf32, #tpu.memory_space<vmem>>) target_semaphore(%arg8 : memref<!tpu.dma_semaphore, #tpu.memory_space<semaphore_mem>>)
    %add3A_908 = arith.constant 4128768 : i32
    %add3A_909 = arith.addi %add3A_908, %add3A_835 : i32
    %dma_start3A_910 = arith.constant 13824 : i32
    %dma_start3A_911 = tpu.memref_slice %arg5[%dma_start3A_910] : memref<29184xf32, #tpu.memory_space<vmem>> -> memref<1536xf32, #tpu.memory_space<vmem>>
    %dma_start3A_912 = tpu.memref_slice %arg2[%add3A_909] : memref<5603328xf32, #tpu.memory_space<hbm>> -> memref<1536xf32, #tpu.memory_space<hbm>>
    %dma_start3A_913 = arith.constant 13824 : i32
    %dma_start3A_914 = tpu.memref_slice %arg5[%dma_start3A_913] : memref<29184xf32, #tpu.memory_space<vmem>> -> memref<1536xf32, #tpu.memory_space<vmem>>
    %dma_start3A_915 = tpu.memref_slice %arg2[%add3A_909] : memref<5603328xf32, #tpu.memory_space<hbm>> -> memref<1536xf32, #tpu.memory_space<hbm>>
    tpu.enqueue_dma source(%dma_start3A_915 : memref<1536xf32, #tpu.memory_space<hbm>>) target(%dma_start3A_914 : memref<1536xf32, #tpu.memory_space<vmem>>) target_semaphore(%arg8 : memref<!tpu.dma_semaphore, #tpu.memory_space<semaphore_mem>>)
    %add3A_916 = arith.constant 4276224 : i32
    %add3A_917 = arith.addi %add3A_916, %add3A_835 : i32
    %dma_start3A_918 = arith.constant 15360 : i32
    %dma_start3A_919 = tpu.memref_slice %arg5[%dma_start3A_918] : memref<29184xf32, #tpu.memory_space<vmem>> -> memref<1536xf32, #tpu.memory_space<vmem>>
    %dma_start3A_920 = tpu.memref_slice %arg2[%add3A_917] : memref<5603328xf32, #tpu.memory_space<hbm>> -> memref<1536xf32, #tpu.memory_space<hbm>>
    %dma_start3A_921 = arith.constant 15360 : i32
    %dma_start3A_922 = tpu.memref_slice %arg5[%dma_start3A_921] : memref<29184xf32, #tpu.memory_space<vmem>> -> memref<1536xf32, #tpu.memory_space<vmem>>
    %dma_start3A_923 = tpu.memref_slice %arg2[%add3A_917] : memref<5603328xf32, #tpu.memory_space<hbm>> -> memref<1536xf32, #tpu.memory_space<hbm>>
    tpu.enqueue_dma source(%dma_start3A_923 : memref<1536xf32, #tpu.memory_space<hbm>>) target(%dma_start3A_922 : memref<1536xf32, #tpu.memory_space<vmem>>) target_semaphore(%arg8 : memref<!tpu.dma_semaphore, #tpu.memory_space<semaphore_mem>>)
    %add3A_924 = arith.constant 4423680 : i32
    %add3A_925 = arith.addi %add3A_924, %add3A_835 : i32
    %dma_start3A_926 = arith.constant 16896 : i32
    %dma_start3A_927 = tpu.memref_slice %arg5[%dma_start3A_926] : memref<29184xf32, #tpu.memory_space<vmem>> -> memref<1536xf32, #tpu.memory_space<vmem>>
    %dma_start3A_928 = tpu.memref_slice %arg2[%add3A_925] : memref<5603328xf32, #tpu.memory_space<hbm>> -> memref<1536xf32, #tpu.memory_space<hbm>>
    %dma_start3A_929 = arith.constant 16896 : i32
    %dma_start3A_930 = tpu.memref_slice %arg5[%dma_start3A_929] : memref<29184xf32, #tpu.memory_space<vmem>> -> memref<1536xf32, #tpu.memory_space<vmem>>
    %dma_start3A_931 = tpu.memref_slice %arg2[%add3A_925] : memref<5603328xf32, #tpu.memory_space<hbm>> -> memref<1536xf32, #tpu.memory_space<hbm>>
    tpu.enqueue_dma source(%dma_start3A_931 : memref<1536xf32, #tpu.memory_space<hbm>>) target(%dma_start3A_930 : memref<1536xf32, #tpu.memory_space<vmem>>) target_semaphore(%arg8 : memref<!tpu.dma_semaphore, #tpu.memory_space<semaphore_mem>>)
    %add3A_932 = arith.constant 4571136 : i32
    %add3A_933 = arith.addi %add3A_932, %add3A_835 : i32
    %dma_start3A_934 = arith.constant 18432 : i32
    %dma_start3A_935 = tpu.memref_slice %arg5[%dma_start3A_934] : memref<29184xf32, #tpu.memory_space<vmem>> -> memref<1536xf32, #tpu.memory_space<vmem>>
    %dma_start3A_936 = tpu.memref_slice %arg2[%add3A_933] : memref<5603328xf32, #tpu.memory_space<hbm>> -> memref<1536xf32, #tpu.memory_space<hbm>>
    %dma_start3A_937 = arith.constant 18432 : i32
    %dma_start3A_938 = tpu.memref_slice %arg5[%dma_start3A_937] : memref<29184xf32, #tpu.memory_space<vmem>> -> memref<1536xf32, #tpu.memory_space<vmem>>
    %dma_start3A_939 = tpu.memref_slice %arg2[%add3A_933] : memref<5603328xf32, #tpu.memory_space<hbm>> -> memref<1536xf32, #tpu.memory_space<hbm>>
    tpu.enqueue_dma source(%dma_start3A_939 : memref<1536xf32, #tpu.memory_space<hbm>>) target(%dma_start3A_938 : memref<1536xf32, #tpu.memory_space<vmem>>) target_semaphore(%arg8 : memref<!tpu.dma_semaphore, #tpu.memory_space<semaphore_mem>>)
    %add3A_940 = arith.constant 4718592 : i32
    %add3A_941 = arith.addi %add3A_940, %add3A_835 : i32
    %dma_start3A_942 = arith.constant 19968 : i32
    %dma_start3A_943 = tpu.memref_slice %arg5[%dma_start3A_942] : memref<29184xf32, #tpu.memory_space<vmem>> -> memref<1536xf32, #tpu.memory_space<vmem>>
    %dma_start3A_944 = tpu.memref_slice %arg2[%add3A_941] : memref<5603328xf32, #tpu.memory_space<hbm>> -> memref<1536xf32, #tpu.memory_space<hbm>>
    %dma_start3A_945 = arith.constant 19968 : i32
    %dma_start3A_946 = tpu.memref_slice %arg5[%dma_start3A_945] : memref<29184xf32, #tpu.memory_space<vmem>> -> memref<1536xf32, #tpu.memory_space<vmem>>
    %dma_start3A_947 = tpu.memref_slice %arg2[%add3A_941] : memref<5603328xf32, #tpu.memory_space<hbm>> -> memref<1536xf32, #tpu.memory_space<hbm>>
    tpu.enqueue_dma source(%dma_start3A_947 : memref<1536xf32, #tpu.memory_space<hbm>>) target(%dma_start3A_946 : memref<1536xf32, #tpu.memory_space<vmem>>) target_semaphore(%arg8 : memref<!tpu.dma_semaphore, #tpu.memory_space<semaphore_mem>>)
    %add3A_948 = arith.constant 4866048 : i32
    %add3A_949 = arith.addi %add3A_948, %add3A_835 : i32
    %dma_start3A_950 = arith.constant 21504 : i32
    %dma_start3A_951 = tpu.memref_slice %arg5[%dma_start3A_950] : memref<29184xf32, #tpu.memory_space<vmem>> -> memref<1536xf32, #tpu.memory_space<vmem>>
    %dma_start3A_952 = tpu.memref_slice %arg2[%add3A_949] : memref<5603328xf32, #tpu.memory_space<hbm>> -> memref<1536xf32, #tpu.memory_space<hbm>>
    %dma_start3A_953 = arith.constant 21504 : i32
    %dma_start3A_954 = tpu.memref_slice %arg5[%dma_start3A_953] : memref<29184xf32, #tpu.memory_space<vmem>> -> memref<1536xf32, #tpu.memory_space<vmem>>
    %dma_start3A_955 = tpu.memref_slice %arg2[%add3A_949] : memref<5603328xf32, #tpu.memory_space<hbm>> -> memref<1536xf32, #tpu.memory_space<hbm>>
    tpu.enqueue_dma source(%dma_start3A_955 : memref<1536xf32, #tpu.memory_space<hbm>>) target(%dma_start3A_954 : memref<1536xf32, #tpu.memory_space<vmem>>) target_semaphore(%arg8 : memref<!tpu.dma_semaphore, #tpu.memory_space<semaphore_mem>>)
    %add3A_956 = arith.constant 5013504 : i32
    %add3A_957 = arith.addi %add3A_956, %add3A_835 : i32
    %dma_start3A_958 = arith.constant 23040 : i32
    %dma_start3A_959 = tpu.memref_slice %arg5[%dma_start3A_958] : memref<29184xf32, #tpu.memory_space<vmem>> -> memref<1536xf32, #tpu.memory_space<vmem>>
    %dma_start3A_960 = tpu.memref_slice %arg2[%add3A_957] : memref<5603328xf32, #tpu.memory_space<hbm>> -> memref<1536xf32, #tpu.memory_space<hbm>>
    %dma_start3A_961 = arith.constant 23040 : i32
    %dma_start3A_962 = tpu.memref_slice %arg5[%dma_start3A_961] : memref<29184xf32, #tpu.memory_space<vmem>> -> memref<1536xf32, #tpu.memory_space<vmem>>
    %dma_start3A_963 = tpu.memref_slice %arg2[%add3A_957] : memref<5603328xf32, #tpu.memory_space<hbm>> -> memref<1536xf32, #tpu.memory_space<hbm>>
    tpu.enqueue_dma source(%dma_start3A_963 : memref<1536xf32, #tpu.memory_space<hbm>>) target(%dma_start3A_962 : memref<1536xf32, #tpu.memory_space<vmem>>) target_semaphore(%arg8 : memref<!tpu.dma_semaphore, #tpu.memory_space<semaphore_mem>>)
    %add3A_964 = arith.constant 5160960 : i32
    %add3A_965 = arith.addi %add3A_964, %add3A_835 : i32
    %dma_start3A_966 = arith.constant 24576 : i32
    %dma_start3A_967 = tpu.memref_slice %arg5[%dma_start3A_966] : memref<29184xf32, #tpu.memory_space<vmem>> -> memref<1536xf32, #tpu.memory_space<vmem>>
    %dma_start3A_968 = tpu.memref_slice %arg2[%add3A_965] : memref<5603328xf32, #tpu.memory_space<hbm>> -> memref<1536xf32, #tpu.memory_space<hbm>>
    %dma_start3A_969 = arith.constant 24576 : i32
    %dma_start3A_970 = tpu.memref_slice %arg5[%dma_start3A_969] : memref<29184xf32, #tpu.memory_space<vmem>> -> memref<1536xf32, #tpu.memory_space<vmem>>
    %dma_start3A_971 = tpu.memref_slice %arg2[%add3A_965] : memref<5603328xf32, #tpu.memory_space<hbm>> -> memref<1536xf32, #tpu.memory_space<hbm>>
    tpu.enqueue_dma source(%dma_start3A_971 : memref<1536xf32, #tpu.memory_space<hbm>>) target(%dma_start3A_970 : memref<1536xf32, #tpu.memory_space<vmem>>) target_semaphore(%arg8 : memref<!tpu.dma_semaphore, #tpu.memory_space<semaphore_mem>>)
    %add3A_972 = arith.constant 5308416 : i32
    %add3A_973 = arith.addi %add3A_972, %add3A_835 : i32
    %dma_start3A_974 = arith.constant 26112 : i32
    %dma_start3A_975 = tpu.memref_slice %arg5[%dma_start3A_974] : memref<29184xf32, #tpu.memory_space<vmem>> -> memref<1536xf32, #tpu.memory_space<vmem>>
    %dma_start3A_976 = tpu.memref_slice %arg2[%add3A_973] : memref<5603328xf32, #tpu.memory_space<hbm>> -> memref<1536xf32, #tpu.memory_space<hbm>>
    %dma_start3A_977 = arith.constant 26112 : i32
    %dma_start3A_978 = tpu.memref_slice %arg5[%dma_start3A_977] : memref<29184xf32, #tpu.memory_space<vmem>> -> memref<1536xf32, #tpu.memory_space<vmem>>
    %dma_start3A_979 = tpu.memref_slice %arg2[%add3A_973] : memref<5603328xf32, #tpu.memory_space<hbm>> -> memref<1536xf32, #tpu.memory_space<hbm>>
    tpu.enqueue_dma source(%dma_start3A_979 : memref<1536xf32, #tpu.memory_space<hbm>>) target(%dma_start3A_978 : memref<1536xf32, #tpu.memory_space<vmem>>) target_semaphore(%arg8 : memref<!tpu.dma_semaphore, #tpu.memory_space<semaphore_mem>>)
    %add3A_980 = arith.constant 5455872 : i32
    %add3A_981 = arith.addi %add3A_980, %add3A_835 : i32
    %dma_start3A_982 = arith.constant 27648 : i32
    %dma_start3A_983 = tpu.memref_slice %arg5[%dma_start3A_982] : memref<29184xf32, #tpu.memory_space<vmem>> -> memref<1536xf32, #tpu.memory_space<vmem>>
    %dma_start3A_984 = tpu.memref_slice %arg2[%add3A_981] : memref<5603328xf32, #tpu.memory_space<hbm>> -> memref<1536xf32, #tpu.memory_space<hbm>>
    %dma_start3A_985 = arith.constant 27648 : i32
    %dma_start3A_986 = tpu.memref_slice %arg5[%dma_start3A_985] : memref<29184xf32, #tpu.memory_space<vmem>> -> memref<1536xf32, #tpu.memory_space<vmem>>
    %dma_start3A_987 = tpu.memref_slice %arg2[%add3A_981] : memref<5603328xf32, #tpu.memory_space<hbm>> -> memref<1536xf32, #tpu.memory_space<hbm>>
    tpu.enqueue_dma source(%dma_start3A_987 : memref<1536xf32, #tpu.memory_space<hbm>>) target(%dma_start3A_986 : memref<1536xf32, #tpu.memory_space<vmem>>) target_semaphore(%arg8 : memref<!tpu.dma_semaphore, #tpu.memory_space<semaphore_mem>>)
    %dma_wait3A_988 = arith.constant 0 : i32
    %dma_wait3A_989 = tpu.memref_slice %arg5[%dma_wait3A_988] : memref<29184xf32, #tpu.memory_space<vmem>> -> memref<1536xf32, #tpu.memory_space<vmem>>
    %dma_wait3A_990 = tpu.memref_slice %arg2[%add3A_837] : memref<5603328xf32, #tpu.memory_space<hbm>> -> memref<1536xf32, #tpu.memory_space<hbm>>
    %dma_wait3A_991 = arith.constant 0 : i32
    %dma_wait3A_992 = tpu.memref_slice %arg5[%dma_wait3A_991] : memref<29184xf32, #tpu.memory_space<vmem>> -> memref<1536xf32, #tpu.memory_space<vmem>>
    %dma_wait3A_993 = tpu.memref_slice %arg2[%add3A_837] : memref<5603328xf32, #tpu.memory_space<hbm>> -> memref<1536xf32, #tpu.memory_space<hbm>>
    tpu.wait_dma2 semaphore(%arg8 : memref<!tpu.dma_semaphore, #tpu.memory_space<semaphore_mem>>) src(%dma_wait3A_993 : memref<1536xf32, #tpu.memory_space<hbm>>) dst(%dma_wait3A_992 : memref<1536xf32, #tpu.memory_space<vmem>>)
    %dma_wait3A_994 = arith.constant 1536 : i32
    %dma_wait3A_995 = tpu.memref_slice %arg5[%dma_wait3A_994] : memref<29184xf32, #tpu.memory_space<vmem>> -> memref<1536xf32, #tpu.memory_space<vmem>>
    %dma_wait3A_996 = tpu.memref_slice %arg2[%add3A_845] : memref<5603328xf32, #tpu.memory_space<hbm>> -> memref<1536xf32, #tpu.memory_space<hbm>>
    %dma_wait3A_997 = arith.constant 1536 : i32
    %dma_wait3A_998 = tpu.memref_slice %arg5[%dma_wait3A_997] : memref<29184xf32, #tpu.memory_space<vmem>> -> memref<1536xf32, #tpu.memory_space<vmem>>
    %dma_wait3A_999 = tpu.memref_slice %arg2[%add3A_845] : memref<5603328xf32, #tpu.memory_space<hbm>> -> memref<1536xf32, #tpu.memory_space<hbm>>
    tpu.wait_dma2 semaphore(%arg8 : memref<!tpu.dma_semaphore, #tpu.memory_space<semaphore_mem>>) src(%dma_wait3A_999 : memref<1536xf32, #tpu.memory_space<hbm>>) dst(%dma_wait3A_998 : memref<1536xf32, #tpu.memory_space<vmem>>)
    %dma_wait3A_1000 = arith.constant 3072 : i32
    %dma_wait3A_1001 = tpu.memref_slice %arg5[%dma_wait3A_1000] : memref<29184xf32, #tpu.memory_space<vmem>> -> memref<1536xf32, #tpu.memory_space<vmem>>
    %dma_wait3A_1002 = tpu.memref_slice %arg2[%add3A_853] : memref<5603328xf32, #tpu.memory_space<hbm>> -> memref<1536xf32, #tpu.memory_space<hbm>>
    %dma_wait3A_1003 = arith.constant 3072 : i32
    %dma_wait3A_1004 = tpu.memref_slice %arg5[%dma_wait3A_1003] : memref<29184xf32, #tpu.memory_space<vmem>> -> memref<1536xf32, #tpu.memory_space<vmem>>
    %dma_wait3A_1005 = tpu.memref_slice %arg2[%add3A_853] : memref<5603328xf32, #tpu.memory_space<hbm>> -> memref<1536xf32, #tpu.memory_space<hbm>>
    tpu.wait_dma2 semaphore(%arg8 : memref<!tpu.dma_semaphore, #tpu.memory_space<semaphore_mem>>) src(%dma_wait3A_1005 : memref<1536xf32, #tpu.memory_space<hbm>>) dst(%dma_wait3A_1004 : memref<1536xf32, #tpu.memory_space<vmem>>)
    %dma_wait3A_1006 = arith.constant 4608 : i32
    %dma_wait3A_1007 = tpu.memref_slice %arg5[%dma_wait3A_1006] : memref<29184xf32, #tpu.memory_space<vmem>> -> memref<1536xf32, #tpu.memory_space<vmem>>
    %dma_wait3A_1008 = tpu.memref_slice %arg2[%add3A_861] : memref<5603328xf32, #tpu.memory_space<hbm>> -> memref<1536xf32, #tpu.memory_space<hbm>>
    %dma_wait3A_1009 = arith.constant 4608 : i32
    %dma_wait3A_1010 = tpu.memref_slice %arg5[%dma_wait3A_1009] : memref<29184xf32, #tpu.memory_space<vmem>> -> memref<1536xf32, #tpu.memory_space<vmem>>
    %dma_wait3A_1011 = tpu.memref_slice %arg2[%add3A_861] : memref<5603328xf32, #tpu.memory_space<hbm>> -> memref<1536xf32, #tpu.memory_space<hbm>>
    tpu.wait_dma2 semaphore(%arg8 : memref<!tpu.dma_semaphore, #tpu.memory_space<semaphore_mem>>) src(%dma_wait3A_1011 : memref<1536xf32, #tpu.memory_space<hbm>>) dst(%dma_wait3A_1010 : memref<1536xf32, #tpu.memory_space<vmem>>)
    %dma_wait3A_1012 = arith.constant 6144 : i32
    %dma_wait3A_1013 = tpu.memref_slice %arg5[%dma_wait3A_1012] : memref<29184xf32, #tpu.memory_space<vmem>> -> memref<1536xf32, #tpu.memory_space<vmem>>
    %dma_wait3A_1014 = tpu.memref_slice %arg2[%add3A_869] : memref<5603328xf32, #tpu.memory_space<hbm>> -> memref<1536xf32, #tpu.memory_space<hbm>>
    %dma_wait3A_1015 = arith.constant 6144 : i32
    %dma_wait3A_1016 = tpu.memref_slice %arg5[%dma_wait3A_1015] : memref<29184xf32, #tpu.memory_space<vmem>> -> memref<1536xf32, #tpu.memory_space<vmem>>
    %dma_wait3A_1017 = tpu.memref_slice %arg2[%add3A_869] : memref<5603328xf32, #tpu.memory_space<hbm>> -> memref<1536xf32, #tpu.memory_space<hbm>>
    tpu.wait_dma2 semaphore(%arg8 : memref<!tpu.dma_semaphore, #tpu.memory_space<semaphore_mem>>) src(%dma_wait3A_1017 : memref<1536xf32, #tpu.memory_space<hbm>>) dst(%dma_wait3A_1016 : memref<1536xf32, #tpu.memory_space<vmem>>)
    %dma_wait3A_1018 = arith.constant 7680 : i32
    %dma_wait3A_1019 = tpu.memref_slice %arg5[%dma_wait3A_1018] : memref<29184xf32, #tpu.memory_space<vmem>> -> memref<1536xf32, #tpu.memory_space<vmem>>
    %dma_wait3A_1020 = tpu.memref_slice %arg2[%add3A_877] : memref<5603328xf32, #tpu.memory_space<hbm>> -> memref<1536xf32, #tpu.memory_space<hbm>>
    %dma_wait3A_1021 = arith.constant 7680 : i32
    %dma_wait3A_1022 = tpu.memref_slice %arg5[%dma_wait3A_1021] : memref<29184xf32, #tpu.memory_space<vmem>> -> memref<1536xf32, #tpu.memory_space<vmem>>
    %dma_wait3A_1023 = tpu.memref_slice %arg2[%add3A_877] : memref<5603328xf32, #tpu.memory_space<hbm>> -> memref<1536xf32, #tpu.memory_space<hbm>>
    tpu.wait_dma2 semaphore(%arg8 : memref<!tpu.dma_semaphore, #tpu.memory_space<semaphore_mem>>) src(%dma_wait3A_1023 : memref<1536xf32, #tpu.memory_space<hbm>>) dst(%dma_wait3A_1022 : memref<1536xf32, #tpu.memory_space<vmem>>)
    %dma_wait3A_1024 = arith.constant 9216 : i32
    %dma_wait3A_1025 = tpu.memref_slice %arg5[%dma_wait3A_1024] : memref<29184xf32, #tpu.memory_space<vmem>> -> memref<1536xf32, #tpu.memory_space<vmem>>
    %dma_wait3A_1026 = tpu.memref_slice %arg2[%add3A_885] : memref<5603328xf32, #tpu.memory_space<hbm>> -> memref<1536xf32, #tpu.memory_space<hbm>>
    %dma_wait3A_1027 = arith.constant 9216 : i32
    %dma_wait3A_1028 = tpu.memref_slice %arg5[%dma_wait3A_1027] : memref<29184xf32, #tpu.memory_space<vmem>> -> memref<1536xf32, #tpu.memory_space<vmem>>
    %dma_wait3A_1029 = tpu.memref_slice %arg2[%add3A_885] : memref<5603328xf32, #tpu.memory_space<hbm>> -> memref<1536xf32, #tpu.memory_space<hbm>>
    tpu.wait_dma2 semaphore(%arg8 : memref<!tpu.dma_semaphore, #tpu.memory_space<semaphore_mem>>) src(%dma_wait3A_1029 : memref<1536xf32, #tpu.memory_space<hbm>>) dst(%dma_wait3A_1028 : memref<1536xf32, #tpu.memory_space<vmem>>)
    %dma_wait3A_1030 = arith.constant 10752 : i32
    %dma_wait3A_1031 = tpu.memref_slice %arg5[%dma_wait3A_1030] : memref<29184xf32, #tpu.memory_space<vmem>> -> memref<1536xf32, #tpu.memory_space<vmem>>
    %dma_wait3A_1032 = tpu.memref_slice %arg2[%add3A_893] : memref<5603328xf32, #tpu.memory_space<hbm>> -> memref<1536xf32, #tpu.memory_space<hbm>>
    %dma_wait3A_1033 = arith.constant 10752 : i32
    %dma_wait3A_1034 = tpu.memref_slice %arg5[%dma_wait3A_1033] : memref<29184xf32, #tpu.memory_space<vmem>> -> memref<1536xf32, #tpu.memory_space<vmem>>
    %dma_wait3A_1035 = tpu.memref_slice %arg2[%add3A_893] : memref<5603328xf32, #tpu.memory_space<hbm>> -> memref<1536xf32, #tpu.memory_space<hbm>>
    tpu.wait_dma2 semaphore(%arg8 : memref<!tpu.dma_semaphore, #tpu.memory_space<semaphore_mem>>) src(%dma_wait3A_1035 : memref<1536xf32, #tpu.memory_space<hbm>>) dst(%dma_wait3A_1034 : memref<1536xf32, #tpu.memory_space<vmem>>)
    %dma_wait3A_1036 = arith.constant 12288 : i32
    %dma_wait3A_1037 = tpu.memref_slice %arg5[%dma_wait3A_1036] : memref<29184xf32, #tpu.memory_space<vmem>> -> memref<1536xf32, #tpu.memory_space<vmem>>
    %dma_wait3A_1038 = tpu.memref_slice %arg2[%add3A_901] : memref<5603328xf32, #tpu.memory_space<hbm>> -> memref<1536xf32, #tpu.memory_space<hbm>>
    %dma_wait3A_1039 = arith.constant 12288 : i32
    %dma_wait3A_1040 = tpu.memref_slice %arg5[%dma_wait3A_1039] : memref<29184xf32, #tpu.memory_space<vmem>> -> memref<1536xf32, #tpu.memory_space<vmem>>
    %dma_wait3A_1041 = tpu.memref_slice %arg2[%add3A_901] : memref<5603328xf32, #tpu.memory_space<hbm>> -> memref<1536xf32, #tpu.memory_space<hbm>>
    tpu.wait_dma2 semaphore(%arg8 : memref<!tpu.dma_semaphore, #tpu.memory_space<semaphore_mem>>) src(%dma_wait3A_1041 : memref<1536xf32, #tpu.memory_space<hbm>>) dst(%dma_wait3A_1040 : memref<1536xf32, #tpu.memory_space<vmem>>)
    %dma_wait3A_1042 = arith.constant 13824 : i32
    %dma_wait3A_1043 = tpu.memref_slice %arg5[%dma_wait3A_1042] : memref<29184xf32, #tpu.memory_space<vmem>> -> memref<1536xf32, #tpu.memory_space<vmem>>
    %dma_wait3A_1044 = tpu.memref_slice %arg2[%add3A_909] : memref<5603328xf32, #tpu.memory_space<hbm>> -> memref<1536xf32, #tpu.memory_space<hbm>>
    %dma_wait3A_1045 = arith.constant 13824 : i32
    %dma_wait3A_1046 = tpu.memref_slice %arg5[%dma_wait3A_1045] : memref<29184xf32, #tpu.memory_space<vmem>> -> memref<1536xf32, #tpu.memory_space<vmem>>
    %dma_wait3A_1047 = tpu.memref_slice %arg2[%add3A_909] : memref<5603328xf32, #tpu.memory_space<hbm>> -> memref<1536xf32, #tpu.memory_space<hbm>>
    tpu.wait_dma2 semaphore(%arg8 : memref<!tpu.dma_semaphore, #tpu.memory_space<semaphore_mem>>) src(%dma_wait3A_1047 : memref<1536xf32, #tpu.memory_space<hbm>>) dst(%dma_wait3A_1046 : memref<1536xf32, #tpu.memory_space<vmem>>)
    %dma_wait3A_1048 = arith.constant 15360 : i32
    %dma_wait3A_1049 = tpu.memref_slice %arg5[%dma_wait3A_1048] : memref<29184xf32, #tpu.memory_space<vmem>> -> memref<1536xf32, #tpu.memory_space<vmem>>
    %dma_wait3A_1050 = tpu.memref_slice %arg2[%add3A_917] : memref<5603328xf32, #tpu.memory_space<hbm>> -> memref<1536xf32, #tpu.memory_space<hbm>>
    %dma_wait3A_1051 = arith.constant 15360 : i32
    %dma_wait3A_1052 = tpu.memref_slice %arg5[%dma_wait3A_1051] : memref<29184xf32, #tpu.memory_space<vmem>> -> memref<1536xf32, #tpu.memory_space<vmem>>
    %dma_wait3A_1053 = tpu.memref_slice %arg2[%add3A_917] : memref<5603328xf32, #tpu.memory_space<hbm>> -> memref<1536xf32, #tpu.memory_space<hbm>>
    tpu.wait_dma2 semaphore(%arg8 : memref<!tpu.dma_semaphore, #tpu.memory_space<semaphore_mem>>) src(%dma_wait3A_1053 : memref<1536xf32, #tpu.memory_space<hbm>>) dst(%dma_wait3A_1052 : memref<1536xf32, #tpu.memory_space<vmem>>)
    %dma_wait3A_1054 = arith.constant 16896 : i32
    %dma_wait3A_1055 = tpu.memref_slice %arg5[%dma_wait3A_1054] : memref<29184xf32, #tpu.memory_space<vmem>> -> memref<1536xf32, #tpu.memory_space<vmem>>
    %dma_wait3A_1056 = tpu.memref_slice %arg2[%add3A_925] : memref<5603328xf32, #tpu.memory_space<hbm>> -> memref<1536xf32, #tpu.memory_space<hbm>>
    %dma_wait3A_1057 = arith.constant 16896 : i32
    %dma_wait3A_1058 = tpu.memref_slice %arg5[%dma_wait3A_1057] : memref<29184xf32, #tpu.memory_space<vmem>> -> memref<1536xf32, #tpu.memory_space<vmem>>
    %dma_wait3A_1059 = tpu.memref_slice %arg2[%add3A_925] : memref<5603328xf32, #tpu.memory_space<hbm>> -> memref<1536xf32, #tpu.memory_space<hbm>>
    tpu.wait_dma2 semaphore(%arg8 : memref<!tpu.dma_semaphore, #tpu.memory_space<semaphore_mem>>) src(%dma_wait3A_1059 : memref<1536xf32, #tpu.memory_space<hbm>>) dst(%dma_wait3A_1058 : memref<1536xf32, #tpu.memory_space<vmem>>)
    %dma_wait3A_1060 = arith.constant 18432 : i32
    %dma_wait3A_1061 = tpu.memref_slice %arg5[%dma_wait3A_1060] : memref<29184xf32, #tpu.memory_space<vmem>> -> memref<1536xf32, #tpu.memory_space<vmem>>
    %dma_wait3A_1062 = tpu.memref_slice %arg2[%add3A_933] : memref<5603328xf32, #tpu.memory_space<hbm>> -> memref<1536xf32, #tpu.memory_space<hbm>>
    %dma_wait3A_1063 = arith.constant 18432 : i32
    %dma_wait3A_1064 = tpu.memref_slice %arg5[%dma_wait3A_1063] : memref<29184xf32, #tpu.memory_space<vmem>> -> memref<1536xf32, #tpu.memory_space<vmem>>
    %dma_wait3A_1065 = tpu.memref_slice %arg2[%add3A_933] : memref<5603328xf32, #tpu.memory_space<hbm>> -> memref<1536xf32, #tpu.memory_space<hbm>>
    tpu.wait_dma2 semaphore(%arg8 : memref<!tpu.dma_semaphore, #tpu.memory_space<semaphore_mem>>) src(%dma_wait3A_1065 : memref<1536xf32, #tpu.memory_space<hbm>>) dst(%dma_wait3A_1064 : memref<1536xf32, #tpu.memory_space<vmem>>)
    %dma_wait3A_1066 = arith.constant 19968 : i32
    %dma_wait3A_1067 = tpu.memref_slice %arg5[%dma_wait3A_1066] : memref<29184xf32, #tpu.memory_space<vmem>> -> memref<1536xf32, #tpu.memory_space<vmem>>
    %dma_wait3A_1068 = tpu.memref_slice %arg2[%add3A_941] : memref<5603328xf32, #tpu.memory_space<hbm>> -> memref<1536xf32, #tpu.memory_space<hbm>>
    %dma_wait3A_1069 = arith.constant 19968 : i32
    %dma_wait3A_1070 = tpu.memref_slice %arg5[%dma_wait3A_1069] : memref<29184xf32, #tpu.memory_space<vmem>> -> memref<1536xf32, #tpu.memory_space<vmem>>
    %dma_wait3A_1071 = tpu.memref_slice %arg2[%add3A_941] : memref<5603328xf32, #tpu.memory_space<hbm>> -> memref<1536xf32, #tpu.memory_space<hbm>>
    tpu.wait_dma2 semaphore(%arg8 : memref<!tpu.dma_semaphore, #tpu.memory_space<semaphore_mem>>) src(%dma_wait3A_1071 : memref<1536xf32, #tpu.memory_space<hbm>>) dst(%dma_wait3A_1070 : memref<1536xf32, #tpu.memory_space<vmem>>)
    %dma_wait3A_1072 = arith.constant 21504 : i32
    %dma_wait3A_1073 = tpu.memref_slice %arg5[%dma_wait3A_1072] : memref<29184xf32, #tpu.memory_space<vmem>> -> memref<1536xf32, #tpu.memory_space<vmem>>
    %dma_wait3A_1074 = tpu.memref_slice %arg2[%add3A_949] : memref<5603328xf32, #tpu.memory_space<hbm>> -> memref<1536xf32, #tpu.memory_space<hbm>>
    %dma_wait3A_1075 = arith.constant 21504 : i32
    %dma_wait3A_1076 = tpu.memref_slice %arg5[%dma_wait3A_1075] : memref<29184xf32, #tpu.memory_space<vmem>> -> memref<1536xf32, #tpu.memory_space<vmem>>
    %dma_wait3A_1077 = tpu.memref_slice %arg2[%add3A_949] : memref<5603328xf32, #tpu.memory_space<hbm>> -> memref<1536xf32, #tpu.memory_space<hbm>>
    tpu.wait_dma2 semaphore(%arg8 : memref<!tpu.dma_semaphore, #tpu.memory_space<semaphore_mem>>) src(%dma_wait3A_1077 : memref<1536xf32, #tpu.memory_space<hbm>>) dst(%dma_wait3A_1076 : memref<1536xf32, #tpu.memory_space<vmem>>)
    %dma_wait3A_1078 = arith.constant 23040 : i32
    %dma_wait3A_1079 = tpu.memref_slice %arg5[%dma_wait3A_1078] : memref<29184xf32, #tpu.memory_space<vmem>> -> memref<1536xf32, #tpu.memory_space<vmem>>
    %dma_wait3A_1080 = tpu.memref_slice %arg2[%add3A_957] : memref<5603328xf32, #tpu.memory_space<hbm>> -> memref<1536xf32, #tpu.memory_space<hbm>>
    %dma_wait3A_1081 = arith.constant 23040 : i32
    %dma_wait3A_1082 = tpu.memref_slice %arg5[%dma_wait3A_1081] : memref<29184xf32, #tpu.memory_space<vmem>> -> memref<1536xf32, #tpu.memory_space<vmem>>
    %dma_wait3A_1083 = tpu.memref_slice %arg2[%add3A_957] : memref<5603328xf32, #tpu.memory_space<hbm>> -> memref<1536xf32, #tpu.memory_space<hbm>>
    tpu.wait_dma2 semaphore(%arg8 : memref<!tpu.dma_semaphore, #tpu.memory_space<semaphore_mem>>) src(%dma_wait3A_1083 : memref<1536xf32, #tpu.memory_space<hbm>>) dst(%dma_wait3A_1082 : memref<1536xf32, #tpu.memory_space<vmem>>)
    %dma_wait3A_1084 = arith.constant 24576 : i32
    %dma_wait3A_1085 = tpu.memref_slice %arg5[%dma_wait3A_1084] : memref<29184xf32, #tpu.memory_space<vmem>> -> memref<1536xf32, #tpu.memory_space<vmem>>
    %dma_wait3A_1086 = tpu.memref_slice %arg2[%add3A_965] : memref<5603328xf32, #tpu.memory_space<hbm>> -> memref<1536xf32, #tpu.memory_space<hbm>>
    %dma_wait3A_1087 = arith.constant 24576 : i32
    %dma_wait3A_1088 = tpu.memref_slice %arg5[%dma_wait3A_1087] : memref<29184xf32, #tpu.memory_space<vmem>> -> memref<1536xf32, #tpu.memory_space<vmem>>
    %dma_wait3A_1089 = tpu.memref_slice %arg2[%add3A_965] : memref<5603328xf32, #tpu.memory_space<hbm>> -> memref<1536xf32, #tpu.memory_space<hbm>>
    tpu.wait_dma2 semaphore(%arg8 : memref<!tpu.dma_semaphore, #tpu.memory_space<semaphore_mem>>) src(%dma_wait3A_1089 : memref<1536xf32, #tpu.memory_space<hbm>>) dst(%dma_wait3A_1088 : memref<1536xf32, #tpu.memory_space<vmem>>)
    %dma_wait3A_1090 = arith.constant 26112 : i32
    %dma_wait3A_1091 = tpu.memref_slice %arg5[%dma_wait3A_1090] : memref<29184xf32, #tpu.memory_space<vmem>> -> memref<1536xf32, #tpu.memory_space<vmem>>
    %dma_wait3A_1092 = tpu.memref_slice %arg2[%add3A_973] : memref<5603328xf32, #tpu.memory_space<hbm>> -> memref<1536xf32, #tpu.memory_space<hbm>>
    %dma_wait3A_1093 = arith.constant 26112 : i32
    %dma_wait3A_1094 = tpu.memref_slice %arg5[%dma_wait3A_1093] : memref<29184xf32, #tpu.memory_space<vmem>> -> memref<1536xf32, #tpu.memory_space<vmem>>
    %dma_wait3A_1095 = tpu.memref_slice %arg2[%add3A_973] : memref<5603328xf32, #tpu.memory_space<hbm>> -> memref<1536xf32, #tpu.memory_space<hbm>>
    tpu.wait_dma2 semaphore(%arg8 : memref<!tpu.dma_semaphore, #tpu.memory_space<semaphore_mem>>) src(%dma_wait3A_1095 : memref<1536xf32, #tpu.memory_space<hbm>>) dst(%dma_wait3A_1094 : memref<1536xf32, #tpu.memory_space<vmem>>)
    %dma_wait3A_1096 = arith.constant 27648 : i32
    %dma_wait3A_1097 = tpu.memref_slice %arg5[%dma_wait3A_1096] : memref<29184xf32, #tpu.memory_space<vmem>> -> memref<1536xf32, #tpu.memory_space<vmem>>
    %dma_wait3A_1098 = tpu.memref_slice %arg2[%add3A_981] : memref<5603328xf32, #tpu.memory_space<hbm>> -> memref<1536xf32, #tpu.memory_space<hbm>>
    %dma_wait3A_1099 = arith.constant 27648 : i32
    %dma_wait3A_1100 = tpu.memref_slice %arg5[%dma_wait3A_1099] : memref<29184xf32, #tpu.memory_space<vmem>> -> memref<1536xf32, #tpu.memory_space<vmem>>
    %dma_wait3A_1101 = tpu.memref_slice %arg2[%add3A_981] : memref<5603328xf32, #tpu.memory_space<hbm>> -> memref<1536xf32, #tpu.memory_space<hbm>>
    tpu.wait_dma2 semaphore(%arg8 : memref<!tpu.dma_semaphore, #tpu.memory_space<semaphore_mem>>) src(%dma_wait3A_1101 : memref<1536xf32, #tpu.memory_space<hbm>>) dst(%dma_wait3A_1100 : memref<1536xf32, #tpu.memory_space<vmem>>)
    %scan3A_1102 = arith.constant 0 : i32
    %scan3A_1103 = arith.constant 0 : i32
    %scan3A_1104 = arith.constant 96 : i32
    %scan3A_1105 = arith.addi %scan3A_1103, %scan3A_1104 : i32
    %scan3A_1106 = arith.constant 1 : i32
    scf.for %scan3A_1668 = %scan3A_1103 to %scan3A_1105 step %scan3A_1106  : i32 {
      %mul3A_1669 = arith.constant 16 : i32
      %mul3A_1670 = arith.muli %scan3A_1668, %mul3A_1669 : i32
      %get3A = arith.index_cast %mul3A_1670 : i32 to index
      %get3A_1671 = tpu.vector_load %arg5[%get3A] {strides = array<i32>} : memref<29184xf32, #tpu.memory_space<vmem>>, vector<16xf32>,
      %get3A_1672 = vector.shape_cast %get3A_1671 : vector<16xf32> to vector<16xf32>
      %broadcast_in_dim3A = arith.constant 0 : i32
      %broadcast_in_dim3A_1673 = vector.broadcast %broadcast_in_dim3A : i32 to vector<16xi32>
      %add3A_1674 = arith.constant 1536 : i32
      %add3A_1675 = arith.addi %add3A_1674, %mul3A_1670 : i32
      %get3A_1676 = arith.index_cast %add3A_1675 : i32 to index
      %get3A_1677 = tpu.vector_load %arg5[%get3A_1676] {strides = array<i32>} : memref<29184xf32, #tpu.memory_space<vmem>>, vector<16xf32>,
      %get3A_1678 = vector.shape_cast %get3A_1677 : vector<16xf32> to vector<16xf32>
      %gt3A = arith.cmpf ogt, %get3A_1678, %get3A_1672 : vector<16xf32>
      %select_n3A = arith.select %gt3A, %get3A_1678, %get3A_1672 : vector<16xi1>, vector<16xf32>
      %jit3A = arith.constant 1 : i32
      %broadcast_in_dim3A_1679 = vector.broadcast %jit3A : i32 to vector<16xi32>
      %select_n3A_1680 = arith.select %gt3A, %broadcast_in_dim3A_1679, %broadcast_in_dim3A_1673 : vector<16xi1>, vector<16xi32>
      %add3A_1681 = arith.constant 3072 : i32
      %add3A_1682 = arith.addi %add3A_1681, %mul3A_1670 : i32
      %get3A_1683 = arith.index_cast %add3A_1682 : i32 to index
      %get3A_1684 = tpu.vector_load %arg5[%get3A_1683] {strides = array<i32>} : memref<29184xf32, #tpu.memory_space<vmem>>, vector<16xf32>,
      %get3A_1685 = vector.shape_cast %get3A_1684 : vector<16xf32> to vector<16xf32>
      %gt3A_1686 = arith.cmpf ogt, %get3A_1685, %select_n3A : vector<16xf32>
      %select_n3A_1687 = arith.select %gt3A_1686, %get3A_1685, %select_n3A : vector<16xi1>, vector<16xf32>
      %jit3A_1688 = arith.constant 2 : i32
      %broadcast_in_dim3A_1689 = vector.broadcast %jit3A_1688 : i32 to vector<16xi32>
      %select_n3A_1690 = arith.select %gt3A_1686, %broadcast_in_dim3A_1689, %select_n3A_1680 : vector<16xi1>, vector<16xi32>
      %add3A_1691 = arith.constant 4608 : i32
      %add3A_1692 = arith.addi %add3A_1691, %mul3A_1670 : i32
      %get3A_1693 = arith.index_cast %add3A_1692 : i32 to index
      %get3A_1694 = tpu.vector_load %arg5[%get3A_1693] {strides = array<i32>} : memref<29184xf32, #tpu.memory_space<vmem>>, vector<16xf32>,
      %get3A_1695 = vector.shape_cast %get3A_1694 : vector<16xf32> to vector<16xf32>
      %gt3A_1696 = arith.cmpf ogt, %get3A_1695, %select_n3A_1687 : vector<16xf32>
      %select_n3A_1697 = arith.select %gt3A_1696, %get3A_1695, %select_n3A_1687 : vector<16xi1>, vector<16xf32>
      %jit3A_1698 = arith.constant 3 : i32
      %broadcast_in_dim3A_1699 = vector.broadcast %jit3A_1698 : i32 to vector<16xi32>
      %select_n3A_1700 = arith.select %gt3A_1696, %broadcast_in_dim3A_1699, %select_n3A_1690 : vector<16xi1>, vector<16xi32>
      %add3A_1701 = arith.constant 6144 : i32
      %add3A_1702 = arith.addi %add3A_1701, %mul3A_1670 : i32
      %get3A_1703 = arith.index_cast %add3A_1702 : i32 to index
      %get3A_1704 = tpu.vector_load %arg5[%get3A_1703] {strides = array<i32>} : memref<29184xf32, #tpu.memory_space<vmem>>, vector<16xf32>,
      %get3A_1705 = vector.shape_cast %get3A_1704 : vector<16xf32> to vector<16xf32>
      %gt3A_1706 = arith.cmpf ogt, %get3A_1705, %select_n3A_1697 : vector<16xf32>
      %select_n3A_1707 = arith.select %gt3A_1706, %get3A_1705, %select_n3A_1697 : vector<16xi1>, vector<16xf32>
      %jit3A_1708 = arith.constant 4 : i32
      %broadcast_in_dim3A_1709 = vector.broadcast %jit3A_1708 : i32 to vector<16xi32>
      %select_n3A_1710 = arith.select %gt3A_1706, %broadcast_in_dim3A_1709, %select_n3A_1700 : vector<16xi1>, vector<16xi32>
      %add3A_1711 = arith.constant 7680 : i32
      %add3A_1712 = arith.addi %add3A_1711, %mul3A_1670 : i32
      %get3A_1713 = arith.index_cast %add3A_1712 : i32 to index
      %get3A_1714 = tpu.vector_load %arg5[%get3A_1713] {strides = array<i32>} : memref<29184xf32, #tpu.memory_space<vmem>>, vector<16xf32>,
      %get3A_1715 = vector.shape_cast %get3A_1714 : vector<16xf32> to vector<16xf32>
      %gt3A_1716 = arith.cmpf ogt, %get3A_1715, %select_n3A_1707 : vector<16xf32>
      %select_n3A_1717 = arith.select %gt3A_1716, %get3A_1715, %select_n3A_1707 : vector<16xi1>, vector<16xf32>
      %jit3A_1718 = arith.constant 5 : i32
      %broadcast_in_dim3A_1719 = vector.broadcast %jit3A_1718 : i32 to vector<16xi32>
      %select_n3A_1720 = arith.select %gt3A_1716, %broadcast_in_dim3A_1719, %select_n3A_1710 : vector<16xi1>, vector<16xi32>
      %add3A_1721 = arith.constant 9216 : i32
      %add3A_1722 = arith.addi %add3A_1721, %mul3A_1670 : i32
      %get3A_1723 = arith.index_cast %add3A_1722 : i32 to index
      %get3A_1724 = tpu.vector_load %arg5[%get3A_1723] {strides = array<i32>} : memref<29184xf32, #tpu.memory_space<vmem>>, vector<16xf32>,
      %get3A_1725 = vector.shape_cast %get3A_1724 : vector<16xf32> to vector<16xf32>
      %gt3A_1726 = arith.cmpf ogt, %get3A_1725, %select_n3A_1717 : vector<16xf32>
      %select_n3A_1727 = arith.select %gt3A_1726, %get3A_1725, %select_n3A_1717 : vector<16xi1>, vector<16xf32>
      %jit3A_1728 = arith.constant 6 : i32
      %broadcast_in_dim3A_1729 = vector.broadcast %jit3A_1728 : i32 to vector<16xi32>
      %select_n3A_1730 = arith.select %gt3A_1726, %broadcast_in_dim3A_1729, %select_n3A_1720 : vector<16xi1>, vector<16xi32>
      %add3A_1731 = arith.constant 10752 : i32
      %add3A_1732 = arith.addi %add3A_1731, %mul3A_1670 : i32
      %get3A_1733 = arith.index_cast %add3A_1732 : i32 to index
      %get3A_1734 = tpu.vector_load %arg5[%get3A_1733] {strides = array<i32>} : memref<29184xf32, #tpu.memory_space<vmem>>, vector<16xf32>,
      %get3A_1735 = vector.shape_cast %get3A_1734 : vector<16xf32> to vector<16xf32>
      %gt3A_1736 = arith.cmpf ogt, %get3A_1735, %select_n3A_1727 : vector<16xf32>
      %select_n3A_1737 = arith.select %gt3A_1736, %get3A_1735, %select_n3A_1727 : vector<16xi1>, vector<16xf32>
      %jit3A_1738 = arith.constant 7 : i32
      %broadcast_in_dim3A_1739 = vector.broadcast %jit3A_1738 : i32 to vector<16xi32>
      %select_n3A_1740 = arith.select %gt3A_1736, %broadcast_in_dim3A_1739, %select_n3A_1730 : vector<16xi1>, vector<16xi32>
      %add3A_1741 = arith.constant 12288 : i32
      %add3A_1742 = arith.addi %add3A_1741, %mul3A_1670 : i32
      %get3A_1743 = arith.index_cast %add3A_1742 : i32 to index
      %get3A_1744 = tpu.vector_load %arg5[%get3A_1743] {strides = array<i32>} : memref<29184xf32, #tpu.memory_space<vmem>>, vector<16xf32>,
      %get3A_1745 = vector.shape_cast %get3A_1744 : vector<16xf32> to vector<16xf32>
      %gt3A_1746 = arith.cmpf ogt, %get3A_1745, %select_n3A_1737 : vector<16xf32>
      %select_n3A_1747 = arith.select %gt3A_1746, %get3A_1745, %select_n3A_1737 : vector<16xi1>, vector<16xf32>
      %jit3A_1748 = arith.constant 8 : i32
      %broadcast_in_dim3A_1749 = vector.broadcast %jit3A_1748 : i32 to vector<16xi32>
      %select_n3A_1750 = arith.select %gt3A_1746, %broadcast_in_dim3A_1749, %select_n3A_1740 : vector<16xi1>, vector<16xi32>
      %add3A_1751 = arith.constant 13824 : i32
      %add3A_1752 = arith.addi %add3A_1751, %mul3A_1670 : i32
      %get3A_1753 = arith.index_cast %add3A_1752 : i32 to index
      %get3A_1754 = tpu.vector_load %arg5[%get3A_1753] {strides = array<i32>} : memref<29184xf32, #tpu.memory_space<vmem>>, vector<16xf32>,
      %get3A_1755 = vector.shape_cast %get3A_1754 : vector<16xf32> to vector<16xf32>
      %gt3A_1756 = arith.cmpf ogt, %get3A_1755, %select_n3A_1747 : vector<16xf32>
      %select_n3A_1757 = arith.select %gt3A_1756, %get3A_1755, %select_n3A_1747 : vector<16xi1>, vector<16xf32>
      %jit3A_1758 = arith.constant 9 : i32
      %broadcast_in_dim3A_1759 = vector.broadcast %jit3A_1758 : i32 to vector<16xi32>
      %select_n3A_1760 = arith.select %gt3A_1756, %broadcast_in_dim3A_1759, %select_n3A_1750 : vector<16xi1>, vector<16xi32>
      %add3A_1761 = arith.constant 15360 : i32
      %add3A_1762 = arith.addi %add3A_1761, %mul3A_1670 : i32
      %get3A_1763 = arith.index_cast %add3A_1762 : i32 to index
      %get3A_1764 = tpu.vector_load %arg5[%get3A_1763] {strides = array<i32>} : memref<29184xf32, #tpu.memory_space<vmem>>, vector<16xf32>,
      %get3A_1765 = vector.shape_cast %get3A_1764 : vector<16xf32> to vector<16xf32>
      %gt3A_1766 = arith.cmpf ogt, %get3A_1765, %select_n3A_1757 : vector<16xf32>
      %select_n3A_1767 = arith.select %gt3A_1766, %get3A_1765, %select_n3A_1757 : vector<16xi1>, vector<16xf32>
      %jit3A_1768 = arith.constant 10 : i32
      %broadcast_in_dim3A_1769 = vector.broadcast %jit3A_1768 : i32 to vector<16xi32>
      %select_n3A_1770 = arith.select %gt3A_1766, %broadcast_in_dim3A_1769, %select_n3A_1760 : vector<16xi1>, vector<16xi32>
      %add3A_1771 = arith.constant 16896 : i32
      %add3A_1772 = arith.addi %add3A_1771, %mul3A_1670 : i32
      %get3A_1773 = arith.index_cast %add3A_1772 : i32 to index
      %get3A_1774 = tpu.vector_load %arg5[%get3A_1773] {strides = array<i32>} : memref<29184xf32, #tpu.memory_space<vmem>>, vector<16xf32>,
      %get3A_1775 = vector.shape_cast %get3A_1774 : vector<16xf32> to vector<16xf32>
      %gt3A_1776 = arith.cmpf ogt, %get3A_1775, %select_n3A_1767 : vector<16xf32>
      %select_n3A_1777 = arith.select %gt3A_1776, %get3A_1775, %select_n3A_1767 : vector<16xi1>, vector<16xf32>
      %jit3A_1778 = arith.constant 11 : i32
      %broadcast_in_dim3A_1779 = vector.broadcast %jit3A_1778 : i32 to vector<16xi32>
      %select_n3A_1780 = arith.select %gt3A_1776, %broadcast_in_dim3A_1779, %select_n3A_1770 : vector<16xi1>, vector<16xi32>
      %add3A_1781 = arith.constant 18432 : i32
      %add3A_1782 = arith.addi %add3A_1781, %mul3A_1670 : i32
      %get3A_1783 = arith.index_cast %add3A_1782 : i32 to index
      %get3A_1784 = tpu.vector_load %arg5[%get3A_1783] {strides = array<i32>} : memref<29184xf32, #tpu.memory_space<vmem>>, vector<16xf32>,
      %get3A_1785 = vector.shape_cast %get3A_1784 : vector<16xf32> to vector<16xf32>
      %gt3A_1786 = arith.cmpf ogt, %get3A_1785, %select_n3A_1777 : vector<16xf32>
      %select_n3A_1787 = arith.select %gt3A_1786, %get3A_1785, %select_n3A_1777 : vector<16xi1>, vector<16xf32>
      %jit3A_1788 = arith.constant 12 : i32
      %broadcast_in_dim3A_1789 = vector.broadcast %jit3A_1788 : i32 to vector<16xi32>
      %select_n3A_1790 = arith.select %gt3A_1786, %broadcast_in_dim3A_1789, %select_n3A_1780 : vector<16xi1>, vector<16xi32>
      %add3A_1791 = arith.constant 19968 : i32
      %add3A_1792 = arith.addi %add3A_1791, %mul3A_1670 : i32
      %get3A_1793 = arith.index_cast %add3A_1792 : i32 to index
      %get3A_1794 = tpu.vector_load %arg5[%get3A_1793] {strides = array<i32>} : memref<29184xf32, #tpu.memory_space<vmem>>, vector<16xf32>,
      %get3A_1795 = vector.shape_cast %get3A_1794 : vector<16xf32> to vector<16xf32>
      %gt3A_1796 = arith.cmpf ogt, %get3A_1795, %select_n3A_1787 : vector<16xf32>
      %select_n3A_1797 = arith.select %gt3A_1796, %get3A_1795, %select_n3A_1787 : vector<16xi1>, vector<16xf32>
      %jit3A_1798 = arith.constant 13 : i32
      %broadcast_in_dim3A_1799 = vector.broadcast %jit3A_1798 : i32 to vector<16xi32>
      %select_n3A_1800 = arith.select %gt3A_1796, %broadcast_in_dim3A_1799, %select_n3A_1790 : vector<16xi1>, vector<16xi32>
      %add3A_1801 = arith.constant 21504 : i32
      %add3A_1802 = arith.addi %add3A_1801, %mul3A_1670 : i32
      %get3A_1803 = arith.index_cast %add3A_1802 : i32 to index
      %get3A_1804 = tpu.vector_load %arg5[%get3A_1803] {strides = array<i32>} : memref<29184xf32, #tpu.memory_space<vmem>>, vector<16xf32>,
      %get3A_1805 = vector.shape_cast %get3A_1804 : vector<16xf32> to vector<16xf32>
      %gt3A_1806 = arith.cmpf ogt, %get3A_1805, %select_n3A_1797 : vector<16xf32>
      %select_n3A_1807 = arith.select %gt3A_1806, %get3A_1805, %select_n3A_1797 : vector<16xi1>, vector<16xf32>
      %jit3A_1808 = arith.constant 14 : i32
      %broadcast_in_dim3A_1809 = vector.broadcast %jit3A_1808 : i32 to vector<16xi32>
      %select_n3A_1810 = arith.select %gt3A_1806, %broadcast_in_dim3A_1809, %select_n3A_1800 : vector<16xi1>, vector<16xi32>
      %add3A_1811 = arith.constant 23040 : i32
      %add3A_1812 = arith.addi %add3A_1811, %mul3A_1670 : i32
      %get3A_1813 = arith.index_cast %add3A_1812 : i32 to index
      %get3A_1814 = tpu.vector_load %arg5[%get3A_1813] {strides = array<i32>} : memref<29184xf32, #tpu.memory_space<vmem>>, vector<16xf32>,
      %get3A_1815 = vector.shape_cast %get3A_1814 : vector<16xf32> to vector<16xf32>
      %gt3A_1816 = arith.cmpf ogt, %get3A_1815, %select_n3A_1807 : vector<16xf32>
      %select_n3A_1817 = arith.select %gt3A_1816, %get3A_1815, %select_n3A_1807 : vector<16xi1>, vector<16xf32>
      %jit3A_1818 = arith.constant 15 : i32
      %broadcast_in_dim3A_1819 = vector.broadcast %jit3A_1818 : i32 to vector<16xi32>
      %select_n3A_1820 = arith.select %gt3A_1816, %broadcast_in_dim3A_1819, %select_n3A_1810 : vector<16xi1>, vector<16xi32>
      %add3A_1821 = arith.constant 24576 : i32
      %add3A_1822 = arith.addi %add3A_1821, %mul3A_1670 : i32
      %get3A_1823 = arith.index_cast %add3A_1822 : i32 to index
      %get3A_1824 = tpu.vector_load %arg5[%get3A_1823] {strides = array<i32>} : memref<29184xf32, #tpu.memory_space<vmem>>, vector<16xf32>,
      %get3A_1825 = vector.shape_cast %get3A_1824 : vector<16xf32> to vector<16xf32>
      %gt3A_1826 = arith.cmpf ogt, %get3A_1825, %select_n3A_1817 : vector<16xf32>
      %select_n3A_1827 = arith.select %gt3A_1826, %get3A_1825, %select_n3A_1817 : vector<16xi1>, vector<16xf32>
      %jit3A_1828 = arith.constant 16 : i32
      %broadcast_in_dim3A_1829 = vector.broadcast %jit3A_1828 : i32 to vector<16xi32>
      %select_n3A_1830 = arith.select %gt3A_1826, %broadcast_in_dim3A_1829, %select_n3A_1820 : vector<16xi1>, vector<16xi32>
      %add3A_1831 = arith.constant 26112 : i32
      %add3A_1832 = arith.addi %add3A_1831, %mul3A_1670 : i32
      %get3A_1833 = arith.index_cast %add3A_1832 : i32 to index
      %get3A_1834 = tpu.vector_load %arg5[%get3A_1833] {strides = array<i32>} : memref<29184xf32, #tpu.memory_space<vmem>>, vector<16xf32>,
      %get3A_1835 = vector.shape_cast %get3A_1834 : vector<16xf32> to vector<16xf32>
      %gt3A_1836 = arith.cmpf ogt, %get3A_1835, %select_n3A_1827 : vector<16xf32>
      %select_n3A_1837 = arith.select %gt3A_1836, %get3A_1835, %select_n3A_1827 : vector<16xi1>, vector<16xf32>
      %jit3A_1838 = arith.constant 17 : i32
      %broadcast_in_dim3A_1839 = vector.broadcast %jit3A_1838 : i32 to vector<16xi32>
      %select_n3A_1840 = arith.select %gt3A_1836, %broadcast_in_dim3A_1839, %select_n3A_1830 : vector<16xi1>, vector<16xi32>
      %add3A_1841 = arith.constant 27648 : i32
      %add3A_1842 = arith.addi %add3A_1841, %mul3A_1670 : i32
      %get3A_1843 = arith.index_cast %add3A_1842 : i32 to index
      %get3A_1844 = tpu.vector_load %arg5[%get3A_1843] {strides = array<i32>} : memref<29184xf32, #tpu.memory_space<vmem>>, vector<16xf32>,
      %get3A_1845 = vector.shape_cast %get3A_1844 : vector<16xf32> to vector<16xf32>
      %gt3A_1846 = arith.cmpf ogt, %get3A_1845, %select_n3A_1837 : vector<16xf32>
      %select_n3A_1847 = arith.select %gt3A_1846, %get3A_1845, %select_n3A_1837 : vector<16xi1>, vector<16xf32>
      %jit3A_1848 = arith.constant 18 : i32
      %broadcast_in_dim3A_1849 = vector.broadcast %jit3A_1848 : i32 to vector<16xi32>
      %select_n3A_1850 = arith.select %gt3A_1846, %broadcast_in_dim3A_1849, %select_n3A_1840 : vector<16xi1>, vector<16xi32>
      %swap3A = arith.index_cast %mul3A_1670 : i32 to index
      %swap3A_1851 = tpu.vector_load %arg6[%swap3A] {strides = array<i32>} : memref<1536xf32, #tpu.memory_space<vmem>>, vector<16xf32>,
      %swap3A_1852 = vector.shape_cast %swap3A_1851 : vector<16xf32> to vector<16xf32>
      %swap3A_1853 = vector.shape_cast %select_n3A_1847 : vector<16xf32> to vector<16xf32>
      tpu.vector_store %arg6[%swap3A], %swap3A_1853 {strides = array<i32>} : memref<1536xf32, #tpu.memory_space<vmem>>, vector<16xf32>,
      %swap3A_1854 = arith.index_cast %mul3A_1670 : i32 to index
      %swap3A_1855 = tpu.vector_load %arg7[%swap3A_1854] {strides = array<i32>} : memref<1536xi32, #tpu.memory_space<vmem>>, vector<16xi32>,
      %swap3A_1856 = vector.shape_cast %swap3A_1855 : vector<16xi32> to vector<16xi32>
      %swap3A_1857 = vector.shape_cast %select_n3A_1850 : vector<16xi32> to vector<16xi32>
      tpu.vector_store %arg7[%swap3A_1854], %swap3A_1857 {strides = array<i32>} : memref<1536xi32, #tpu.memory_space<vmem>>, vector<16xi32>,
    }
    %scan3A_1107 = arith.constant 96 : i32
    %add3A_1108 = arith.constant 147456 : i32
    %add3A_1109 = arith.addi %add3A_1108, %add3A_835 : i32
    "tpu.region"() ({
      %run_scoped3A = tpu.sem_alloc : memref<!tpu.dma_semaphore, #tpu.memory_space<semaphore_mem>>
      %dma_start3A_1668 = tpu.memref_slice %arg3[%add3A_1109] : memref<294912xf32, #tpu.memory_space<hbm>> -> memref<1536xf32, #tpu.memory_space<hbm>>
      %dma_start3A_1669 = tpu.memref_slice %arg3[%add3A_1109] : memref<294912xf32, #tpu.memory_space<hbm>> -> memref<1536xf32, #tpu.memory_space<hbm>>
      tpu.enqueue_dma source(%arg6 : memref<1536xf32, #tpu.memory_space<vmem>>) target(%dma_start3A_1669 : memref<1536xf32, #tpu.memory_space<hbm>>) target_semaphore(%run_scoped3A : memref<!tpu.dma_semaphore, #tpu.memory_space<semaphore_mem>>)
      %dma_wait3A_1670 = tpu.memref_slice %arg3[%add3A_1109] : memref<294912xf32, #tpu.memory_space<hbm>> -> memref<1536xf32, #tpu.memory_space<hbm>>
      %dma_wait3A_1671 = tpu.memref_slice %arg3[%add3A_1109] : memref<294912xf32, #tpu.memory_space<hbm>> -> memref<1536xf32, #tpu.memory_space<hbm>>
      tpu.wait_dma2 semaphore(%run_scoped3A : memref<!tpu.dma_semaphore, #tpu.memory_space<semaphore_mem>>) src(%arg6 : memref<1536xf32, #tpu.memory_space<vmem>>) dst(%dma_wait3A_1671 : memref<1536xf32, #tpu.memory_space<hbm>>)
      tpu.yield
    }) : () -> ()
    %add3A_1110 = arith.constant 147456 : i32
    %add3A_1111 = arith.addi %add3A_1110, %add3A_835 : i32
    "tpu.region"() ({
      %run_scoped3A = tpu.sem_alloc : memref<!tpu.dma_semaphore, #tpu.memory_space<semaphore_mem>>
      %dma_start3A_1668 = tpu.memref_slice %arg4[%add3A_1111] : memref<294912xi32, #tpu.memory_space<hbm>> -> memref<1536xi32, #tpu.memory_space<hbm>>
      %dma_start3A_1669 = tpu.memref_slice %arg4[%add3A_1111] : memref<294912xi32, #tpu.memory_space<hbm>> -> memref<1536xi32, #tpu.memory_space<hbm>>
      tpu.enqueue_dma source(%arg7 : memref<1536xi32, #tpu.memory_space<vmem>>) target(%dma_start3A_1669 : memref<1536xi32, #tpu.memory_space<hbm>>) target_semaphore(%run_scoped3A : memref<!tpu.dma_semaphore, #tpu.memory_space<semaphore_mem>>)
      %dma_wait3A_1670 = tpu.memref_slice %arg4[%add3A_1111] : memref<294912xi32, #tpu.memory_space<hbm>> -> memref<1536xi32, #tpu.memory_space<hbm>>
      %dma_wait3A_1671 = tpu.memref_slice %arg4[%add3A_1111] : memref<294912xi32, #tpu.memory_space<hbm>> -> memref<1536xi32, #tpu.memory_space<hbm>>
      tpu.wait_dma2 semaphore(%run_scoped3A : memref<!tpu.dma_semaphore, #tpu.memory_space<semaphore_mem>>) src(%arg7 : memref<1536xi32, #tpu.memory_space<vmem>>) dst(%dma_wait3A_1671 : memref<1536xi32, #tpu.memory_space<hbm>>)
      tpu.yield
    }) : () -> ()
    %add3A_1112 = arith.constant 1536 : i32
    %add3A_1113 = arith.addi %mul3A_2, %add3A_1112 : i32
    %add3A_1114 = arith.constant 2801664 : i32
    %add3A_1115 = arith.addi %add3A_1114, %add3A_1113 : i32
    %dma_start3A_1116 = arith.constant 0 : i32
    %dma_start3A_1117 = tpu.memref_slice %arg5[%dma_start3A_1116] : memref<29184xf32, #tpu.memory_space<vmem>> -> memref<1536xf32, #tpu.memory_space<vmem>>
    %dma_start3A_1118 = tpu.memref_slice %arg2[%add3A_1115] : memref<5603328xf32, #tpu.memory_space<hbm>> -> memref<1536xf32, #tpu.memory_space<hbm>>
    %dma_start3A_1119 = arith.constant 0 : i32
    %dma_start3A_1120 = tpu.memref_slice %arg5[%dma_start3A_1119] : memref<29184xf32, #tpu.memory_space<vmem>> -> memref<1536xf32, #tpu.memory_space<vmem>>
    %dma_start3A_1121 = tpu.memref_slice %arg2[%add3A_1115] : memref<5603328xf32, #tpu.memory_space<hbm>> -> memref<1536xf32, #tpu.memory_space<hbm>>
    tpu.enqueue_dma source(%dma_start3A_1121 : memref<1536xf32, #tpu.memory_space<hbm>>) target(%dma_start3A_1120 : memref<1536xf32, #tpu.memory_space<vmem>>) target_semaphore(%arg8 : memref<!tpu.dma_semaphore, #tpu.memory_space<semaphore_mem>>)
    %add3A_1122 = arith.constant 2949120 : i32
    %add3A_1123 = arith.addi %add3A_1122, %add3A_1113 : i32
    %dma_start3A_1124 = arith.constant 1536 : i32
    %dma_start3A_1125 = tpu.memref_slice %arg5[%dma_start3A_1124] : memref<29184xf32, #tpu.memory_space<vmem>> -> memref<1536xf32, #tpu.memory_space<vmem>>
    %dma_start3A_1126 = tpu.memref_slice %arg2[%add3A_1123] : memref<5603328xf32, #tpu.memory_space<hbm>> -> memref<1536xf32, #tpu.memory_space<hbm>>
    %dma_start3A_1127 = arith.constant 1536 : i32
    %dma_start3A_1128 = tpu.memref_slice %arg5[%dma_start3A_1127] : memref<29184xf32, #tpu.memory_space<vmem>> -> memref<1536xf32, #tpu.memory_space<vmem>>
    %dma_start3A_1129 = tpu.memref_slice %arg2[%add3A_1123] : memref<5603328xf32, #tpu.memory_space<hbm>> -> memref<1536xf32, #tpu.memory_space<hbm>>
    tpu.enqueue_dma source(%dma_start3A_1129 : memref<1536xf32, #tpu.memory_space<hbm>>) target(%dma_start3A_1128 : memref<1536xf32, #tpu.memory_space<vmem>>) target_semaphore(%arg8 : memref<!tpu.dma_semaphore, #tpu.memory_space<semaphore_mem>>)
    %add3A_1130 = arith.constant 3096576 : i32
    %add3A_1131 = arith.addi %add3A_1130, %add3A_1113 : i32
    %dma_start3A_1132 = arith.constant 3072 : i32
    %dma_start3A_1133 = tpu.memref_slice %arg5[%dma_start3A_1132] : memref<29184xf32, #tpu.memory_space<vmem>> -> memref<1536xf32, #tpu.memory_space<vmem>>
    %dma_start3A_1134 = tpu.memref_slice %arg2[%add3A_1131] : memref<5603328xf32, #tpu.memory_space<hbm>> -> memref<1536xf32, #tpu.memory_space<hbm>>
    %dma_start3A_1135 = arith.constant 3072 : i32
    %dma_start3A_1136 = tpu.memref_slice %arg5[%dma_start3A_1135] : memref<29184xf32, #tpu.memory_space<vmem>> -> memref<1536xf32, #tpu.memory_space<vmem>>
    %dma_start3A_1137 = tpu.memref_slice %arg2[%add3A_1131] : memref<5603328xf32, #tpu.memory_space<hbm>> -> memref<1536xf32, #tpu.memory_space<hbm>>
    tpu.enqueue_dma source(%dma_start3A_1137 : memref<1536xf32, #tpu.memory_space<hbm>>) target(%dma_start3A_1136 : memref<1536xf32, #tpu.memory_space<vmem>>) target_semaphore(%arg8 : memref<!tpu.dma_semaphore, #tpu.memory_space<semaphore_mem>>)
    %add3A_1138 = arith.constant 3244032 : i32
    %add3A_1139 = arith.addi %add3A_1138, %add3A_1113 : i32
    %dma_start3A_1140 = arith.constant 4608 : i32
    %dma_start3A_1141 = tpu.memref_slice %arg5[%dma_start3A_1140] : memref<29184xf32, #tpu.memory_space<vmem>> -> memref<1536xf32, #tpu.memory_space<vmem>>
    %dma_start3A_1142 = tpu.memref_slice %arg2[%add3A_1139] : memref<5603328xf32, #tpu.memory_space<hbm>> -> memref<1536xf32, #tpu.memory_space<hbm>>
    %dma_start3A_1143 = arith.constant 4608 : i32
    %dma_start3A_1144 = tpu.memref_slice %arg5[%dma_start3A_1143] : memref<29184xf32, #tpu.memory_space<vmem>> -> memref<1536xf32, #tpu.memory_space<vmem>>
    %dma_start3A_1145 = tpu.memref_slice %arg2[%add3A_1139] : memref<5603328xf32, #tpu.memory_space<hbm>> -> memref<1536xf32, #tpu.memory_space<hbm>>
    tpu.enqueue_dma source(%dma_start3A_1145 : memref<1536xf32, #tpu.memory_space<hbm>>) target(%dma_start3A_1144 : memref<1536xf32, #tpu.memory_space<vmem>>) target_semaphore(%arg8 : memref<!tpu.dma_semaphore, #tpu.memory_space<semaphore_mem>>)
    %add3A_1146 = arith.constant 3391488 : i32
    %add3A_1147 = arith.addi %add3A_1146, %add3A_1113 : i32
    %dma_start3A_1148 = arith.constant 6144 : i32
    %dma_start3A_1149 = tpu.memref_slice %arg5[%dma_start3A_1148] : memref<29184xf32, #tpu.memory_space<vmem>> -> memref<1536xf32, #tpu.memory_space<vmem>>
    %dma_start3A_1150 = tpu.memref_slice %arg2[%add3A_1147] : memref<5603328xf32, #tpu.memory_space<hbm>> -> memref<1536xf32, #tpu.memory_space<hbm>>
    %dma_start3A_1151 = arith.constant 6144 : i32
    %dma_start3A_1152 = tpu.memref_slice %arg5[%dma_start3A_1151] : memref<29184xf32, #tpu.memory_space<vmem>> -> memref<1536xf32, #tpu.memory_space<vmem>>
    %dma_start3A_1153 = tpu.memref_slice %arg2[%add3A_1147] : memref<5603328xf32, #tpu.memory_space<hbm>> -> memref<1536xf32, #tpu.memory_space<hbm>>
    tpu.enqueue_dma source(%dma_start3A_1153 : memref<1536xf32, #tpu.memory_space<hbm>>) target(%dma_start3A_1152 : memref<1536xf32, #tpu.memory_space<vmem>>) target_semaphore(%arg8 : memref<!tpu.dma_semaphore, #tpu.memory_space<semaphore_mem>>)
    %add3A_1154 = arith.constant 3538944 : i32
    %add3A_1155 = arith.addi %add3A_1154, %add3A_1113 : i32
    %dma_start3A_1156 = arith.constant 7680 : i32
    %dma_start3A_1157 = tpu.memref_slice %arg5[%dma_start3A_1156] : memref<29184xf32, #tpu.memory_space<vmem>> -> memref<1536xf32, #tpu.memory_space<vmem>>
    %dma_start3A_1158 = tpu.memref_slice %arg2[%add3A_1155] : memref<5603328xf32, #tpu.memory_space<hbm>> -> memref<1536xf32, #tpu.memory_space<hbm>>
    %dma_start3A_1159 = arith.constant 7680 : i32
    %dma_start3A_1160 = tpu.memref_slice %arg5[%dma_start3A_1159] : memref<29184xf32, #tpu.memory_space<vmem>> -> memref<1536xf32, #tpu.memory_space<vmem>>
    %dma_start3A_1161 = tpu.memref_slice %arg2[%add3A_1155] : memref<5603328xf32, #tpu.memory_space<hbm>> -> memref<1536xf32, #tpu.memory_space<hbm>>
    tpu.enqueue_dma source(%dma_start3A_1161 : memref<1536xf32, #tpu.memory_space<hbm>>) target(%dma_start3A_1160 : memref<1536xf32, #tpu.memory_space<vmem>>) target_semaphore(%arg8 : memref<!tpu.dma_semaphore, #tpu.memory_space<semaphore_mem>>)
    %add3A_1162 = arith.constant 3686400 : i32
    %add3A_1163 = arith.addi %add3A_1162, %add3A_1113 : i32
    %dma_start3A_1164 = arith.constant 9216 : i32
    %dma_start3A_1165 = tpu.memref_slice %arg5[%dma_start3A_1164] : memref<29184xf32, #tpu.memory_space<vmem>> -> memref<1536xf32, #tpu.memory_space<vmem>>
    %dma_start3A_1166 = tpu.memref_slice %arg2[%add3A_1163] : memref<5603328xf32, #tpu.memory_space<hbm>> -> memref<1536xf32, #tpu.memory_space<hbm>>
    %dma_start3A_1167 = arith.constant 9216 : i32
    %dma_start3A_1168 = tpu.memref_slice %arg5[%dma_start3A_1167] : memref<29184xf32, #tpu.memory_space<vmem>> -> memref<1536xf32, #tpu.memory_space<vmem>>
    %dma_start3A_1169 = tpu.memref_slice %arg2[%add3A_1163] : memref<5603328xf32, #tpu.memory_space<hbm>> -> memref<1536xf32, #tpu.memory_space<hbm>>
    tpu.enqueue_dma source(%dma_start3A_1169 : memref<1536xf32, #tpu.memory_space<hbm>>) target(%dma_start3A_1168 : memref<1536xf32, #tpu.memory_space<vmem>>) target_semaphore(%arg8 : memref<!tpu.dma_semaphore, #tpu.memory_space<semaphore_mem>>)
    %add3A_1170 = arith.constant 3833856 : i32
    %add3A_1171 = arith.addi %add3A_1170, %add3A_1113 : i32
    %dma_start3A_1172 = arith.constant 10752 : i32
    %dma_start3A_1173 = tpu.memref_slice %arg5[%dma_start3A_1172] : memref<29184xf32, #tpu.memory_space<vmem>> -> memref<1536xf32, #tpu.memory_space<vmem>>
    %dma_start3A_1174 = tpu.memref_slice %arg2[%add3A_1171] : memref<5603328xf32, #tpu.memory_space<hbm>> -> memref<1536xf32, #tpu.memory_space<hbm>>
    %dma_start3A_1175 = arith.constant 10752 : i32
    %dma_start3A_1176 = tpu.memref_slice %arg5[%dma_start3A_1175] : memref<29184xf32, #tpu.memory_space<vmem>> -> memref<1536xf32, #tpu.memory_space<vmem>>
    %dma_start3A_1177 = tpu.memref_slice %arg2[%add3A_1171] : memref<5603328xf32, #tpu.memory_space<hbm>> -> memref<1536xf32, #tpu.memory_space<hbm>>
    tpu.enqueue_dma source(%dma_start3A_1177 : memref<1536xf32, #tpu.memory_space<hbm>>) target(%dma_start3A_1176 : memref<1536xf32, #tpu.memory_space<vmem>>) target_semaphore(%arg8 : memref<!tpu.dma_semaphore, #tpu.memory_space<semaphore_mem>>)
    %add3A_1178 = arith.constant 3981312 : i32
    %add3A_1179 = arith.addi %add3A_1178, %add3A_1113 : i32
    %dma_start3A_1180 = arith.constant 12288 : i32
    %dma_start3A_1181 = tpu.memref_slice %arg5[%dma_start3A_1180] : memref<29184xf32, #tpu.memory_space<vmem>> -> memref<1536xf32, #tpu.memory_space<vmem>>
    %dma_start3A_1182 = tpu.memref_slice %arg2[%add3A_1179] : memref<5603328xf32, #tpu.memory_space<hbm>> -> memref<1536xf32, #tpu.memory_space<hbm>>
    %dma_start3A_1183 = arith.constant 12288 : i32
    %dma_start3A_1184 = tpu.memref_slice %arg5[%dma_start3A_1183] : memref<29184xf32, #tpu.memory_space<vmem>> -> memref<1536xf32, #tpu.memory_space<vmem>>
    %dma_start3A_1185 = tpu.memref_slice %arg2[%add3A_1179] : memref<5603328xf32, #tpu.memory_space<hbm>> -> memref<1536xf32, #tpu.memory_space<hbm>>
    tpu.enqueue_dma source(%dma_start3A_1185 : memref<1536xf32, #tpu.memory_space<hbm>>) target(%dma_start3A_1184 : memref<1536xf32, #tpu.memory_space<vmem>>) target_semaphore(%arg8 : memref<!tpu.dma_semaphore, #tpu.memory_space<semaphore_mem>>)
    %add3A_1186 = arith.constant 4128768 : i32
    %add3A_1187 = arith.addi %add3A_1186, %add3A_1113 : i32
    %dma_start3A_1188 = arith.constant 13824 : i32
    %dma_start3A_1189 = tpu.memref_slice %arg5[%dma_start3A_1188] : memref<29184xf32, #tpu.memory_space<vmem>> -> memref<1536xf32, #tpu.memory_space<vmem>>
    %dma_start3A_1190 = tpu.memref_slice %arg2[%add3A_1187] : memref<5603328xf32, #tpu.memory_space<hbm>> -> memref<1536xf32, #tpu.memory_space<hbm>>
    %dma_start3A_1191 = arith.constant 13824 : i32
    %dma_start3A_1192 = tpu.memref_slice %arg5[%dma_start3A_1191] : memref<29184xf32, #tpu.memory_space<vmem>> -> memref<1536xf32, #tpu.memory_space<vmem>>
    %dma_start3A_1193 = tpu.memref_slice %arg2[%add3A_1187] : memref<5603328xf32, #tpu.memory_space<hbm>> -> memref<1536xf32, #tpu.memory_space<hbm>>
    tpu.enqueue_dma source(%dma_start3A_1193 : memref<1536xf32, #tpu.memory_space<hbm>>) target(%dma_start3A_1192 : memref<1536xf32, #tpu.memory_space<vmem>>) target_semaphore(%arg8 : memref<!tpu.dma_semaphore, #tpu.memory_space<semaphore_mem>>)
    %add3A_1194 = arith.constant 4276224 : i32
    %add3A_1195 = arith.addi %add3A_1194, %add3A_1113 : i32
    %dma_start3A_1196 = arith.constant 15360 : i32
    %dma_start3A_1197 = tpu.memref_slice %arg5[%dma_start3A_1196] : memref<29184xf32, #tpu.memory_space<vmem>> -> memref<1536xf32, #tpu.memory_space<vmem>>
    %dma_start3A_1198 = tpu.memref_slice %arg2[%add3A_1195] : memref<5603328xf32, #tpu.memory_space<hbm>> -> memref<1536xf32, #tpu.memory_space<hbm>>
    %dma_start3A_1199 = arith.constant 15360 : i32
    %dma_start3A_1200 = tpu.memref_slice %arg5[%dma_start3A_1199] : memref<29184xf32, #tpu.memory_space<vmem>> -> memref<1536xf32, #tpu.memory_space<vmem>>
    %dma_start3A_1201 = tpu.memref_slice %arg2[%add3A_1195] : memref<5603328xf32, #tpu.memory_space<hbm>> -> memref<1536xf32, #tpu.memory_space<hbm>>
    tpu.enqueue_dma source(%dma_start3A_1201 : memref<1536xf32, #tpu.memory_space<hbm>>) target(%dma_start3A_1200 : memref<1536xf32, #tpu.memory_space<vmem>>) target_semaphore(%arg8 : memref<!tpu.dma_semaphore, #tpu.memory_space<semaphore_mem>>)
    %add3A_1202 = arith.constant 4423680 : i32
    %add3A_1203 = arith.addi %add3A_1202, %add3A_1113 : i32
    %dma_start3A_1204 = arith.constant 16896 : i32
    %dma_start3A_1205 = tpu.memref_slice %arg5[%dma_start3A_1204] : memref<29184xf32, #tpu.memory_space<vmem>> -> memref<1536xf32, #tpu.memory_space<vmem>>
    %dma_start3A_1206 = tpu.memref_slice %arg2[%add3A_1203] : memref<5603328xf32, #tpu.memory_space<hbm>> -> memref<1536xf32, #tpu.memory_space<hbm>>
    %dma_start3A_1207 = arith.constant 16896 : i32
    %dma_start3A_1208 = tpu.memref_slice %arg5[%dma_start3A_1207] : memref<29184xf32, #tpu.memory_space<vmem>> -> memref<1536xf32, #tpu.memory_space<vmem>>
    %dma_start3A_1209 = tpu.memref_slice %arg2[%add3A_1203] : memref<5603328xf32, #tpu.memory_space<hbm>> -> memref<1536xf32, #tpu.memory_space<hbm>>
    tpu.enqueue_dma source(%dma_start3A_1209 : memref<1536xf32, #tpu.memory_space<hbm>>) target(%dma_start3A_1208 : memref<1536xf32, #tpu.memory_space<vmem>>) target_semaphore(%arg8 : memref<!tpu.dma_semaphore, #tpu.memory_space<semaphore_mem>>)
    %add3A_1210 = arith.constant 4571136 : i32
    %add3A_1211 = arith.addi %add3A_1210, %add3A_1113 : i32
    %dma_start3A_1212 = arith.constant 18432 : i32
    %dma_start3A_1213 = tpu.memref_slice %arg5[%dma_start3A_1212] : memref<29184xf32, #tpu.memory_space<vmem>> -> memref<1536xf32, #tpu.memory_space<vmem>>
    %dma_start3A_1214 = tpu.memref_slice %arg2[%add3A_1211] : memref<5603328xf32, #tpu.memory_space<hbm>> -> memref<1536xf32, #tpu.memory_space<hbm>>
    %dma_start3A_1215 = arith.constant 18432 : i32
    %dma_start3A_1216 = tpu.memref_slice %arg5[%dma_start3A_1215] : memref<29184xf32, #tpu.memory_space<vmem>> -> memref<1536xf32, #tpu.memory_space<vmem>>
    %dma_start3A_1217 = tpu.memref_slice %arg2[%add3A_1211] : memref<5603328xf32, #tpu.memory_space<hbm>> -> memref<1536xf32, #tpu.memory_space<hbm>>
    tpu.enqueue_dma source(%dma_start3A_1217 : memref<1536xf32, #tpu.memory_space<hbm>>) target(%dma_start3A_1216 : memref<1536xf32, #tpu.memory_space<vmem>>) target_semaphore(%arg8 : memref<!tpu.dma_semaphore, #tpu.memory_space<semaphore_mem>>)
    %add3A_1218 = arith.constant 4718592 : i32
    %add3A_1219 = arith.addi %add3A_1218, %add3A_1113 : i32
    %dma_start3A_1220 = arith.constant 19968 : i32
    %dma_start3A_1221 = tpu.memref_slice %arg5[%dma_start3A_1220] : memref<29184xf32, #tpu.memory_space<vmem>> -> memref<1536xf32, #tpu.memory_space<vmem>>
    %dma_start3A_1222 = tpu.memref_slice %arg2[%add3A_1219] : memref<5603328xf32, #tpu.memory_space<hbm>> -> memref<1536xf32, #tpu.memory_space<hbm>>
    %dma_start3A_1223 = arith.constant 19968 : i32
    %dma_start3A_1224 = tpu.memref_slice %arg5[%dma_start3A_1223] : memref<29184xf32, #tpu.memory_space<vmem>> -> memref<1536xf32, #tpu.memory_space<vmem>>
    %dma_start3A_1225 = tpu.memref_slice %arg2[%add3A_1219] : memref<5603328xf32, #tpu.memory_space<hbm>> -> memref<1536xf32, #tpu.memory_space<hbm>>
    tpu.enqueue_dma source(%dma_start3A_1225 : memref<1536xf32, #tpu.memory_space<hbm>>) target(%dma_start3A_1224 : memref<1536xf32, #tpu.memory_space<vmem>>) target_semaphore(%arg8 : memref<!tpu.dma_semaphore, #tpu.memory_space<semaphore_mem>>)
    %add3A_1226 = arith.constant 4866048 : i32
    %add3A_1227 = arith.addi %add3A_1226, %add3A_1113 : i32
    %dma_start3A_1228 = arith.constant 21504 : i32
    %dma_start3A_1229 = tpu.memref_slice %arg5[%dma_start3A_1228] : memref<29184xf32, #tpu.memory_space<vmem>> -> memref<1536xf32, #tpu.memory_space<vmem>>
    %dma_start3A_1230 = tpu.memref_slice %arg2[%add3A_1227] : memref<5603328xf32, #tpu.memory_space<hbm>> -> memref<1536xf32, #tpu.memory_space<hbm>>
    %dma_start3A_1231 = arith.constant 21504 : i32
    %dma_start3A_1232 = tpu.memref_slice %arg5[%dma_start3A_1231] : memref<29184xf32, #tpu.memory_space<vmem>> -> memref<1536xf32, #tpu.memory_space<vmem>>
    %dma_start3A_1233 = tpu.memref_slice %arg2[%add3A_1227] : memref<5603328xf32, #tpu.memory_space<hbm>> -> memref<1536xf32, #tpu.memory_space<hbm>>
    tpu.enqueue_dma source(%dma_start3A_1233 : memref<1536xf32, #tpu.memory_space<hbm>>) target(%dma_start3A_1232 : memref<1536xf32, #tpu.memory_space<vmem>>) target_semaphore(%arg8 : memref<!tpu.dma_semaphore, #tpu.memory_space<semaphore_mem>>)
    %add3A_1234 = arith.constant 5013504 : i32
    %add3A_1235 = arith.addi %add3A_1234, %add3A_1113 : i32
    %dma_start3A_1236 = arith.constant 23040 : i32
    %dma_start3A_1237 = tpu.memref_slice %arg5[%dma_start3A_1236] : memref<29184xf32, #tpu.memory_space<vmem>> -> memref<1536xf32, #tpu.memory_space<vmem>>
    %dma_start3A_1238 = tpu.memref_slice %arg2[%add3A_1235] : memref<5603328xf32, #tpu.memory_space<hbm>> -> memref<1536xf32, #tpu.memory_space<hbm>>
    %dma_start3A_1239 = arith.constant 23040 : i32
    %dma_start3A_1240 = tpu.memref_slice %arg5[%dma_start3A_1239] : memref<29184xf32, #tpu.memory_space<vmem>> -> memref<1536xf32, #tpu.memory_space<vmem>>
    %dma_start3A_1241 = tpu.memref_slice %arg2[%add3A_1235] : memref<5603328xf32, #tpu.memory_space<hbm>> -> memref<1536xf32, #tpu.memory_space<hbm>>
    tpu.enqueue_dma source(%dma_start3A_1241 : memref<1536xf32, #tpu.memory_space<hbm>>) target(%dma_start3A_1240 : memref<1536xf32, #tpu.memory_space<vmem>>) target_semaphore(%arg8 : memref<!tpu.dma_semaphore, #tpu.memory_space<semaphore_mem>>)
    %add3A_1242 = arith.constant 5160960 : i32
    %add3A_1243 = arith.addi %add3A_1242, %add3A_1113 : i32
    %dma_start3A_1244 = arith.constant 24576 : i32
    %dma_start3A_1245 = tpu.memref_slice %arg5[%dma_start3A_1244] : memref<29184xf32, #tpu.memory_space<vmem>> -> memref<1536xf32, #tpu.memory_space<vmem>>
    %dma_start3A_1246 = tpu.memref_slice %arg2[%add3A_1243] : memref<5603328xf32, #tpu.memory_space<hbm>> -> memref<1536xf32, #tpu.memory_space<hbm>>
    %dma_start3A_1247 = arith.constant 24576 : i32
    %dma_start3A_1248 = tpu.memref_slice %arg5[%dma_start3A_1247] : memref<29184xf32, #tpu.memory_space<vmem>> -> memref<1536xf32, #tpu.memory_space<vmem>>
    %dma_start3A_1249 = tpu.memref_slice %arg2[%add3A_1243] : memref<5603328xf32, #tpu.memory_space<hbm>> -> memref<1536xf32, #tpu.memory_space<hbm>>
    tpu.enqueue_dma source(%dma_start3A_1249 : memref<1536xf32, #tpu.memory_space<hbm>>) target(%dma_start3A_1248 : memref<1536xf32, #tpu.memory_space<vmem>>) target_semaphore(%arg8 : memref<!tpu.dma_semaphore, #tpu.memory_space<semaphore_mem>>)
    %add3A_1250 = arith.constant 5308416 : i32
    %add3A_1251 = arith.addi %add3A_1250, %add3A_1113 : i32
    %dma_start3A_1252 = arith.constant 26112 : i32
    %dma_start3A_1253 = tpu.memref_slice %arg5[%dma_start3A_1252] : memref<29184xf32, #tpu.memory_space<vmem>> -> memref<1536xf32, #tpu.memory_space<vmem>>
    %dma_start3A_1254 = tpu.memref_slice %arg2[%add3A_1251] : memref<5603328xf32, #tpu.memory_space<hbm>> -> memref<1536xf32, #tpu.memory_space<hbm>>
    %dma_start3A_1255 = arith.constant 26112 : i32
    %dma_start3A_1256 = tpu.memref_slice %arg5[%dma_start3A_1255] : memref<29184xf32, #tpu.memory_space<vmem>> -> memref<1536xf32, #tpu.memory_space<vmem>>
    %dma_start3A_1257 = tpu.memref_slice %arg2[%add3A_1251] : memref<5603328xf32, #tpu.memory_space<hbm>> -> memref<1536xf32, #tpu.memory_space<hbm>>
    tpu.enqueue_dma source(%dma_start3A_1257 : memref<1536xf32, #tpu.memory_space<hbm>>) target(%dma_start3A_1256 : memref<1536xf32, #tpu.memory_space<vmem>>) target_semaphore(%arg8 : memref<!tpu.dma_semaphore, #tpu.memory_space<semaphore_mem>>)
    %add3A_1258 = arith.constant 5455872 : i32
    %add3A_1259 = arith.addi %add3A_1258, %add3A_1113 : i32
    %dma_start3A_1260 = arith.constant 27648 : i32
    %dma_start3A_1261 = tpu.memref_slice %arg5[%dma_start3A_1260] : memref<29184xf32, #tpu.memory_space<vmem>> -> memref<1536xf32, #tpu.memory_space<vmem>>
    %dma_start3A_1262 = tpu.memref_slice %arg2[%add3A_1259] : memref<5603328xf32, #tpu.memory_space<hbm>> -> memref<1536xf32, #tpu.memory_space<hbm>>
    %dma_start3A_1263 = arith.constant 27648 : i32
    %dma_start3A_1264 = tpu.memref_slice %arg5[%dma_start3A_1263] : memref<29184xf32, #tpu.memory_space<vmem>> -> memref<1536xf32, #tpu.memory_space<vmem>>
    %dma_start3A_1265 = tpu.memref_slice %arg2[%add3A_1259] : memref<5603328xf32, #tpu.memory_space<hbm>> -> memref<1536xf32, #tpu.memory_space<hbm>>
    tpu.enqueue_dma source(%dma_start3A_1265 : memref<1536xf32, #tpu.memory_space<hbm>>) target(%dma_start3A_1264 : memref<1536xf32, #tpu.memory_space<vmem>>) target_semaphore(%arg8 : memref<!tpu.dma_semaphore, #tpu.memory_space<semaphore_mem>>)
    %dma_wait3A_1266 = arith.constant 0 : i32
    %dma_wait3A_1267 = tpu.memref_slice %arg5[%dma_wait3A_1266] : memref<29184xf32, #tpu.memory_space<vmem>> -> memref<1536xf32, #tpu.memory_space<vmem>>
    %dma_wait3A_1268 = tpu.memref_slice %arg2[%add3A_1115] : memref<5603328xf32, #tpu.memory_space<hbm>> -> memref<1536xf32, #tpu.memory_space<hbm>>
    %dma_wait3A_1269 = arith.constant 0 : i32
    %dma_wait3A_1270 = tpu.memref_slice %arg5[%dma_wait3A_1269] : memref<29184xf32, #tpu.memory_space<vmem>> -> memref<1536xf32, #tpu.memory_space<vmem>>
    %dma_wait3A_1271 = tpu.memref_slice %arg2[%add3A_1115] : memref<5603328xf32, #tpu.memory_space<hbm>> -> memref<1536xf32, #tpu.memory_space<hbm>>
    tpu.wait_dma2 semaphore(%arg8 : memref<!tpu.dma_semaphore, #tpu.memory_space<semaphore_mem>>) src(%dma_wait3A_1271 : memref<1536xf32, #tpu.memory_space<hbm>>) dst(%dma_wait3A_1270 : memref<1536xf32, #tpu.memory_space<vmem>>)
    %dma_wait3A_1272 = arith.constant 1536 : i32
    %dma_wait3A_1273 = tpu.memref_slice %arg5[%dma_wait3A_1272] : memref<29184xf32, #tpu.memory_space<vmem>> -> memref<1536xf32, #tpu.memory_space<vmem>>
    %dma_wait3A_1274 = tpu.memref_slice %arg2[%add3A_1123] : memref<5603328xf32, #tpu.memory_space<hbm>> -> memref<1536xf32, #tpu.memory_space<hbm>>
    %dma_wait3A_1275 = arith.constant 1536 : i32
    %dma_wait3A_1276 = tpu.memref_slice %arg5[%dma_wait3A_1275] : memref<29184xf32, #tpu.memory_space<vmem>> -> memref<1536xf32, #tpu.memory_space<vmem>>
    %dma_wait3A_1277 = tpu.memref_slice %arg2[%add3A_1123] : memref<5603328xf32, #tpu.memory_space<hbm>> -> memref<1536xf32, #tpu.memory_space<hbm>>
    tpu.wait_dma2 semaphore(%arg8 : memref<!tpu.dma_semaphore, #tpu.memory_space<semaphore_mem>>) src(%dma_wait3A_1277 : memref<1536xf32, #tpu.memory_space<hbm>>) dst(%dma_wait3A_1276 : memref<1536xf32, #tpu.memory_space<vmem>>)
    %dma_wait3A_1278 = arith.constant 3072 : i32
    %dma_wait3A_1279 = tpu.memref_slice %arg5[%dma_wait3A_1278] : memref<29184xf32, #tpu.memory_space<vmem>> -> memref<1536xf32, #tpu.memory_space<vmem>>
    %dma_wait3A_1280 = tpu.memref_slice %arg2[%add3A_1131] : memref<5603328xf32, #tpu.memory_space<hbm>> -> memref<1536xf32, #tpu.memory_space<hbm>>
    %dma_wait3A_1281 = arith.constant 3072 : i32
    %dma_wait3A_1282 = tpu.memref_slice %arg5[%dma_wait3A_1281] : memref<29184xf32, #tpu.memory_space<vmem>> -> memref<1536xf32, #tpu.memory_space<vmem>>
    %dma_wait3A_1283 = tpu.memref_slice %arg2[%add3A_1131] : memref<5603328xf32, #tpu.memory_space<hbm>> -> memref<1536xf32, #tpu.memory_space<hbm>>
    tpu.wait_dma2 semaphore(%arg8 : memref<!tpu.dma_semaphore, #tpu.memory_space<semaphore_mem>>) src(%dma_wait3A_1283 : memref<1536xf32, #tpu.memory_space<hbm>>) dst(%dma_wait3A_1282 : memref<1536xf32, #tpu.memory_space<vmem>>)
    %dma_wait3A_1284 = arith.constant 4608 : i32
    %dma_wait3A_1285 = tpu.memref_slice %arg5[%dma_wait3A_1284] : memref<29184xf32, #tpu.memory_space<vmem>> -> memref<1536xf32, #tpu.memory_space<vmem>>
    %dma_wait3A_1286 = tpu.memref_slice %arg2[%add3A_1139] : memref<5603328xf32, #tpu.memory_space<hbm>> -> memref<1536xf32, #tpu.memory_space<hbm>>
    %dma_wait3A_1287 = arith.constant 4608 : i32
    %dma_wait3A_1288 = tpu.memref_slice %arg5[%dma_wait3A_1287] : memref<29184xf32, #tpu.memory_space<vmem>> -> memref<1536xf32, #tpu.memory_space<vmem>>
    %dma_wait3A_1289 = tpu.memref_slice %arg2[%add3A_1139] : memref<5603328xf32, #tpu.memory_space<hbm>> -> memref<1536xf32, #tpu.memory_space<hbm>>
    tpu.wait_dma2 semaphore(%arg8 : memref<!tpu.dma_semaphore, #tpu.memory_space<semaphore_mem>>) src(%dma_wait3A_1289 : memref<1536xf32, #tpu.memory_space<hbm>>) dst(%dma_wait3A_1288 : memref<1536xf32, #tpu.memory_space<vmem>>)
    %dma_wait3A_1290 = arith.constant 6144 : i32
    %dma_wait3A_1291 = tpu.memref_slice %arg5[%dma_wait3A_1290] : memref<29184xf32, #tpu.memory_space<vmem>> -> memref<1536xf32, #tpu.memory_space<vmem>>
    %dma_wait3A_1292 = tpu.memref_slice %arg2[%add3A_1147] : memref<5603328xf32, #tpu.memory_space<hbm>> -> memref<1536xf32, #tpu.memory_space<hbm>>
    %dma_wait3A_1293 = arith.constant 6144 : i32
    %dma_wait3A_1294 = tpu.memref_slice %arg5[%dma_wait3A_1293] : memref<29184xf32, #tpu.memory_space<vmem>> -> memref<1536xf32, #tpu.memory_space<vmem>>
    %dma_wait3A_1295 = tpu.memref_slice %arg2[%add3A_1147] : memref<5603328xf32, #tpu.memory_space<hbm>> -> memref<1536xf32, #tpu.memory_space<hbm>>
    tpu.wait_dma2 semaphore(%arg8 : memref<!tpu.dma_semaphore, #tpu.memory_space<semaphore_mem>>) src(%dma_wait3A_1295 : memref<1536xf32, #tpu.memory_space<hbm>>) dst(%dma_wait3A_1294 : memref<1536xf32, #tpu.memory_space<vmem>>)
    %dma_wait3A_1296 = arith.constant 7680 : i32
    %dma_wait3A_1297 = tpu.memref_slice %arg5[%dma_wait3A_1296] : memref<29184xf32, #tpu.memory_space<vmem>> -> memref<1536xf32, #tpu.memory_space<vmem>>
    %dma_wait3A_1298 = tpu.memref_slice %arg2[%add3A_1155] : memref<5603328xf32, #tpu.memory_space<hbm>> -> memref<1536xf32, #tpu.memory_space<hbm>>
    %dma_wait3A_1299 = arith.constant 7680 : i32
    %dma_wait3A_1300 = tpu.memref_slice %arg5[%dma_wait3A_1299] : memref<29184xf32, #tpu.memory_space<vmem>> -> memref<1536xf32, #tpu.memory_space<vmem>>
    %dma_wait3A_1301 = tpu.memref_slice %arg2[%add3A_1155] : memref<5603328xf32, #tpu.memory_space<hbm>> -> memref<1536xf32, #tpu.memory_space<hbm>>
    tpu.wait_dma2 semaphore(%arg8 : memref<!tpu.dma_semaphore, #tpu.memory_space<semaphore_mem>>) src(%dma_wait3A_1301 : memref<1536xf32, #tpu.memory_space<hbm>>) dst(%dma_wait3A_1300 : memref<1536xf32, #tpu.memory_space<vmem>>)
    %dma_wait3A_1302 = arith.constant 9216 : i32
    %dma_wait3A_1303 = tpu.memref_slice %arg5[%dma_wait3A_1302] : memref<29184xf32, #tpu.memory_space<vmem>> -> memref<1536xf32, #tpu.memory_space<vmem>>
    %dma_wait3A_1304 = tpu.memref_slice %arg2[%add3A_1163] : memref<5603328xf32, #tpu.memory_space<hbm>> -> memref<1536xf32, #tpu.memory_space<hbm>>
    %dma_wait3A_1305 = arith.constant 9216 : i32
    %dma_wait3A_1306 = tpu.memref_slice %arg5[%dma_wait3A_1305] : memref<29184xf32, #tpu.memory_space<vmem>> -> memref<1536xf32, #tpu.memory_space<vmem>>
    %dma_wait3A_1307 = tpu.memref_slice %arg2[%add3A_1163] : memref<5603328xf32, #tpu.memory_space<hbm>> -> memref<1536xf32, #tpu.memory_space<hbm>>
    tpu.wait_dma2 semaphore(%arg8 : memref<!tpu.dma_semaphore, #tpu.memory_space<semaphore_mem>>) src(%dma_wait3A_1307 : memref<1536xf32, #tpu.memory_space<hbm>>) dst(%dma_wait3A_1306 : memref<1536xf32, #tpu.memory_space<vmem>>)
    %dma_wait3A_1308 = arith.constant 10752 : i32
    %dma_wait3A_1309 = tpu.memref_slice %arg5[%dma_wait3A_1308] : memref<29184xf32, #tpu.memory_space<vmem>> -> memref<1536xf32, #tpu.memory_space<vmem>>
    %dma_wait3A_1310 = tpu.memref_slice %arg2[%add3A_1171] : memref<5603328xf32, #tpu.memory_space<hbm>> -> memref<1536xf32, #tpu.memory_space<hbm>>
    %dma_wait3A_1311 = arith.constant 10752 : i32
    %dma_wait3A_1312 = tpu.memref_slice %arg5[%dma_wait3A_1311] : memref<29184xf32, #tpu.memory_space<vmem>> -> memref<1536xf32, #tpu.memory_space<vmem>>
    %dma_wait3A_1313 = tpu.memref_slice %arg2[%add3A_1171] : memref<5603328xf32, #tpu.memory_space<hbm>> -> memref<1536xf32, #tpu.memory_space<hbm>>
    tpu.wait_dma2 semaphore(%arg8 : memref<!tpu.dma_semaphore, #tpu.memory_space<semaphore_mem>>) src(%dma_wait3A_1313 : memref<1536xf32, #tpu.memory_space<hbm>>) dst(%dma_wait3A_1312 : memref<1536xf32, #tpu.memory_space<vmem>>)
    %dma_wait3A_1314 = arith.constant 12288 : i32
    %dma_wait3A_1315 = tpu.memref_slice %arg5[%dma_wait3A_1314] : memref<29184xf32, #tpu.memory_space<vmem>> -> memref<1536xf32, #tpu.memory_space<vmem>>
    %dma_wait3A_1316 = tpu.memref_slice %arg2[%add3A_1179] : memref<5603328xf32, #tpu.memory_space<hbm>> -> memref<1536xf32, #tpu.memory_space<hbm>>
    %dma_wait3A_1317 = arith.constant 12288 : i32
    %dma_wait3A_1318 = tpu.memref_slice %arg5[%dma_wait3A_1317] : memref<29184xf32, #tpu.memory_space<vmem>> -> memref<1536xf32, #tpu.memory_space<vmem>>
    %dma_wait3A_1319 = tpu.memref_slice %arg2[%add3A_1179] : memref<5603328xf32, #tpu.memory_space<hbm>> -> memref<1536xf32, #tpu.memory_space<hbm>>
    tpu.wait_dma2 semaphore(%arg8 : memref<!tpu.dma_semaphore, #tpu.memory_space<semaphore_mem>>) src(%dma_wait3A_1319 : memref<1536xf32, #tpu.memory_space<hbm>>) dst(%dma_wait3A_1318 : memref<1536xf32, #tpu.memory_space<vmem>>)
    %dma_wait3A_1320 = arith.constant 13824 : i32
    %dma_wait3A_1321 = tpu.memref_slice %arg5[%dma_wait3A_1320] : memref<29184xf32, #tpu.memory_space<vmem>> -> memref<1536xf32, #tpu.memory_space<vmem>>
    %dma_wait3A_1322 = tpu.memref_slice %arg2[%add3A_1187] : memref<5603328xf32, #tpu.memory_space<hbm>> -> memref<1536xf32, #tpu.memory_space<hbm>>
    %dma_wait3A_1323 = arith.constant 13824 : i32
    %dma_wait3A_1324 = tpu.memref_slice %arg5[%dma_wait3A_1323] : memref<29184xf32, #tpu.memory_space<vmem>> -> memref<1536xf32, #tpu.memory_space<vmem>>
    %dma_wait3A_1325 = tpu.memref_slice %arg2[%add3A_1187] : memref<5603328xf32, #tpu.memory_space<hbm>> -> memref<1536xf32, #tpu.memory_space<hbm>>
    tpu.wait_dma2 semaphore(%arg8 : memref<!tpu.dma_semaphore, #tpu.memory_space<semaphore_mem>>) src(%dma_wait3A_1325 : memref<1536xf32, #tpu.memory_space<hbm>>) dst(%dma_wait3A_1324 : memref<1536xf32, #tpu.memory_space<vmem>>)
    %dma_wait3A_1326 = arith.constant 15360 : i32
    %dma_wait3A_1327 = tpu.memref_slice %arg5[%dma_wait3A_1326] : memref<29184xf32, #tpu.memory_space<vmem>> -> memref<1536xf32, #tpu.memory_space<vmem>>
    %dma_wait3A_1328 = tpu.memref_slice %arg2[%add3A_1195] : memref<5603328xf32, #tpu.memory_space<hbm>> -> memref<1536xf32, #tpu.memory_space<hbm>>
    %dma_wait3A_1329 = arith.constant 15360 : i32
    %dma_wait3A_1330 = tpu.memref_slice %arg5[%dma_wait3A_1329] : memref<29184xf32, #tpu.memory_space<vmem>> -> memref<1536xf32, #tpu.memory_space<vmem>>
    %dma_wait3A_1331 = tpu.memref_slice %arg2[%add3A_1195] : memref<5603328xf32, #tpu.memory_space<hbm>> -> memref<1536xf32, #tpu.memory_space<hbm>>
    tpu.wait_dma2 semaphore(%arg8 : memref<!tpu.dma_semaphore, #tpu.memory_space<semaphore_mem>>) src(%dma_wait3A_1331 : memref<1536xf32, #tpu.memory_space<hbm>>) dst(%dma_wait3A_1330 : memref<1536xf32, #tpu.memory_space<vmem>>)
    %dma_wait3A_1332 = arith.constant 16896 : i32
    %dma_wait3A_1333 = tpu.memref_slice %arg5[%dma_wait3A_1332] : memref<29184xf32, #tpu.memory_space<vmem>> -> memref<1536xf32, #tpu.memory_space<vmem>>
    %dma_wait3A_1334 = tpu.memref_slice %arg2[%add3A_1203] : memref<5603328xf32, #tpu.memory_space<hbm>> -> memref<1536xf32, #tpu.memory_space<hbm>>
    %dma_wait3A_1335 = arith.constant 16896 : i32
    %dma_wait3A_1336 = tpu.memref_slice %arg5[%dma_wait3A_1335] : memref<29184xf32, #tpu.memory_space<vmem>> -> memref<1536xf32, #tpu.memory_space<vmem>>
    %dma_wait3A_1337 = tpu.memref_slice %arg2[%add3A_1203] : memref<5603328xf32, #tpu.memory_space<hbm>> -> memref<1536xf32, #tpu.memory_space<hbm>>
    tpu.wait_dma2 semaphore(%arg8 : memref<!tpu.dma_semaphore, #tpu.memory_space<semaphore_mem>>) src(%dma_wait3A_1337 : memref<1536xf32, #tpu.memory_space<hbm>>) dst(%dma_wait3A_1336 : memref<1536xf32, #tpu.memory_space<vmem>>)
    %dma_wait3A_1338 = arith.constant 18432 : i32
    %dma_wait3A_1339 = tpu.memref_slice %arg5[%dma_wait3A_1338] : memref<29184xf32, #tpu.memory_space<vmem>> -> memref<1536xf32, #tpu.memory_space<vmem>>
    %dma_wait3A_1340 = tpu.memref_slice %arg2[%add3A_1211] : memref<5603328xf32, #tpu.memory_space<hbm>> -> memref<1536xf32, #tpu.memory_space<hbm>>
    %dma_wait3A_1341 = arith.constant 18432 : i32
    %dma_wait3A_1342 = tpu.memref_slice %arg5[%dma_wait3A_1341] : memref<29184xf32, #tpu.memory_space<vmem>> -> memref<1536xf32, #tpu.memory_space<vmem>>
    %dma_wait3A_1343 = tpu.memref_slice %arg2[%add3A_1211] : memref<5603328xf32, #tpu.memory_space<hbm>> -> memref<1536xf32, #tpu.memory_space<hbm>>
    tpu.wait_dma2 semaphore(%arg8 : memref<!tpu.dma_semaphore, #tpu.memory_space<semaphore_mem>>) src(%dma_wait3A_1343 : memref<1536xf32, #tpu.memory_space<hbm>>) dst(%dma_wait3A_1342 : memref<1536xf32, #tpu.memory_space<vmem>>)
    %dma_wait3A_1344 = arith.constant 19968 : i32
    %dma_wait3A_1345 = tpu.memref_slice %arg5[%dma_wait3A_1344] : memref<29184xf32, #tpu.memory_space<vmem>> -> memref<1536xf32, #tpu.memory_space<vmem>>
    %dma_wait3A_1346 = tpu.memref_slice %arg2[%add3A_1219] : memref<5603328xf32, #tpu.memory_space<hbm>> -> memref<1536xf32, #tpu.memory_space<hbm>>
    %dma_wait3A_1347 = arith.constant 19968 : i32
    %dma_wait3A_1348 = tpu.memref_slice %arg5[%dma_wait3A_1347] : memref<29184xf32, #tpu.memory_space<vmem>> -> memref<1536xf32, #tpu.memory_space<vmem>>
    %dma_wait3A_1349 = tpu.memref_slice %arg2[%add3A_1219] : memref<5603328xf32, #tpu.memory_space<hbm>> -> memref<1536xf32, #tpu.memory_space<hbm>>
    tpu.wait_dma2 semaphore(%arg8 : memref<!tpu.dma_semaphore, #tpu.memory_space<semaphore_mem>>) src(%dma_wait3A_1349 : memref<1536xf32, #tpu.memory_space<hbm>>) dst(%dma_wait3A_1348 : memref<1536xf32, #tpu.memory_space<vmem>>)
    %dma_wait3A_1350 = arith.constant 21504 : i32
    %dma_wait3A_1351 = tpu.memref_slice %arg5[%dma_wait3A_1350] : memref<29184xf32, #tpu.memory_space<vmem>> -> memref<1536xf32, #tpu.memory_space<vmem>>
    %dma_wait3A_1352 = tpu.memref_slice %arg2[%add3A_1227] : memref<5603328xf32, #tpu.memory_space<hbm>> -> memref<1536xf32, #tpu.memory_space<hbm>>
    %dma_wait3A_1353 = arith.constant 21504 : i32
    %dma_wait3A_1354 = tpu.memref_slice %arg5[%dma_wait3A_1353] : memref<29184xf32, #tpu.memory_space<vmem>> -> memref<1536xf32, #tpu.memory_space<vmem>>
    %dma_wait3A_1355 = tpu.memref_slice %arg2[%add3A_1227] : memref<5603328xf32, #tpu.memory_space<hbm>> -> memref<1536xf32, #tpu.memory_space<hbm>>
    tpu.wait_dma2 semaphore(%arg8 : memref<!tpu.dma_semaphore, #tpu.memory_space<semaphore_mem>>) src(%dma_wait3A_1355 : memref<1536xf32, #tpu.memory_space<hbm>>) dst(%dma_wait3A_1354 : memref<1536xf32, #tpu.memory_space<vmem>>)
    %dma_wait3A_1356 = arith.constant 23040 : i32
    %dma_wait3A_1357 = tpu.memref_slice %arg5[%dma_wait3A_1356] : memref<29184xf32, #tpu.memory_space<vmem>> -> memref<1536xf32, #tpu.memory_space<vmem>>
    %dma_wait3A_1358 = tpu.memref_slice %arg2[%add3A_1235] : memref<5603328xf32, #tpu.memory_space<hbm>> -> memref<1536xf32, #tpu.memory_space<hbm>>
    %dma_wait3A_1359 = arith.constant 23040 : i32
    %dma_wait3A_1360 = tpu.memref_slice %arg5[%dma_wait3A_1359] : memref<29184xf32, #tpu.memory_space<vmem>> -> memref<1536xf32, #tpu.memory_space<vmem>>
    %dma_wait3A_1361 = tpu.memref_slice %arg2[%add3A_1235] : memref<5603328xf32, #tpu.memory_space<hbm>> -> memref<1536xf32, #tpu.memory_space<hbm>>
    tpu.wait_dma2 semaphore(%arg8 : memref<!tpu.dma_semaphore, #tpu.memory_space<semaphore_mem>>) src(%dma_wait3A_1361 : memref<1536xf32, #tpu.memory_space<hbm>>) dst(%dma_wait3A_1360 : memref<1536xf32, #tpu.memory_space<vmem>>)
    %dma_wait3A_1362 = arith.constant 24576 : i32
    %dma_wait3A_1363 = tpu.memref_slice %arg5[%dma_wait3A_1362] : memref<29184xf32, #tpu.memory_space<vmem>> -> memref<1536xf32, #tpu.memory_space<vmem>>
    %dma_wait3A_1364 = tpu.memref_slice %arg2[%add3A_1243] : memref<5603328xf32, #tpu.memory_space<hbm>> -> memref<1536xf32, #tpu.memory_space<hbm>>
    %dma_wait3A_1365 = arith.constant 24576 : i32
    %dma_wait3A_1366 = tpu.memref_slice %arg5[%dma_wait3A_1365] : memref<29184xf32, #tpu.memory_space<vmem>> -> memref<1536xf32, #tpu.memory_space<vmem>>
    %dma_wait3A_1367 = tpu.memref_slice %arg2[%add3A_1243] : memref<5603328xf32, #tpu.memory_space<hbm>> -> memref<1536xf32, #tpu.memory_space<hbm>>
    tpu.wait_dma2 semaphore(%arg8 : memref<!tpu.dma_semaphore, #tpu.memory_space<semaphore_mem>>) src(%dma_wait3A_1367 : memref<1536xf32, #tpu.memory_space<hbm>>) dst(%dma_wait3A_1366 : memref<1536xf32, #tpu.memory_space<vmem>>)
    %dma_wait3A_1368 = arith.constant 26112 : i32
    %dma_wait3A_1369 = tpu.memref_slice %arg5[%dma_wait3A_1368] : memref<29184xf32, #tpu.memory_space<vmem>> -> memref<1536xf32, #tpu.memory_space<vmem>>
    %dma_wait3A_1370 = tpu.memref_slice %arg2[%add3A_1251] : memref<5603328xf32, #tpu.memory_space<hbm>> -> memref<1536xf32, #tpu.memory_space<hbm>>
    %dma_wait3A_1371 = arith.constant 26112 : i32
    %dma_wait3A_1372 = tpu.memref_slice %arg5[%dma_wait3A_1371] : memref<29184xf32, #tpu.memory_space<vmem>> -> memref<1536xf32, #tpu.memory_space<vmem>>
    %dma_wait3A_1373 = tpu.memref_slice %arg2[%add3A_1251] : memref<5603328xf32, #tpu.memory_space<hbm>> -> memref<1536xf32, #tpu.memory_space<hbm>>
    tpu.wait_dma2 semaphore(%arg8 : memref<!tpu.dma_semaphore, #tpu.memory_space<semaphore_mem>>) src(%dma_wait3A_1373 : memref<1536xf32, #tpu.memory_space<hbm>>) dst(%dma_wait3A_1372 : memref<1536xf32, #tpu.memory_space<vmem>>)
    %dma_wait3A_1374 = arith.constant 27648 : i32
    %dma_wait3A_1375 = tpu.memref_slice %arg5[%dma_wait3A_1374] : memref<29184xf32, #tpu.memory_space<vmem>> -> memref<1536xf32, #tpu.memory_space<vmem>>
    %dma_wait3A_1376 = tpu.memref_slice %arg2[%add3A_1259] : memref<5603328xf32, #tpu.memory_space<hbm>> -> memref<1536xf32, #tpu.memory_space<hbm>>
    %dma_wait3A_1377 = arith.constant 27648 : i32
    %dma_wait3A_1378 = tpu.memref_slice %arg5[%dma_wait3A_1377] : memref<29184xf32, #tpu.memory_space<vmem>> -> memref<1536xf32, #tpu.memory_space<vmem>>
    %dma_wait3A_1379 = tpu.memref_slice %arg2[%add3A_1259] : memref<5603328xf32, #tpu.memory_space<hbm>> -> memref<1536xf32, #tpu.memory_space<hbm>>
    tpu.wait_dma2 semaphore(%arg8 : memref<!tpu.dma_semaphore, #tpu.memory_space<semaphore_mem>>) src(%dma_wait3A_1379 : memref<1536xf32, #tpu.memory_space<hbm>>) dst(%dma_wait3A_1378 : memref<1536xf32, #tpu.memory_space<vmem>>)
    %scan3A_1380 = arith.constant 0 : i32
    %scan3A_1381 = arith.constant 0 : i32
    %scan3A_1382 = arith.constant 96 : i32
    %scan3A_1383 = arith.addi %scan3A_1381, %scan3A_1382 : i32
    %scan3A_1384 = arith.constant 1 : i32
    scf.for %scan3A_1668 = %scan3A_1381 to %scan3A_1383 step %scan3A_1384  : i32 {
      %mul3A_1669 = arith.constant 16 : i32
      %mul3A_1670 = arith.muli %scan3A_1668, %mul3A_1669 : i32
      %get3A = arith.index_cast %mul3A_1670 : i32 to index
      %get3A_1671 = tpu.vector_load %arg5[%get3A] {strides = array<i32>} : memref<29184xf32, #tpu.memory_space<vmem>>, vector<16xf32>,
      %get3A_1672 = vector.shape_cast %get3A_1671 : vector<16xf32> to vector<16xf32>
      %broadcast_in_dim3A = arith.constant 0 : i32
      %broadcast_in_dim3A_1673 = vector.broadcast %broadcast_in_dim3A : i32 to vector<16xi32>
      %add3A_1674 = arith.constant 1536 : i32
      %add3A_1675 = arith.addi %add3A_1674, %mul3A_1670 : i32
      %get3A_1676 = arith.index_cast %add3A_1675 : i32 to index
      %get3A_1677 = tpu.vector_load %arg5[%get3A_1676] {strides = array<i32>} : memref<29184xf32, #tpu.memory_space<vmem>>, vector<16xf32>,
      %get3A_1678 = vector.shape_cast %get3A_1677 : vector<16xf32> to vector<16xf32>
      %gt3A = arith.cmpf ogt, %get3A_1678, %get3A_1672 : vector<16xf32>
      %select_n3A = arith.select %gt3A, %get3A_1678, %get3A_1672 : vector<16xi1>, vector<16xf32>
      %jit3A = arith.constant 1 : i32
      %broadcast_in_dim3A_1679 = vector.broadcast %jit3A : i32 to vector<16xi32>
      %select_n3A_1680 = arith.select %gt3A, %broadcast_in_dim3A_1679, %broadcast_in_dim3A_1673 : vector<16xi1>, vector<16xi32>
      %add3A_1681 = arith.constant 3072 : i32
      %add3A_1682 = arith.addi %add3A_1681, %mul3A_1670 : i32
      %get3A_1683 = arith.index_cast %add3A_1682 : i32 to index
      %get3A_1684 = tpu.vector_load %arg5[%get3A_1683] {strides = array<i32>} : memref<29184xf32, #tpu.memory_space<vmem>>, vector<16xf32>,
      %get3A_1685 = vector.shape_cast %get3A_1684 : vector<16xf32> to vector<16xf32>
      %gt3A_1686 = arith.cmpf ogt, %get3A_1685, %select_n3A : vector<16xf32>
      %select_n3A_1687 = arith.select %gt3A_1686, %get3A_1685, %select_n3A : vector<16xi1>, vector<16xf32>
      %jit3A_1688 = arith.constant 2 : i32
      %broadcast_in_dim3A_1689 = vector.broadcast %jit3A_1688 : i32 to vector<16xi32>
      %select_n3A_1690 = arith.select %gt3A_1686, %broadcast_in_dim3A_1689, %select_n3A_1680 : vector<16xi1>, vector<16xi32>
      %add3A_1691 = arith.constant 4608 : i32
      %add3A_1692 = arith.addi %add3A_1691, %mul3A_1670 : i32
      %get3A_1693 = arith.index_cast %add3A_1692 : i32 to index
      %get3A_1694 = tpu.vector_load %arg5[%get3A_1693] {strides = array<i32>} : memref<29184xf32, #tpu.memory_space<vmem>>, vector<16xf32>,
      %get3A_1695 = vector.shape_cast %get3A_1694 : vector<16xf32> to vector<16xf32>
      %gt3A_1696 = arith.cmpf ogt, %get3A_1695, %select_n3A_1687 : vector<16xf32>
      %select_n3A_1697 = arith.select %gt3A_1696, %get3A_1695, %select_n3A_1687 : vector<16xi1>, vector<16xf32>
      %jit3A_1698 = arith.constant 3 : i32
      %broadcast_in_dim3A_1699 = vector.broadcast %jit3A_1698 : i32 to vector<16xi32>
      %select_n3A_1700 = arith.select %gt3A_1696, %broadcast_in_dim3A_1699, %select_n3A_1690 : vector<16xi1>, vector<16xi32>
      %add3A_1701 = arith.constant 6144 : i32
      %add3A_1702 = arith.addi %add3A_1701, %mul3A_1670 : i32
      %get3A_1703 = arith.index_cast %add3A_1702 : i32 to index
      %get3A_1704 = tpu.vector_load %arg5[%get3A_1703] {strides = array<i32>} : memref<29184xf32, #tpu.memory_space<vmem>>, vector<16xf32>,
      %get3A_1705 = vector.shape_cast %get3A_1704 : vector<16xf32> to vector<16xf32>
      %gt3A_1706 = arith.cmpf ogt, %get3A_1705, %select_n3A_1697 : vector<16xf32>
      %select_n3A_1707 = arith.select %gt3A_1706, %get3A_1705, %select_n3A_1697 : vector<16xi1>, vector<16xf32>
      %jit3A_1708 = arith.constant 4 : i32
      %broadcast_in_dim3A_1709 = vector.broadcast %jit3A_1708 : i32 to vector<16xi32>
      %select_n3A_1710 = arith.select %gt3A_1706, %broadcast_in_dim3A_1709, %select_n3A_1700 : vector<16xi1>, vector<16xi32>
      %add3A_1711 = arith.constant 7680 : i32
      %add3A_1712 = arith.addi %add3A_1711, %mul3A_1670 : i32
      %get3A_1713 = arith.index_cast %add3A_1712 : i32 to index
      %get3A_1714 = tpu.vector_load %arg5[%get3A_1713] {strides = array<i32>} : memref<29184xf32, #tpu.memory_space<vmem>>, vector<16xf32>,
      %get3A_1715 = vector.shape_cast %get3A_1714 : vector<16xf32> to vector<16xf32>
      %gt3A_1716 = arith.cmpf ogt, %get3A_1715, %select_n3A_1707 : vector<16xf32>
      %select_n3A_1717 = arith.select %gt3A_1716, %get3A_1715, %select_n3A_1707 : vector<16xi1>, vector<16xf32>
      %jit3A_1718 = arith.constant 5 : i32
      %broadcast_in_dim3A_1719 = vector.broadcast %jit3A_1718 : i32 to vector<16xi32>
      %select_n3A_1720 = arith.select %gt3A_1716, %broadcast_in_dim3A_1719, %select_n3A_1710 : vector<16xi1>, vector<16xi32>
      %add3A_1721 = arith.constant 9216 : i32
      %add3A_1722 = arith.addi %add3A_1721, %mul3A_1670 : i32
      %get3A_1723 = arith.index_cast %add3A_1722 : i32 to index
      %get3A_1724 = tpu.vector_load %arg5[%get3A_1723] {strides = array<i32>} : memref<29184xf32, #tpu.memory_space<vmem>>, vector<16xf32>,
      %get3A_1725 = vector.shape_cast %get3A_1724 : vector<16xf32> to vector<16xf32>
      %gt3A_1726 = arith.cmpf ogt, %get3A_1725, %select_n3A_1717 : vector<16xf32>
      %select_n3A_1727 = arith.select %gt3A_1726, %get3A_1725, %select_n3A_1717 : vector<16xi1>, vector<16xf32>
      %jit3A_1728 = arith.constant 6 : i32
      %broadcast_in_dim3A_1729 = vector.broadcast %jit3A_1728 : i32 to vector<16xi32>
      %select_n3A_1730 = arith.select %gt3A_1726, %broadcast_in_dim3A_1729, %select_n3A_1720 : vector<16xi1>, vector<16xi32>
      %add3A_1731 = arith.constant 10752 : i32
      %add3A_1732 = arith.addi %add3A_1731, %mul3A_1670 : i32
      %get3A_1733 = arith.index_cast %add3A_1732 : i32 to index
      %get3A_1734 = tpu.vector_load %arg5[%get3A_1733] {strides = array<i32>} : memref<29184xf32, #tpu.memory_space<vmem>>, vector<16xf32>,
      %get3A_1735 = vector.shape_cast %get3A_1734 : vector<16xf32> to vector<16xf32>
      %gt3A_1736 = arith.cmpf ogt, %get3A_1735, %select_n3A_1727 : vector<16xf32>
      %select_n3A_1737 = arith.select %gt3A_1736, %get3A_1735, %select_n3A_1727 : vector<16xi1>, vector<16xf32>
      %jit3A_1738 = arith.constant 7 : i32
      %broadcast_in_dim3A_1739 = vector.broadcast %jit3A_1738 : i32 to vector<16xi32>
      %select_n3A_1740 = arith.select %gt3A_1736, %broadcast_in_dim3A_1739, %select_n3A_1730 : vector<16xi1>, vector<16xi32>
      %add3A_1741 = arith.constant 12288 : i32
      %add3A_1742 = arith.addi %add3A_1741, %mul3A_1670 : i32
      %get3A_1743 = arith.index_cast %add3A_1742 : i32 to index
      %get3A_1744 = tpu.vector_load %arg5[%get3A_1743] {strides = array<i32>} : memref<29184xf32, #tpu.memory_space<vmem>>, vector<16xf32>,
      %get3A_1745 = vector.shape_cast %get3A_1744 : vector<16xf32> to vector<16xf32>
      %gt3A_1746 = arith.cmpf ogt, %get3A_1745, %select_n3A_1737 : vector<16xf32>
      %select_n3A_1747 = arith.select %gt3A_1746, %get3A_1745, %select_n3A_1737 : vector<16xi1>, vector<16xf32>
      %jit3A_1748 = arith.constant 8 : i32
      %broadcast_in_dim3A_1749 = vector.broadcast %jit3A_1748 : i32 to vector<16xi32>
      %select_n3A_1750 = arith.select %gt3A_1746, %broadcast_in_dim3A_1749, %select_n3A_1740 : vector<16xi1>, vector<16xi32>
      %add3A_1751 = arith.constant 13824 : i32
      %add3A_1752 = arith.addi %add3A_1751, %mul3A_1670 : i32
      %get3A_1753 = arith.index_cast %add3A_1752 : i32 to index
      %get3A_1754 = tpu.vector_load %arg5[%get3A_1753] {strides = array<i32>} : memref<29184xf32, #tpu.memory_space<vmem>>, vector<16xf32>,
      %get3A_1755 = vector.shape_cast %get3A_1754 : vector<16xf32> to vector<16xf32>
      %gt3A_1756 = arith.cmpf ogt, %get3A_1755, %select_n3A_1747 : vector<16xf32>
      %select_n3A_1757 = arith.select %gt3A_1756, %get3A_1755, %select_n3A_1747 : vector<16xi1>, vector<16xf32>
      %jit3A_1758 = arith.constant 9 : i32
      %broadcast_in_dim3A_1759 = vector.broadcast %jit3A_1758 : i32 to vector<16xi32>
      %select_n3A_1760 = arith.select %gt3A_1756, %broadcast_in_dim3A_1759, %select_n3A_1750 : vector<16xi1>, vector<16xi32>
      %add3A_1761 = arith.constant 15360 : i32
      %add3A_1762 = arith.addi %add3A_1761, %mul3A_1670 : i32
      %get3A_1763 = arith.index_cast %add3A_1762 : i32 to index
      %get3A_1764 = tpu.vector_load %arg5[%get3A_1763] {strides = array<i32>} : memref<29184xf32, #tpu.memory_space<vmem>>, vector<16xf32>,
      %get3A_1765 = vector.shape_cast %get3A_1764 : vector<16xf32> to vector<16xf32>
      %gt3A_1766 = arith.cmpf ogt, %get3A_1765, %select_n3A_1757 : vector<16xf32>
      %select_n3A_1767 = arith.select %gt3A_1766, %get3A_1765, %select_n3A_1757 : vector<16xi1>, vector<16xf32>
      %jit3A_1768 = arith.constant 10 : i32
      %broadcast_in_dim3A_1769 = vector.broadcast %jit3A_1768 : i32 to vector<16xi32>
      %select_n3A_1770 = arith.select %gt3A_1766, %broadcast_in_dim3A_1769, %select_n3A_1760 : vector<16xi1>, vector<16xi32>
      %add3A_1771 = arith.constant 16896 : i32
      %add3A_1772 = arith.addi %add3A_1771, %mul3A_1670 : i32
      %get3A_1773 = arith.index_cast %add3A_1772 : i32 to index
      %get3A_1774 = tpu.vector_load %arg5[%get3A_1773] {strides = array<i32>} : memref<29184xf32, #tpu.memory_space<vmem>>, vector<16xf32>,
      %get3A_1775 = vector.shape_cast %get3A_1774 : vector<16xf32> to vector<16xf32>
      %gt3A_1776 = arith.cmpf ogt, %get3A_1775, %select_n3A_1767 : vector<16xf32>
      %select_n3A_1777 = arith.select %gt3A_1776, %get3A_1775, %select_n3A_1767 : vector<16xi1>, vector<16xf32>
      %jit3A_1778 = arith.constant 11 : i32
      %broadcast_in_dim3A_1779 = vector.broadcast %jit3A_1778 : i32 to vector<16xi32>
      %select_n3A_1780 = arith.select %gt3A_1776, %broadcast_in_dim3A_1779, %select_n3A_1770 : vector<16xi1>, vector<16xi32>
      %add3A_1781 = arith.constant 18432 : i32
      %add3A_1782 = arith.addi %add3A_1781, %mul3A_1670 : i32
      %get3A_1783 = arith.index_cast %add3A_1782 : i32 to index
      %get3A_1784 = tpu.vector_load %arg5[%get3A_1783] {strides = array<i32>} : memref<29184xf32, #tpu.memory_space<vmem>>, vector<16xf32>,
      %get3A_1785 = vector.shape_cast %get3A_1784 : vector<16xf32> to vector<16xf32>
      %gt3A_1786 = arith.cmpf ogt, %get3A_1785, %select_n3A_1777 : vector<16xf32>
      %select_n3A_1787 = arith.select %gt3A_1786, %get3A_1785, %select_n3A_1777 : vector<16xi1>, vector<16xf32>
      %jit3A_1788 = arith.constant 12 : i32
      %broadcast_in_dim3A_1789 = vector.broadcast %jit3A_1788 : i32 to vector<16xi32>
      %select_n3A_1790 = arith.select %gt3A_1786, %broadcast_in_dim3A_1789, %select_n3A_1780 : vector<16xi1>, vector<16xi32>
      %add3A_1791 = arith.constant 19968 : i32
      %add3A_1792 = arith.addi %add3A_1791, %mul3A_1670 : i32
      %get3A_1793 = arith.index_cast %add3A_1792 : i32 to index
      %get3A_1794 = tpu.vector_load %arg5[%get3A_1793] {strides = array<i32>} : memref<29184xf32, #tpu.memory_space<vmem>>, vector<16xf32>,
      %get3A_1795 = vector.shape_cast %get3A_1794 : vector<16xf32> to vector<16xf32>
      %gt3A_1796 = arith.cmpf ogt, %get3A_1795, %select_n3A_1787 : vector<16xf32>
      %select_n3A_1797 = arith.select %gt3A_1796, %get3A_1795, %select_n3A_1787 : vector<16xi1>, vector<16xf32>
      %jit3A_1798 = arith.constant 13 : i32
      %broadcast_in_dim3A_1799 = vector.broadcast %jit3A_1798 : i32 to vector<16xi32>
      %select_n3A_1800 = arith.select %gt3A_1796, %broadcast_in_dim3A_1799, %select_n3A_1790 : vector<16xi1>, vector<16xi32>
      %add3A_1801 = arith.constant 21504 : i32
      %add3A_1802 = arith.addi %add3A_1801, %mul3A_1670 : i32
      %get3A_1803 = arith.index_cast %add3A_1802 : i32 to index
      %get3A_1804 = tpu.vector_load %arg5[%get3A_1803] {strides = array<i32>} : memref<29184xf32, #tpu.memory_space<vmem>>, vector<16xf32>,
      %get3A_1805 = vector.shape_cast %get3A_1804 : vector<16xf32> to vector<16xf32>
      %gt3A_1806 = arith.cmpf ogt, %get3A_1805, %select_n3A_1797 : vector<16xf32>
      %select_n3A_1807 = arith.select %gt3A_1806, %get3A_1805, %select_n3A_1797 : vector<16xi1>, vector<16xf32>
      %jit3A_1808 = arith.constant 14 : i32
      %broadcast_in_dim3A_1809 = vector.broadcast %jit3A_1808 : i32 to vector<16xi32>
      %select_n3A_1810 = arith.select %gt3A_1806, %broadcast_in_dim3A_1809, %select_n3A_1800 : vector<16xi1>, vector<16xi32>
      %add3A_1811 = arith.constant 23040 : i32
      %add3A_1812 = arith.addi %add3A_1811, %mul3A_1670 : i32
      %get3A_1813 = arith.index_cast %add3A_1812 : i32 to index
      %get3A_1814 = tpu.vector_load %arg5[%get3A_1813] {strides = array<i32>} : memref<29184xf32, #tpu.memory_space<vmem>>, vector<16xf32>,
      %get3A_1815 = vector.shape_cast %get3A_1814 : vector<16xf32> to vector<16xf32>
      %gt3A_1816 = arith.cmpf ogt, %get3A_1815, %select_n3A_1807 : vector<16xf32>
      %select_n3A_1817 = arith.select %gt3A_1816, %get3A_1815, %select_n3A_1807 : vector<16xi1>, vector<16xf32>
      %jit3A_1818 = arith.constant 15 : i32
      %broadcast_in_dim3A_1819 = vector.broadcast %jit3A_1818 : i32 to vector<16xi32>
      %select_n3A_1820 = arith.select %gt3A_1816, %broadcast_in_dim3A_1819, %select_n3A_1810 : vector<16xi1>, vector<16xi32>
      %add3A_1821 = arith.constant 24576 : i32
      %add3A_1822 = arith.addi %add3A_1821, %mul3A_1670 : i32
      %get3A_1823 = arith.index_cast %add3A_1822 : i32 to index
      %get3A_1824 = tpu.vector_load %arg5[%get3A_1823] {strides = array<i32>} : memref<29184xf32, #tpu.memory_space<vmem>>, vector<16xf32>,
      %get3A_1825 = vector.shape_cast %get3A_1824 : vector<16xf32> to vector<16xf32>
      %gt3A_1826 = arith.cmpf ogt, %get3A_1825, %select_n3A_1817 : vector<16xf32>
      %select_n3A_1827 = arith.select %gt3A_1826, %get3A_1825, %select_n3A_1817 : vector<16xi1>, vector<16xf32>
      %jit3A_1828 = arith.constant 16 : i32
      %broadcast_in_dim3A_1829 = vector.broadcast %jit3A_1828 : i32 to vector<16xi32>
      %select_n3A_1830 = arith.select %gt3A_1826, %broadcast_in_dim3A_1829, %select_n3A_1820 : vector<16xi1>, vector<16xi32>
      %add3A_1831 = arith.constant 26112 : i32
      %add3A_1832 = arith.addi %add3A_1831, %mul3A_1670 : i32
      %get3A_1833 = arith.index_cast %add3A_1832 : i32 to index
      %get3A_1834 = tpu.vector_load %arg5[%get3A_1833] {strides = array<i32>} : memref<29184xf32, #tpu.memory_space<vmem>>, vector<16xf32>,
      %get3A_1835 = vector.shape_cast %get3A_1834 : vector<16xf32> to vector<16xf32>
      %gt3A_1836 = arith.cmpf ogt, %get3A_1835, %select_n3A_1827 : vector<16xf32>
      %select_n3A_1837 = arith.select %gt3A_1836, %get3A_1835, %select_n3A_1827 : vector<16xi1>, vector<16xf32>
      %jit3A_1838 = arith.constant 17 : i32
      %broadcast_in_dim3A_1839 = vector.broadcast %jit3A_1838 : i32 to vector<16xi32>
      %select_n3A_1840 = arith.select %gt3A_1836, %broadcast_in_dim3A_1839, %select_n3A_1830 : vector<16xi1>, vector<16xi32>
      %add3A_1841 = arith.constant 27648 : i32
      %add3A_1842 = arith.addi %add3A_1841, %mul3A_1670 : i32
      %get3A_1843 = arith.index_cast %add3A_1842 : i32 to index
      %get3A_1844 = tpu.vector_load %arg5[%get3A_1843] {strides = array<i32>} : memref<29184xf32, #tpu.memory_space<vmem>>, vector<16xf32>,
      %get3A_1845 = vector.shape_cast %get3A_1844 : vector<16xf32> to vector<16xf32>
      %gt3A_1846 = arith.cmpf ogt, %get3A_1845, %select_n3A_1837 : vector<16xf32>
      %select_n3A_1847 = arith.select %gt3A_1846, %get3A_1845, %select_n3A_1837 : vector<16xi1>, vector<16xf32>
      %jit3A_1848 = arith.constant 18 : i32
      %broadcast_in_dim3A_1849 = vector.broadcast %jit3A_1848 : i32 to vector<16xi32>
      %select_n3A_1850 = arith.select %gt3A_1846, %broadcast_in_dim3A_1849, %select_n3A_1840 : vector<16xi1>, vector<16xi32>
      %swap3A = arith.index_cast %mul3A_1670 : i32 to index
      %swap3A_1851 = tpu.vector_load %arg6[%swap3A] {strides = array<i32>} : memref<1536xf32, #tpu.memory_space<vmem>>, vector<16xf32>,
      %swap3A_1852 = vector.shape_cast %swap3A_1851 : vector<16xf32> to vector<16xf32>
      %swap3A_1853 = vector.shape_cast %select_n3A_1847 : vector<16xf32> to vector<16xf32>
      tpu.vector_store %arg6[%swap3A], %swap3A_1853 {strides = array<i32>} : memref<1536xf32, #tpu.memory_space<vmem>>, vector<16xf32>,
      %swap3A_1854 = arith.index_cast %mul3A_1670 : i32 to index
      %swap3A_1855 = tpu.vector_load %arg7[%swap3A_1854] {strides = array<i32>} : memref<1536xi32, #tpu.memory_space<vmem>>, vector<16xi32>,
      %swap3A_1856 = vector.shape_cast %swap3A_1855 : vector<16xi32> to vector<16xi32>
      %swap3A_1857 = vector.shape_cast %select_n3A_1850 : vector<16xi32> to vector<16xi32>
      tpu.vector_store %arg7[%swap3A_1854], %swap3A_1857 {strides = array<i32>} : memref<1536xi32, #tpu.memory_space<vmem>>, vector<16xi32>,
    }
    %scan3A_1385 = arith.constant 96 : i32
    %add3A_1386 = arith.constant 147456 : i32
    %add3A_1387 = arith.addi %add3A_1386, %add3A_1113 : i32
    "tpu.region"() ({
      %run_scoped3A = tpu.sem_alloc : memref<!tpu.dma_semaphore, #tpu.memory_space<semaphore_mem>>
      %dma_start3A_1668 = tpu.memref_slice %arg3[%add3A_1387] : memref<294912xf32, #tpu.memory_space<hbm>> -> memref<1536xf32, #tpu.memory_space<hbm>>
      %dma_start3A_1669 = tpu.memref_slice %arg3[%add3A_1387] : memref<294912xf32, #tpu.memory_space<hbm>> -> memref<1536xf32, #tpu.memory_space<hbm>>
      tpu.enqueue_dma source(%arg6 : memref<1536xf32, #tpu.memory_space<vmem>>) target(%dma_start3A_1669 : memref<1536xf32, #tpu.memory_space<hbm>>) target_semaphore(%run_scoped3A : memref<!tpu.dma_semaphore, #tpu.memory_space<semaphore_mem>>)
      %dma_wait3A_1670 = tpu.memref_slice %arg3[%add3A_1387] : memref<294912xf32, #tpu.memory_space<hbm>> -> memref<1536xf32, #tpu.memory_space<hbm>>
      %dma_wait3A_1671 = tpu.memref_slice %arg3[%add3A_1387] : memref<294912xf32, #tpu.memory_space<hbm>> -> memref<1536xf32, #tpu.memory_space<hbm>>
      tpu.wait_dma2 semaphore(%run_scoped3A : memref<!tpu.dma_semaphore, #tpu.memory_space<semaphore_mem>>) src(%arg6 : memref<1536xf32, #tpu.memory_space<vmem>>) dst(%dma_wait3A_1671 : memref<1536xf32, #tpu.memory_space<hbm>>)
      tpu.yield
    }) : () -> ()
    %add3A_1388 = arith.constant 147456 : i32
    %add3A_1389 = arith.addi %add3A_1388, %add3A_1113 : i32
    "tpu.region"() ({
      %run_scoped3A = tpu.sem_alloc : memref<!tpu.dma_semaphore, #tpu.memory_space<semaphore_mem>>
      %dma_start3A_1668 = tpu.memref_slice %arg4[%add3A_1389] : memref<294912xi32, #tpu.memory_space<hbm>> -> memref<1536xi32, #tpu.memory_space<hbm>>
      %dma_start3A_1669 = tpu.memref_slice %arg4[%add3A_1389] : memref<294912xi32, #tpu.memory_space<hbm>> -> memref<1536xi32, #tpu.memory_space<hbm>>
      tpu.enqueue_dma source(%arg7 : memref<1536xi32, #tpu.memory_space<vmem>>) target(%dma_start3A_1669 : memref<1536xi32, #tpu.memory_space<hbm>>) target_semaphore(%run_scoped3A : memref<!tpu.dma_semaphore, #tpu.memory_space<semaphore_mem>>)
      %dma_wait3A_1670 = tpu.memref_slice %arg4[%add3A_1389] : memref<294912xi32, #tpu.memory_space<hbm>> -> memref<1536xi32, #tpu.memory_space<hbm>>
      %dma_wait3A_1671 = tpu.memref_slice %arg4[%add3A_1389] : memref<294912xi32, #tpu.memory_space<hbm>> -> memref<1536xi32, #tpu.memory_space<hbm>>
      tpu.wait_dma2 semaphore(%run_scoped3A : memref<!tpu.dma_semaphore, #tpu.memory_space<semaphore_mem>>) src(%arg7 : memref<1536xi32, #tpu.memory_space<vmem>>) dst(%dma_wait3A_1671 : memref<1536xi32, #tpu.memory_space<hbm>>)
      tpu.yield
    }) : () -> ()
    %add3A_1390 = arith.constant 3072 : i32
    %add3A_1391 = arith.addi %mul3A_2, %add3A_1390 : i32
    %add3A_1392 = arith.constant 2801664 : i32
    %add3A_1393 = arith.addi %add3A_1392, %add3A_1391 : i32
    %dma_start3A_1394 = arith.constant 0 : i32
    %dma_start3A_1395 = tpu.memref_slice %arg5[%dma_start3A_1394] : memref<29184xf32, #tpu.memory_space<vmem>> -> memref<1536xf32, #tpu.memory_space<vmem>>
    %dma_start3A_1396 = tpu.memref_slice %arg2[%add3A_1393] : memref<5603328xf32, #tpu.memory_space<hbm>> -> memref<1536xf32, #tpu.memory_space<hbm>>
    %dma_start3A_1397 = arith.constant 0 : i32
    %dma_start3A_1398 = tpu.memref_slice %arg5[%dma_start3A_1397] : memref<29184xf32, #tpu.memory_space<vmem>> -> memref<1536xf32, #tpu.memory_space<vmem>>
    %dma_start3A_1399 = tpu.memref_slice %arg2[%add3A_1393] : memref<5603328xf32, #tpu.memory_space<hbm>> -> memref<1536xf32, #tpu.memory_space<hbm>>
    tpu.enqueue_dma source(%dma_start3A_1399 : memref<1536xf32, #tpu.memory_space<hbm>>) target(%dma_start3A_1398 : memref<1536xf32, #tpu.memory_space<vmem>>) target_semaphore(%arg8 : memref<!tpu.dma_semaphore, #tpu.memory_space<semaphore_mem>>)
    %add3A_1400 = arith.constant 2949120 : i32
    %add3A_1401 = arith.addi %add3A_1400, %add3A_1391 : i32
    %dma_start3A_1402 = arith.constant 1536 : i32
    %dma_start3A_1403 = tpu.memref_slice %arg5[%dma_start3A_1402] : memref<29184xf32, #tpu.memory_space<vmem>> -> memref<1536xf32, #tpu.memory_space<vmem>>
    %dma_start3A_1404 = tpu.memref_slice %arg2[%add3A_1401] : memref<5603328xf32, #tpu.memory_space<hbm>> -> memref<1536xf32, #tpu.memory_space<hbm>>
    %dma_start3A_1405 = arith.constant 1536 : i32
    %dma_start3A_1406 = tpu.memref_slice %arg5[%dma_start3A_1405] : memref<29184xf32, #tpu.memory_space<vmem>> -> memref<1536xf32, #tpu.memory_space<vmem>>
    %dma_start3A_1407 = tpu.memref_slice %arg2[%add3A_1401] : memref<5603328xf32, #tpu.memory_space<hbm>> -> memref<1536xf32, #tpu.memory_space<hbm>>
    tpu.enqueue_dma source(%dma_start3A_1407 : memref<1536xf32, #tpu.memory_space<hbm>>) target(%dma_start3A_1406 : memref<1536xf32, #tpu.memory_space<vmem>>) target_semaphore(%arg8 : memref<!tpu.dma_semaphore, #tpu.memory_space<semaphore_mem>>)
    %add3A_1408 = arith.constant 3096576 : i32
    %add3A_1409 = arith.addi %add3A_1408, %add3A_1391 : i32
    %dma_start3A_1410 = arith.constant 3072 : i32
    %dma_start3A_1411 = tpu.memref_slice %arg5[%dma_start3A_1410] : memref<29184xf32, #tpu.memory_space<vmem>> -> memref<1536xf32, #tpu.memory_space<vmem>>
    %dma_start3A_1412 = tpu.memref_slice %arg2[%add3A_1409] : memref<5603328xf32, #tpu.memory_space<hbm>> -> memref<1536xf32, #tpu.memory_space<hbm>>
    %dma_start3A_1413 = arith.constant 3072 : i32
    %dma_start3A_1414 = tpu.memref_slice %arg5[%dma_start3A_1413] : memref<29184xf32, #tpu.memory_space<vmem>> -> memref<1536xf32, #tpu.memory_space<vmem>>
    %dma_start3A_1415 = tpu.memref_slice %arg2[%add3A_1409] : memref<5603328xf32, #tpu.memory_space<hbm>> -> memref<1536xf32, #tpu.memory_space<hbm>>
    tpu.enqueue_dma source(%dma_start3A_1415 : memref<1536xf32, #tpu.memory_space<hbm>>) target(%dma_start3A_1414 : memref<1536xf32, #tpu.memory_space<vmem>>) target_semaphore(%arg8 : memref<!tpu.dma_semaphore, #tpu.memory_space<semaphore_mem>>)
    %add3A_1416 = arith.constant 3244032 : i32
    %add3A_1417 = arith.addi %add3A_1416, %add3A_1391 : i32
    %dma_start3A_1418 = arith.constant 4608 : i32
    %dma_start3A_1419 = tpu.memref_slice %arg5[%dma_start3A_1418] : memref<29184xf32, #tpu.memory_space<vmem>> -> memref<1536xf32, #tpu.memory_space<vmem>>
    %dma_start3A_1420 = tpu.memref_slice %arg2[%add3A_1417] : memref<5603328xf32, #tpu.memory_space<hbm>> -> memref<1536xf32, #tpu.memory_space<hbm>>
    %dma_start3A_1421 = arith.constant 4608 : i32
    %dma_start3A_1422 = tpu.memref_slice %arg5[%dma_start3A_1421] : memref<29184xf32, #tpu.memory_space<vmem>> -> memref<1536xf32, #tpu.memory_space<vmem>>
    %dma_start3A_1423 = tpu.memref_slice %arg2[%add3A_1417] : memref<5603328xf32, #tpu.memory_space<hbm>> -> memref<1536xf32, #tpu.memory_space<hbm>>
    tpu.enqueue_dma source(%dma_start3A_1423 : memref<1536xf32, #tpu.memory_space<hbm>>) target(%dma_start3A_1422 : memref<1536xf32, #tpu.memory_space<vmem>>) target_semaphore(%arg8 : memref<!tpu.dma_semaphore, #tpu.memory_space<semaphore_mem>>)
    %add3A_1424 = arith.constant 3391488 : i32
    %add3A_1425 = arith.addi %add3A_1424, %add3A_1391 : i32
    %dma_start3A_1426 = arith.constant 6144 : i32
    %dma_start3A_1427 = tpu.memref_slice %arg5[%dma_start3A_1426] : memref<29184xf32, #tpu.memory_space<vmem>> -> memref<1536xf32, #tpu.memory_space<vmem>>
    %dma_start3A_1428 = tpu.memref_slice %arg2[%add3A_1425] : memref<5603328xf32, #tpu.memory_space<hbm>> -> memref<1536xf32, #tpu.memory_space<hbm>>
    %dma_start3A_1429 = arith.constant 6144 : i32
    %dma_start3A_1430 = tpu.memref_slice %arg5[%dma_start3A_1429] : memref<29184xf32, #tpu.memory_space<vmem>> -> memref<1536xf32, #tpu.memory_space<vmem>>
    %dma_start3A_1431 = tpu.memref_slice %arg2[%add3A_1425] : memref<5603328xf32, #tpu.memory_space<hbm>> -> memref<1536xf32, #tpu.memory_space<hbm>>
    tpu.enqueue_dma source(%dma_start3A_1431 : memref<1536xf32, #tpu.memory_space<hbm>>) target(%dma_start3A_1430 : memref<1536xf32, #tpu.memory_space<vmem>>) target_semaphore(%arg8 : memref<!tpu.dma_semaphore, #tpu.memory_space<semaphore_mem>>)
    %add3A_1432 = arith.constant 3538944 : i32
    %add3A_1433 = arith.addi %add3A_1432, %add3A_1391 : i32
    %dma_start3A_1434 = arith.constant 7680 : i32
    %dma_start3A_1435 = tpu.memref_slice %arg5[%dma_start3A_1434] : memref<29184xf32, #tpu.memory_space<vmem>> -> memref<1536xf32, #tpu.memory_space<vmem>>
    %dma_start3A_1436 = tpu.memref_slice %arg2[%add3A_1433] : memref<5603328xf32, #tpu.memory_space<hbm>> -> memref<1536xf32, #tpu.memory_space<hbm>>
    %dma_start3A_1437 = arith.constant 7680 : i32
    %dma_start3A_1438 = tpu.memref_slice %arg5[%dma_start3A_1437] : memref<29184xf32, #tpu.memory_space<vmem>> -> memref<1536xf32, #tpu.memory_space<vmem>>
    %dma_start3A_1439 = tpu.memref_slice %arg2[%add3A_1433] : memref<5603328xf32, #tpu.memory_space<hbm>> -> memref<1536xf32, #tpu.memory_space<hbm>>
    tpu.enqueue_dma source(%dma_start3A_1439 : memref<1536xf32, #tpu.memory_space<hbm>>) target(%dma_start3A_1438 : memref<1536xf32, #tpu.memory_space<vmem>>) target_semaphore(%arg8 : memref<!tpu.dma_semaphore, #tpu.memory_space<semaphore_mem>>)
    %add3A_1440 = arith.constant 3686400 : i32
    %add3A_1441 = arith.addi %add3A_1440, %add3A_1391 : i32
    %dma_start3A_1442 = arith.constant 9216 : i32
    %dma_start3A_1443 = tpu.memref_slice %arg5[%dma_start3A_1442] : memref<29184xf32, #tpu.memory_space<vmem>> -> memref<1536xf32, #tpu.memory_space<vmem>>
    %dma_start3A_1444 = tpu.memref_slice %arg2[%add3A_1441] : memref<5603328xf32, #tpu.memory_space<hbm>> -> memref<1536xf32, #tpu.memory_space<hbm>>
    %dma_start3A_1445 = arith.constant 9216 : i32
    %dma_start3A_1446 = tpu.memref_slice %arg5[%dma_start3A_1445] : memref<29184xf32, #tpu.memory_space<vmem>> -> memref<1536xf32, #tpu.memory_space<vmem>>
    %dma_start3A_1447 = tpu.memref_slice %arg2[%add3A_1441] : memref<5603328xf32, #tpu.memory_space<hbm>> -> memref<1536xf32, #tpu.memory_space<hbm>>
    tpu.enqueue_dma source(%dma_start3A_1447 : memref<1536xf32, #tpu.memory_space<hbm>>) target(%dma_start3A_1446 : memref<1536xf32, #tpu.memory_space<vmem>>) target_semaphore(%arg8 : memref<!tpu.dma_semaphore, #tpu.memory_space<semaphore_mem>>)
    %add3A_1448 = arith.constant 3833856 : i32
    %add3A_1449 = arith.addi %add3A_1448, %add3A_1391 : i32
    %dma_start3A_1450 = arith.constant 10752 : i32
    %dma_start3A_1451 = tpu.memref_slice %arg5[%dma_start3A_1450] : memref<29184xf32, #tpu.memory_space<vmem>> -> memref<1536xf32, #tpu.memory_space<vmem>>
    %dma_start3A_1452 = tpu.memref_slice %arg2[%add3A_1449] : memref<5603328xf32, #tpu.memory_space<hbm>> -> memref<1536xf32, #tpu.memory_space<hbm>>
    %dma_start3A_1453 = arith.constant 10752 : i32
    %dma_start3A_1454 = tpu.memref_slice %arg5[%dma_start3A_1453] : memref<29184xf32, #tpu.memory_space<vmem>> -> memref<1536xf32, #tpu.memory_space<vmem>>
    %dma_start3A_1455 = tpu.memref_slice %arg2[%add3A_1449] : memref<5603328xf32, #tpu.memory_space<hbm>> -> memref<1536xf32, #tpu.memory_space<hbm>>
    tpu.enqueue_dma source(%dma_start3A_1455 : memref<1536xf32, #tpu.memory_space<hbm>>) target(%dma_start3A_1454 : memref<1536xf32, #tpu.memory_space<vmem>>) target_semaphore(%arg8 : memref<!tpu.dma_semaphore, #tpu.memory_space<semaphore_mem>>)
    %add3A_1456 = arith.constant 3981312 : i32
    %add3A_1457 = arith.addi %add3A_1456, %add3A_1391 : i32
    %dma_start3A_1458 = arith.constant 12288 : i32
    %dma_start3A_1459 = tpu.memref_slice %arg5[%dma_start3A_1458] : memref<29184xf32, #tpu.memory_space<vmem>> -> memref<1536xf32, #tpu.memory_space<vmem>>
    %dma_start3A_1460 = tpu.memref_slice %arg2[%add3A_1457] : memref<5603328xf32, #tpu.memory_space<hbm>> -> memref<1536xf32, #tpu.memory_space<hbm>>
    %dma_start3A_1461 = arith.constant 12288 : i32
    %dma_start3A_1462 = tpu.memref_slice %arg5[%dma_start3A_1461] : memref<29184xf32, #tpu.memory_space<vmem>> -> memref<1536xf32, #tpu.memory_space<vmem>>
    %dma_start3A_1463 = tpu.memref_slice %arg2[%add3A_1457] : memref<5603328xf32, #tpu.memory_space<hbm>> -> memref<1536xf32, #tpu.memory_space<hbm>>
    tpu.enqueue_dma source(%dma_start3A_1463 : memref<1536xf32, #tpu.memory_space<hbm>>) target(%dma_start3A_1462 : memref<1536xf32, #tpu.memory_space<vmem>>) target_semaphore(%arg8 : memref<!tpu.dma_semaphore, #tpu.memory_space<semaphore_mem>>)
    %add3A_1464 = arith.constant 4128768 : i32
    %add3A_1465 = arith.addi %add3A_1464, %add3A_1391 : i32
    %dma_start3A_1466 = arith.constant 13824 : i32
    %dma_start3A_1467 = tpu.memref_slice %arg5[%dma_start3A_1466] : memref<29184xf32, #tpu.memory_space<vmem>> -> memref<1536xf32, #tpu.memory_space<vmem>>
    %dma_start3A_1468 = tpu.memref_slice %arg2[%add3A_1465] : memref<5603328xf32, #tpu.memory_space<hbm>> -> memref<1536xf32, #tpu.memory_space<hbm>>
    %dma_start3A_1469 = arith.constant 13824 : i32
    %dma_start3A_1470 = tpu.memref_slice %arg5[%dma_start3A_1469] : memref<29184xf32, #tpu.memory_space<vmem>> -> memref<1536xf32, #tpu.memory_space<vmem>>
    %dma_start3A_1471 = tpu.memref_slice %arg2[%add3A_1465] : memref<5603328xf32, #tpu.memory_space<hbm>> -> memref<1536xf32, #tpu.memory_space<hbm>>
    tpu.enqueue_dma source(%dma_start3A_1471 : memref<1536xf32, #tpu.memory_space<hbm>>) target(%dma_start3A_1470 : memref<1536xf32, #tpu.memory_space<vmem>>) target_semaphore(%arg8 : memref<!tpu.dma_semaphore, #tpu.memory_space<semaphore_mem>>)
    %add3A_1472 = arith.constant 4276224 : i32
    %add3A_1473 = arith.addi %add3A_1472, %add3A_1391 : i32
    %dma_start3A_1474 = arith.constant 15360 : i32
    %dma_start3A_1475 = tpu.memref_slice %arg5[%dma_start3A_1474] : memref<29184xf32, #tpu.memory_space<vmem>> -> memref<1536xf32, #tpu.memory_space<vmem>>
    %dma_start3A_1476 = tpu.memref_slice %arg2[%add3A_1473] : memref<5603328xf32, #tpu.memory_space<hbm>> -> memref<1536xf32, #tpu.memory_space<hbm>>
    %dma_start3A_1477 = arith.constant 15360 : i32
    %dma_start3A_1478 = tpu.memref_slice %arg5[%dma_start3A_1477] : memref<29184xf32, #tpu.memory_space<vmem>> -> memref<1536xf32, #tpu.memory_space<vmem>>
    %dma_start3A_1479 = tpu.memref_slice %arg2[%add3A_1473] : memref<5603328xf32, #tpu.memory_space<hbm>> -> memref<1536xf32, #tpu.memory_space<hbm>>
    tpu.enqueue_dma source(%dma_start3A_1479 : memref<1536xf32, #tpu.memory_space<hbm>>) target(%dma_start3A_1478 : memref<1536xf32, #tpu.memory_space<vmem>>) target_semaphore(%arg8 : memref<!tpu.dma_semaphore, #tpu.memory_space<semaphore_mem>>)
    %add3A_1480 = arith.constant 4423680 : i32
    %add3A_1481 = arith.addi %add3A_1480, %add3A_1391 : i32
    %dma_start3A_1482 = arith.constant 16896 : i32
    %dma_start3A_1483 = tpu.memref_slice %arg5[%dma_start3A_1482] : memref<29184xf32, #tpu.memory_space<vmem>> -> memref<1536xf32, #tpu.memory_space<vmem>>
    %dma_start3A_1484 = tpu.memref_slice %arg2[%add3A_1481] : memref<5603328xf32, #tpu.memory_space<hbm>> -> memref<1536xf32, #tpu.memory_space<hbm>>
    %dma_start3A_1485 = arith.constant 16896 : i32
    %dma_start3A_1486 = tpu.memref_slice %arg5[%dma_start3A_1485] : memref<29184xf32, #tpu.memory_space<vmem>> -> memref<1536xf32, #tpu.memory_space<vmem>>
    %dma_start3A_1487 = tpu.memref_slice %arg2[%add3A_1481] : memref<5603328xf32, #tpu.memory_space<hbm>> -> memref<1536xf32, #tpu.memory_space<hbm>>
    tpu.enqueue_dma source(%dma_start3A_1487 : memref<1536xf32, #tpu.memory_space<hbm>>) target(%dma_start3A_1486 : memref<1536xf32, #tpu.memory_space<vmem>>) target_semaphore(%arg8 : memref<!tpu.dma_semaphore, #tpu.memory_space<semaphore_mem>>)
    %add3A_1488 = arith.constant 4571136 : i32
    %add3A_1489 = arith.addi %add3A_1488, %add3A_1391 : i32
    %dma_start3A_1490 = arith.constant 18432 : i32
    %dma_start3A_1491 = tpu.memref_slice %arg5[%dma_start3A_1490] : memref<29184xf32, #tpu.memory_space<vmem>> -> memref<1536xf32, #tpu.memory_space<vmem>>
    %dma_start3A_1492 = tpu.memref_slice %arg2[%add3A_1489] : memref<5603328xf32, #tpu.memory_space<hbm>> -> memref<1536xf32, #tpu.memory_space<hbm>>
    %dma_start3A_1493 = arith.constant 18432 : i32
    %dma_start3A_1494 = tpu.memref_slice %arg5[%dma_start3A_1493] : memref<29184xf32, #tpu.memory_space<vmem>> -> memref<1536xf32, #tpu.memory_space<vmem>>
    %dma_start3A_1495 = tpu.memref_slice %arg2[%add3A_1489] : memref<5603328xf32, #tpu.memory_space<hbm>> -> memref<1536xf32, #tpu.memory_space<hbm>>
    tpu.enqueue_dma source(%dma_start3A_1495 : memref<1536xf32, #tpu.memory_space<hbm>>) target(%dma_start3A_1494 : memref<1536xf32, #tpu.memory_space<vmem>>) target_semaphore(%arg8 : memref<!tpu.dma_semaphore, #tpu.memory_space<semaphore_mem>>)
    %add3A_1496 = arith.constant 4718592 : i32
    %add3A_1497 = arith.addi %add3A_1496, %add3A_1391 : i32
    %dma_start3A_1498 = arith.constant 19968 : i32
    %dma_start3A_1499 = tpu.memref_slice %arg5[%dma_start3A_1498] : memref<29184xf32, #tpu.memory_space<vmem>> -> memref<1536xf32, #tpu.memory_space<vmem>>
    %dma_start3A_1500 = tpu.memref_slice %arg2[%add3A_1497] : memref<5603328xf32, #tpu.memory_space<hbm>> -> memref<1536xf32, #tpu.memory_space<hbm>>
    %dma_start3A_1501 = arith.constant 19968 : i32
    %dma_start3A_1502 = tpu.memref_slice %arg5[%dma_start3A_1501] : memref<29184xf32, #tpu.memory_space<vmem>> -> memref<1536xf32, #tpu.memory_space<vmem>>
    %dma_start3A_1503 = tpu.memref_slice %arg2[%add3A_1497] : memref<5603328xf32, #tpu.memory_space<hbm>> -> memref<1536xf32, #tpu.memory_space<hbm>>
    tpu.enqueue_dma source(%dma_start3A_1503 : memref<1536xf32, #tpu.memory_space<hbm>>) target(%dma_start3A_1502 : memref<1536xf32, #tpu.memory_space<vmem>>) target_semaphore(%arg8 : memref<!tpu.dma_semaphore, #tpu.memory_space<semaphore_mem>>)
    %add3A_1504 = arith.constant 4866048 : i32
    %add3A_1505 = arith.addi %add3A_1504, %add3A_1391 : i32
    %dma_start3A_1506 = arith.constant 21504 : i32
    %dma_start3A_1507 = tpu.memref_slice %arg5[%dma_start3A_1506] : memref<29184xf32, #tpu.memory_space<vmem>> -> memref<1536xf32, #tpu.memory_space<vmem>>
    %dma_start3A_1508 = tpu.memref_slice %arg2[%add3A_1505] : memref<5603328xf32, #tpu.memory_space<hbm>> -> memref<1536xf32, #tpu.memory_space<hbm>>
    %dma_start3A_1509 = arith.constant 21504 : i32
    %dma_start3A_1510 = tpu.memref_slice %arg5[%dma_start3A_1509] : memref<29184xf32, #tpu.memory_space<vmem>> -> memref<1536xf32, #tpu.memory_space<vmem>>
    %dma_start3A_1511 = tpu.memref_slice %arg2[%add3A_1505] : memref<5603328xf32, #tpu.memory_space<hbm>> -> memref<1536xf32, #tpu.memory_space<hbm>>
    tpu.enqueue_dma source(%dma_start3A_1511 : memref<1536xf32, #tpu.memory_space<hbm>>) target(%dma_start3A_1510 : memref<1536xf32, #tpu.memory_space<vmem>>) target_semaphore(%arg8 : memref<!tpu.dma_semaphore, #tpu.memory_space<semaphore_mem>>)
    %add3A_1512 = arith.constant 5013504 : i32
    %add3A_1513 = arith.addi %add3A_1512, %add3A_1391 : i32
    %dma_start3A_1514 = arith.constant 23040 : i32
    %dma_start3A_1515 = tpu.memref_slice %arg5[%dma_start3A_1514] : memref<29184xf32, #tpu.memory_space<vmem>> -> memref<1536xf32, #tpu.memory_space<vmem>>
    %dma_start3A_1516 = tpu.memref_slice %arg2[%add3A_1513] : memref<5603328xf32, #tpu.memory_space<hbm>> -> memref<1536xf32, #tpu.memory_space<hbm>>
    %dma_start3A_1517 = arith.constant 23040 : i32
    %dma_start3A_1518 = tpu.memref_slice %arg5[%dma_start3A_1517] : memref<29184xf32, #tpu.memory_space<vmem>> -> memref<1536xf32, #tpu.memory_space<vmem>>
    %dma_start3A_1519 = tpu.memref_slice %arg2[%add3A_1513] : memref<5603328xf32, #tpu.memory_space<hbm>> -> memref<1536xf32, #tpu.memory_space<hbm>>
    tpu.enqueue_dma source(%dma_start3A_1519 : memref<1536xf32, #tpu.memory_space<hbm>>) target(%dma_start3A_1518 : memref<1536xf32, #tpu.memory_space<vmem>>) target_semaphore(%arg8 : memref<!tpu.dma_semaphore, #tpu.memory_space<semaphore_mem>>)
    %add3A_1520 = arith.constant 5160960 : i32
    %add3A_1521 = arith.addi %add3A_1520, %add3A_1391 : i32
    %dma_start3A_1522 = arith.constant 24576 : i32
    %dma_start3A_1523 = tpu.memref_slice %arg5[%dma_start3A_1522] : memref<29184xf32, #tpu.memory_space<vmem>> -> memref<1536xf32, #tpu.memory_space<vmem>>
    %dma_start3A_1524 = tpu.memref_slice %arg2[%add3A_1521] : memref<5603328xf32, #tpu.memory_space<hbm>> -> memref<1536xf32, #tpu.memory_space<hbm>>
    %dma_start3A_1525 = arith.constant 24576 : i32
    %dma_start3A_1526 = tpu.memref_slice %arg5[%dma_start3A_1525] : memref<29184xf32, #tpu.memory_space<vmem>> -> memref<1536xf32, #tpu.memory_space<vmem>>
    %dma_start3A_1527 = tpu.memref_slice %arg2[%add3A_1521] : memref<5603328xf32, #tpu.memory_space<hbm>> -> memref<1536xf32, #tpu.memory_space<hbm>>
    tpu.enqueue_dma source(%dma_start3A_1527 : memref<1536xf32, #tpu.memory_space<hbm>>) target(%dma_start3A_1526 : memref<1536xf32, #tpu.memory_space<vmem>>) target_semaphore(%arg8 : memref<!tpu.dma_semaphore, #tpu.memory_space<semaphore_mem>>)
    %add3A_1528 = arith.constant 5308416 : i32
    %add3A_1529 = arith.addi %add3A_1528, %add3A_1391 : i32
    %dma_start3A_1530 = arith.constant 26112 : i32
    %dma_start3A_1531 = tpu.memref_slice %arg5[%dma_start3A_1530] : memref<29184xf32, #tpu.memory_space<vmem>> -> memref<1536xf32, #tpu.memory_space<vmem>>
    %dma_start3A_1532 = tpu.memref_slice %arg2[%add3A_1529] : memref<5603328xf32, #tpu.memory_space<hbm>> -> memref<1536xf32, #tpu.memory_space<hbm>>
    %dma_start3A_1533 = arith.constant 26112 : i32
    %dma_start3A_1534 = tpu.memref_slice %arg5[%dma_start3A_1533] : memref<29184xf32, #tpu.memory_space<vmem>> -> memref<1536xf32, #tpu.memory_space<vmem>>
    %dma_start3A_1535 = tpu.memref_slice %arg2[%add3A_1529] : memref<5603328xf32, #tpu.memory_space<hbm>> -> memref<1536xf32, #tpu.memory_space<hbm>>
    tpu.enqueue_dma source(%dma_start3A_1535 : memref<1536xf32, #tpu.memory_space<hbm>>) target(%dma_start3A_1534 : memref<1536xf32, #tpu.memory_space<vmem>>) target_semaphore(%arg8 : memref<!tpu.dma_semaphore, #tpu.memory_space<semaphore_mem>>)
    %add3A_1536 = arith.constant 5455872 : i32
    %add3A_1537 = arith.addi %add3A_1536, %add3A_1391 : i32
    %dma_start3A_1538 = arith.constant 27648 : i32
    %dma_start3A_1539 = tpu.memref_slice %arg5[%dma_start3A_1538] : memref<29184xf32, #tpu.memory_space<vmem>> -> memref<1536xf32, #tpu.memory_space<vmem>>
    %dma_start3A_1540 = tpu.memref_slice %arg2[%add3A_1537] : memref<5603328xf32, #tpu.memory_space<hbm>> -> memref<1536xf32, #tpu.memory_space<hbm>>
    %dma_start3A_1541 = arith.constant 27648 : i32
    %dma_start3A_1542 = tpu.memref_slice %arg5[%dma_start3A_1541] : memref<29184xf32, #tpu.memory_space<vmem>> -> memref<1536xf32, #tpu.memory_space<vmem>>
    %dma_start3A_1543 = tpu.memref_slice %arg2[%add3A_1537] : memref<5603328xf32, #tpu.memory_space<hbm>> -> memref<1536xf32, #tpu.memory_space<hbm>>
    tpu.enqueue_dma source(%dma_start3A_1543 : memref<1536xf32, #tpu.memory_space<hbm>>) target(%dma_start3A_1542 : memref<1536xf32, #tpu.memory_space<vmem>>) target_semaphore(%arg8 : memref<!tpu.dma_semaphore, #tpu.memory_space<semaphore_mem>>)
    %dma_wait3A_1544 = arith.constant 0 : i32
    %dma_wait3A_1545 = tpu.memref_slice %arg5[%dma_wait3A_1544] : memref<29184xf32, #tpu.memory_space<vmem>> -> memref<1536xf32, #tpu.memory_space<vmem>>
    %dma_wait3A_1546 = tpu.memref_slice %arg2[%add3A_1393] : memref<5603328xf32, #tpu.memory_space<hbm>> -> memref<1536xf32, #tpu.memory_space<hbm>>
    %dma_wait3A_1547 = arith.constant 0 : i32
    %dma_wait3A_1548 = tpu.memref_slice %arg5[%dma_wait3A_1547] : memref<29184xf32, #tpu.memory_space<vmem>> -> memref<1536xf32, #tpu.memory_space<vmem>>
    %dma_wait3A_1549 = tpu.memref_slice %arg2[%add3A_1393] : memref<5603328xf32, #tpu.memory_space<hbm>> -> memref<1536xf32, #tpu.memory_space<hbm>>
    tpu.wait_dma2 semaphore(%arg8 : memref<!tpu.dma_semaphore, #tpu.memory_space<semaphore_mem>>) src(%dma_wait3A_1549 : memref<1536xf32, #tpu.memory_space<hbm>>) dst(%dma_wait3A_1548 : memref<1536xf32, #tpu.memory_space<vmem>>)
    %dma_wait3A_1550 = arith.constant 1536 : i32
    %dma_wait3A_1551 = tpu.memref_slice %arg5[%dma_wait3A_1550] : memref<29184xf32, #tpu.memory_space<vmem>> -> memref<1536xf32, #tpu.memory_space<vmem>>
    %dma_wait3A_1552 = tpu.memref_slice %arg2[%add3A_1401] : memref<5603328xf32, #tpu.memory_space<hbm>> -> memref<1536xf32, #tpu.memory_space<hbm>>
    %dma_wait3A_1553 = arith.constant 1536 : i32
    %dma_wait3A_1554 = tpu.memref_slice %arg5[%dma_wait3A_1553] : memref<29184xf32, #tpu.memory_space<vmem>> -> memref<1536xf32, #tpu.memory_space<vmem>>
    %dma_wait3A_1555 = tpu.memref_slice %arg2[%add3A_1401] : memref<5603328xf32, #tpu.memory_space<hbm>> -> memref<1536xf32, #tpu.memory_space<hbm>>
    tpu.wait_dma2 semaphore(%arg8 : memref<!tpu.dma_semaphore, #tpu.memory_space<semaphore_mem>>) src(%dma_wait3A_1555 : memref<1536xf32, #tpu.memory_space<hbm>>) dst(%dma_wait3A_1554 : memref<1536xf32, #tpu.memory_space<vmem>>)
    %dma_wait3A_1556 = arith.constant 3072 : i32
    %dma_wait3A_1557 = tpu.memref_slice %arg5[%dma_wait3A_1556] : memref<29184xf32, #tpu.memory_space<vmem>> -> memref<1536xf32, #tpu.memory_space<vmem>>
    %dma_wait3A_1558 = tpu.memref_slice %arg2[%add3A_1409] : memref<5603328xf32, #tpu.memory_space<hbm>> -> memref<1536xf32, #tpu.memory_space<hbm>>
    %dma_wait3A_1559 = arith.constant 3072 : i32
    %dma_wait3A_1560 = tpu.memref_slice %arg5[%dma_wait3A_1559] : memref<29184xf32, #tpu.memory_space<vmem>> -> memref<1536xf32, #tpu.memory_space<vmem>>
    %dma_wait3A_1561 = tpu.memref_slice %arg2[%add3A_1409] : memref<5603328xf32, #tpu.memory_space<hbm>> -> memref<1536xf32, #tpu.memory_space<hbm>>
    tpu.wait_dma2 semaphore(%arg8 : memref<!tpu.dma_semaphore, #tpu.memory_space<semaphore_mem>>) src(%dma_wait3A_1561 : memref<1536xf32, #tpu.memory_space<hbm>>) dst(%dma_wait3A_1560 : memref<1536xf32, #tpu.memory_space<vmem>>)
    %dma_wait3A_1562 = arith.constant 4608 : i32
    %dma_wait3A_1563 = tpu.memref_slice %arg5[%dma_wait3A_1562] : memref<29184xf32, #tpu.memory_space<vmem>> -> memref<1536xf32, #tpu.memory_space<vmem>>
    %dma_wait3A_1564 = tpu.memref_slice %arg2[%add3A_1417] : memref<5603328xf32, #tpu.memory_space<hbm>> -> memref<1536xf32, #tpu.memory_space<hbm>>
    %dma_wait3A_1565 = arith.constant 4608 : i32
    %dma_wait3A_1566 = tpu.memref_slice %arg5[%dma_wait3A_1565] : memref<29184xf32, #tpu.memory_space<vmem>> -> memref<1536xf32, #tpu.memory_space<vmem>>
    %dma_wait3A_1567 = tpu.memref_slice %arg2[%add3A_1417] : memref<5603328xf32, #tpu.memory_space<hbm>> -> memref<1536xf32, #tpu.memory_space<hbm>>
    tpu.wait_dma2 semaphore(%arg8 : memref<!tpu.dma_semaphore, #tpu.memory_space<semaphore_mem>>) src(%dma_wait3A_1567 : memref<1536xf32, #tpu.memory_space<hbm>>) dst(%dma_wait3A_1566 : memref<1536xf32, #tpu.memory_space<vmem>>)
    %dma_wait3A_1568 = arith.constant 6144 : i32
    %dma_wait3A_1569 = tpu.memref_slice %arg5[%dma_wait3A_1568] : memref<29184xf32, #tpu.memory_space<vmem>> -> memref<1536xf32, #tpu.memory_space<vmem>>
    %dma_wait3A_1570 = tpu.memref_slice %arg2[%add3A_1425] : memref<5603328xf32, #tpu.memory_space<hbm>> -> memref<1536xf32, #tpu.memory_space<hbm>>
    %dma_wait3A_1571 = arith.constant 6144 : i32
    %dma_wait3A_1572 = tpu.memref_slice %arg5[%dma_wait3A_1571] : memref<29184xf32, #tpu.memory_space<vmem>> -> memref<1536xf32, #tpu.memory_space<vmem>>
    %dma_wait3A_1573 = tpu.memref_slice %arg2[%add3A_1425] : memref<5603328xf32, #tpu.memory_space<hbm>> -> memref<1536xf32, #tpu.memory_space<hbm>>
    tpu.wait_dma2 semaphore(%arg8 : memref<!tpu.dma_semaphore, #tpu.memory_space<semaphore_mem>>) src(%dma_wait3A_1573 : memref<1536xf32, #tpu.memory_space<hbm>>) dst(%dma_wait3A_1572 : memref<1536xf32, #tpu.memory_space<vmem>>)
    %dma_wait3A_1574 = arith.constant 7680 : i32
    %dma_wait3A_1575 = tpu.memref_slice %arg5[%dma_wait3A_1574] : memref<29184xf32, #tpu.memory_space<vmem>> -> memref<1536xf32, #tpu.memory_space<vmem>>
    %dma_wait3A_1576 = tpu.memref_slice %arg2[%add3A_1433] : memref<5603328xf32, #tpu.memory_space<hbm>> -> memref<1536xf32, #tpu.memory_space<hbm>>
    %dma_wait3A_1577 = arith.constant 7680 : i32
    %dma_wait3A_1578 = tpu.memref_slice %arg5[%dma_wait3A_1577] : memref<29184xf32, #tpu.memory_space<vmem>> -> memref<1536xf32, #tpu.memory_space<vmem>>
    %dma_wait3A_1579 = tpu.memref_slice %arg2[%add3A_1433] : memref<5603328xf32, #tpu.memory_space<hbm>> -> memref<1536xf32, #tpu.memory_space<hbm>>
    tpu.wait_dma2 semaphore(%arg8 : memref<!tpu.dma_semaphore, #tpu.memory_space<semaphore_mem>>) src(%dma_wait3A_1579 : memref<1536xf32, #tpu.memory_space<hbm>>) dst(%dma_wait3A_1578 : memref<1536xf32, #tpu.memory_space<vmem>>)
    %dma_wait3A_1580 = arith.constant 9216 : i32
    %dma_wait3A_1581 = tpu.memref_slice %arg5[%dma_wait3A_1580] : memref<29184xf32, #tpu.memory_space<vmem>> -> memref<1536xf32, #tpu.memory_space<vmem>>
    %dma_wait3A_1582 = tpu.memref_slice %arg2[%add3A_1441] : memref<5603328xf32, #tpu.memory_space<hbm>> -> memref<1536xf32, #tpu.memory_space<hbm>>
    %dma_wait3A_1583 = arith.constant 9216 : i32
    %dma_wait3A_1584 = tpu.memref_slice %arg5[%dma_wait3A_1583] : memref<29184xf32, #tpu.memory_space<vmem>> -> memref<1536xf32, #tpu.memory_space<vmem>>
    %dma_wait3A_1585 = tpu.memref_slice %arg2[%add3A_1441] : memref<5603328xf32, #tpu.memory_space<hbm>> -> memref<1536xf32, #tpu.memory_space<hbm>>
    tpu.wait_dma2 semaphore(%arg8 : memref<!tpu.dma_semaphore, #tpu.memory_space<semaphore_mem>>) src(%dma_wait3A_1585 : memref<1536xf32, #tpu.memory_space<hbm>>) dst(%dma_wait3A_1584 : memref<1536xf32, #tpu.memory_space<vmem>>)
    %dma_wait3A_1586 = arith.constant 10752 : i32
    %dma_wait3A_1587 = tpu.memref_slice %arg5[%dma_wait3A_1586] : memref<29184xf32, #tpu.memory_space<vmem>> -> memref<1536xf32, #tpu.memory_space<vmem>>
    %dma_wait3A_1588 = tpu.memref_slice %arg2[%add3A_1449] : memref<5603328xf32, #tpu.memory_space<hbm>> -> memref<1536xf32, #tpu.memory_space<hbm>>
    %dma_wait3A_1589 = arith.constant 10752 : i32
    %dma_wait3A_1590 = tpu.memref_slice %arg5[%dma_wait3A_1589] : memref<29184xf32, #tpu.memory_space<vmem>> -> memref<1536xf32, #tpu.memory_space<vmem>>
    %dma_wait3A_1591 = tpu.memref_slice %arg2[%add3A_1449] : memref<5603328xf32, #tpu.memory_space<hbm>> -> memref<1536xf32, #tpu.memory_space<hbm>>
    tpu.wait_dma2 semaphore(%arg8 : memref<!tpu.dma_semaphore, #tpu.memory_space<semaphore_mem>>) src(%dma_wait3A_1591 : memref<1536xf32, #tpu.memory_space<hbm>>) dst(%dma_wait3A_1590 : memref<1536xf32, #tpu.memory_space<vmem>>)
    %dma_wait3A_1592 = arith.constant 12288 : i32
    %dma_wait3A_1593 = tpu.memref_slice %arg5[%dma_wait3A_1592] : memref<29184xf32, #tpu.memory_space<vmem>> -> memref<1536xf32, #tpu.memory_space<vmem>>
    %dma_wait3A_1594 = tpu.memref_slice %arg2[%add3A_1457] : memref<5603328xf32, #tpu.memory_space<hbm>> -> memref<1536xf32, #tpu.memory_space<hbm>>
    %dma_wait3A_1595 = arith.constant 12288 : i32
    %dma_wait3A_1596 = tpu.memref_slice %arg5[%dma_wait3A_1595] : memref<29184xf32, #tpu.memory_space<vmem>> -> memref<1536xf32, #tpu.memory_space<vmem>>
    %dma_wait3A_1597 = tpu.memref_slice %arg2[%add3A_1457] : memref<5603328xf32, #tpu.memory_space<hbm>> -> memref<1536xf32, #tpu.memory_space<hbm>>
    tpu.wait_dma2 semaphore(%arg8 : memref<!tpu.dma_semaphore, #tpu.memory_space<semaphore_mem>>) src(%dma_wait3A_1597 : memref<1536xf32, #tpu.memory_space<hbm>>) dst(%dma_wait3A_1596 : memref<1536xf32, #tpu.memory_space<vmem>>)
    %dma_wait3A_1598 = arith.constant 13824 : i32
    %dma_wait3A_1599 = tpu.memref_slice %arg5[%dma_wait3A_1598] : memref<29184xf32, #tpu.memory_space<vmem>> -> memref<1536xf32, #tpu.memory_space<vmem>>
    %dma_wait3A_1600 = tpu.memref_slice %arg2[%add3A_1465] : memref<5603328xf32, #tpu.memory_space<hbm>> -> memref<1536xf32, #tpu.memory_space<hbm>>
    %dma_wait3A_1601 = arith.constant 13824 : i32
    %dma_wait3A_1602 = tpu.memref_slice %arg5[%dma_wait3A_1601] : memref<29184xf32, #tpu.memory_space<vmem>> -> memref<1536xf32, #tpu.memory_space<vmem>>
    %dma_wait3A_1603 = tpu.memref_slice %arg2[%add3A_1465] : memref<5603328xf32, #tpu.memory_space<hbm>> -> memref<1536xf32, #tpu.memory_space<hbm>>
    tpu.wait_dma2 semaphore(%arg8 : memref<!tpu.dma_semaphore, #tpu.memory_space<semaphore_mem>>) src(%dma_wait3A_1603 : memref<1536xf32, #tpu.memory_space<hbm>>) dst(%dma_wait3A_1602 : memref<1536xf32, #tpu.memory_space<vmem>>)
    %dma_wait3A_1604 = arith.constant 15360 : i32
    %dma_wait3A_1605 = tpu.memref_slice %arg5[%dma_wait3A_1604] : memref<29184xf32, #tpu.memory_space<vmem>> -> memref<1536xf32, #tpu.memory_space<vmem>>
    %dma_wait3A_1606 = tpu.memref_slice %arg2[%add3A_1473] : memref<5603328xf32, #tpu.memory_space<hbm>> -> memref<1536xf32, #tpu.memory_space<hbm>>
    %dma_wait3A_1607 = arith.constant 15360 : i32
    %dma_wait3A_1608 = tpu.memref_slice %arg5[%dma_wait3A_1607] : memref<29184xf32, #tpu.memory_space<vmem>> -> memref<1536xf32, #tpu.memory_space<vmem>>
    %dma_wait3A_1609 = tpu.memref_slice %arg2[%add3A_1473] : memref<5603328xf32, #tpu.memory_space<hbm>> -> memref<1536xf32, #tpu.memory_space<hbm>>
    tpu.wait_dma2 semaphore(%arg8 : memref<!tpu.dma_semaphore, #tpu.memory_space<semaphore_mem>>) src(%dma_wait3A_1609 : memref<1536xf32, #tpu.memory_space<hbm>>) dst(%dma_wait3A_1608 : memref<1536xf32, #tpu.memory_space<vmem>>)
    %dma_wait3A_1610 = arith.constant 16896 : i32
    %dma_wait3A_1611 = tpu.memref_slice %arg5[%dma_wait3A_1610] : memref<29184xf32, #tpu.memory_space<vmem>> -> memref<1536xf32, #tpu.memory_space<vmem>>
    %dma_wait3A_1612 = tpu.memref_slice %arg2[%add3A_1481] : memref<5603328xf32, #tpu.memory_space<hbm>> -> memref<1536xf32, #tpu.memory_space<hbm>>
    %dma_wait3A_1613 = arith.constant 16896 : i32
    %dma_wait3A_1614 = tpu.memref_slice %arg5[%dma_wait3A_1613] : memref<29184xf32, #tpu.memory_space<vmem>> -> memref<1536xf32, #tpu.memory_space<vmem>>
    %dma_wait3A_1615 = tpu.memref_slice %arg2[%add3A_1481] : memref<5603328xf32, #tpu.memory_space<hbm>> -> memref<1536xf32, #tpu.memory_space<hbm>>
    tpu.wait_dma2 semaphore(%arg8 : memref<!tpu.dma_semaphore, #tpu.memory_space<semaphore_mem>>) src(%dma_wait3A_1615 : memref<1536xf32, #tpu.memory_space<hbm>>) dst(%dma_wait3A_1614 : memref<1536xf32, #tpu.memory_space<vmem>>)
    %dma_wait3A_1616 = arith.constant 18432 : i32
    %dma_wait3A_1617 = tpu.memref_slice %arg5[%dma_wait3A_1616] : memref<29184xf32, #tpu.memory_space<vmem>> -> memref<1536xf32, #tpu.memory_space<vmem>>
    %dma_wait3A_1618 = tpu.memref_slice %arg2[%add3A_1489] : memref<5603328xf32, #tpu.memory_space<hbm>> -> memref<1536xf32, #tpu.memory_space<hbm>>
    %dma_wait3A_1619 = arith.constant 18432 : i32
    %dma_wait3A_1620 = tpu.memref_slice %arg5[%dma_wait3A_1619] : memref<29184xf32, #tpu.memory_space<vmem>> -> memref<1536xf32, #tpu.memory_space<vmem>>
    %dma_wait3A_1621 = tpu.memref_slice %arg2[%add3A_1489] : memref<5603328xf32, #tpu.memory_space<hbm>> -> memref<1536xf32, #tpu.memory_space<hbm>>
    tpu.wait_dma2 semaphore(%arg8 : memref<!tpu.dma_semaphore, #tpu.memory_space<semaphore_mem>>) src(%dma_wait3A_1621 : memref<1536xf32, #tpu.memory_space<hbm>>) dst(%dma_wait3A_1620 : memref<1536xf32, #tpu.memory_space<vmem>>)
    %dma_wait3A_1622 = arith.constant 19968 : i32
    %dma_wait3A_1623 = tpu.memref_slice %arg5[%dma_wait3A_1622] : memref<29184xf32, #tpu.memory_space<vmem>> -> memref<1536xf32, #tpu.memory_space<vmem>>
    %dma_wait3A_1624 = tpu.memref_slice %arg2[%add3A_1497] : memref<5603328xf32, #tpu.memory_space<hbm>> -> memref<1536xf32, #tpu.memory_space<hbm>>
    %dma_wait3A_1625 = arith.constant 19968 : i32
    %dma_wait3A_1626 = tpu.memref_slice %arg5[%dma_wait3A_1625] : memref<29184xf32, #tpu.memory_space<vmem>> -> memref<1536xf32, #tpu.memory_space<vmem>>
    %dma_wait3A_1627 = tpu.memref_slice %arg2[%add3A_1497] : memref<5603328xf32, #tpu.memory_space<hbm>> -> memref<1536xf32, #tpu.memory_space<hbm>>
    tpu.wait_dma2 semaphore(%arg8 : memref<!tpu.dma_semaphore, #tpu.memory_space<semaphore_mem>>) src(%dma_wait3A_1627 : memref<1536xf32, #tpu.memory_space<hbm>>) dst(%dma_wait3A_1626 : memref<1536xf32, #tpu.memory_space<vmem>>)
    %dma_wait3A_1628 = arith.constant 21504 : i32
    %dma_wait3A_1629 = tpu.memref_slice %arg5[%dma_wait3A_1628] : memref<29184xf32, #tpu.memory_space<vmem>> -> memref<1536xf32, #tpu.memory_space<vmem>>
    %dma_wait3A_1630 = tpu.memref_slice %arg2[%add3A_1505] : memref<5603328xf32, #tpu.memory_space<hbm>> -> memref<1536xf32, #tpu.memory_space<hbm>>
    %dma_wait3A_1631 = arith.constant 21504 : i32
    %dma_wait3A_1632 = tpu.memref_slice %arg5[%dma_wait3A_1631] : memref<29184xf32, #tpu.memory_space<vmem>> -> memref<1536xf32, #tpu.memory_space<vmem>>
    %dma_wait3A_1633 = tpu.memref_slice %arg2[%add3A_1505] : memref<5603328xf32, #tpu.memory_space<hbm>> -> memref<1536xf32, #tpu.memory_space<hbm>>
    tpu.wait_dma2 semaphore(%arg8 : memref<!tpu.dma_semaphore, #tpu.memory_space<semaphore_mem>>) src(%dma_wait3A_1633 : memref<1536xf32, #tpu.memory_space<hbm>>) dst(%dma_wait3A_1632 : memref<1536xf32, #tpu.memory_space<vmem>>)
    %dma_wait3A_1634 = arith.constant 23040 : i32
    %dma_wait3A_1635 = tpu.memref_slice %arg5[%dma_wait3A_1634] : memref<29184xf32, #tpu.memory_space<vmem>> -> memref<1536xf32, #tpu.memory_space<vmem>>
    %dma_wait3A_1636 = tpu.memref_slice %arg2[%add3A_1513] : memref<5603328xf32, #tpu.memory_space<hbm>> -> memref<1536xf32, #tpu.memory_space<hbm>>
    %dma_wait3A_1637 = arith.constant 23040 : i32
    %dma_wait3A_1638 = tpu.memref_slice %arg5[%dma_wait3A_1637] : memref<29184xf32, #tpu.memory_space<vmem>> -> memref<1536xf32, #tpu.memory_space<vmem>>
    %dma_wait3A_1639 = tpu.memref_slice %arg2[%add3A_1513] : memref<5603328xf32, #tpu.memory_space<hbm>> -> memref<1536xf32, #tpu.memory_space<hbm>>
    tpu.wait_dma2 semaphore(%arg8 : memref<!tpu.dma_semaphore, #tpu.memory_space<semaphore_mem>>) src(%dma_wait3A_1639 : memref<1536xf32, #tpu.memory_space<hbm>>) dst(%dma_wait3A_1638 : memref<1536xf32, #tpu.memory_space<vmem>>)
    %dma_wait3A_1640 = arith.constant 24576 : i32
    %dma_wait3A_1641 = tpu.memref_slice %arg5[%dma_wait3A_1640] : memref<29184xf32, #tpu.memory_space<vmem>> -> memref<1536xf32, #tpu.memory_space<vmem>>
    %dma_wait3A_1642 = tpu.memref_slice %arg2[%add3A_1521] : memref<5603328xf32, #tpu.memory_space<hbm>> -> memref<1536xf32, #tpu.memory_space<hbm>>
    %dma_wait3A_1643 = arith.constant 24576 : i32
    %dma_wait3A_1644 = tpu.memref_slice %arg5[%dma_wait3A_1643] : memref<29184xf32, #tpu.memory_space<vmem>> -> memref<1536xf32, #tpu.memory_space<vmem>>
    %dma_wait3A_1645 = tpu.memref_slice %arg2[%add3A_1521] : memref<5603328xf32, #tpu.memory_space<hbm>> -> memref<1536xf32, #tpu.memory_space<hbm>>
    tpu.wait_dma2 semaphore(%arg8 : memref<!tpu.dma_semaphore, #tpu.memory_space<semaphore_mem>>) src(%dma_wait3A_1645 : memref<1536xf32, #tpu.memory_space<hbm>>) dst(%dma_wait3A_1644 : memref<1536xf32, #tpu.memory_space<vmem>>)
    %dma_wait3A_1646 = arith.constant 26112 : i32
    %dma_wait3A_1647 = tpu.memref_slice %arg5[%dma_wait3A_1646] : memref<29184xf32, #tpu.memory_space<vmem>> -> memref<1536xf32, #tpu.memory_space<vmem>>
    %dma_wait3A_1648 = tpu.memref_slice %arg2[%add3A_1529] : memref<5603328xf32, #tpu.memory_space<hbm>> -> memref<1536xf32, #tpu.memory_space<hbm>>
    %dma_wait3A_1649 = arith.constant 26112 : i32
    %dma_wait3A_1650 = tpu.memref_slice %arg5[%dma_wait3A_1649] : memref<29184xf32, #tpu.memory_space<vmem>> -> memref<1536xf32, #tpu.memory_space<vmem>>
    %dma_wait3A_1651 = tpu.memref_slice %arg2[%add3A_1529] : memref<5603328xf32, #tpu.memory_space<hbm>> -> memref<1536xf32, #tpu.memory_space<hbm>>
    tpu.wait_dma2 semaphore(%arg8 : memref<!tpu.dma_semaphore, #tpu.memory_space<semaphore_mem>>) src(%dma_wait3A_1651 : memref<1536xf32, #tpu.memory_space<hbm>>) dst(%dma_wait3A_1650 : memref<1536xf32, #tpu.memory_space<vmem>>)
    %dma_wait3A_1652 = arith.constant 27648 : i32
    %dma_wait3A_1653 = tpu.memref_slice %arg5[%dma_wait3A_1652] : memref<29184xf32, #tpu.memory_space<vmem>> -> memref<1536xf32, #tpu.memory_space<vmem>>
    %dma_wait3A_1654 = tpu.memref_slice %arg2[%add3A_1537] : memref<5603328xf32, #tpu.memory_space<hbm>> -> memref<1536xf32, #tpu.memory_space<hbm>>
    %dma_wait3A_1655 = arith.constant 27648 : i32
    %dma_wait3A_1656 = tpu.memref_slice %arg5[%dma_wait3A_1655] : memref<29184xf32, #tpu.memory_space<vmem>> -> memref<1536xf32, #tpu.memory_space<vmem>>
    %dma_wait3A_1657 = tpu.memref_slice %arg2[%add3A_1537] : memref<5603328xf32, #tpu.memory_space<hbm>> -> memref<1536xf32, #tpu.memory_space<hbm>>
    tpu.wait_dma2 semaphore(%arg8 : memref<!tpu.dma_semaphore, #tpu.memory_space<semaphore_mem>>) src(%dma_wait3A_1657 : memref<1536xf32, #tpu.memory_space<hbm>>) dst(%dma_wait3A_1656 : memref<1536xf32, #tpu.memory_space<vmem>>)
    %scan3A_1658 = arith.constant 0 : i32
    %scan3A_1659 = arith.constant 0 : i32
    %scan3A_1660 = arith.constant 96 : i32
    %scan3A_1661 = arith.addi %scan3A_1659, %scan3A_1660 : i32
    %scan3A_1662 = arith.constant 1 : i32
    scf.for %scan3A_1668 = %scan3A_1659 to %scan3A_1661 step %scan3A_1662  : i32 {
      %mul3A_1669 = arith.constant 16 : i32
      %mul3A_1670 = arith.muli %scan3A_1668, %mul3A_1669 : i32
      %get3A = arith.index_cast %mul3A_1670 : i32 to index
      %get3A_1671 = tpu.vector_load %arg5[%get3A] {strides = array<i32>} : memref<29184xf32, #tpu.memory_space<vmem>>, vector<16xf32>,
      %get3A_1672 = vector.shape_cast %get3A_1671 : vector<16xf32> to vector<16xf32>
      %broadcast_in_dim3A = arith.constant 0 : i32
      %broadcast_in_dim3A_1673 = vector.broadcast %broadcast_in_dim3A : i32 to vector<16xi32>
      %add3A_1674 = arith.constant 1536 : i32
      %add3A_1675 = arith.addi %add3A_1674, %mul3A_1670 : i32
      %get3A_1676 = arith.index_cast %add3A_1675 : i32 to index
      %get3A_1677 = tpu.vector_load %arg5[%get3A_1676] {strides = array<i32>} : memref<29184xf32, #tpu.memory_space<vmem>>, vector<16xf32>,
      %get3A_1678 = vector.shape_cast %get3A_1677 : vector<16xf32> to vector<16xf32>
      %gt3A = arith.cmpf ogt, %get3A_1678, %get3A_1672 : vector<16xf32>
      %select_n3A = arith.select %gt3A, %get3A_1678, %get3A_1672 : vector<16xi1>, vector<16xf32>
      %jit3A = arith.constant 1 : i32
      %broadcast_in_dim3A_1679 = vector.broadcast %jit3A : i32 to vector<16xi32>
      %select_n3A_1680 = arith.select %gt3A, %broadcast_in_dim3A_1679, %broadcast_in_dim3A_1673 : vector<16xi1>, vector<16xi32>
      %add3A_1681 = arith.constant 3072 : i32
      %add3A_1682 = arith.addi %add3A_1681, %mul3A_1670 : i32
      %get3A_1683 = arith.index_cast %add3A_1682 : i32 to index
      %get3A_1684 = tpu.vector_load %arg5[%get3A_1683] {strides = array<i32>} : memref<29184xf32, #tpu.memory_space<vmem>>, vector<16xf32>,
      %get3A_1685 = vector.shape_cast %get3A_1684 : vector<16xf32> to vector<16xf32>
      %gt3A_1686 = arith.cmpf ogt, %get3A_1685, %select_n3A : vector<16xf32>
      %select_n3A_1687 = arith.select %gt3A_1686, %get3A_1685, %select_n3A : vector<16xi1>, vector<16xf32>
      %jit3A_1688 = arith.constant 2 : i32
      %broadcast_in_dim3A_1689 = vector.broadcast %jit3A_1688 : i32 to vector<16xi32>
      %select_n3A_1690 = arith.select %gt3A_1686, %broadcast_in_dim3A_1689, %select_n3A_1680 : vector<16xi1>, vector<16xi32>
      %add3A_1691 = arith.constant 4608 : i32
      %add3A_1692 = arith.addi %add3A_1691, %mul3A_1670 : i32
      %get3A_1693 = arith.index_cast %add3A_1692 : i32 to index
      %get3A_1694 = tpu.vector_load %arg5[%get3A_1693] {strides = array<i32>} : memref<29184xf32, #tpu.memory_space<vmem>>, vector<16xf32>,
      %get3A_1695 = vector.shape_cast %get3A_1694 : vector<16xf32> to vector<16xf32>
      %gt3A_1696 = arith.cmpf ogt, %get3A_1695, %select_n3A_1687 : vector<16xf32>
      %select_n3A_1697 = arith.select %gt3A_1696, %get3A_1695, %select_n3A_1687 : vector<16xi1>, vector<16xf32>
      %jit3A_1698 = arith.constant 3 : i32
      %broadcast_in_dim3A_1699 = vector.broadcast %jit3A_1698 : i32 to vector<16xi32>
      %select_n3A_1700 = arith.select %gt3A_1696, %broadcast_in_dim3A_1699, %select_n3A_1690 : vector<16xi1>, vector<16xi32>
      %add3A_1701 = arith.constant 6144 : i32
      %add3A_1702 = arith.addi %add3A_1701, %mul3A_1670 : i32
      %get3A_1703 = arith.index_cast %add3A_1702 : i32 to index
      %get3A_1704 = tpu.vector_load %arg5[%get3A_1703] {strides = array<i32>} : memref<29184xf32, #tpu.memory_space<vmem>>, vector<16xf32>,
      %get3A_1705 = vector.shape_cast %get3A_1704 : vector<16xf32> to vector<16xf32>
      %gt3A_1706 = arith.cmpf ogt, %get3A_1705, %select_n3A_1697 : vector<16xf32>
      %select_n3A_1707 = arith.select %gt3A_1706, %get3A_1705, %select_n3A_1697 : vector<16xi1>, vector<16xf32>
      %jit3A_1708 = arith.constant 4 : i32
      %broadcast_in_dim3A_1709 = vector.broadcast %jit3A_1708 : i32 to vector<16xi32>
      %select_n3A_1710 = arith.select %gt3A_1706, %broadcast_in_dim3A_1709, %select_n3A_1700 : vector<16xi1>, vector<16xi32>
      %add3A_1711 = arith.constant 7680 : i32
      %add3A_1712 = arith.addi %add3A_1711, %mul3A_1670 : i32
      %get3A_1713 = arith.index_cast %add3A_1712 : i32 to index
      %get3A_1714 = tpu.vector_load %arg5[%get3A_1713] {strides = array<i32>} : memref<29184xf32, #tpu.memory_space<vmem>>, vector<16xf32>,
      %get3A_1715 = vector.shape_cast %get3A_1714 : vector<16xf32> to vector<16xf32>
      %gt3A_1716 = arith.cmpf ogt, %get3A_1715, %select_n3A_1707 : vector<16xf32>
      %select_n3A_1717 = arith.select %gt3A_1716, %get3A_1715, %select_n3A_1707 : vector<16xi1>, vector<16xf32>
      %jit3A_1718 = arith.constant 5 : i32
      %broadcast_in_dim3A_1719 = vector.broadcast %jit3A_1718 : i32 to vector<16xi32>
      %select_n3A_1720 = arith.select %gt3A_1716, %broadcast_in_dim3A_1719, %select_n3A_1710 : vector<16xi1>, vector<16xi32>
      %add3A_1721 = arith.constant 9216 : i32
      %add3A_1722 = arith.addi %add3A_1721, %mul3A_1670 : i32
      %get3A_1723 = arith.index_cast %add3A_1722 : i32 to index
      %get3A_1724 = tpu.vector_load %arg5[%get3A_1723] {strides = array<i32>} : memref<29184xf32, #tpu.memory_space<vmem>>, vector<16xf32>,
      %get3A_1725 = vector.shape_cast %get3A_1724 : vector<16xf32> to vector<16xf32>
      %gt3A_1726 = arith.cmpf ogt, %get3A_1725, %select_n3A_1717 : vector<16xf32>
      %select_n3A_1727 = arith.select %gt3A_1726, %get3A_1725, %select_n3A_1717 : vector<16xi1>, vector<16xf32>
      %jit3A_1728 = arith.constant 6 : i32
      %broadcast_in_dim3A_1729 = vector.broadcast %jit3A_1728 : i32 to vector<16xi32>
      %select_n3A_1730 = arith.select %gt3A_1726, %broadcast_in_dim3A_1729, %select_n3A_1720 : vector<16xi1>, vector<16xi32>
      %add3A_1731 = arith.constant 10752 : i32
      %add3A_1732 = arith.addi %add3A_1731, %mul3A_1670 : i32
      %get3A_1733 = arith.index_cast %add3A_1732 : i32 to index
      %get3A_1734 = tpu.vector_load %arg5[%get3A_1733] {strides = array<i32>} : memref<29184xf32, #tpu.memory_space<vmem>>, vector<16xf32>,
      %get3A_1735 = vector.shape_cast %get3A_1734 : vector<16xf32> to vector<16xf32>
      %gt3A_1736 = arith.cmpf ogt, %get3A_1735, %select_n3A_1727 : vector<16xf32>
      %select_n3A_1737 = arith.select %gt3A_1736, %get3A_1735, %select_n3A_1727 : vector<16xi1>, vector<16xf32>
      %jit3A_1738 = arith.constant 7 : i32
      %broadcast_in_dim3A_1739 = vector.broadcast %jit3A_1738 : i32 to vector<16xi32>
      %select_n3A_1740 = arith.select %gt3A_1736, %broadcast_in_dim3A_1739, %select_n3A_1730 : vector<16xi1>, vector<16xi32>
      %add3A_1741 = arith.constant 12288 : i32
      %add3A_1742 = arith.addi %add3A_1741, %mul3A_1670 : i32
      %get3A_1743 = arith.index_cast %add3A_1742 : i32 to index
      %get3A_1744 = tpu.vector_load %arg5[%get3A_1743] {strides = array<i32>} : memref<29184xf32, #tpu.memory_space<vmem>>, vector<16xf32>,
      %get3A_1745 = vector.shape_cast %get3A_1744 : vector<16xf32> to vector<16xf32>
      %gt3A_1746 = arith.cmpf ogt, %get3A_1745, %select_n3A_1737 : vector<16xf32>
      %select_n3A_1747 = arith.select %gt3A_1746, %get3A_1745, %select_n3A_1737 : vector<16xi1>, vector<16xf32>
      %jit3A_1748 = arith.constant 8 : i32
      %broadcast_in_dim3A_1749 = vector.broadcast %jit3A_1748 : i32 to vector<16xi32>
      %select_n3A_1750 = arith.select %gt3A_1746, %broadcast_in_dim3A_1749, %select_n3A_1740 : vector<16xi1>, vector<16xi32>
      %add3A_1751 = arith.constant 13824 : i32
      %add3A_1752 = arith.addi %add3A_1751, %mul3A_1670 : i32
      %get3A_1753 = arith.index_cast %add3A_1752 : i32 to index
      %get3A_1754 = tpu.vector_load %arg5[%get3A_1753] {strides = array<i32>} : memref<29184xf32, #tpu.memory_space<vmem>>, vector<16xf32>,
      %get3A_1755 = vector.shape_cast %get3A_1754 : vector<16xf32> to vector<16xf32>
      %gt3A_1756 = arith.cmpf ogt, %get3A_1755, %select_n3A_1747 : vector<16xf32>
      %select_n3A_1757 = arith.select %gt3A_1756, %get3A_1755, %select_n3A_1747 : vector<16xi1>, vector<16xf32>
      %jit3A_1758 = arith.constant 9 : i32
      %broadcast_in_dim3A_1759 = vector.broadcast %jit3A_1758 : i32 to vector<16xi32>
      %select_n3A_1760 = arith.select %gt3A_1756, %broadcast_in_dim3A_1759, %select_n3A_1750 : vector<16xi1>, vector<16xi32>
      %add3A_1761 = arith.constant 15360 : i32
      %add3A_1762 = arith.addi %add3A_1761, %mul3A_1670 : i32
      %get3A_1763 = arith.index_cast %add3A_1762 : i32 to index
      %get3A_1764 = tpu.vector_load %arg5[%get3A_1763] {strides = array<i32>} : memref<29184xf32, #tpu.memory_space<vmem>>, vector<16xf32>,
      %get3A_1765 = vector.shape_cast %get3A_1764 : vector<16xf32> to vector<16xf32>
      %gt3A_1766 = arith.cmpf ogt, %get3A_1765, %select_n3A_1757 : vector<16xf32>
      %select_n3A_1767 = arith.select %gt3A_1766, %get3A_1765, %select_n3A_1757 : vector<16xi1>, vector<16xf32>
      %jit3A_1768 = arith.constant 10 : i32
      %broadcast_in_dim3A_1769 = vector.broadcast %jit3A_1768 : i32 to vector<16xi32>
      %select_n3A_1770 = arith.select %gt3A_1766, %broadcast_in_dim3A_1769, %select_n3A_1760 : vector<16xi1>, vector<16xi32>
      %add3A_1771 = arith.constant 16896 : i32
      %add3A_1772 = arith.addi %add3A_1771, %mul3A_1670 : i32
      %get3A_1773 = arith.index_cast %add3A_1772 : i32 to index
      %get3A_1774 = tpu.vector_load %arg5[%get3A_1773] {strides = array<i32>} : memref<29184xf32, #tpu.memory_space<vmem>>, vector<16xf32>,
      %get3A_1775 = vector.shape_cast %get3A_1774 : vector<16xf32> to vector<16xf32>
      %gt3A_1776 = arith.cmpf ogt, %get3A_1775, %select_n3A_1767 : vector<16xf32>
      %select_n3A_1777 = arith.select %gt3A_1776, %get3A_1775, %select_n3A_1767 : vector<16xi1>, vector<16xf32>
      %jit3A_1778 = arith.constant 11 : i32
      %broadcast_in_dim3A_1779 = vector.broadcast %jit3A_1778 : i32 to vector<16xi32>
      %select_n3A_1780 = arith.select %gt3A_1776, %broadcast_in_dim3A_1779, %select_n3A_1770 : vector<16xi1>, vector<16xi32>
      %add3A_1781 = arith.constant 18432 : i32
      %add3A_1782 = arith.addi %add3A_1781, %mul3A_1670 : i32
      %get3A_1783 = arith.index_cast %add3A_1782 : i32 to index
      %get3A_1784 = tpu.vector_load %arg5[%get3A_1783] {strides = array<i32>} : memref<29184xf32, #tpu.memory_space<vmem>>, vector<16xf32>,
      %get3A_1785 = vector.shape_cast %get3A_1784 : vector<16xf32> to vector<16xf32>
      %gt3A_1786 = arith.cmpf ogt, %get3A_1785, %select_n3A_1777 : vector<16xf32>
      %select_n3A_1787 = arith.select %gt3A_1786, %get3A_1785, %select_n3A_1777 : vector<16xi1>, vector<16xf32>
      %jit3A_1788 = arith.constant 12 : i32
      %broadcast_in_dim3A_1789 = vector.broadcast %jit3A_1788 : i32 to vector<16xi32>
      %select_n3A_1790 = arith.select %gt3A_1786, %broadcast_in_dim3A_1789, %select_n3A_1780 : vector<16xi1>, vector<16xi32>
      %add3A_1791 = arith.constant 19968 : i32
      %add3A_1792 = arith.addi %add3A_1791, %mul3A_1670 : i32
      %get3A_1793 = arith.index_cast %add3A_1792 : i32 to index
      %get3A_1794 = tpu.vector_load %arg5[%get3A_1793] {strides = array<i32>} : memref<29184xf32, #tpu.memory_space<vmem>>, vector<16xf32>,
      %get3A_1795 = vector.shape_cast %get3A_1794 : vector<16xf32> to vector<16xf32>
      %gt3A_1796 = arith.cmpf ogt, %get3A_1795, %select_n3A_1787 : vector<16xf32>
      %select_n3A_1797 = arith.select %gt3A_1796, %get3A_1795, %select_n3A_1787 : vector<16xi1>, vector<16xf32>
      %jit3A_1798 = arith.constant 13 : i32
      %broadcast_in_dim3A_1799 = vector.broadcast %jit3A_1798 : i32 to vector<16xi32>
      %select_n3A_1800 = arith.select %gt3A_1796, %broadcast_in_dim3A_1799, %select_n3A_1790 : vector<16xi1>, vector<16xi32>
      %add3A_1801 = arith.constant 21504 : i32
      %add3A_1802 = arith.addi %add3A_1801, %mul3A_1670 : i32
      %get3A_1803 = arith.index_cast %add3A_1802 : i32 to index
      %get3A_1804 = tpu.vector_load %arg5[%get3A_1803] {strides = array<i32>} : memref<29184xf32, #tpu.memory_space<vmem>>, vector<16xf32>,
      %get3A_1805 = vector.shape_cast %get3A_1804 : vector<16xf32> to vector<16xf32>
      %gt3A_1806 = arith.cmpf ogt, %get3A_1805, %select_n3A_1797 : vector<16xf32>
      %select_n3A_1807 = arith.select %gt3A_1806, %get3A_1805, %select_n3A_1797 : vector<16xi1>, vector<16xf32>
      %jit3A_1808 = arith.constant 14 : i32
      %broadcast_in_dim3A_1809 = vector.broadcast %jit3A_1808 : i32 to vector<16xi32>
      %select_n3A_1810 = arith.select %gt3A_1806, %broadcast_in_dim3A_1809, %select_n3A_1800 : vector<16xi1>, vector<16xi32>
      %add3A_1811 = arith.constant 23040 : i32
      %add3A_1812 = arith.addi %add3A_1811, %mul3A_1670 : i32
      %get3A_1813 = arith.index_cast %add3A_1812 : i32 to index
      %get3A_1814 = tpu.vector_load %arg5[%get3A_1813] {strides = array<i32>} : memref<29184xf32, #tpu.memory_space<vmem>>, vector<16xf32>,
      %get3A_1815 = vector.shape_cast %get3A_1814 : vector<16xf32> to vector<16xf32>
      %gt3A_1816 = arith.cmpf ogt, %get3A_1815, %select_n3A_1807 : vector<16xf32>
      %select_n3A_1817 = arith.select %gt3A_1816, %get3A_1815, %select_n3A_1807 : vector<16xi1>, vector<16xf32>
      %jit3A_1818 = arith.constant 15 : i32
      %broadcast_in_dim3A_1819 = vector.broadcast %jit3A_1818 : i32 to vector<16xi32>
      %select_n3A_1820 = arith.select %gt3A_1816, %broadcast_in_dim3A_1819, %select_n3A_1810 : vector<16xi1>, vector<16xi32>
      %add3A_1821 = arith.constant 24576 : i32
      %add3A_1822 = arith.addi %add3A_1821, %mul3A_1670 : i32
      %get3A_1823 = arith.index_cast %add3A_1822 : i32 to index
      %get3A_1824 = tpu.vector_load %arg5[%get3A_1823] {strides = array<i32>} : memref<29184xf32, #tpu.memory_space<vmem>>, vector<16xf32>,
      %get3A_1825 = vector.shape_cast %get3A_1824 : vector<16xf32> to vector<16xf32>
      %gt3A_1826 = arith.cmpf ogt, %get3A_1825, %select_n3A_1817 : vector<16xf32>
      %select_n3A_1827 = arith.select %gt3A_1826, %get3A_1825, %select_n3A_1817 : vector<16xi1>, vector<16xf32>
      %jit3A_1828 = arith.constant 16 : i32
      %broadcast_in_dim3A_1829 = vector.broadcast %jit3A_1828 : i32 to vector<16xi32>
      %select_n3A_1830 = arith.select %gt3A_1826, %broadcast_in_dim3A_1829, %select_n3A_1820 : vector<16xi1>, vector<16xi32>
      %add3A_1831 = arith.constant 26112 : i32
      %add3A_1832 = arith.addi %add3A_1831, %mul3A_1670 : i32
      %get3A_1833 = arith.index_cast %add3A_1832 : i32 to index
      %get3A_1834 = tpu.vector_load %arg5[%get3A_1833] {strides = array<i32>} : memref<29184xf32, #tpu.memory_space<vmem>>, vector<16xf32>,
      %get3A_1835 = vector.shape_cast %get3A_1834 : vector<16xf32> to vector<16xf32>
      %gt3A_1836 = arith.cmpf ogt, %get3A_1835, %select_n3A_1827 : vector<16xf32>
      %select_n3A_1837 = arith.select %gt3A_1836, %get3A_1835, %select_n3A_1827 : vector<16xi1>, vector<16xf32>
      %jit3A_1838 = arith.constant 17 : i32
      %broadcast_in_dim3A_1839 = vector.broadcast %jit3A_1838 : i32 to vector<16xi32>
      %select_n3A_1840 = arith.select %gt3A_1836, %broadcast_in_dim3A_1839, %select_n3A_1830 : vector<16xi1>, vector<16xi32>
      %add3A_1841 = arith.constant 27648 : i32
      %add3A_1842 = arith.addi %add3A_1841, %mul3A_1670 : i32
      %get3A_1843 = arith.index_cast %add3A_1842 : i32 to index
      %get3A_1844 = tpu.vector_load %arg5[%get3A_1843] {strides = array<i32>} : memref<29184xf32, #tpu.memory_space<vmem>>, vector<16xf32>,
      %get3A_1845 = vector.shape_cast %get3A_1844 : vector<16xf32> to vector<16xf32>
      %gt3A_1846 = arith.cmpf ogt, %get3A_1845, %select_n3A_1837 : vector<16xf32>
      %select_n3A_1847 = arith.select %gt3A_1846, %get3A_1845, %select_n3A_1837 : vector<16xi1>, vector<16xf32>
      %jit3A_1848 = arith.constant 18 : i32
      %broadcast_in_dim3A_1849 = vector.broadcast %jit3A_1848 : i32 to vector<16xi32>
      %select_n3A_1850 = arith.select %gt3A_1846, %broadcast_in_dim3A_1849, %select_n3A_1840 : vector<16xi1>, vector<16xi32>
      %swap3A = arith.index_cast %mul3A_1670 : i32 to index
      %swap3A_1851 = tpu.vector_load %arg6[%swap3A] {strides = array<i32>} : memref<1536xf32, #tpu.memory_space<vmem>>, vector<16xf32>,
      %swap3A_1852 = vector.shape_cast %swap3A_1851 : vector<16xf32> to vector<16xf32>
      %swap3A_1853 = vector.shape_cast %select_n3A_1847 : vector<16xf32> to vector<16xf32>
      tpu.vector_store %arg6[%swap3A], %swap3A_1853 {strides = array<i32>} : memref<1536xf32, #tpu.memory_space<vmem>>, vector<16xf32>,
      %swap3A_1854 = arith.index_cast %mul3A_1670 : i32 to index
      %swap3A_1855 = tpu.vector_load %arg7[%swap3A_1854] {strides = array<i32>} : memref<1536xi32, #tpu.memory_space<vmem>>, vector<16xi32>,
      %swap3A_1856 = vector.shape_cast %swap3A_1855 : vector<16xi32> to vector<16xi32>
      %swap3A_1857 = vector.shape_cast %select_n3A_1850 : vector<16xi32> to vector<16xi32>
      tpu.vector_store %arg7[%swap3A_1854], %swap3A_1857 {strides = array<i32>} : memref<1536xi32, #tpu.memory_space<vmem>>, vector<16xi32>,
    }
    %scan3A_1663 = arith.constant 96 : i32
    %add3A_1664 = arith.constant 147456 : i32
    %add3A_1665 = arith.addi %add3A_1664, %add3A_1391 : i32
    "tpu.region"() ({
      %run_scoped3A = tpu.sem_alloc : memref<!tpu.dma_semaphore, #tpu.memory_space<semaphore_mem>>
      %dma_start3A_1668 = tpu.memref_slice %arg3[%add3A_1665] : memref<294912xf32, #tpu.memory_space<hbm>> -> memref<1536xf32, #tpu.memory_space<hbm>>
      %dma_start3A_1669 = tpu.memref_slice %arg3[%add3A_1665] : memref<294912xf32, #tpu.memory_space<hbm>> -> memref<1536xf32, #tpu.memory_space<hbm>>
      tpu.enqueue_dma source(%arg6 : memref<1536xf32, #tpu.memory_space<vmem>>) target(%dma_start3A_1669 : memref<1536xf32, #tpu.memory_space<hbm>>) target_semaphore(%run_scoped3A : memref<!tpu.dma_semaphore, #tpu.memory_space<semaphore_mem>>)
      %dma_wait3A_1670 = tpu.memref_slice %arg3[%add3A_1665] : memref<294912xf32, #tpu.memory_space<hbm>> -> memref<1536xf32, #tpu.memory_space<hbm>>
      %dma_wait3A_1671 = tpu.memref_slice %arg3[%add3A_1665] : memref<294912xf32, #tpu.memory_space<hbm>> -> memref<1536xf32, #tpu.memory_space<hbm>>
      tpu.wait_dma2 semaphore(%run_scoped3A : memref<!tpu.dma_semaphore, #tpu.memory_space<semaphore_mem>>) src(%arg6 : memref<1536xf32, #tpu.memory_space<vmem>>) dst(%dma_wait3A_1671 : memref<1536xf32, #tpu.memory_space<hbm>>)
      tpu.yield
    }) : () -> ()
    %add3A_1666 = arith.constant 147456 : i32
    %add3A_1667 = arith.addi %add3A_1666, %add3A_1391 : i32
    "tpu.region"() ({
      %run_scoped3A = tpu.sem_alloc : memref<!tpu.dma_semaphore, #tpu.memory_space<semaphore_mem>>
      %dma_start3A_1668 = tpu.memref_slice %arg4[%add3A_1667] : memref<294912xi32, #tpu.memory_space<hbm>> -> memref<1536xi32, #tpu.memory_space<hbm>>
      %dma_start3A_1669 = tpu.memref_slice %arg4[%add3A_1667] : memref<294912xi32, #tpu.memory_space<hbm>> -> memref<1536xi32, #tpu.memory_space<hbm>>
      tpu.enqueue_dma source(%arg7 : memref<1536xi32, #tpu.memory_space<vmem>>) target(%dma_start3A_1669 : memref<1536xi32, #tpu.memory_space<hbm>>) target_semaphore(%run_scoped3A : memref<!tpu.dma_semaphore, #tpu.memory_space<semaphore_mem>>)
      %dma_wait3A_1670 = tpu.memref_slice %arg4[%add3A_1667] : memref<294912xi32, #tpu.memory_space<hbm>> -> memref<1536xi32, #tpu.memory_space<hbm>>
      %dma_wait3A_1671 = tpu.memref_slice %arg4[%add3A_1667] : memref<294912xi32, #tpu.memory_space<hbm>> -> memref<1536xi32, #tpu.memory_space<hbm>>
      tpu.wait_dma2 semaphore(%run_scoped3A : memref<!tpu.dma_semaphore, #tpu.memory_space<semaphore_mem>>) src(%arg7 : memref<1536xi32, #tpu.memory_space<vmem>>) dst(%dma_wait3A_1671 : memref<1536xi32, #tpu.memory_space<hbm>>)
      tpu.yield
    }) : () -> ()
    return
  }
}

module attributes {stable_mosaic.version = 14 : i64} {
  func.func @_tc_body(%arg0: i32, %arg1: i32, %arg2: memref<1x128x8192xf32, #tpu.memory_space<vmem>>, %arg3: memref<1x1x8192xf32, #tpu.memory_space<vmem>>, %arg4: memref<1x1x8192xi32, #tpu.memory_space<vmem>>, %arg5: memref<128x128xf32, #tpu.memory_space<vmem>>, %arg6: memref<128x128xf32, #tpu.memory_space<vmem>>, %arg7: memref<128x128xf32, #tpu.memory_space<vmem>>, %arg8: memref<1x128xf32, #tpu.memory_space<vmem>>, %arg9: memref<1x128x128xf32, #tpu.memory_space<vmem>>, %arg10: memref<24x128xf32, #tpu.memory_space<vmem>>, %arg11: memref<24x128xf32, #tpu.memory_space<vmem>>, %arg12: memref<24x128xf32, #tpu.memory_space<vmem>>, %arg13: memref<24x128xf32, #tpu.memory_space<vmem>>) attributes {dimension_semantics = [#tpu.dimension_semantics<arbitrary>, #tpu.dimension_semantics<arbitrary>], iteration_bounds = array<i64: 2, 18>, scalar_prefetch = 0 : i64, scratch_operands = 4 : i64, tpu.core_type = #tpu.core_type<tc>, window_params = [{transform_indices = @transform_0, window_bounds = array<i64: 1, 128, 8192>}, {transform_indices = @transform_1, window_bounds = array<i64: 1, 1, 8192>}, {transform_indices = @transform_2, window_bounds = array<i64: 1, 1, 8192>}, {pipeline_mode = #tpu.pipeline_mode<synchronous>, transform_indices = @transform_3, window_bounds = array<i64: 128, 128>}, {pipeline_mode = #tpu.pipeline_mode<synchronous>, transform_indices = @transform_4, window_bounds = array<i64: 128, 128>}, {pipeline_mode = #tpu.pipeline_mode<synchronous>, transform_indices = @transform_5, window_bounds = array<i64: 128, 128>}, {pipeline_mode = #tpu.pipeline_mode<synchronous>, transform_indices = @transform_6, window_bounds = array<i64: 1, 128>}, {transform_indices = @transform_7, window_bounds = array<i64: 1, 128, 128>}]} {
    %eq3A = arith.constant 0 : i32
    %eq3A_0 = arith.cmpi eq, %arg1, %eq3A : i32
    %convert_element_type3A = arith.extui %eq3A_0 : i1 to i32
    %cond3A = arith.constant 0 : i32
    %cond3A_1 = arith.cmpi ne, %convert_element_type3A, %cond3A : i32
    scf.if %cond3A_1 {
      %broadcast_in_dim3A_106 = arith.constant 0.000000e+00 : f32
      %broadcast_in_dim3A_107 = vector.broadcast %broadcast_in_dim3A_106 : f32 to vector<24x128xf32>
      %swap3A_108 = arith.constant 0 : index
      %swap3A_109 = arith.constant 0 : index
      %swap3A_110 = vector.load %arg10[%swap3A_108, %swap3A_109] : memref<24x128xf32, #tpu.memory_space<vmem>>, vector<24x128xf32>
      tpu.vector_store %arg10[%swap3A_108, %swap3A_109], %broadcast_in_dim3A_107 {strides = array<i32>} : memref<24x128xf32, #tpu.memory_space<vmem>>, vector<24x128xf32>,
      %broadcast_in_dim3A_111 = arith.constant 0.000000e+00 : f32
      %broadcast_in_dim3A_112 = vector.broadcast %broadcast_in_dim3A_111 : f32 to vector<24x128xf32>
      %swap3A_113 = arith.constant 0 : index
      %swap3A_114 = arith.constant 0 : index
      %swap3A_115 = vector.load %arg11[%swap3A_113, %swap3A_114] : memref<24x128xf32, #tpu.memory_space<vmem>>, vector<24x128xf32>
      tpu.vector_store %arg11[%swap3A_113, %swap3A_114], %broadcast_in_dim3A_112 {strides = array<i32>} : memref<24x128xf32, #tpu.memory_space<vmem>>, vector<24x128xf32>,
      %broadcast_in_dim3A_116 = arith.constant 0.000000e+00 : f32
      %broadcast_in_dim3A_117 = vector.broadcast %broadcast_in_dim3A_116 : f32 to vector<24x128xf32>
      %swap3A_118 = arith.constant 0 : index
      %swap3A_119 = arith.constant 0 : index
      %swap3A_120 = vector.load %arg13[%swap3A_118, %swap3A_119] : memref<24x128xf32, #tpu.memory_space<vmem>>, vector<24x128xf32>
      tpu.vector_store %arg13[%swap3A_118, %swap3A_119], %broadcast_in_dim3A_117 {strides = array<i32>} : memref<24x128xf32, #tpu.memory_space<vmem>>, vector<24x128xf32>,
      %broadcast_in_dim3A_121 = arith.constant 0xFF800000 : f32
      %broadcast_in_dim3A_122 = vector.broadcast %broadcast_in_dim3A_121 : f32 to vector<24x128xf32>
      %swap3A_123 = arith.constant 0 : index
      %swap3A_124 = arith.constant 0 : index
      %swap3A_125 = vector.load %arg12[%swap3A_123, %swap3A_124] : memref<24x128xf32, #tpu.memory_space<vmem>>, vector<24x128xf32>
      tpu.vector_store %arg12[%swap3A_123, %swap3A_124], %broadcast_in_dim3A_122 {strides = array<i32>} : memref<24x128xf32, #tpu.memory_space<vmem>>, vector<24x128xf32>,
    } else {
    }
    %get3A = arith.constant 0 : index
    %get3A_2 = arith.constant 0 : index
    %get3A_3 = arith.constant 0 : index
    %get3A_4 = vector.load %arg2[%get3A, %get3A_2, %get3A_3] : memref<1x128x8192xf32, #tpu.memory_space<vmem>>, vector<1x128x8192xf32>
    %get3A_5 = vector.shape_cast %get3A_4 : vector<1x128x8192xf32> to vector<128x8192xf32>
    %get3A_6 = arith.constant 0 : index
    %get3A_7 = arith.constant 0 : index
    %get3A_8 = arith.constant 0 : index
    %get3A_9 = vector.load %arg3[%get3A_6, %get3A_7, %get3A_8] : memref<1x1x8192xf32, #tpu.memory_space<vmem>>, vector<1x1x8192xf32>
    %get3A_10 = vector.shape_cast %get3A_9 : vector<1x1x8192xf32> to vector<1x8192xf32>
    %get3A_11 = arith.constant 0 : index
    %get3A_12 = arith.constant 0 : index
    %get3A_13 = arith.constant 0 : index
    %get3A_14 = vector.load %arg4[%get3A_11, %get3A_12, %get3A_13] : memref<1x1x8192xi32, #tpu.memory_space<vmem>>, vector<1x1x8192xi32>
    %get3A_15 = vector.shape_cast %get3A_14 : vector<1x1x8192xi32> to vector<1x8192xi32>
    %iota3A = tpu.iota {dimensions = array<i32: 0>} : vector<24x8192xi32>
    %eq3A_16 = vector.broadcast %get3A_15 : vector<1x8192xi32> to vector<24x8192xi32>
    %eq3A_17 = arith.cmpi eq, %iota3A, %eq3A_16 : vector<24x8192xi32>
    %convert_element_type3A_18 = arith.extui %eq3A_17 : vector<24x8192xi1> to vector<24x8192xi32>
    %convert_element_type3A_19 = arith.sitofp %convert_element_type3A_18 : vector<24x8192xi32> to vector<24x8192xf32>
    %broadcast_in_dim3A = vector.shape_cast %get3A_10 : vector<1x8192xf32> to vector<1x8192xf32>
    %broadcast_in_dim3A_20 = vector.broadcast %broadcast_in_dim3A : vector<1x8192xf32> to vector<24x8192xf32>
    %jit3A = arith.constant 0xFF800000 : f32
    %broadcast_in_dim3A_21 = vector.broadcast %jit3A : f32 to vector<24x8192xf32>
    %select_n3A = arith.select %eq3A_17, %broadcast_in_dim3A_20, %broadcast_in_dim3A_21 : vector<24x8192xi1>, vector<24x8192xf32>
    %reduce_max3A = arith.constant dense<0xFF800000> : vector<24xf32>
    %reduce_max3A_22 = vector.multi_reduction <maximumf>, %select_n3A, %reduce_max3A [1] : vector<24x8192xf32> to vector<24xf32>
    %broadcast_in_dim3A_23 = vector.shape_cast %reduce_max3A_22 : vector<24xf32> to vector<24x1xf32>
    %get3A_24 = arith.constant 0 : index
    %get3A_25 = arith.constant 0 : index
    %get3A_26 = vector.load %arg12[%get3A_24, %get3A_25] : memref<24x128xf32, #tpu.memory_space<vmem>>, vector<24x128xf32>
    %max3A = vector.broadcast %broadcast_in_dim3A_23 : vector<24x1xf32> to vector<24x128xf32>
    %max3A_27 = arith.maximumf %get3A_26, %max3A : vector<24x128xf32>
    %gt3A = arith.constant 0xFF800000 : f32
    %gt3A_28 = vector.broadcast %gt3A : f32 to vector<24x128xf32>
    %gt3A_29 = arith.cmpf ogt, %get3A_26, %gt3A_28 : vector<24x128xf32>
    %sub3A = arith.subf %get3A_26, %max3A_27 : vector<24x128xf32>
    %exp3A = math.exp %sub3A : vector<24x128xf32>
    %jit3A_30 = arith.constant 0.000000e+00 : f32
    %broadcast_in_dim3A_31 = vector.broadcast %jit3A_30 : f32 to vector<24x128xf32>
    %select_n3A_32 = arith.select %gt3A_29, %exp3A, %broadcast_in_dim3A_31 : vector<24x128xi1>, vector<24x128xf32>
    %slice3A = vector.extract_strided_slice %max3A_27 {offsets = [0, 0], sizes = [24, 1], strides = [1, 1]} : vector<24x128xf32> to vector<24x1xf32>
    %broadcast_in_dim3A_33 = vector.shape_cast %slice3A : vector<24x1xf32> to vector<24x1xf32>
    %broadcast_in_dim3A_34 = vector.broadcast %broadcast_in_dim3A_33 : vector<24x1xf32> to vector<24x8192xf32>
    %jit3A_35 = arith.constant 0xFF800000 : f32
    %broadcast_in_dim3A_36 = vector.broadcast %jit3A_35 : f32 to vector<24x8192xf32>
    %select_n3A_37 = arith.select %eq3A_17, %broadcast_in_dim3A_34, %broadcast_in_dim3A_36 : vector<24x8192xi1>, vector<24x8192xf32>
    %reduce_max3A_38 = arith.constant dense<0xFF800000> : vector<8192xf32>
    %reduce_max3A_39 = vector.multi_reduction <maximumf>, %select_n3A_37, %reduce_max3A_38 [0] : vector<24x8192xf32> to vector<8192xf32>
    %broadcast_in_dim3A_40 = vector.shape_cast %reduce_max3A_39 : vector<8192xf32> to vector<1x8192xf32>
    %sub3A_41 = arith.subf %get3A_10, %broadcast_in_dim3A_40 : vector<1x8192xf32>
    %exp3A_42 = math.exp %sub3A_41 : vector<1x8192xf32>
    %mul3A = vector.broadcast %exp3A_42 : vector<1x8192xf32> to vector<24x8192xf32>
    %mul3A_43 = arith.mulf %convert_element_type3A_19, %mul3A : vector<24x8192xf32>
    %convert_element_type3A_44 = arith.truncf %get3A_5 : vector<128x8192xf32> to vector<128x8192xbf16>
    %convert_element_type3A_45 = arith.extf %convert_element_type3A_44 : vector<128x8192xbf16> to vector<128x8192xf32>
    %sub3A_46 = arith.subf %get3A_5, %convert_element_type3A_45 : vector<128x8192xf32>
    %convert_element_type3A_47 = arith.truncf %sub3A_46 : vector<128x8192xf32> to vector<128x8192xbf16>
    %convert_element_type3A_48 = arith.truncf %mul3A_43 : vector<24x8192xf32> to vector<24x8192xbf16>
    %convert_element_type3A_49 = arith.extf %convert_element_type3A_48 : vector<24x8192xbf16> to vector<24x8192xf32>
    %sub3A_50 = arith.subf %mul3A_43, %convert_element_type3A_49 : vector<24x8192xf32>
    %convert_element_type3A_51 = arith.truncf %sub3A_50 : vector<24x8192xf32> to vector<24x8192xbf16>
    %dot_general3A = arith.constant dense<0.000000e+00> : vector<24x128xf32>
    %dot_general3A_52 = tpu.matmul %convert_element_type3A_48, %convert_element_type3A_44, %dot_general3A {dimension_numbers = #tpu.dot_dimension_numbers<[1], [1], [0], [0], [0, 0, 1, 0], [], []>, transpose_lhs_hint = false} : vector<24x8192xbf16>, vector<128x8192xbf16>, vector<24x128xf32> -> vector<24x128xf32>
    %dot_general3A_53 = arith.constant dense<0.000000e+00> : vector<24x128xf32>
    %dot_general3A_54 = tpu.matmul %convert_element_type3A_48, %convert_element_type3A_47, %dot_general3A_53 {dimension_numbers = #tpu.dot_dimension_numbers<[1], [1], [0], [0], [0, 0, 1, 0], [], []>, transpose_lhs_hint = false} : vector<24x8192xbf16>, vector<128x8192xbf16>, vector<24x128xf32> -> vector<24x128xf32>
    %add3A = arith.addf %dot_general3A_52, %dot_general3A_54 : vector<24x128xf32>
    %dot_general3A_55 = arith.constant dense<0.000000e+00> : vector<24x128xf32>
    %dot_general3A_56 = tpu.matmul %convert_element_type3A_51, %convert_element_type3A_44, %dot_general3A_55 {dimension_numbers = #tpu.dot_dimension_numbers<[1], [1], [0], [0], [0, 0, 1, 0], [], []>, transpose_lhs_hint = false} : vector<24x8192xbf16>, vector<128x8192xbf16>, vector<24x128xf32> -> vector<24x128xf32>
    %add3A_57 = arith.addf %add3A, %dot_general3A_56 : vector<24x128xf32>
    %reduce_sum3A = arith.constant dense<0.000000e+00> : vector<24xf32>
    %reduce_sum3A_58 = vector.multi_reduction <add>, %mul3A_43, %reduce_sum3A [1] : vector<24x8192xf32> to vector<24xf32>
    %broadcast_in_dim3A_59 = vector.shape_cast %reduce_sum3A_58 : vector<24xf32> to vector<24x1xf32>
    %get3A_60 = arith.constant 0 : index
    %get3A_61 = arith.constant 0 : index
    %get3A_62 = vector.load %arg5[%get3A_60, %get3A_61] : memref<128x128xf32, #tpu.memory_space<vmem>>, vector<128x128xf32>
    %convert_element_type3A_63 = arith.truncf %get3A_62 : vector<128x128xf32> to vector<128x128xbf16>
    %dot_general3A_64 = arith.constant dense<0.000000e+00> : vector<128x8192xf32>
    %dot_general3A_65 = tpu.matmul %convert_element_type3A_63, %convert_element_type3A_44, %dot_general3A_64 {dimension_numbers = #tpu.dot_dimension_numbers<[1], [0], [0], [1], [0, 0, 1, 1], [], []>, transpose_lhs_hint = false} : vector<128x128xbf16>, vector<128x8192xbf16>, vector<128x8192xf32> -> vector<128x8192xf32>
    %get3A_66 = arith.constant 0 : index
    %get3A_67 = arith.constant 0 : index
    %get3A_68 = vector.load %arg6[%get3A_66, %get3A_67] : memref<128x128xf32, #tpu.memory_space<vmem>>, vector<128x1xf32>
    %add3A_69 = vector.broadcast %get3A_68 : vector<128x1xf32> to vector<128x8192xf32>
    %add3A_70 = arith.addf %dot_general3A_65, %add3A_69 : vector<128x8192xf32>
    %convert_element_type3A_71 = arith.truncf %convert_element_type3A_19 : vector<24x8192xf32> to vector<24x8192xbf16>
    %convert_element_type3A_72 = arith.truncf %add3A_70 : vector<128x8192xf32> to vector<128x8192xbf16>
    %dot_general3A_73 = arith.constant dense<0.000000e+00> : vector<24x128xf32>
    %dot_general3A_74 = tpu.matmul %convert_element_type3A_71, %convert_element_type3A_72, %dot_general3A_73 {dimension_numbers = #tpu.dot_dimension_numbers<[1], [1], [0], [0], [0, 0, 1, 0], [], []>, transpose_lhs_hint = false} : vector<24x8192xbf16>, vector<128x8192xbf16>, vector<24x128xf32> -> vector<24x128xf32>
    %get3A_75 = arith.constant 0 : index
    %get3A_76 = arith.constant 0 : index
    %get3A_77 = vector.load %arg10[%get3A_75, %get3A_76] : memref<24x128xf32, #tpu.memory_space<vmem>>, vector<24x128xf32>
    %mul3A_78 = arith.mulf %get3A_77, %select_n3A_32 : vector<24x128xf32>
    %add3A_79 = arith.addf %mul3A_78, %add3A_57 : vector<24x128xf32>
    %swap3A = arith.constant 0 : index
    %swap3A_80 = arith.constant 0 : index
    %swap3A_81 = vector.load %arg10[%swap3A, %swap3A_80] : memref<24x128xf32, #tpu.memory_space<vmem>>, vector<24x128xf32>
    tpu.vector_store %arg10[%swap3A, %swap3A_80], %add3A_79 {strides = array<i32>} : memref<24x128xf32, #tpu.memory_space<vmem>>, vector<24x128xf32>,
    %get3A_82 = arith.constant 0 : index
    %get3A_83 = arith.constant 0 : index
    %get3A_84 = vector.load %arg11[%get3A_82, %get3A_83] : memref<24x128xf32, #tpu.memory_space<vmem>>, vector<24x128xf32>
    %add3A_85 = arith.addf %get3A_84, %dot_general3A_74 : vector<24x128xf32>
    %swap3A_86 = arith.constant 0 : index
    %swap3A_87 = arith.constant 0 : index
    %swap3A_88 = vector.load %arg11[%swap3A_86, %swap3A_87] : memref<24x128xf32, #tpu.memory_space<vmem>>, vector<24x128xf32>
    tpu.vector_store %arg11[%swap3A_86, %swap3A_87], %add3A_85 {strides = array<i32>} : memref<24x128xf32, #tpu.memory_space<vmem>>, vector<24x128xf32>,
    %get3A_89 = arith.constant 0 : index
    %get3A_90 = arith.constant 0 : index
    %get3A_91 = vector.load %arg13[%get3A_89, %get3A_90] : memref<24x128xf32, #tpu.memory_space<vmem>>, vector<24x128xf32>
    %mul3A_92 = arith.mulf %get3A_91, %select_n3A_32 : vector<24x128xf32>
    %add3A_93 = vector.broadcast %broadcast_in_dim3A_59 : vector<24x1xf32> to vector<24x128xf32>
    %add3A_94 = arith.addf %mul3A_92, %add3A_93 : vector<24x128xf32>
    %swap3A_95 = arith.constant 0 : index
    %swap3A_96 = arith.constant 0 : index
    %swap3A_97 = vector.load %arg13[%swap3A_95, %swap3A_96] : memref<24x128xf32, #tpu.memory_space<vmem>>, vector<24x128xf32>
    tpu.vector_store %arg13[%swap3A_95, %swap3A_96], %add3A_94 {strides = array<i32>} : memref<24x128xf32, #tpu.memory_space<vmem>>, vector<24x128xf32>,
    %swap3A_98 = arith.constant 0 : index
    %swap3A_99 = arith.constant 0 : index
    %swap3A_100 = vector.load %arg12[%swap3A_98, %swap3A_99] : memref<24x128xf32, #tpu.memory_space<vmem>>, vector<24x128xf32>
    tpu.vector_store %arg12[%swap3A_98, %swap3A_99], %max3A_27 {strides = array<i32>} : memref<24x128xf32, #tpu.memory_space<vmem>>, vector<24x128xf32>,
    %eq3A_101 = arith.constant 17 : i32
    %eq3A_102 = arith.cmpi eq, %arg1, %eq3A_101 : i32
    %convert_element_type3A_103 = arith.extui %eq3A_102 : i1 to i32
    %cond3A_104 = arith.constant 0 : i32
    %cond3A_105 = arith.cmpi ne, %convert_element_type3A_103, %cond3A_104 : i32
    scf.if %cond3A_105 {
      %get3A_106 = arith.constant 0 : index
      %get3A_107 = arith.constant 0 : index
      %get3A_108 = vector.load %arg13[%get3A_106, %get3A_107] : memref<24x128xf32, #tpu.memory_space<vmem>>, vector<24x128xf32>
      %gt3A_109 = arith.constant 0.000000e+00 : f32
      %gt3A_110 = vector.broadcast %gt3A_109 : f32 to vector<24x128xf32>
      %gt3A_111 = arith.cmpf ogt, %get3A_108, %gt3A_110 : vector<24x128xf32>
      %jit3A_112 = arith.constant 1.000000e+00 : f32
      %broadcast_in_dim3A_113 = vector.broadcast %jit3A_112 : f32 to vector<24x128xf32>
      %select_n3A_114 = arith.select %gt3A_111, %get3A_108, %broadcast_in_dim3A_113 : vector<24x128xi1>, vector<24x128xf32>
      %get3A_115 = arith.constant 0 : index
      %get3A_116 = arith.constant 0 : index
      %get3A_117 = vector.load %arg10[%get3A_115, %get3A_116] : memref<24x128xf32, #tpu.memory_space<vmem>>, vector<24x128xf32>
      %div3A = arith.divf %get3A_117, %select_n3A_114 : vector<24x128xf32>
      %convert_element_type3A_118 = arith.truncf %div3A : vector<24x128xf32> to vector<24x128xbf16>
      %get3A_119 = arith.constant 0 : index
      %get3A_120 = arith.constant 0 : index
      %get3A_121 = vector.load %arg7[%get3A_119, %get3A_120] : memref<128x128xf32, #tpu.memory_space<vmem>>, vector<128x128xf32>
      %convert_element_type3A_122 = arith.truncf %get3A_121 : vector<128x128xf32> to vector<128x128xbf16>
      %dot_general3A_123 = arith.constant dense<0.000000e+00> : vector<24x128xf32>
      %dot_general3A_124 = tpu.matmul %convert_element_type3A_118, %convert_element_type3A_122, %dot_general3A_123 {dimension_numbers = #tpu.dot_dimension_numbers<[1], [1], [0], [0], [0, 0, 1, 0], [], []>, transpose_lhs_hint = false} : vector<24x128xbf16>, vector<128x128xbf16>, vector<24x128xf32> -> vector<24x128xf32>
      %get3A_125 = arith.constant 0 : index
      %get3A_126 = arith.constant 0 : index
      %get3A_127 = vector.load %arg8[%get3A_125, %get3A_126] : memref<1x128xf32, #tpu.memory_space<vmem>>, vector<1x128xf32>
      %add3A_128 = vector.broadcast %get3A_127 : vector<1x128xf32> to vector<24x128xf32>
      %add3A_129 = arith.addf %dot_general3A_124, %add3A_128 : vector<24x128xf32>
      %convert_element_type3A_130 = arith.truncf %add3A_129 : vector<24x128xf32> to vector<24x128xbf16>
      %convert_element_type3A_131 = arith.extf %convert_element_type3A_130 : vector<24x128xbf16> to vector<24x128xf32>
      %get3A_132 = arith.constant 0 : index
      %get3A_133 = arith.constant 0 : index
      %get3A_134 = vector.load %arg11[%get3A_132, %get3A_133] : memref<24x128xf32, #tpu.memory_space<vmem>>, vector<24x128xf32>
      %dot_general3A_135 = arith.constant dense<0.000000e+00> : vector<128x128xf32>
      %dot_general3A_136 = tpu.matmul %get3A_134, %convert_element_type3A_131, %dot_general3A_135 {dimension_numbers = #tpu.dot_dimension_numbers<[0], [0], [1], [1], [0, 1, 1, 1], [], []>, precision = #tpu.contract_precision<fp32>, transpose_lhs_hint = false} : vector<24x128xf32>, vector<24x128xf32>, vector<128x128xf32> -> vector<128x128xf32>
      %mul3A_137 = arith.constant 0.0883883461 : f32
      %mul3A_138 = vector.broadcast %mul3A_137 : f32 to vector<128x128xf32>
      %mul3A_139 = arith.mulf %dot_general3A_136, %mul3A_138 : vector<128x128xf32>
      %reduce_max3A_140 = arith.constant dense<0xFF800000> : vector<128xf32>
      %reduce_max3A_141 = vector.multi_reduction <maximumf>, %mul3A_139, %reduce_max3A_140 [1] : vector<128x128xf32> to vector<128xf32>
      %broadcast_in_dim3A_142 = vector.shape_cast %reduce_max3A_141 : vector<128xf32> to vector<128x1xf32>
      %sub3A_143 = vector.broadcast %broadcast_in_dim3A_142 : vector<128x1xf32> to vector<128x128xf32>
      %sub3A_144 = arith.subf %mul3A_139, %sub3A_143 : vector<128x128xf32>
      %exp3A_145 = math.exp %sub3A_144 : vector<128x128xf32>
      %reduce_sum3A_146 = arith.constant dense<0.000000e+00> : vector<128xf32>
      %reduce_sum3A_147 = vector.multi_reduction <add>, %exp3A_145, %reduce_sum3A_146 [1] : vector<128x128xf32> to vector<128xf32>
      %broadcast_in_dim3A_148 = vector.shape_cast %reduce_sum3A_147 : vector<128xf32> to vector<128x1xf32>
      %div3A_149 = vector.broadcast %broadcast_in_dim3A_148 : vector<128x1xf32> to vector<128x128xf32>
      %div3A_150 = arith.divf %exp3A_145, %div3A_149 : vector<128x128xf32>
      %swap3A_151 = arith.constant 0 : index
      %swap3A_152 = arith.constant 0 : index
      %swap3A_153 = arith.constant 0 : index
      %swap3A_154 = vector.load %arg9[%swap3A_151, %swap3A_152, %swap3A_153] : memref<1x128x128xf32, #tpu.memory_space<vmem>>, vector<1x128x128xf32>
      %swap3A_155 = vector.shape_cast %swap3A_154 : vector<1x128x128xf32> to vector<128x128xf32>
      %swap3A_156 = vector.shape_cast %div3A_150 : vector<128x128xf32> to vector<1x128x128xf32>
      tpu.vector_store %arg9[%swap3A_151, %swap3A_152, %swap3A_153], %swap3A_156 {strides = array<i32>} : memref<1x128x128xf32, #tpu.memory_space<vmem>>, vector<1x128x128xf32>,
    } else {
    }
    return
  }
  func.func @transform_0(%arg0: i32, %arg1: i32) -> (i32, i32, i32) {
    %c0_i32 = arith.constant 0 : i32
    %c0_i32_0 = arith.constant 0 : i32
    return %arg0, %c0_i32, %arg1 : i32, i32, i32
  }
  func.func @transform_1(%arg0: i32, %arg1: i32) -> (i32, i32, i32) {
    %mul3A = arith.constant 18 : i32
    %mul3A_0 = arith.muli %arg0, %mul3A : i32
    %add3A = arith.addi %mul3A_0, %arg1 : i32
    %c0_i32 = arith.constant 0 : i32
    %c0_i32_1 = arith.constant 0 : i32
    %c0_i32_2 = arith.constant 0 : i32
    return %add3A, %c0_i32, %c0_i32_1 : i32, i32, i32
  }
  func.func @transform_2(%arg0: i32, %arg1: i32) -> (i32, i32, i32) {
    %mul3A = arith.constant 18 : i32
    %mul3A_0 = arith.muli %arg0, %mul3A : i32
    %add3A = arith.addi %mul3A_0, %arg1 : i32
    %c0_i32 = arith.constant 0 : i32
    %c0_i32_1 = arith.constant 0 : i32
    %c0_i32_2 = arith.constant 0 : i32
    return %add3A, %c0_i32, %c0_i32_1 : i32, i32, i32
  }
  func.func @transform_3(%arg0: i32, %arg1: i32) -> (i32, i32) {
    %c0_i32 = arith.constant 0 : i32
    %c0_i32_0 = arith.constant 0 : i32
    %c0_i32_1 = arith.constant 0 : i32
    return %c0_i32, %c0_i32_0 : i32, i32
  }
  func.func @transform_4(%arg0: i32, %arg1: i32) -> (i32, i32) {
    %c0_i32 = arith.constant 0 : i32
    %c0_i32_0 = arith.constant 0 : i32
    %c0_i32_1 = arith.constant 0 : i32
    return %c0_i32, %c0_i32_0 : i32, i32
  }
  func.func @transform_5(%arg0: i32, %arg1: i32) -> (i32, i32) {
    %c0_i32 = arith.constant 0 : i32
    %c0_i32_0 = arith.constant 0 : i32
    %c0_i32_1 = arith.constant 0 : i32
    return %c0_i32, %c0_i32_0 : i32, i32
  }
  func.func @transform_6(%arg0: i32, %arg1: i32) -> (i32, i32) {
    %c0_i32 = arith.constant 0 : i32
    %c0_i32_0 = arith.constant 0 : i32
    %c0_i32_1 = arith.constant 0 : i32
    return %c0_i32, %c0_i32_0 : i32, i32
  }
  func.func @transform_7(%arg0: i32, %arg1: i32) -> (i32, i32, i32) {
    %c0_i32 = arith.constant 0 : i32
    %c0_i32_0 = arith.constant 0 : i32
    %c0_i32_1 = arith.constant 0 : i32
    return %arg0, %c0_i32, %c0_i32_0 : i32, i32, i32
  }
}

</mosaic_0001>

<sc_bundles>
// kernel: kernel.4.cloned.1.call-start
scs
__scs_entry_jumppad:
0x0: {  	(pc) =	sbr.rel $0x88, $3  }
0x1: {  	(tag) =	ssettag $0x0;
	lr =	simm.s32 $0x1  }
0x2: {  	[smem:$0x3F9B] =	sst lr;
	_ =	strace $0xD0000000  }
0x3: {  	_ = 	snop  }
0x4: {  	_ = 	snop  }
0x5: {  	_ = 	snop  }
0x6: {  	_ = 	snop  }
0x7: {  	_ = 	snop  }
__scs_overlays_trampoline_lowered:
0x8: {  	[smem:$0x3FAA] =	sst s0  }
0x9: {  	[smem:$0x3FAB] =	sst s1  }
0xa: {  	[smem:$0x3FAC] =	sst s2  }
0xb: {  	[smem:$0x3FAD] =	sst s3  }
0xc: {  	[smem:$0x3FAE] =	sst s4  }
0xd: {  	[smem:$0x3FAF] =	sst s5  }
0xe: {  	[smem:$0x3FB0] =	sst s6  }
0xf: {  	[smem:$0x3FB1] =	sst s7  }
0x10: {  	[smem:$0x3FB2] =	sst s8  }
0x11: {  	[smem:$0x3FB3] =	sst s9;
	s0 =	simm.s32 @!p0 $0x0  }
0x12: {  	s1 =	sld [smem:$0x3F99];
	s0 =	simm.s32 @p0 $0x1  }
0x13: {  	[smem:$0x3FB4] =	sst s0;
	s0 =	simm.s32 @!p1 $0x0  }
0x14: {  	s2 =	sld [smem:$0x3F98];
	s0 =	simm.s32 @p1 $0x1  }
0x15: {  	[smem:$0x3FB5] =	sst s0;
	s0 =	simm.s32 @!p2 $0x0  }
0x16: {  	s3 =	sld [smem:$0x3FDB];
	s0 =	simm.s32 @p2 $0x1  }
0x17: {  	s4 =	simm.s32 $0x1BF5;
	[smem:$0x3FB7] =	sst s0  }
0x18: {  	s0 =	sld [smem:$0x3F9A];
	_ =	swait.ge [sflag:s4], $0x0  }
0x19: {  	s7 =	sld [smem:$0x3F9B]  }
0x1a: {  	s8 =	sadd.s32 $0xFFFFE003, lr  }
0x1b: {  	s9 =	sadd.s32 $0xFFFFFEF7, lr;
	s5 =	simm.s32 $0xFFFFFFFF;
	p2 =	slt.u32 s8, $0xFFFFF086  }
0x1c: {  	p1 =	slt.u32 s9, $0xF7A;
	s5 =	simm.s32 @!p2 $0x0  }
0x1d: {  	s5 =	simm.s32 @p1 $0x1;
	p0 =	seq.s32 s7, s2  }
0x1e: {  	s7 =	smul.u32 @!p0 $0xF7A, s2;
	p2 =	seq.s32 @!p0 s5, $0x0  }
0x1f: {  	s9 =	smul.u32 $0xF7A, s1;
	s8 =	simm.s32 @!p0 $0x1BF5;
	p2 =	por !p2, p0  }
0x20: {  	[sflag:s8] =	ssyncset.s32 @!p0 $0xFFFFF086;
	s6 =	sadd.s32 @!p0 s3, s7;
	s7 =	simm.s32 @!p0 $0x108  }
0x21: {  	s3 =	sadd.s32 s3, s9;
	s6 =	sadd.s32 @!p0 $0x88, s6;
	s7 =	simm.s32 @p2 $0x1082  }
0x22: {  	[simem:s7], [sflag:s8] =	dma.local @!p0 [hbm:s6], $0xF7A  }
0x23: {  	s9 =	sor.u32 $0xD0000000, s2;
	s6 =	simm.s32 $0x108;
	_ =	swait.ge @!p0 [sflag:s8], $0x0  }
0x24: {  	s3 =	sadd.s32 $0x88, s3;
	s6 =	simm.s32 @!p1 $0x1082;
	[sflag:s4] =	ssyncset.s32 $0xFFFFF086  }
0x25: {  	[simem:s6], [sflag:s4] =	dma.local [hbm:s3], $0xF7A  }
0x26: {  	[smem:$0x3F9B] =	sst s1;
	(tag) =	ssettag s2;
	_ =	strace s9  }
0x27: {  	s1 =	sld [smem:$0x3FAB]  }
0x28: {  	s2 =	sld [smem:$0x3FAC]  }
0x29: {  	s4 =	sld [smem:$0x3FAE]  }
0x2a: {  	p0 =	seq.s32 s5, $0x0;
	s5 =	sld [smem:$0x3FAF]  }
0x2b: {  	s6 =	sld [smem:$0x3FB0]  }
0x2c: {  	s7 =	sld [smem:$0x3FB1]  }
0x2d: {  	s3 =	simm.s32 $0x108;
	s8 =	sld [smem:$0x3FB2]  }
0x2e: {  	s3 =	simm.s32 @!p0 $0x1082;
	s9 =	sld [smem:$0x3FB3]  }
0x2f: {  	lr =	sadd.s32 s0, s3;
	s0 =	sld [smem:$0x3FAA]  }
0x30: {  	s3 =	sld [smem:$0x3FAD]  }
0x31: {  	[smem:$0x3FB6] =	sst s10  }
0x32: {  	s10 =	sld [smem:$0x3FB4];
	_ =	sdelay $0x3  }
0x33: {  	p0 =	seq.s32 s10, $0x1;
	s10 =	sld [smem:$0x3FB6];
	_ =	sdelay $0x3  }
0x34: {  	[smem:$0x3FB6] =	sst s10  }
0x35: {  	s10 =	sld [smem:$0x3FB5];
	_ =	sdelay $0x3  }
0x36: {  	p1 =	seq.s32 s10, $0x1;
	s10 =	sld [smem:$0x3FB6];
	_ =	sdelay $0x3  }
0x37: {  	[smem:$0x3FB6] =	sst s10  }
0x38: {  	s10 =	sld [smem:$0x3FB7]  }
0x39: {  	_ = 	snop;
	(pc) =	sbr.ind lr, $3  }
0x3a: {  	_ = 	snop  }
0x3b: {  	_ = 	snop  }
0x3c: {  	p2 =	seq.s32 s10, $0x1;
	s10 =	sld [smem:$0x3FB6]  }
0x3d: {  	_ =	shalt  }
0x3e: {  	_ =	shalt  }
0x3f: {  	_ =	shalt  }
0x40: {  	_ =	shalt  }
0x41: {  	_ =	shalt  }
0x42: {  	_ =	shalt  }
0x43: {  	_ =	shalt  }
0x44: {  	_ =	shalt  }
0x45: {  	_ =	shalt  }
0x46: {  	_ =	shalt  }
0x47: {  	_ =	shalt  }
0x48: {  	_ =	shalt  }
0x49: {  	_ =	shalt  }
0x4a: {  	_ =	shalt  }
0x4b: {  	_ =	shalt  }
0x4c: {  	_ =	shalt  }
0x4d: {  	_ =	shalt  }
0x4e: {  	_ =	shalt  }
0x4f: {  	_ =	shalt  }
0x50: {  	_ =	shalt  }
0x51: {  	_ =	shalt  }
0x52: {  	_ =	shalt  }
0x53: {  	_ =	shalt  }
0x54: {  	_ =	shalt  }
0x55: {  	_ =	shalt  }
0x56: {  	_ =	shalt  }
0x57: {  	_ =	shalt  }
0x58: {  	_ =	shalt  }
0x59: {  	_ =	shalt  }
0x5a: {  	_ =	shalt  }
0x5b: {  	_ =	shalt  }
0x5c: {  	_ =	shalt  }
0x5d: {  	_ =	shalt  }
0x5e: {  	_ =	shalt  }
0x5f: {  	_ =	shalt  }
0x60: {  	_ =	shalt  }
0x61: {  	_ =	shalt  }
0x62: {  	_ =	shalt  }
0x63: {  	_ =	shalt  }
0x64: {  	_ =	shalt  }
0x65: {  	_ =	shalt  }
0x66: {  	_ =	shalt  }
0x67: {  	_ =	shalt  }
0x68: {  	_ =	shalt  }
0x69: {  	_ =	shalt  }
0x6a: {  	_ =	shalt  }
0x6b: {  	_ =	shalt  }
0x6c: {  	_ =	shalt  }
0x6d: {  	_ =	shalt  }
0x6e: {  	_ =	shalt  }
0x6f: {  	_ =	shalt  }
0x70: {  	_ =	shalt  }
0x71: {  	_ =	shalt  }
0x72: {  	_ =	shalt  }
0x73: {  	_ =	shalt  }
0x74: {  	_ =	shalt  }
0x75: {  	_ =	shalt  }
0x76: {  	_ =	shalt  }
0x77: {  	_ =	shalt  }
0x78: {  	_ =	shalt  }
0x79: {  	_ =	shalt  }
0x7a: {  	_ =	shalt  }
0x7b: {  	_ =	shalt  }
0x7c: {  	_ =	shalt  }
0x7d: {  	_ =	shalt  }
0x7e: {  	_ =	shalt  }
0x7f: {  	_ =	shalt  }
0x80: {  	_ =	shalt  }
0x81: {  	_ =	shalt  }
0x82: {  	_ =	shalt  }
0x83: {  	_ =	shalt  }
0x84: {  	_ =	shalt  }
0x85: {  	_ =	shalt  }
0x86: {  	_ =	shalt  }
0x87: {  	_ =	shalt  }
.Lfunc_end0:
.L_simem_size_0:
called_computation_lowered:
.L_overlay_start_0:
0x88: {  	s2 =	sld [smem:$0x3FD9]  }
0x89: {  	s3 =	sld [smem:$0x3FFE];
	_ =	sdelay $0x1  }
0x8a: {  	s1 =	srdreg.scid  }
0x8b: {  	s0 =	sand.u32 $0x1, s1  }
0x8c: {  	s16 =	sshll.u32 s0, $0xA;
	s2 =	sadd.s32 s3, s2  }
0x8d: {  	s2 =	sadd.s32 s2, s16  }
0x8e: {  	[smem:$0x3FC2] =	sst s2  }
0x8f: {  	_ = 	snop  }
0x90: {  	(tm) =	ssettm $0x1  }
0x91: {  	s17 =	sld [smem:$0x3FFB];
	_ =	sdelay $0x3  }
0x92: {  	_ =	strace s17  }
0x93: {  	s2 =	sld [smem:$0x3FFC];
	_ =	sdelay $0x3  }
0x94: {  	_ =	strace s2  }
0x95: {  	s2 =	sld [smem:$0x3FFD];
	_ =	sdelay $0x3  }
0x96: {  	_ =	strace s2  }
0x97: {  	_ =	strace $0x8FFFFFFF  }
0x98: {  	s18 =	sld [smem:$0x3FDB];
	_ =	sdelay $0x1  }
0x99: {  	s19 =	simm.s32 $_scs_section_size  }
0x9a: {  	s4 =	simm.s32 $_size__tile_overlayer_lowered;
	s5 =	simm.s32 $_tile_overlayer_lowered  }
0x9b: {  	s22 =	simm.s32 $0x1BFF;
	s21 =	sshll.u32 s5, $0x1;
	s2 =	sadd.s32 s19, s18  }
0x9c: {  	s6 =	simm.s32 $0x0;
	s20 =	sshll.u32 s4, $0x1;
	s4 =	sadd.s32 s21, s2  }
0x9d: {  	[timem:s6], [sflag:s22] =	dma.local [hbm:s4], s20  }
0x9e: {  	_ =	swait.ge [sflag:s22], s20  }
0x9f: {  	s3 =	ssub.s32 $0x0, s20;
	[sflag:s22] =	ssyncset.done $0x0  }
0xa0: {  	[sflag:s22] =	ssyncadd.s32 s3;
	_ =	sdelay $0x1  }
0xa1: {  	s23 =	simm.s32 $0x1B8B  }
0xa2: {  	_ =	swait.ge [sflag:s23], $0x1  }
0xa3: {  	[sflag:s23] =	ssyncset.done $0x0  }
0xa4: {  	s25 =	simm.s32 $0x1B8E;
	s24 =	sld [smem:$0x3FFE];
	[sflag:s23] =	ssyncadd.s32 $0xFFFFFFFF  }
0xa5: {  	s26 =	simm.s32 $execute0_lowered;
	[smem:$0x3FD2] =	sst s25  }
0xa6: {  	s4 =	sshll.u32 s26, $0x1;
	_ =	strace $0x80000046;
	[dreg:$0x1] =	wrdreg $0xFFFFFFFF  }
0xa7: {  	s28 =	simm.s32 $_size_execute0_lowered;
	s2 =	sadd.s32 s2, s4;
	[dreg:$0x0] =	wrdreg $0x0  }
0xa8: {  	s4 =	sshll.u32 s28, $0x1;
	[dreg:$0x2] =	wrdreg s2  }
0xa9: {  	[dreg:$0x3] =	wrdreg s4  }
0xaa: {  	[dreg:$0x4] =	wrdreg $0xC0  }
0xab: {  	_ =	task [dreg:s6], $0x5FFFF  }
0xac: {  	[dreg:$0x1] =	wrdreg $0xFFFFFFFF  }
0xad: {  	[dreg:$0x0] =	wrdreg $0x60  }
0xae: {  	[dreg:$0x2] =	wrdreg s24  }
0xaf: {  	[dreg:$0x3] =	wrdreg $0x9  }
0xb0: {  	_ =	task.clear_ibuf [dreg:s6], $0x4FFFF;
	_ =	strace $0x90000046  }
0xb1: {  	s29 =	simm.s32 $0x9;
	_ =	strace $0x80000048  }
0xb2: {  	_ =	swait.ge [sflag:s29], $0x1  }
0xb3: {  	[sflag:s29] =	ssyncadd.s32 $0xFFFFFFFF  }
0xb4: {  	_ =	strace $0x90000048  }
0xb5: {  	_ =	sfence  }
0xb6: {  	s30 =	sld [smem:$0x0];
	_ =	sdelay $0x2  }
0xb7: {  	s31 =	sshll.u32 s1, $0xD;
	s1 =	sshrl.u32 s1, $0x2  }
0xb8: {  	s3 =	sand.u32 $0x4000, s31;
	s1 =	sadd.s32 s1, s30  }
0xb9: {  	s0 =	sor.u32 s3, s0;
	s1 =	sshll.u32 s1, $0x11  }
0xba: {  	s0 =	sor.u32 s1, s0  }
0xbb: {  	s0 =	sadd.s32 $0x8F2B, s0  }
0xbc: {  	[sflag:s0] =	ssyncadd.remote.s32 $0x1  }
0xbd: {  	_ =	sfence.sel $0xFFFF  }
0xbe: {  	[dreg:$0x0] =	wrdreg $0xFFFFFFFF;
	(pc) =	sbr.abs _section_cstart, $3  }
0xbf: {  	[dreg:$0x1] =	wrdreg $0xFFFFFFFF  }
0xc0: {  	_ =	task.clear_ibuf [dreg:s6], $0x2FFFF;
	_ =	strace $0x9FFFFFFF  }
0xc1: {  	(tm) =	ssettm $0x7FFFFFFF  }
tec
execute0_lowered:
.L_overlay_start_1:
0x0: {  	(tag) =	ssettag $0x1  }
0x1: {  	s1 =	srdreg.scid;
	s3 =	stileid.u32  }
0x2: {  	s1 =	sand.u32 $0x1, s1;
	s3 =	sshll.u32 s3, $0x1  }
0x3: {  	s3 =	sor.u32 s1, s3  }
0x4: {  	s0 =	rddreg [dreg:$0x0];
	s2 =	simm.s32 $0x0;
	s3 =	smul.u32 $0x1200, s3  }
0x5: {  	[smem:$0x7FF] =	sst s2  }
0x6: {  	s4 =	sadd.s32 $0x1400, s0;
	s5 =	sadd.s32 $0xAC400, s0;
	s7 =	sshrl.u32 s3, $0x3  }
0x7: {  	s0 =	sadd.s32 $0xB5400, s0;
	_ =	strace $0x80000047;
	s22 =	sadd.s32 s5, s7  }
0x8: {  	s18 =	sadd.s32 $0x4800, s7;
	s9 =	sadd.s32 s0, s7;
	[dreg:$0x6] =	wrdreg s22  }
0x9: {  	s3 =	sadd.s32 s4, s7;
	s8 =	sadd.s32 s4, s18;
	[dreg:$0x7] =	wrdreg s9  }
0xa: {  	s19 =	sadd.s32 $0x9000, s3;
	[dreg:$0x2] =	wrdreg s8  }
0xb: {  	s20 =	sadd.s32 $0xD800, s3;
	[dreg:$0x3] =	wrdreg s19  }
0xc: {  	s23 =	sadd.s32 $0xC0, s7;
	s21 =	sadd.s32 $0x12000, s3;
	[dreg:$0x4] =	wrdreg s20  }
0xd: {  	s25 =	sadd.s32 $0x48C0, s7;
	s24 =	sadd.s32 s4, s23;
	[dreg:$0x5] =	wrdreg s21  }
0xe: {  	s10 =	sadd.s32 s4, s25;
	[dreg:$0x8] =	wrdreg s24  }
0xf: {  	s11 =	sadd.s32 $0x180, s7;
	s26 =	sadd.s32 s5, s23;
	[dreg:$0x9] =	wrdreg s10  }
0x10: {  	s7 =	sadd.s32 $0x4980, s7;
	s12 =	sadd.s32 s4, s11;
	[dreg:$0xa] =	wrdreg s26  }
0x11: {  	s4 =	sadd.s32 s4, s7;
	[dreg:$0xc] =	wrdreg s12  }
0x12: {  	s13 =	sadd.s32 s5, s11;
	[dreg:$0xd] =	wrdreg s4  }
0x13: {  	s14 =	sadd.s32 s0, s11;
	[dreg:$0xe] =	wrdreg s13  }
0x14: {  	s15 =	sadd.s32 s5, s18;
	[dreg:$0xf] =	wrdreg s14  }
0x15: {  	s16 =	sadd.s32 s0, s18;
	[dreg:$0x10] =	wrdreg s15  }
0x16: {  	s17 =	sadd.s32 s5, s25;
	[dreg:$0x11] =	wrdreg s16  }
0x17: {  	s18 =	sadd.s32 s0, s25;
	[dreg:$0x12] =	wrdreg s17  }
0x18: {  	s1 =	ssub.s32 $0x2, s1;
	s22 =	sadd.s32 $0x1B000, s3;
	[dreg:$0x13] =	wrdreg s18  }
0x19: {  	s6 =	sshrl.u32 s1, $0x1;
	s25 =	sadd.s32 $0x28800, s3;
	[dreg:$0x18] =	wrdreg s22  }
0x1a: {  	s1 =	ssub.s32 s1, s6;
	s6 =	sadd.s32 $0x3F000, s3;
	[dreg:$0x1b] =	wrdreg s25  }
0x1b: {  	s9 =	sadd.s32 $0x4C800, s3;
	[smem:$0x7A1] =	sst s6  }
0x1c: {  	s11 =	sadd.s32 $0x90C0, s3;
	[smem:$0x7A4] =	sst s9  }
0x1d: {  	s8 =	sadd.s32 s0, s23;
	[smem:$0x7A6] =	sst s11  }
0x1e: {  	s19 =	sadd.s32 s5, s7;
	[dreg:$0xb] =	wrdreg s8  }
0x1f: {  	s0 =	sadd.s32 s0, s7;
	[dreg:$0x14] =	wrdreg s19  }
0x20: {  	s20 =	sadd.s32 $0x16800, s3;
	[dreg:$0x15] =	wrdreg s0  }
0x21: {  	s21 =	smax.u32 s1, $0x1;
	[dreg:$0x16] =	wrdreg s20  }
0x22: {  	s23 =	sadd.s32 $0x1F800, s3;
	[dreg:$0x17] =	wrdreg s21  }
0x23: {  	s24 =	sadd.s32 $0x24000, s3;
	[dreg:$0x19] =	wrdreg s23  }
0x24: {  	s26 =	sadd.s32 $0x2D000, s3;
	[dreg:$0x1a] =	wrdreg s24  }
0x25: {  	s1 =	sadd.s32 $0x31800, s3;
	[dreg:$0x1c] =	wrdreg s26  }
0x26: {  	s4 =	sadd.s32 $0x36000, s3;
	[dreg:$0x1d] =	wrdreg s1  }
0x27: {  	s5 =	sadd.s32 $0x3A800, s3;
	[dreg:$0x1e] =	wrdreg s4  }
0x28: {  	s7 =	sadd.s32 $0x43800, s3;
	[dreg:$0x1f] =	wrdreg s5  }
0x29: {  	s10 =	sadd.s32 $0x51000, s3;
	[smem:$0x7A2] =	sst s7  }
0x2a: {  	s12 =	sadd.s32 $0xD8C0, s3;
	[smem:$0x7A5] =	sst s10  }
0x2b: {  	s13 =	sadd.s32 $0x120C0, s3;
	[smem:$0x7A7] =	sst s12  }
0x2c: {  	s14 =	sadd.s32 $0x168C0, s3;
	[smem:$0x7A8] =	sst s13  }
0x2d: {  	s15 =	sadd.s32 $0x1B0C0, s3;
	[smem:$0x7A9] =	sst s14  }
0x2e: {  	s16 =	sadd.s32 $0x1F8C0, s3;
	[smem:$0x7AA] =	sst s15  }
0x2f: {  	s17 =	sadd.s32 $0x240C0, s3;
	[smem:$0x7AB] =	sst s16  }
0x30: {  	s18 =	sadd.s32 $0x288C0, s3;
	[smem:$0x7AC] =	sst s17  }
0x31: {  	s22 =	sadd.s32 $0x3A8C0, s3;
	[smem:$0x7AD] =	sst s18  }
0x32: {  	s25 =	sadd.s32 $0x480C0, s3;
	[smem:$0x7B1] =	sst s22  }
0x33: {  	s6 =	sadd.s32 $0x12180, s3;
	[smem:$0x7B4] =	sst s25  }
0x34: {  	s9 =	sadd.s32 $0x1F980, s3;
	[smem:$0x7B9] =	sst s6  }
0x35: {  	s11 =	sadd.s32 $0x28980, s3;
	[smem:$0x7BC] =	sst s9  }
0x36: {  	s8 =	sadd.s32 $0x48000, s3;
	[smem:$0x7BE] =	sst s11  }
0x37: {  	s19 =	sadd.s32 $0x2D0C0, s3;
	[smem:$0x7A3] =	sst s8  }
0x38: {  	s20 =	sadd.s32 $0x318C0, s3;
	[smem:$0x7AE] =	sst s19  }
0x39: {  	s21 =	sadd.s32 $0x360C0, s3;
	[smem:$0x7AF] =	sst s20  }
0x3a: {  	s23 =	sadd.s32 $0x3F0C0, s3;
	[smem:$0x7B0] =	sst s21  }
0x3b: {  	s24 =	sadd.s32 $0x438C0, s3;
	[smem:$0x7B2] =	sst s23  }
0x3c: {  	s26 =	sadd.s32 $0x4C8C0, s3;
	[smem:$0x7B3] =	sst s24  }
0x3d: {  	s1 =	sadd.s32 $0x510C0, s3;
	[smem:$0x7B5] =	sst s26  }
0x3e: {  	s4 =	sadd.s32 $0x9180, s3;
	[smem:$0x7B6] =	sst s1  }
0x3f: {  	s5 =	sadd.s32 $0xD980, s3;
	[smem:$0x7B7] =	sst s4  }
0x40: {  	s7 =	sadd.s32 $0x16980, s3;
	[smem:$0x7B8] =	sst s5  }
0x41: {  	s10 =	sadd.s32 $0x24180, s3;
	[smem:$0x7BA] =	sst s7  }
0x42: {  	s12 =	sadd.s32 $0x2D180, s3;
	[smem:$0x7BD] =	sst s10  }
0x43: {  	s13 =	sadd.s32 $0x31980, s3;
	[smem:$0x7BF] =	sst s12  }
0x44: {  	s14 =	sadd.s32 $0x36180, s3;
	[smem:$0x7C0] =	sst s13  }
0x45: {  	s15 =	sadd.s32 $0x3A980, s3;
	[smem:$0x7C1] =	sst s14  }
0x46: {  	s16 =	sadd.s32 $0x3F180, s3;
	[smem:$0x7C2] =	sst s15  }
0x47: {  	s17 =	sadd.s32 $0x43980, s3;
	[smem:$0x7C3] =	sst s16  }
0x48: {  	s18 =	sadd.s32 $0x48180, s3;
	[smem:$0x7C4] =	sst s17  }
0x49: {  	s22 =	sadd.s32 $0x5A000, s3;
	[smem:$0x7C5] =	sst s18  }
0x4a: {  	s25 =	sadd.s32 $0x67800, s3;
	[smem:$0x7C9] =	sst s22  }
0x4b: {  	s6 =	sadd.s32 $0x7E000, s3;
	[smem:$0x7CC] =	sst s25  }
0x4c: {  	s9 =	sadd.s32 $0x8B800, s3;
	[smem:$0x7D1] =	sst s6  }
0x4d: {  	s11 =	sadd.s32 $0x94800, s3;
	[smem:$0x7D4] =	sst s9  }
0x4e: {  	s8 =	sadd.s32 $0x1B180, s3;
	[smem:$0x7D6] =	sst s11  }
0x4f: {  	s19 =	sadd.s32 $0x4C980, s3;
	[smem:$0x7BB] =	sst s8  }
0x50: {  	s20 =	sadd.s32 $0x51180, s3;
	[smem:$0x7C6] =	sst s19  }
0x51: {  	s21 =	sadd.s32 $0x55800, s3;
	[smem:$0x7C7] =	sst s20  }
0x52: {  	s23 =	sadd.s32 $0x5E800, s3;
	[smem:$0x7C8] =	sst s21  }
0x53: {  	s24 =	sadd.s32 $0x63000, s3;
	[smem:$0x7CA] =	sst s23  }
0x54: {  	s26 =	sadd.s32 $0x6C000, s3;
	[smem:$0x7CB] =	sst s24  }
0x55: {  	s1 =	sadd.s32 $0x70800, s3;
	[smem:$0x7CD] =	sst s26  }
0x56: {  	s4 =	sadd.s32 $0x75000, s3;
	[smem:$0x7CE] =	sst s1  }
0x57: {  	s5 =	sadd.s32 $0x79800, s3;
	[smem:$0x7CF] =	sst s4  }
0x58: {  	s7 =	sadd.s32 $0x82800, s3;
	[smem:$0x7D0] =	sst s5  }
0x59: {  	s10 =	sadd.s32 $0x90000, s3;
	[smem:$0x7D2] =	sst s7  }
0x5a: {  	s12 =	sadd.s32 $0x99000, s3;
	[smem:$0x7D5] =	sst s10  }
0x5b: {  	s13 =	sadd.s32 $0x9D800, s3;
	[smem:$0x7D7] =	sst s12  }
0x5c: {  	s14 =	sadd.s32 $0xA2000, s3;
	[smem:$0x7D8] =	sst s13  }
0x5d: {  	s15 =	sadd.s32 $0xA6800, s3;
	[smem:$0x7D9] =	sst s14  }
0x5e: {  	s16 =	sadd.s32 $0x558C0, s3;
	[smem:$0x7DA] =	sst s15  }
0x5f: {  	s17 =	sadd.s32 $0x5A0C0, s3;
	[smem:$0x7DB] =	sst s16  }
0x60: {  	s18 =	sadd.s32 $0x5E8C0, s3;
	[smem:$0x7DC] =	sst s17  }
0x61: {  	s22 =	sadd.s32 $0x708C0, s3;
	[smem:$0x7DD] =	sst s18  }
0x62: {  	s25 =	sadd.s32 $0x7E0C0, s3;
	[smem:$0x7E1] =	sst s22  }
0x63: {  	s6 =	sadd.s32 $0x948C0, s3;
	[smem:$0x7E4] =	sst s25  }
0x64: {  	s9 =	sadd.s32 $0xA20C0, s3;
	[smem:$0x7E9] =	sst s6  }
0x65: {  	s11 =	sadd.s32 $0x55980, s3;
	[smem:$0x7EC] =	sst s9  }
0x66: {  	s8 =	sadd.s32 $0x87000, s3;
	[smem:$0x7EE] =	sst s11  }
0x67: {  	s19 =	sadd.s32 $0x630C0, s3;
	[smem:$0x7D3] =	sst s8  }
0x68: {  	s20 =	sadd.s32 $0x678C0, s3;
	[smem:$0x7DE] =	sst s19  }
0x69: {  	s21 =	sadd.s32 $0x6C0C0, s3;
	[smem:$0x7DF] =	sst s20  }
0x6a: {  	s23 =	sadd.s32 $0x750C0, s3;
	[smem:$0x7E0] =	sst s21  }
0x6b: {  	s24 =	sadd.s32 $0x798C0, s3;
	[smem:$0x7E2] =	sst s23  }
0x6c: {  	s26 =	sadd.s32 $0x828C0, s3;
	[smem:$0x7E3] =	sst s24  }
0x6d: {  	s1 =	sadd.s32 $0x870C0, s3;
	[smem:$0x7E5] =	sst s26  }
0x6e: {  	s4 =	sadd.s32 $0x8B8C0, s3;
	[smem:$0x7E6] =	sst s1  }
0x6f: {  	s5 =	sadd.s32 $0x900C0, s3;
	[smem:$0x7E7] =	sst s4  }
0x70: {  	s7 =	sadd.s32 $0x990C0, s3;
	[smem:$0x7E8] =	sst s5  }
0x71: {  	s28 =	simm.s32 $0x5400;
	s10 =	sadd.s32 $0xA68C0, s3;
	[smem:$0x7EA] =	sst s7  }
0x72: {  	s29 =	simm.s32 $0x5A00;
	s12 =	sadd.s32 $0x5A180, s3;
	[smem:$0x7ED] =	sst s10  }
0x73: {  	s30 =	simm.s32 $0x6000;
	s13 =	sadd.s32 $0x5E980, s3;
	[smem:$0x7EF] =	sst s12  }
0x74: {  	s31 =	simm.s32 $0x6600;
	s14 =	sadd.s32 $0x63180, s3;
	[smem:$0x7F0] =	sst s13  }
0x75: {  	s0 =	simm.s32 $0x6C00;
	s15 =	sadd.s32 $0x67980, s3;
	[smem:$0x7F1] =	sst s14  }
0x76: {  	s16 =	sadd.s32 $0x6C180, s3;
	s17 =	sadd.s32 $0x70980, s3;
	[smem:$0x7F2] =	sst s15  }
0x77: {  	s18 =	sadd.s32 $0x75180, s3;
	s22 =	sadd.s32 $0x87180, s3;
	[smem:$0x7F3] =	sst s16  }
0x78: {  	s25 =	sadd.s32 $0x94980, s3;
	s11 =	sadd.s32 $0x9D980, s3;
	[smem:$0x7F4] =	sst s17  }
0x79: {  	s6 =	simm.s32 $0x0;
	s8 =	sadd.s32 $0x9D8C0, s3;
	[smem:$0x7F5] =	sst s18  }
0x7a: {  	s19 =	sadd.s32 $0x79980, s3;
	s20 =	sadd.s32 $0x7E180, s3;
	[smem:$0x7F9] =	sst s22  }
0x7b: {  	s21 =	sadd.s32 $0x82980, s3;
	s23 =	sadd.s32 $0x8B980, s3;
	[smem:$0x7FC] =	sst s25  }
0x7c: {  	s24 =	sadd.s32 $0x90180, s3;
	s26 =	sadd.s32 $0x99180, s3;
	[smem:$0x7EB] =	sst s8  }
0x7d: {  	s12 =	sadd.s32 $0xA2180, s3;
	s13 =	sadd.s32 $0xA6980, s3;
	[smem:$0x7F6] =	sst s19  }
0x7e: {  	s14 =	simm.s32 $0x600;
	s15 =	simm.s32 $0xC00;
	[smem:$0x7F7] =	sst s20  }
0x7f: {  	s16 =	simm.s32 $0x1200;
	s17 =	simm.s32 $0x1800;
	[smem:$0x7F8] =	sst s21  }
0x80: {  	s18 =	simm.s32 $0x1E00;
	s22 =	simm.s32 $0x3600;
	[smem:$0x7FA] =	sst s23  }
0x81: {  	s25 =	simm.s32 $0x4800;
	s1 =	simm.s32 $0x1;
	[smem:$0x7FB] =	sst s24  }
0x82: {  	s4 =	simm.s32 $0x2;
	s7 =	simm.s32 $0x7200;
	[smem:$0x7FD] =	sst s26  }
0x83: {  	s19 =	simm.s32 $0x2400;
	s20 =	simm.s32 $0x2A00;
	s21 =	simm.s32 $0x3000  }
0x84: {  	v0 =	vimm.s32 $0x0;
	s23 =	simm.s32 $0x3C00;
	s24 =	simm.s32 $0x4200;
	s26 =	simm.s32 $0x4E00  }
.LBB2_1:
0x85: {  	[tilespmem:s2], [sflag:$0x1] =	stream.linear.gather [hbm4b:s3+s2], $0x600, $0x38;
	[tilespmem:$0x7E00] =	vst v63  }
0x86: {  	s5 =	rddreg [dreg:$0x2]  }
0x87: {  	s8 =	rddreg [dreg:$0x3]  }
0x88: {  	[tilespmem:s14], [sflag:$0x1] =	stream.linear.gather [hbm4b:s5+s2], $0x600, $0x38;
	[tilespmem:$0x7E00] =	vst v63  }
0x89: {  	s9 =	rddreg [dreg:$0x4]  }
0x8a: {  	[tilespmem:s15], [sflag:$0x1] =	stream.linear.gather [hbm4b:s8+s2], $0x600, $0x38;
	[tilespmem:$0x7E00] =	vst v63  }
0x8b: {  	s10 =	rddreg [dreg:$0x5]  }
0x8c: {  	[tilespmem:s16], [sflag:$0x1] =	stream.linear.gather [hbm4b:s9+s2], $0x600, $0x38;
	[tilespmem:$0x7E00] =	vst v63  }
0x8d: {  	s8 =	rddreg [dreg:$0x16]  }
0x8e: {  	[tilespmem:s17], [sflag:$0x1] =	stream.linear.gather [hbm4b:s10+s2], $0x600, $0x38;
	[tilespmem:$0x7E00] =	vst v63  }
0x8f: {  	s9 =	rddreg [dreg:$0x18]  }
0x90: {  	[tilespmem:s18], [sflag:$0x1] =	stream.linear.gather [hbm4b:s8+s2], $0x600, $0x38;
	[tilespmem:$0x7E00] =	vst v63  }
0x91: {  	s10 =	rddreg [dreg:$0x19]  }
0x92: {  	[tilespmem:s19], [sflag:$0x1] =	stream.linear.gather [hbm4b:s9+s2], $0x600, $0x38;
	[tilespmem:$0x7E00] =	vst v63  }
0x93: {  	s8 =	rddreg [dreg:$0x1a]  }
0x94: {  	[tilespmem:s20], [sflag:$0x1] =	stream.linear.gather [hbm4b:s10+s2], $0x600, $0x38;
	[tilespmem:$0x7E00] =	vst v63  }
0x95: {  	s9 =	rddreg [dreg:$0x1b]  }
0x96: {  	[tilespmem:s21], [sflag:$0x1] =	stream.linear.gather [hbm4b:s8+s2], $0x600, $0x38;
	[tilespmem:$0x7E00] =	vst v63  }
0x97: {  	s10 =	rddreg [dreg:$0x1c]  }
0x98: {  	[tilespmem:s22], [sflag:$0x1] =	stream.linear.gather [hbm4b:s9+s2], $0x600, $0x38;
	[tilespmem:$0x7E00] =	vst v63  }
0x99: {  	s8 =	rddreg [dreg:$0x1d]  }
0x9a: {  	[tilespmem:s23], [sflag:$0x1] =	stream.linear.gather [hbm4b:s10+s2], $0x600, $0x38;
	[tilespmem:$0x7E00] =	vst v63  }
0x9b: {  	s9 =	rddreg [dreg:$0x1e]  }
0x9c: {  	[tilespmem:s24], [sflag:$0x1] =	stream.linear.gather [hbm4b:s8+s2], $0x600, $0x38;
	[tilespmem:$0x7E00] =	vst v63  }
0x9d: {  	s10 =	rddreg [dreg:$0x1f]  }
0x9e: {  	[tilespmem:s25], [sflag:$0x1] =	stream.linear.gather [hbm4b:s9+s2], $0x600, $0x38;
	[tilespmem:$0x7E00] =	vst v63  }
0x9f: {  	s8 =	sld [smem:$0x7A1]  }
0xa0: {  	[tilespmem:s26], [sflag:$0x1] =	stream.linear.gather [hbm4b:s10+s2], $0x600, $0x38;
	[tilespmem:$0x7E00] =	vst v63  }
0xa1: {  	s9 =	sld [smem:$0x7A2]  }
0xa2: {  	[tilespmem:s28], [sflag:$0x1] =	stream.linear.gather [hbm4b:s8+s2], $0x600, $0x38;
	[tilespmem:$0x7E00] =	vst v63  }
0xa3: {  	s10 =	sld [smem:$0x7A3]  }
0xa4: {  	[tilespmem:s29], [sflag:$0x1] =	stream.linear.gather [hbm4b:s9+s2], $0x600, $0x38;
	[tilespmem:$0x7E00] =	vst v63  }
0xa5: {  	s8 =	sld [smem:$0x7A4]  }
0xa6: {  	[tilespmem:s30], [sflag:$0x1] =	stream.linear.gather [hbm4b:s10+s2], $0x600, $0x38;
	[tilespmem:$0x7E00] =	vst v63  }
0xa7: {  	s9 =	sld [smem:$0x7A5]  }
0xa8: {  	[tilespmem:s31], [sflag:$0x1] =	stream.linear.gather [hbm4b:s8+s2], $0x600, $0x38;
	[tilespmem:$0x7E00] =	vst v63  }
0xa9: {  	_ = 	snop  }
0xaa: {  	[tilespmem:s0], [sflag:$0x1] =	stream.linear.gather [hbm4b:s9+s2], $0x600, $0x38;
	[tilespmem:$0x7E00] =	vst v63  }
0xab: {  	_ =	swait.ge [sflag:s1], $0x600  }
0xac: {  	[sflag:s1] =	ssyncset.done $0x0  }
0xad: {  	[sflag:s1] =	ssyncadd.s32 $0xFFFFFA00  }
0xae: {  	_ =	swait.ge [sflag:s1], $0x600  }
0xaf: {  	[sflag:s1] =	ssyncset.done $0x0  }
0xb0: {  	[sflag:s1] =	ssyncadd.s32 $0xFFFFFA00  }
0xb1: {  	_ =	swait.ge [sflag:s1], $0x600  }
0xb2: {  	[sflag:s1] =	ssyncset.done $0x0  }
0xb3: {  	[sflag:s1] =	ssyncadd.s32 $0xFFFFFA00  }
0xb4: {  	_ =	swait.ge [sflag:s1], $0x600  }
0xb5: {  	[sflag:s1] =	ssyncset.done $0x0  }
0xb6: {  	[sflag:s1] =	ssyncadd.s32 $0xFFFFFA00  }
0xb7: {  	_ =	swait.ge [sflag:s1], $0x600  }
0xb8: {  	[sflag:s1] =	ssyncset.done $0x0  }
0xb9: {  	[sflag:s1] =	ssyncadd.s32 $0xFFFFFA00  }
0xba: {  	_ =	swait.ge [sflag:s1], $0x600  }
0xbb: {  	[sflag:s1] =	ssyncset.done $0x0  }
0xbc: {  	[sflag:s1] =	ssyncadd.s32 $0xFFFFFA00  }
0xbd: {  	_ =	swait.ge [sflag:s1], $0x600  }
0xbe: {  	[sflag:s1] =	ssyncset.done $0x0  }
0xbf: {  	[sflag:s1] =	ssyncadd.s32 $0xFFFFFA00  }
0xc0: {  	_ =	swait.ge [sflag:s1], $0x600  }
0xc1: {  	[sflag:s1] =	ssyncset.done $0x0  }
0xc2: {  	[sflag:s1] =	ssyncadd.s32 $0xFFFFFA00  }
0xc3: {  	_ =	swait.ge [sflag:s1], $0x600  }
0xc4: {  	[sflag:s1] =	ssyncset.done $0x0  }
0xc5: {  	[sflag:s1] =	ssyncadd.s32 $0xFFFFFA00  }
0xc6: {  	_ =	swait.ge [sflag:s1], $0x600  }
0xc7: {  	[sflag:s1] =	ssyncset.done $0x0  }
0xc8: {  	[sflag:s1] =	ssyncadd.s32 $0xFFFFFA00  }
0xc9: {  	_ =	swait.ge [sflag:s1], $0x600  }
0xca: {  	[sflag:s1] =	ssyncset.done $0x0  }
0xcb: {  	[sflag:s1] =	ssyncadd.s32 $0xFFFFFA00  }
0xcc: {  	_ =	swait.ge [sflag:s1], $0x600  }
0xcd: {  	[sflag:s1] =	ssyncset.done $0x0  }
0xce: {  	[sflag:s1] =	ssyncadd.s32 $0xFFFFFA00  }
0xcf: {  	_ =	swait.ge [sflag:s1], $0x600  }
0xd0: {  	[sflag:s1] =	ssyncset.done $0x0  }
0xd1: {  	[sflag:s1] =	ssyncadd.s32 $0xFFFFFA00  }
0xd2: {  	_ =	swait.ge [sflag:s1], $0x600  }
0xd3: {  	[sflag:s1] =	ssyncset.done $0x0  }
0xd4: {  	[sflag:s1] =	ssyncadd.s32 $0xFFFFFA00  }
0xd5: {  	_ =	swait.ge [sflag:s1], $0x600  }
0xd6: {  	[sflag:s1] =	ssyncset.done $0x0  }
0xd7: {  	[sflag:s1] =	ssyncadd.s32 $0xFFFFFA00  }
0xd8: {  	_ =	swait.ge [sflag:s1], $0x600  }
0xd9: {  	[sflag:s1] =	ssyncset.done $0x0  }
0xda: {  	[sflag:s1] =	ssyncadd.s32 $0xFFFFFA00  }
0xdb: {  	_ =	swait.ge [sflag:s1], $0x600  }
0xdc: {  	[sflag:s1] =	ssyncset.done $0x0  }
0xdd: {  	[sflag:s1] =	ssyncadd.s32 $0xFFFFFA00  }
0xde: {  	_ =	swait.ge [sflag:s1], $0x600  }
0xdf: {  	[sflag:s1] =	ssyncset.done $0x0  }
0xe0: {  	[sflag:s1] =	ssyncadd.s32 $0xFFFFFA00  }
0xe1: {  	_ =	swait.ge [sflag:s1], $0x600  }
0xe2: {  	[sflag:s1] =	ssyncset.done $0x0  }
0xe3: {  	[sflag:s1] =	ssyncadd.s32 $0xFFFFFA00  }
0xe4: {  	s10 =	sand.u32 $0x7F0, s2;
	v1 =	vld [tilespmem:s2+$0x0]  }
0xe5: {  	v2 =	vld [tilespmem:s10+$0x600];
	_ =	sdelay $0x1  }
0xe6: {  	v3 =	vld [tilespmem:s10+$0xC00];
	_ =	sdelay $0x1  }
0xe7: {  	v4 =	vld [tilespmem:s10+$0x1200]  }
0xe8: {  	vm0 =	vgt.f32 v2, v1  }
0xe9: {  	v1 =	vsel vm0, v2, v1;
	v2 =	vld [tilespmem:s10+$0x1800]  }
0xea: {  	vm1 =	vgt.f32 v3, v1  }
0xeb: {  	v1 =	vsel vm1, v3, v1;
	v3 =	vld [tilespmem:s10+$0x1E00]  }
0xec: {  	vm2 =	vgt.f32 v4, v1  }
0xed: {  	v59 =	vld [tilespmem:s10+$0x2400];
	v1 =	vsel vm2, v4, v1  }
0xee: {  	vm3 =	vgt.f32 v2, v1  }
0xef: {  	v1 =	vsel vm3, v2, v1;
	v2 =	vld [tilespmem:s10+$0x2A00]  }
0xf0: {  	vm4 =	vgt.f32 v3, v1  }
0xf1: {  	v1 =	vsel vm4, v3, v1;
	v3 =	vld [tilespmem:s10+$0x3000]  }
0xf2: {  	vm5 =	vgt.f32 v59, v1  }
0xf3: {  	v60 =	vld [tilespmem:s10+$0x3600];
	v1 =	vsel vm5, v59, v1  }
0xf4: {  	vm6 =	vgt.f32 v2, v1  }
0xf5: {  	v1 =	vsel vm6, v2, v1;
	v2 =	vld [tilespmem:s10+$0x3C00]  }
0xf6: {  	vm7 =	vgt.f32 v3, v1  }
0xf7: {  	v1 =	vsel vm7, v3, v1;
	v3 =	vld [tilespmem:s10+$0x4200]  }
0xf8: {  	vm8 =	vgt.f32 v60, v1  }
0xf9: {  	v61 =	vld [tilespmem:s10+$0x4800];
	v1 =	vsel vm8, v60, v1  }
0xfa: {  	vm9 =	vgt.f32 v2, v1  }
0xfb: {  	v5 =	vsel vm0, $0x1, v0;
	v1 =	vsel vm9, v2, v1;
	v2 =	vld [tilespmem:s10+$0x4E00]  }
0xfc: {  	v5 =	vsel vm1, $0x2, v5;
	vm14 =	vgt.f32 v3, v1  }
0xfd: {  	v5 =	vsel vm2, $0x3, v5;
	v1 =	vsel vm14, v3, v1;
	v3 =	vld [tilespmem:s10+$0x5400]  }
0xfe: {  	v5 =	vsel vm3, $0x4, v5;
	vm15 =	vgt.f32 v61, v1  }
0xff: {  	v62 =	vld [tilespmem:s10+$0x5A00];
	v5 =	vsel vm4, $0x5, v5;
	v1 =	vsel vm15, v61, v1  }
0x100: {  	v5 =	vsel vm5, $0x6, v5;
	vm10 =	vgt.f32 v2, v1  }
0x101: {  	v5 =	vsel vm6, $0x7, v5;
	v1 =	vsel vm10, v2, v1;
	v2 =	vld [tilespmem:s10+$0x6000]  }
0x102: {  	v5 =	vsel vm7, $0x8, v5;
	vm11 =	vgt.f32 v3, v1  }
0x103: {  	v5 =	vsel vm8, $0x9, v5;
	v1 =	vsel vm11, v3, v1;
	v3 =	vld [tilespmem:s10+$0x6600]  }
0x104: {  	v5 =	vsel vm9, $0xA, v5;
	vm12 =	vgt.f32 v62, v1  }
0x105: {  	v63 =	vld [tilespmem:s10+$0x6C00];
	v5 =	vsel vm14, $0xB, v5;
	v1 =	vsel vm12, v62, v1  }
0x106: {  	v5 =	vsel vm15, $0xC, v5;
	vm13 =	vgt.f32 v2, v1  }
0x107: {  	v5 =	vsel vm10, $0xD, v5;
	v1 =	vsel vm13, v2, v1  }
0x108: {  	v2 =	vsel vm11, $0xE, v5;
	vm14 =	vgt.f32 v3, v1  }
0x109: {  	v2 =	vsel vm12, $0xF, v2;
	v1 =	vsel vm14, v3, v1  }
0x10a: {  	v2 =	vsel vm13, $0x10, v2;
	vm15 =	vgt.f32 v63, v1  }
0x10b: {  	s5 =	simm.s32 $0x10;
	v2 =	vsel vm14, $0x11, v2;
	v3 =	vsel vm15, v63, v1  }
0x10c: {  	s8 =	simm.s32 $0x0;
	s9 =	simm.s32 $0x7200;
	v1 =	vsel vm15, $0x12, v2;
	[tilespmem:s7+$0x0] =	vst v3;
	s7 =	simm.s32 $0x7800  }
.LBB2_2:
0x10d: {  	[tilespmem:s7+$0x0] =	vst v1;
	s8 =	sadd.s32 $0x10, s8;
	s9 =	sadd.s32 $0x10, s9;
	s7 =	sadd.s32 $0x10, s7  }
0x10e: {  	s10 =	sand.u32 $0x7F0, s5;
	p0 =	sne.s32 s5, $0x5F0;
	s5 =	sadd.s32 $0x10, s5;
	v1 =	vld [tilespmem:s8+$0x0]  }
0x10f: {  	v2 =	vld [tilespmem:s10+$0x600];
	_ =	sdelay $0x1  }
0x110: {  	v3 =	vld [tilespmem:s10+$0xC00];
	_ =	sdelay $0x1  }
0x111: {  	v4 =	vld [tilespmem:s10+$0x1200]  }
0x112: {  	vm0 =	vgt.f32 v2, v1  }
0x113: {  	v1 =	vsel vm0, v2, v1;
	v2 =	vld [tilespmem:s10+$0x1800]  }
0x114: {  	vm1 =	vgt.f32 v3, v1  }
0x115: {  	v1 =	vsel vm1, v3, v1;
	v3 =	vld [tilespmem:s10+$0x1E00]  }
0x116: {  	vm2 =	vgt.f32 v4, v1  }
0x117: {  	v1 =	vsel vm2, v4, v1;
	v4 =	vld [tilespmem:s10+$0x2400]  }
0x118: {  	vm3 =	vgt.f32 v2, v1  }
0x119: {  	v1 =	vsel vm3, v2, v1;
	v2 =	vld [tilespmem:s10+$0x2A00]  }
0x11a: {  	vm4 =	vgt.f32 v3, v1  }
0x11b: {  	v1 =	vsel vm4, v3, v1;
	v3 =	vld [tilespmem:s10+$0x3000]  }
0x11c: {  	vm5 =	vgt.f32 v4, v1  }
0x11d: {  	v1 =	vsel vm5, v4, v1;
	v4 =	vld [tilespmem:s10+$0x3600]  }
0x11e: {  	vm6 =	vgt.f32 v2, v1  }
0x11f: {  	v1 =	vsel vm6, v2, v1;
	v2 =	vld [tilespmem:s10+$0x3C00]  }
0x120: {  	vm7 =	vgt.f32 v3, v1  }
0x121: {  	v1 =	vsel vm7, v3, v1;
	v3 =	vld [tilespmem:s10+$0x4200]  }
0x122: {  	vm8 =	vgt.f32 v4, v1  }
0x123: {  	v1 =	vsel vm8, v4, v1;
	v4 =	vld [tilespmem:s10+$0x4800]  }
0x124: {  	vm9 =	vgt.f32 v2, v1  }
0x125: {  	v5 =	vsel vm0, $0x1, v0;
	v1 =	vsel vm9, v2, v1;
	v2 =	vld [tilespmem:s10+$0x4E00]  }
0x126: {  	v5 =	vsel vm1, $0x2, v5;
	vm0 =	vgt.f32 v3, v1  }
0x127: {  	v5 =	vsel vm2, $0x3, v5;
	v1 =	vsel vm0, v3, v1;
	v3 =	vld [tilespmem:s10+$0x5400]  }
0x128: {  	v5 =	vsel vm3, $0x4, v5;
	vm1 =	vgt.f32 v4, v1  }
0x129: {  	v5 =	vsel vm4, $0x5, v5;
	v1 =	vsel vm1, v4, v1;
	v4 =	vld [tilespmem:s10+$0x5A00]  }
0x12a: {  	v5 =	vsel vm5, $0x6, v5;
	vm2 =	vgt.f32 v2, v1  }
0x12b: {  	v5 =	vsel vm6, $0x7, v5;
	v1 =	vsel vm2, v2, v1;
	v2 =	vld [tilespmem:s10+$0x6000]  }
0x12c: {  	v5 =	vsel vm7, $0x8, v5;
	vm3 =	vgt.f32 v3, v1  }
0x12d: {  	v5 =	vsel vm8, $0x9, v5;
	v1 =	vsel vm3, v3, v1;
	v3 =	vld [tilespmem:s10+$0x6600]  }
0x12e: {  	v5 =	vsel vm9, $0xA, v5;
	vm4 =	vgt.f32 v4, v1  }
0x12f: {  	v5 =	vsel vm0, $0xB, v5;
	v1 =	vsel vm4, v4, v1;
	v4 =	vld [tilespmem:s10+$0x6C00]  }
0x130: {  	v5 =	vsel vm1, $0xC, v5;
	vm0 =	vgt.f32 v2, v1  }
0x131: {  	v5 =	vsel vm2, $0xD, v5;
	v1 =	vsel vm0, v2, v1  }
.Ltmp0:
0x132: {  	v2 =	vsel vm3, $0xE, v5;
	vm1 =	vgt.f32 v3, v1;
	(pc) =	sbr.rel @p0 .LBB2_2-.Ltmp0, $4  }
0x133: {  	v2 =	vsel vm4, $0xF, v2;
	v1 =	vsel vm1, v3, v1  }
0x134: {  	v2 =	vsel vm0, $0x10, v2;
	vm0 =	vgt.f32 v4, v1  }
0x135: {  	v2 =	vsel vm1, $0x11, v2;
	v3 =	vsel vm0, v4, v1  }
0x136: {  	v1 =	vsel vm0, $0x12, v2;
	[tilespmem:s9+$0x0] =	vst v3  }
0x137: {  	[tilespmem:s7+$0x0] =	vst v1;
	s7 =	simm.s32 $0x0;
	s5 =	simm.s32 $0x7200;
	s8 =	rddreg [dreg:$0x6]  }
0x138: {  	[hbm4b:s8+s7] =	stream.linear.scatter [tilespmem:s5], [sflag:$0x2], $0x600, $0x38;
	[tilespmem:$0x7E00] =	vst v63  }
0x139: {  	_ =	swait.ge [sflag:s4], $0x600  }
0x13a: {  	[sflag:s4] =	ssyncset.done $0x0  }
0x13b: {  	s8 =	simm.s32 $0x7800;
	s9 =	rddreg [dreg:$0x7];
	[sflag:s4] =	ssyncadd.s32 $0xFFFFFA00  }
0x13c: {  	[hbm4b:s9+s7] =	stream.linear.scatter [tilespmem:s8], [sflag:$0x2], $0x600, $0x38;
	[tilespmem:$0x7E00] =	vst v63  }
0x13d: {  	_ =	swait.ge [sflag:s4], $0x600  }
0x13e: {  	[sflag:s4] =	ssyncset.done $0x0  }
0x13f: {  	s10 =	rddreg [dreg:$0x8];
	[sflag:s4] =	ssyncadd.s32 $0xFFFFFA00  }
0x140: {  	[tilespmem:s7], [sflag:$0x1] =	stream.linear.gather [hbm4b:s10+s7], $0x600, $0x38;
	[tilespmem:$0x7E00] =	vst v63  }
0x141: {  	s10 =	rddreg [dreg:$0x9]  }
0x142: {  	[tilespmem:s14], [sflag:$0x1] =	stream.linear.gather [hbm4b:s10+s7], $0x600, $0x38;
	[tilespmem:$0x7E00] =	vst v63  }
0x143: {  	s10 =	sld [smem:$0x7A6];
	_ =	sdelay $0x2  }
0x144: {  	[tilespmem:s15], [sflag:$0x1] =	stream.linear.gather [hbm4b:s10+s7], $0x600, $0x38;
	[tilespmem:$0x7E00] =	vst v63  }
0x145: {  	s10 =	sld [smem:$0x7A7];
	_ =	sdelay $0x2  }
0x146: {  	[tilespmem:s16], [sflag:$0x1] =	stream.linear.gather [hbm4b:s10+s7], $0x600, $0x38;
	[tilespmem:$0x7E00] =	vst v63  }
0x147: {  	s10 =	sld [smem:$0x7A8];
	_ =	sdelay $0x2  }
0x148: {  	[tilespmem:s17], [sflag:$0x1] =	stream.linear.gather [hbm4b:s10+s7], $0x600, $0x38;
	[tilespmem:$0x7E00] =	vst v63  }
0x149: {  	s10 =	sld [smem:$0x7A9];
	_ =	sdelay $0x2  }
0x14a: {  	[tilespmem:s18], [sflag:$0x1] =	stream.linear.gather [hbm4b:s10+s7], $0x600, $0x38;
	[tilespmem:$0x7E00] =	vst v63  }
0x14b: {  	s10 =	sld [smem:$0x7AA];
	_ =	sdelay $0x2  }
0x14c: {  	[tilespmem:s19], [sflag:$0x1] =	stream.linear.gather [hbm4b:s10+s7], $0x600, $0x38;
	[tilespmem:$0x7E00] =	vst v63  }
0x14d: {  	s10 =	sld [smem:$0x7AB];
	_ =	sdelay $0x2  }
0x14e: {  	[tilespmem:s20], [sflag:$0x1] =	stream.linear.gather [hbm4b:s10+s7], $0x600, $0x38;
	[tilespmem:$0x7E00] =	vst v63  }
0x14f: {  	s10 =	sld [smem:$0x7AC];
	_ =	sdelay $0x2  }
0x150: {  	[tilespmem:s21], [sflag:$0x1] =	stream.linear.gather [hbm4b:s10+s7], $0x600, $0x38;
	[tilespmem:$0x7E00] =	vst v63  }
0x151: {  	s10 =	sld [smem:$0x7AD];
	_ =	sdelay $0x2  }
0x152: {  	[tilespmem:s22], [sflag:$0x1] =	stream.linear.gather [hbm4b:s10+s7], $0x600, $0x38;
	[tilespmem:$0x7E00] =	vst v63  }
0x153: {  	s10 =	sld [smem:$0x7AE];
	_ =	sdelay $0x2  }
0x154: {  	[tilespmem:s23], [sflag:$0x1] =	stream.linear.gather [hbm4b:s10+s7], $0x600, $0x38;
	[tilespmem:$0x7E00] =	vst v63  }
0x155: {  	s10 =	sld [smem:$0x7AF];
	_ =	sdelay $0x2  }
0x156: {  	[tilespmem:s24], [sflag:$0x1] =	stream.linear.gather [hbm4b:s10+s7], $0x600, $0x38;
	[tilespmem:$0x7E00] =	vst v63  }
0x157: {  	s10 =	sld [smem:$0x7B0];
	_ =	sdelay $0x2  }
0x158: {  	[tilespmem:s25], [sflag:$0x1] =	stream.linear.gather [hbm4b:s10+s7], $0x600, $0x38;
	[tilespmem:$0x7E00] =	vst v63  }
0x159: {  	s10 =	sld [smem:$0x7B1];
	_ =	sdelay $0x2  }
0x15a: {  	[tilespmem:s26], [sflag:$0x1] =	stream.linear.gather [hbm4b:s10+s7], $0x600, $0x38;
	[tilespmem:$0x7E00] =	vst v63  }
0x15b: {  	s10 =	sld [smem:$0x7B2];
	_ =	sdelay $0x2  }
0x15c: {  	[tilespmem:s28], [sflag:$0x1] =	stream.linear.gather [hbm4b:s10+s7], $0x600, $0x38;
	[tilespmem:$0x7E00] =	vst v63  }
0x15d: {  	s10 =	sld [smem:$0x7B3];
	_ =	sdelay $0x2  }
0x15e: {  	[tilespmem:s29], [sflag:$0x1] =	stream.linear.gather [hbm4b:s10+s7], $0x600, $0x38;
	[tilespmem:$0x7E00] =	vst v63  }
0x15f: {  	s10 =	sld [smem:$0x7B4];
	_ =	sdelay $0x2  }
0x160: {  	[tilespmem:s30], [sflag:$0x1] =	stream.linear.gather [hbm4b:s10+s7], $0x600, $0x38;
	[tilespmem:$0x7E00] =	vst v63  }
0x161: {  	s10 =	sld [smem:$0x7B5];
	_ =	sdelay $0x2  }
0x162: {  	[tilespmem:s31], [sflag:$0x1] =	stream.linear.gather [hbm4b:s10+s7], $0x600, $0x38;
	[tilespmem:$0x7E00] =	vst v63  }
0x163: {  	s10 =	sld [smem:$0x7B6];
	_ =	sdelay $0x2  }
0x164: {  	[tilespmem:s0], [sflag:$0x1] =	stream.linear.gather [hbm4b:s10+s7], $0x600, $0x38;
	[tilespmem:$0x7E00] =	vst v63  }
0x165: {  	_ =	swait.ge [sflag:s1], $0x600  }
0x166: {  	[sflag:s1] =	ssyncset.done $0x0  }
0x167: {  	[sflag:s1] =	ssyncadd.s32 $0xFFFFFA00  }
0x168: {  	_ =	swait.ge [sflag:s1], $0x600  }
0x169: {  	[sflag:s1] =	ssyncset.done $0x0  }
0x16a: {  	[sflag:s1] =	ssyncadd.s32 $0xFFFFFA00  }
0x16b: {  	_ =	swait.ge [sflag:s1], $0x600  }
0x16c: {  	[sflag:s1] =	ssyncset.done $0x0  }
0x16d: {  	[sflag:s1] =	ssyncadd.s32 $0xFFFFFA00  }
0x16e: {  	_ =	swait.ge [sflag:s1], $0x600  }
0x16f: {  	[sflag:s1] =	ssyncset.done $0x0  }
0x170: {  	[sflag:s1] =	ssyncadd.s32 $0xFFFFFA00  }
0x171: {  	_ =	swait.ge [sflag:s1], $0x600  }
0x172: {  	[sflag:s1] =	ssyncset.done $0x0  }
0x173: {  	[sflag:s1] =	ssyncadd.s32 $0xFFFFFA00  }
0x174: {  	_ =	swait.ge [sflag:s1], $0x600  }
0x175: {  	[sflag:s1] =	ssyncset.done $0x0  }
0x176: {  	[sflag:s1] =	ssyncadd.s32 $0xFFFFFA00  }
0x177: {  	_ =	swait.ge [sflag:s1], $0x600  }
0x178: {  	[sflag:s1] =	ssyncset.done $0x0  }
0x179: {  	[sflag:s1] =	ssyncadd.s32 $0xFFFFFA00  }
0x17a: {  	_ =	swait.ge [sflag:s1], $0x600  }
0x17b: {  	[sflag:s1] =	ssyncset.done $0x0  }
0x17c: {  	[sflag:s1] =	ssyncadd.s32 $0xFFFFFA00  }
0x17d: {  	_ =	swait.ge [sflag:s1], $0x600  }
0x17e: {  	[sflag:s1] =	ssyncset.done $0x0  }
0x17f: {  	[sflag:s1] =	ssyncadd.s32 $0xFFFFFA00  }
0x180: {  	_ =	swait.ge [sflag:s1], $0x600  }
0x181: {  	[sflag:s1] =	ssyncset.done $0x0  }
0x182: {  	[sflag:s1] =	ssyncadd.s32 $0xFFFFFA00  }
0x183: {  	_ =	swait.ge [sflag:s1], $0x600  }
0x184: {  	[sflag:s1] =	ssyncset.done $0x0  }
0x185: {  	[sflag:s1] =	ssyncadd.s32 $0xFFFFFA00  }
0x186: {  	_ =	swait.ge [sflag:s1], $0x600  }
0x187: {  	[sflag:s1] =	ssyncset.done $0x0  }
0x188: {  	[sflag:s1] =	ssyncadd.s32 $0xFFFFFA00  }
0x189: {  	_ =	swait.ge [sflag:s1], $0x600  }
0x18a: {  	[sflag:s1] =	ssyncset.done $0x0  }
0x18b: {  	[sflag:s1] =	ssyncadd.s32 $0xFFFFFA00  }
0x18c: {  	_ =	swait.ge [sflag:s1], $0x600  }
0x18d: {  	[sflag:s1] =	ssyncset.done $0x0  }
0x18e: {  	[sflag:s1] =	ssyncadd.s32 $0xFFFFFA00  }
0x18f: {  	_ =	swait.ge [sflag:s1], $0x600  }
0x190: {  	[sflag:s1] =	ssyncset.done $0x0  }
0x191: {  	[sflag:s1] =	ssyncadd.s32 $0xFFFFFA00  }
0x192: {  	_ =	swait.ge [sflag:s1], $0x600  }
0x193: {  	[sflag:s1] =	ssyncset.done $0x0  }
0x194: {  	[sflag:s1] =	ssyncadd.s32 $0xFFFFFA00  }
0x195: {  	_ =	swait.ge [sflag:s1], $0x600  }
0x196: {  	[sflag:s1] =	ssyncset.done $0x0  }
0x197: {  	[sflag:s1] =	ssyncadd.s32 $0xFFFFFA00  }
0x198: {  	_ =	swait.ge [sflag:s1], $0x600  }
0x199: {  	[sflag:s1] =	ssyncset.done $0x0  }
0x19a: {  	[sflag:s1] =	ssyncadd.s32 $0xFFFFFA00  }
0x19b: {  	_ =	swait.ge [sflag:s1], $0x600  }
0x19c: {  	[sflag:s1] =	ssyncset.done $0x0  }
0x19d: {  	[sflag:s1] =	ssyncadd.s32 $0xFFFFFA00  }
0x19e: {  	s10 =	sand.u32 $0x7F0, s7;
	v1 =	vld [tilespmem:s7+$0x0]  }
0x19f: {  	v2 =	vld [tilespmem:s10+$0x600];
	_ =	sdelay $0x1  }
0x1a0: {  	v3 =	vld [tilespmem:s10+$0xC00];
	_ =	sdelay $0x1  }
0x1a1: {  	v4 =	vld [tilespmem:s10+$0x1200]  }
0x1a2: {  	vm0 =	vgt.f32 v2, v1  }
0x1a3: {  	v1 =	vsel vm0, v2, v1;
	v2 =	vld [tilespmem:s10+$0x1800]  }
0x1a4: {  	vm1 =	vgt.f32 v3, v1  }
0x1a5: {  	v1 =	vsel vm1, v3, v1;
	v3 =	vld [tilespmem:s10+$0x1E00]  }
0x1a6: {  	vm2 =	vgt.f32 v4, v1  }
0x1a7: {  	v59 =	vld [tilespmem:s10+$0x2400];
	v1 =	vsel vm2, v4, v1  }
0x1a8: {  	vm3 =	vgt.f32 v2, v1  }
0x1a9: {  	v1 =	vsel vm3, v2, v1;
	v2 =	vld [tilespmem:s10+$0x2A00]  }
0x1aa: {  	vm4 =	vgt.f32 v3, v1  }
0x1ab: {  	v1 =	vsel vm4, v3, v1;
	v3 =	vld [tilespmem:s10+$0x3000]  }
0x1ac: {  	vm5 =	vgt.f32 v59, v1  }
0x1ad: {  	v60 =	vld [tilespmem:s10+$0x3600];
	v1 =	vsel vm5, v59, v1  }
0x1ae: {  	vm6 =	vgt.f32 v2, v1  }
0x1af: {  	v1 =	vsel vm6, v2, v1;
	v2 =	vld [tilespmem:s10+$0x3C00]  }
0x1b0: {  	vm7 =	vgt.f32 v3, v1  }
0x1b1: {  	v1 =	vsel vm7, v3, v1;
	v3 =	vld [tilespmem:s10+$0x4200]  }
0x1b2: {  	vm8 =	vgt.f32 v60, v1  }
0x1b3: {  	v61 =	vld [tilespmem:s10+$0x4800];
	v1 =	vsel vm8, v60, v1  }
0x1b4: {  	vm9 =	vgt.f32 v2, v1  }
0x1b5: {  	v5 =	vsel vm0, $0x1, v0;
	v1 =	vsel vm9, v2, v1;
	v2 =	vld [tilespmem:s10+$0x4E00]  }
0x1b6: {  	v5 =	vsel vm1, $0x2, v5;
	vm14 =	vgt.f32 v3, v1  }
0x1b7: {  	v5 =	vsel vm2, $0x3, v5;
	v1 =	vsel vm14, v3, v1;
	v3 =	vld [tilespmem:s10+$0x5400]  }
0x1b8: {  	v5 =	vsel vm3, $0x4, v5;
	vm15 =	vgt.f32 v61, v1  }
0x1b9: {  	v62 =	vld [tilespmem:s10+$0x5A00];
	v5 =	vsel vm4, $0x5, v5;
	v1 =	vsel vm15, v61, v1  }
0x1ba: {  	v5 =	vsel vm5, $0x6, v5;
	vm10 =	vgt.f32 v2, v1  }
0x1bb: {  	v5 =	vsel vm6, $0x7, v5;
	v1 =	vsel vm10, v2, v1;
	v2 =	vld [tilespmem:s10+$0x6000]  }
0x1bc: {  	v5 =	vsel vm7, $0x8, v5;
	vm11 =	vgt.f32 v3, v1  }
0x1bd: {  	v5 =	vsel vm8, $0x9, v5;
	v1 =	vsel vm11, v3, v1;
	v3 =	vld [tilespmem:s10+$0x6600]  }
0x1be: {  	v5 =	vsel vm9, $0xA, v5;
	vm12 =	vgt.f32 v62, v1  }
0x1bf: {  	v63 =	vld [tilespmem:s10+$0x6C00];
	v5 =	vsel vm14, $0xB, v5;
	v1 =	vsel vm12, v62, v1  }
0x1c0: {  	v5 =	vsel vm15, $0xC, v5;
	vm13 =	vgt.f32 v2, v1  }
0x1c1: {  	v5 =	vsel vm10, $0xD, v5;
	v1 =	vsel vm13, v2, v1  }
0x1c2: {  	v2 =	vsel vm11, $0xE, v5;
	vm14 =	vgt.f32 v3, v1  }
0x1c3: {  	v2 =	vsel vm12, $0xF, v2;
	v1 =	vsel vm14, v3, v1  }
0x1c4: {  	v2 =	vsel vm13, $0x10, v2;
	vm15 =	vgt.f32 v63, v1  }
0x1c5: {  	v2 =	vsel vm14, $0x11, v2;
	v3 =	vsel vm15, v63, v1  }
0x1c6: {  	s9 =	simm.s32 $0x10;
	v1 =	vsel vm15, $0x12, v2;
	[tilespmem:s5+$0x0] =	vst v3  }
.LBB2_4:
0x1c7: {  	[tilespmem:s8+$0x0] =	vst v1;
	s7 =	sadd.s32 $0x10, s7;
	s5 =	sadd.s32 $0x10, s5;
	s8 =	sadd.s32 $0x10, s8  }
0x1c8: {  	s10 =	sand.u32 $0x7F0, s9;
	p0 =	sne.s32 s9, $0x5F0;
	s9 =	sadd.s32 $0x10, s9;
	v1 =	vld [tilespmem:s7+$0x0]  }
0x1c9: {  	v2 =	vld [tilespmem:s10+$0x600];
	_ =	sdelay $0x1  }
0x1ca: {  	v3 =	vld [tilespmem:s10+$0xC00];
	_ =	sdelay $0x1  }
0x1cb: {  	v4 =	vld [tilespmem:s10+$0x1200]  }
0x1cc: {  	vm0 =	vgt.f32 v2, v1  }
0x1cd: {  	v1 =	vsel vm0, v2, v1;
	v2 =	vld [tilespmem:s10+$0x1800]  }
0x1ce: {  	vm1 =	vgt.f32 v3, v1  }
0x1cf: {  	v1 =	vsel vm1, v3, v1;
	v3 =	vld [tilespmem:s10+$0x1E00]  }
0x1d0: {  	vm2 =	vgt.f32 v4, v1  }
0x1d1: {  	v1 =	vsel vm2, v4, v1;
	v4 =	vld [tilespmem:s10+$0x2400]  }
0x1d2: {  	vm3 =	vgt.f32 v2, v1  }
0x1d3: {  	v1 =	vsel vm3, v2, v1;
	v2 =	vld [tilespmem:s10+$0x2A00]  }
0x1d4: {  	vm4 =	vgt.f32 v3, v1  }
0x1d5: {  	v1 =	vsel vm4, v3, v1;
	v3 =	vld [tilespmem:s10+$0x3000]  }
0x1d6: {  	vm5 =	vgt.f32 v4, v1  }
0x1d7: {  	v1 =	vsel vm5, v4, v1;
	v4 =	vld [tilespmem:s10+$0x3600]  }
0x1d8: {  	vm6 =	vgt.f32 v2, v1  }
0x1d9: {  	v1 =	vsel vm6, v2, v1;
	v2 =	vld [tilespmem:s10+$0x3C00]  }
0x1da: {  	vm7 =	vgt.f32 v3, v1  }
0x1db: {  	v1 =	vsel vm7, v3, v1;
	v3 =	vld [tilespmem:s10+$0x4200]  }
0x1dc: {  	vm8 =	vgt.f32 v4, v1  }
0x1dd: {  	v1 =	vsel vm8, v4, v1;
	v4 =	vld [tilespmem:s10+$0x4800]  }
0x1de: {  	vm9 =	vgt.f32 v2, v1  }
0x1df: {  	v5 =	vsel vm0, $0x1, v0;
	v1 =	vsel vm9, v2, v1;
	v2 =	vld [tilespmem:s10+$0x4E00]  }
0x1e0: {  	v5 =	vsel vm1, $0x2, v5;
	vm0 =	vgt.f32 v3, v1  }
0x1e1: {  	v5 =	vsel vm2, $0x3, v5;
	v1 =	vsel vm0, v3, v1;
	v3 =	vld [tilespmem:s10+$0x5400]  }
0x1e2: {  	v5 =	vsel vm3, $0x4, v5;
	vm1 =	vgt.f32 v4, v1  }
0x1e3: {  	v5 =	vsel vm4, $0x5, v5;
	v1 =	vsel vm1, v4, v1;
	v4 =	vld [tilespmem:s10+$0x5A00]  }
0x1e4: {  	v5 =	vsel vm5, $0x6, v5;
	vm2 =	vgt.f32 v2, v1  }
0x1e5: {  	v5 =	vsel vm6, $0x7, v5;
	v1 =	vsel vm2, v2, v1;
	v2 =	vld [tilespmem:s10+$0x6000]  }
0x1e6: {  	v5 =	vsel vm7, $0x8, v5;
	vm3 =	vgt.f32 v3, v1  }
0x1e7: {  	v5 =	vsel vm8, $0x9, v5;
	v1 =	vsel vm3, v3, v1;
	v3 =	vld [tilespmem:s10+$0x6600]  }
0x1e8: {  	v5 =	vsel vm9, $0xA, v5;
	vm4 =	vgt.f32 v4, v1  }
0x1e9: {  	v5 =	vsel vm0, $0xB, v5;
	v1 =	vsel vm4, v4, v1;
	v4 =	vld [tilespmem:s10+$0x6C00]  }
0x1ea: {  	v5 =	vsel vm1, $0xC, v5;
	vm0 =	vgt.f32 v2, v1  }
0x1eb: {  	v5 =	vsel vm2, $0xD, v5;
	v1 =	vsel vm0, v2, v1  }
.Ltmp1:
0x1ec: {  	v2 =	vsel vm3, $0xE, v5;
	vm1 =	vgt.f32 v3, v1;
	(pc) =	sbr.rel @p0 .LBB2_4-.Ltmp1, $4  }
0x1ed: {  	v2 =	vsel vm4, $0xF, v2;
	v1 =	vsel vm1, v3, v1  }
0x1ee: {  	v2 =	vsel vm0, $0x10, v2;
	vm0 =	vgt.f32 v4, v1  }
0x1ef: {  	v2 =	vsel vm1, $0x11, v2;
	v3 =	vsel vm0, v4, v1  }
0x1f0: {  	v1 =	vsel vm0, $0x12, v2;
	[tilespmem:s5+$0x0] =	vst v3  }
0x1f1: {  	[tilespmem:s8+$0x0] =	vst v1;
	s7 =	simm.s32 $0x0;
	s5 =	simm.s32 $0x7200;
	s9 =	rddreg [dreg:$0xa]  }
0x1f2: {  	[hbm4b:s9+s7] =	stream.linear.scatter [tilespmem:s5], [sflag:$0x2], $0x600, $0x38;
	[tilespmem:$0x7E00] =	vst v63  }
0x1f3: {  	_ =	swait.ge [sflag:s4], $0x600  }
0x1f4: {  	[sflag:s4] =	ssyncset.done $0x0  }
0x1f5: {  	s8 =	simm.s32 $0x7800;
	s9 =	rddreg [dreg:$0xb];
	[sflag:s4] =	ssyncadd.s32 $0xFFFFFA00  }
0x1f6: {  	[hbm4b:s9+s7] =	stream.linear.scatter [tilespmem:s8], [sflag:$0x2], $0x600, $0x38;
	[tilespmem:$0x7E00] =	vst v63  }
0x1f7: {  	_ =	swait.ge [sflag:s4], $0x600  }
0x1f8: {  	[sflag:s4] =	ssyncset.done $0x0  }
0x1f9: {  	s10 =	rddreg [dreg:$0xc];
	[sflag:s4] =	ssyncadd.s32 $0xFFFFFA00  }
0x1fa: {  	[tilespmem:s7], [sflag:$0x1] =	stream.linear.gather [hbm4b:s10+s7], $0x600, $0x38;
	[tilespmem:$0x7E00] =	vst v63  }
0x1fb: {  	s10 =	rddreg [dreg:$0xd]  }
0x1fc: {  	[tilespmem:s14], [sflag:$0x1] =	stream.linear.gather [hbm4b:s10+s7], $0x600, $0x38;
	[tilespmem:$0x7E00] =	vst v63  }
0x1fd: {  	s10 =	sld [smem:$0x7B7];
	_ =	sdelay $0x2  }
0x1fe: {  	[tilespmem:s15], [sflag:$0x1] =	stream.linear.gather [hbm4b:s10+s7], $0x600, $0x38;
	[tilespmem:$0x7E00] =	vst v63  }
0x1ff: {  	s10 =	sld [smem:$0x7B8];
	_ =	sdelay $0x2  }
0x200: {  	[tilespmem:s16], [sflag:$0x1] =	stream.linear.gather [hbm4b:s10+s7], $0x600, $0x38;
	[tilespmem:$0x7E00] =	vst v63  }
0x201: {  	s10 =	sld [smem:$0x7B9];
	_ =	sdelay $0x2  }
0x202: {  	[tilespmem:s17], [sflag:$0x1] =	stream.linear.gather [hbm4b:s10+s7], $0x600, $0x38;
	[tilespmem:$0x7E00] =	vst v63  }
0x203: {  	s10 =	sld [smem:$0x7BA];
	_ =	sdelay $0x2  }
0x204: {  	[tilespmem:s18], [sflag:$0x1] =	stream.linear.gather [hbm4b:s10+s7], $0x600, $0x38;
	[tilespmem:$0x7E00] =	vst v63  }
0x205: {  	s10 =	sld [smem:$0x7BB];
	_ =	sdelay $0x2  }
0x206: {  	[tilespmem:s19], [sflag:$0x1] =	stream.linear.gather [hbm4b:s10+s7], $0x600, $0x38;
	[tilespmem:$0x7E00] =	vst v63  }
0x207: {  	s10 =	sld [smem:$0x7BC];
	_ =	sdelay $0x2  }
0x208: {  	[tilespmem:s20], [sflag:$0x1] =	stream.linear.gather [hbm4b:s10+s7], $0x600, $0x38;
	[tilespmem:$0x7E00] =	vst v63  }
0x209: {  	s10 =	sld [smem:$0x7BD];
	_ =	sdelay $0x2  }
0x20a: {  	[tilespmem:s21], [sflag:$0x1] =	stream.linear.gather [hbm4b:s10+s7], $0x600, $0x38;
	[tilespmem:$0x7E00] =	vst v63  }
0x20b: {  	s10 =	sld [smem:$0x7BE];
	_ =	sdelay $0x2  }
0x20c: {  	[tilespmem:s22], [sflag:$0x1] =	stream.linear.gather [hbm4b:s10+s7], $0x600, $0x38;
	[tilespmem:$0x7E00] =	vst v63  }
0x20d: {  	s10 =	sld [smem:$0x7BF];
	_ =	sdelay $0x2  }
0x20e: {  	[tilespmem:s23], [sflag:$0x1] =	stream.linear.gather [hbm4b:s10+s7], $0x600, $0x38;
	[tilespmem:$0x7E00] =	vst v63  }
0x20f: {  	s10 =	sld [smem:$0x7C0];
	_ =	sdelay $0x2  }
0x210: {  	[tilespmem:s24], [sflag:$0x1] =	stream.linear.gather [hbm4b:s10+s7], $0x600, $0x38;
	[tilespmem:$0x7E00] =	vst v63  }
0x211: {  	s10 =	sld [smem:$0x7C1];
	_ =	sdelay $0x2  }
0x212: {  	[tilespmem:s25], [sflag:$0x1] =	stream.linear.gather [hbm4b:s10+s7], $0x600, $0x38;
	[tilespmem:$0x7E00] =	vst v63  }
0x213: {  	s10 =	sld [smem:$0x7C2];
	_ =	sdelay $0x2  }
0x214: {  	[tilespmem:s26], [sflag:$0x1] =	stream.linear.gather [hbm4b:s10+s7], $0x600, $0x38;
	[tilespmem:$0x7E00] =	vst v63  }
0x215: {  	s10 =	sld [smem:$0x7C3];
	_ =	sdelay $0x2  }
0x216: {  	[tilespmem:s28], [sflag:$0x1] =	stream.linear.gather [hbm4b:s10+s7], $0x600, $0x38;
	[tilespmem:$0x7E00] =	vst v63  }
0x217: {  	s10 =	sld [smem:$0x7C4];
	_ =	sdelay $0x2  }
0x218: {  	[tilespmem:s29], [sflag:$0x1] =	stream.linear.gather [hbm4b:s10+s7], $0x600, $0x38;
	[tilespmem:$0x7E00] =	vst v63  }
0x219: {  	s10 =	sld [smem:$0x7C5];
	_ =	sdelay $0x2  }
0x21a: {  	[tilespmem:s30], [sflag:$0x1] =	stream.linear.gather [hbm4b:s10+s7], $0x600, $0x38;
	[tilespmem:$0x7E00] =	vst v63  }
0x21b: {  	s10 =	sld [smem:$0x7C6];
	_ =	sdelay $0x2  }
0x21c: {  	[tilespmem:s31], [sflag:$0x1] =	stream.linear.gather [hbm4b:s10+s7], $0x600, $0x38;
	[tilespmem:$0x7E00] =	vst v63  }
0x21d: {  	s10 =	sld [smem:$0x7C7];
	_ =	sdelay $0x2  }
0x21e: {  	[tilespmem:s0], [sflag:$0x1] =	stream.linear.gather [hbm4b:s10+s7], $0x600, $0x38;
	[tilespmem:$0x7E00] =	vst v63  }
0x21f: {  	_ =	swait.ge [sflag:s1], $0x600  }
0x220: {  	[sflag:s1] =	ssyncset.done $0x0  }
0x221: {  	[sflag:s1] =	ssyncadd.s32 $0xFFFFFA00  }
0x222: {  	_ =	swait.ge [sflag:s1], $0x600  }
0x223: {  	[sflag:s1] =	ssyncset.done $0x0  }
0x224: {  	[sflag:s1] =	ssyncadd.s32 $0xFFFFFA00  }
0x225: {  	_ =	swait.ge [sflag:s1], $0x600  }
0x226: {  	[sflag:s1] =	ssyncset.done $0x0  }
0x227: {  	[sflag:s1] =	ssyncadd.s32 $0xFFFFFA00  }
0x228: {  	_ =	swait.ge [sflag:s1], $0x600  }
0x229: {  	[sflag:s1] =	ssyncset.done $0x0  }
0x22a: {  	[sflag:s1] =	ssyncadd.s32 $0xFFFFFA00  }
0x22b: {  	_ =	swait.ge [sflag:s1], $0x600  }
0x22c: {  	[sflag:s1] =	ssyncset.done $0x0  }
0x22d: {  	[sflag:s1] =	ssyncadd.s32 $0xFFFFFA00  }
0x22e: {  	_ =	swait.ge [sflag:s1], $0x600  }
0x22f: {  	[sflag:s1] =	ssyncset.done $0x0  }
0x230: {  	[sflag:s1] =	ssyncadd.s32 $0xFFFFFA00  }
0x231: {  	_ =	swait.ge [sflag:s1], $0x600  }
0x232: {  	[sflag:s1] =	ssyncset.done $0x0  }
0x233: {  	[sflag:s1] =	ssyncadd.s32 $0xFFFFFA00  }
0x234: {  	_ =	swait.ge [sflag:s1], $0x600  }
0x235: {  	[sflag:s1] =	ssyncset.done $0x0  }
0x236: {  	[sflag:s1] =	ssyncadd.s32 $0xFFFFFA00  }
0x237: {  	_ =	swait.ge [sflag:s1], $0x600  }
0x238: {  	[sflag:s1] =	ssyncset.done $0x0  }
0x239: {  	[sflag:s1] =	ssyncadd.s32 $0xFFFFFA00  }
0x23a: {  	_ =	swait.ge [sflag:s1], $0x600  }
0x23b: {  	[sflag:s1] =	ssyncset.done $0x0  }
0x23c: {  	[sflag:s1] =	ssyncadd.s32 $0xFFFFFA00  }
0x23d: {  	_ =	swait.ge [sflag:s1], $0x600  }
0x23e: {  	[sflag:s1] =	ssyncset.done $0x0  }
0x23f: {  	[sflag:s1] =	ssyncadd.s32 $0xFFFFFA00  }
0x240: {  	_ =	swait.ge [sflag:s1], $0x600  }
0x241: {  	[sflag:s1] =	ssyncset.done $0x0  }
0x242: {  	[sflag:s1] =	ssyncadd.s32 $0xFFFFFA00  }
0x243: {  	_ =	swait.ge [sflag:s1], $0x600  }
0x244: {  	[sflag:s1] =	ssyncset.done $0x0  }
0x245: {  	[sflag:s1] =	ssyncadd.s32 $0xFFFFFA00  }
0x246: {  	_ =	swait.ge [sflag:s1], $0x600  }
0x247: {  	[sflag:s1] =	ssyncset.done $0x0  }
0x248: {  	[sflag:s1] =	ssyncadd.s32 $0xFFFFFA00  }
0x249: {  	_ =	swait.ge [sflag:s1], $0x600  }
0x24a: {  	[sflag:s1] =	ssyncset.done $0x0  }
0x24b: {  	[sflag:s1] =	ssyncadd.s32 $0xFFFFFA00  }
0x24c: {  	_ =	swait.ge [sflag:s1], $0x600  }
0x24d: {  	[sflag:s1] =	ssyncset.done $0x0  }
0x24e: {  	[sflag:s1] =	ssyncadd.s32 $0xFFFFFA00  }
0x24f: {  	_ =	swait.ge [sflag:s1], $0x600  }
0x250: {  	[sflag:s1] =	ssyncset.done $0x0  }
0x251: {  	[sflag:s1] =	ssyncadd.s32 $0xFFFFFA00  }
0x252: {  	_ =	swait.ge [sflag:s1], $0x600  }
0x253: {  	[sflag:s1] =	ssyncset.done $0x0  }
0x254: {  	[sflag:s1] =	ssyncadd.s32 $0xFFFFFA00  }
0x255: {  	_ =	swait.ge [sflag:s1], $0x600  }
0x256: {  	[sflag:s1] =	ssyncset.done $0x0  }
0x257: {  	[sflag:s1] =	ssyncadd.s32 $0xFFFFFA00  }
0x258: {  	s10 =	sand.u32 $0x7F0, s7;
	v1 =	vld [tilespmem:s7+$0x0]  }
0x259: {  	v2 =	vld [tilespmem:s10+$0x600];
	_ =	sdelay $0x1  }
0x25a: {  	v3 =	vld [tilespmem:s10+$0xC00];
	_ =	sdelay $0x1  }
0x25b: {  	v4 =	vld [tilespmem:s10+$0x1200]  }
0x25c: {  	vm0 =	vgt.f32 v2, v1  }
0x25d: {  	v1 =	vsel vm0, v2, v1;
	v2 =	vld [tilespmem:s10+$0x1800]  }
0x25e: {  	vm1 =	vgt.f32 v3, v1  }
0x25f: {  	v1 =	vsel vm1, v3, v1;
	v3 =	vld [tilespmem:s10+$0x1E00]  }
0x260: {  	vm2 =	vgt.f32 v4, v1  }
0x261: {  	v59 =	vld [tilespmem:s10+$0x2400];
	v1 =	vsel vm2, v4, v1  }
0x262: {  	vm3 =	vgt.f32 v2, v1  }
0x263: {  	v1 =	vsel vm3, v2, v1;
	v2 =	vld [tilespmem:s10+$0x2A00]  }
0x264: {  	vm4 =	vgt.f32 v3, v1  }
0x265: {  	v1 =	vsel vm4, v3, v1;
	v3 =	vld [tilespmem:s10+$0x3000]  }
0x266: {  	vm5 =	vgt.f32 v59, v1  }
0x267: {  	v60 =	vld [tilespmem:s10+$0x3600];
	v1 =	vsel vm5, v59, v1  }
0x268: {  	vm6 =	vgt.f32 v2, v1  }
0x269: {  	v1 =	vsel vm6, v2, v1;
	v2 =	vld [tilespmem:s10+$0x3C00]  }
0x26a: {  	vm7 =	vgt.f32 v3, v1  }
0x26b: {  	v1 =	vsel vm7, v3, v1;
	v3 =	vld [tilespmem:s10+$0x4200]  }
0x26c: {  	vm8 =	vgt.f32 v60, v1  }
0x26d: {  	v61 =	vld [tilespmem:s10+$0x4800];
	v1 =	vsel vm8, v60, v1  }
0x26e: {  	vm9 =	vgt.f32 v2, v1  }
0x26f: {  	v5 =	vsel vm0, $0x1, v0;
	v1 =	vsel vm9, v2, v1;
	v2 =	vld [tilespmem:s10+$0x4E00]  }
0x270: {  	v5 =	vsel vm1, $0x2, v5;
	vm14 =	vgt.f32 v3, v1  }
0x271: {  	v5 =	vsel vm2, $0x3, v5;
	v1 =	vsel vm14, v3, v1;
	v3 =	vld [tilespmem:s10+$0x5400]  }
0x272: {  	v5 =	vsel vm3, $0x4, v5;
	vm15 =	vgt.f32 v61, v1  }
0x273: {  	v62 =	vld [tilespmem:s10+$0x5A00];
	v5 =	vsel vm4, $0x5, v5;
	v1 =	vsel vm15, v61, v1  }
0x274: {  	v5 =	vsel vm5, $0x6, v5;
	vm10 =	vgt.f32 v2, v1  }
0x275: {  	v5 =	vsel vm6, $0x7, v5;
	v1 =	vsel vm10, v2, v1;
	v2 =	vld [tilespmem:s10+$0x6000]  }
0x276: {  	v5 =	vsel vm7, $0x8, v5;
	vm11 =	vgt.f32 v3, v1  }
0x277: {  	v5 =	vsel vm8, $0x9, v5;
	v1 =	vsel vm11, v3, v1;
	v3 =	vld [tilespmem:s10+$0x6600]  }
0x278: {  	v5 =	vsel vm9, $0xA, v5;
	vm12 =	vgt.f32 v62, v1  }
0x279: {  	v63 =	vld [tilespmem:s10+$0x6C00];
	v5 =	vsel vm14, $0xB, v5;
	v1 =	vsel vm12, v62, v1  }
0x27a: {  	v5 =	vsel vm15, $0xC, v5;
	vm13 =	vgt.f32 v2, v1  }
0x27b: {  	v5 =	vsel vm10, $0xD, v5;
	v1 =	vsel vm13, v2, v1  }
0x27c: {  	v2 =	vsel vm11, $0xE, v5;
	vm14 =	vgt.f32 v3, v1  }
0x27d: {  	v2 =	vsel vm12, $0xF, v2;
	v1 =	vsel vm14, v3, v1  }
0x27e: {  	v2 =	vsel vm13, $0x10, v2;
	vm15 =	vgt.f32 v63, v1  }
0x27f: {  	v2 =	vsel vm14, $0x11, v2;
	v3 =	vsel vm15, v63, v1  }
0x280: {  	s9 =	simm.s32 $0x10;
	v1 =	vsel vm15, $0x12, v2;
	[tilespmem:s5+$0x0] =	vst v3  }
.LBB2_6:
0x281: {  	[tilespmem:s8+$0x0] =	vst v1;
	s7 =	sadd.s32 $0x10, s7;
	s5 =	sadd.s32 $0x10, s5;
	s8 =	sadd.s32 $0x10, s8  }
0x282: {  	s10 =	sand.u32 $0x7F0, s9;
	p0 =	sne.s32 s9, $0x5F0;
	s9 =	sadd.s32 $0x10, s9;
	v1 =	vld [tilespmem:s7+$0x0]  }
0x283: {  	v2 =	vld [tilespmem:s10+$0x600];
	_ =	sdelay $0x1  }
0x284: {  	v3 =	vld [tilespmem:s10+$0xC00];
	_ =	sdelay $0x1  }
0x285: {  	v4 =	vld [tilespmem:s10+$0x1200]  }
0x286: {  	vm0 =	vgt.f32 v2, v1  }
0x287: {  	v1 =	vsel vm0, v2, v1;
	v2 =	vld [tilespmem:s10+$0x1800]  }
0x288: {  	vm1 =	vgt.f32 v3, v1  }
0x289: {  	v1 =	vsel vm1, v3, v1;
	v3 =	vld [tilespmem:s10+$0x1E00]  }
0x28a: {  	vm2 =	vgt.f32 v4, v1  }
0x28b: {  	v1 =	vsel vm2, v4, v1;
	v4 =	vld [tilespmem:s10+$0x2400]  }
0x28c: {  	vm3 =	vgt.f32 v2, v1  }
0x28d: {  	v1 =	vsel vm3, v2, v1;
	v2 =	vld [tilespmem:s10+$0x2A00]  }
0x28e: {  	vm4 =	vgt.f32 v3, v1  }
0x28f: {  	v1 =	vsel vm4, v3, v1;
	v3 =	vld [tilespmem:s10+$0x3000]  }
0x290: {  	vm5 =	vgt.f32 v4, v1  }
0x291: {  	v1 =	vsel vm5, v4, v1;
	v4 =	vld [tilespmem:s10+$0x3600]  }
0x292: {  	vm6 =	vgt.f32 v2, v1  }
0x293: {  	v1 =	vsel vm6, v2, v1;
	v2 =	vld [tilespmem:s10+$0x3C00]  }
0x294: {  	vm7 =	vgt.f32 v3, v1  }
0x295: {  	v1 =	vsel vm7, v3, v1;
	v3 =	vld [tilespmem:s10+$0x4200]  }
0x296: {  	vm8 =	vgt.f32 v4, v1  }
0x297: {  	v1 =	vsel vm8, v4, v1;
	v4 =	vld [tilespmem:s10+$0x4800]  }
0x298: {  	vm9 =	vgt.f32 v2, v1  }
0x299: {  	v5 =	vsel vm0, $0x1, v0;
	v1 =	vsel vm9, v2, v1;
	v2 =	vld [tilespmem:s10+$0x4E00]  }
0x29a: {  	v5 =	vsel vm1, $0x2, v5;
	vm0 =	vgt.f32 v3, v1  }
0x29b: {  	v5 =	vsel vm2, $0x3, v5;
	v1 =	vsel vm0, v3, v1;
	v3 =	vld [tilespmem:s10+$0x5400]  }
0x29c: {  	v5 =	vsel vm3, $0x4, v5;
	vm1 =	vgt.f32 v4, v1  }
0x29d: {  	v5 =	vsel vm4, $0x5, v5;
	v1 =	vsel vm1, v4, v1;
	v4 =	vld [tilespmem:s10+$0x5A00]  }
0x29e: {  	v5 =	vsel vm5, $0x6, v5;
	vm2 =	vgt.f32 v2, v1  }
0x29f: {  	v5 =	vsel vm6, $0x7, v5;
	v1 =	vsel vm2, v2, v1;
	v2 =	vld [tilespmem:s10+$0x6000]  }
0x2a0: {  	v5 =	vsel vm7, $0x8, v5;
	vm3 =	vgt.f32 v3, v1  }
0x2a1: {  	v5 =	vsel vm8, $0x9, v5;
	v1 =	vsel vm3, v3, v1;
	v3 =	vld [tilespmem:s10+$0x6600]  }
0x2a2: {  	v5 =	vsel vm9, $0xA, v5;
	vm4 =	vgt.f32 v4, v1  }
0x2a3: {  	v5 =	vsel vm0, $0xB, v5;
	v1 =	vsel vm4, v4, v1;
	v4 =	vld [tilespmem:s10+$0x6C00]  }
0x2a4: {  	v5 =	vsel vm1, $0xC, v5;
	vm0 =	vgt.f32 v2, v1  }
0x2a5: {  	v5 =	vsel vm2, $0xD, v5;
	v1 =	vsel vm0, v2, v1  }
.Ltmp2:
0x2a6: {  	v2 =	vsel vm3, $0xE, v5;
	vm1 =	vgt.f32 v3, v1;
	(pc) =	sbr.rel @p0 .LBB2_6-.Ltmp2, $4  }
0x2a7: {  	v2 =	vsel vm4, $0xF, v2;
	v1 =	vsel vm1, v3, v1  }
0x2a8: {  	v2 =	vsel vm0, $0x10, v2;
	vm0 =	vgt.f32 v4, v1  }
0x2a9: {  	v2 =	vsel vm1, $0x11, v2;
	v3 =	vsel vm0, v4, v1  }
0x2aa: {  	v1 =	vsel vm0, $0x12, v2;
	[tilespmem:s5+$0x0] =	vst v3  }
0x2ab: {  	[tilespmem:s8+$0x0] =	vst v1;
	s7 =	simm.s32 $0x0;
	s5 =	simm.s32 $0x7200;
	s9 =	rddreg [dreg:$0xe]  }
0x2ac: {  	[hbm4b:s9+s7] =	stream.linear.scatter [tilespmem:s5], [sflag:$0x2], $0x600, $0x38;
	[tilespmem:$0x7E00] =	vst v63  }
0x2ad: {  	_ =	swait.ge [sflag:s4], $0x600  }
0x2ae: {  	[sflag:s4] =	ssyncset.done $0x0  }
0x2af: {  	s8 =	simm.s32 $0x7800;
	s9 =	rddreg [dreg:$0xf];
	[sflag:s4] =	ssyncadd.s32 $0xFFFFFA00  }
0x2b0: {  	[hbm4b:s9+s7] =	stream.linear.scatter [tilespmem:s8], [sflag:$0x2], $0x600, $0x38;
	[tilespmem:$0x7E00] =	vst v63  }
0x2b1: {  	_ =	swait.ge [sflag:s4], $0x600  }
0x2b2: {  	s10 =	sld [smem:$0x7C8]  }
0x2b3: {  	[sflag:s4] =	ssyncset.done $0x0  }
0x2b4: {  	[sflag:s4] =	ssyncadd.s32 $0xFFFFFA00  }
0x2b5: {  	[tilespmem:s7], [sflag:$0x1] =	stream.linear.gather [hbm4b:s10+s7], $0x600, $0x38;
	[tilespmem:$0x7E00] =	vst v63  }
0x2b6: {  	s10 =	sld [smem:$0x7C9];
	_ =	sdelay $0x2  }
0x2b7: {  	[tilespmem:s14], [sflag:$0x1] =	stream.linear.gather [hbm4b:s10+s7], $0x600, $0x38;
	[tilespmem:$0x7E00] =	vst v63  }
0x2b8: {  	s10 =	sld [smem:$0x7CA];
	_ =	sdelay $0x2  }
0x2b9: {  	[tilespmem:s15], [sflag:$0x1] =	stream.linear.gather [hbm4b:s10+s7], $0x600, $0x38;
	[tilespmem:$0x7E00] =	vst v63  }
0x2ba: {  	s10 =	sld [smem:$0x7CB];
	_ =	sdelay $0x2  }
0x2bb: {  	[tilespmem:s16], [sflag:$0x1] =	stream.linear.gather [hbm4b:s10+s7], $0x600, $0x38;
	[tilespmem:$0x7E00] =	vst v63  }
0x2bc: {  	s10 =	sld [smem:$0x7CC];
	_ =	sdelay $0x2  }
0x2bd: {  	[tilespmem:s17], [sflag:$0x1] =	stream.linear.gather [hbm4b:s10+s7], $0x600, $0x38;
	[tilespmem:$0x7E00] =	vst v63  }
0x2be: {  	s10 =	sld [smem:$0x7CD];
	_ =	sdelay $0x2  }
0x2bf: {  	[tilespmem:s18], [sflag:$0x1] =	stream.linear.gather [hbm4b:s10+s7], $0x600, $0x38;
	[tilespmem:$0x7E00] =	vst v63  }
0x2c0: {  	s10 =	sld [smem:$0x7CE];
	_ =	sdelay $0x2  }
0x2c1: {  	[tilespmem:s19], [sflag:$0x1] =	stream.linear.gather [hbm4b:s10+s7], $0x600, $0x38;
	[tilespmem:$0x7E00] =	vst v63  }
0x2c2: {  	s10 =	sld [smem:$0x7CF];
	_ =	sdelay $0x2  }
0x2c3: {  	[tilespmem:s20], [sflag:$0x1] =	stream.linear.gather [hbm4b:s10+s7], $0x600, $0x38;
	[tilespmem:$0x7E00] =	vst v63  }
0x2c4: {  	s10 =	sld [smem:$0x7D0];
	_ =	sdelay $0x2  }
0x2c5: {  	[tilespmem:s21], [sflag:$0x1] =	stream.linear.gather [hbm4b:s10+s7], $0x600, $0x38;
	[tilespmem:$0x7E00] =	vst v63  }
0x2c6: {  	s10 =	sld [smem:$0x7D1];
	_ =	sdelay $0x2  }
0x2c7: {  	[tilespmem:s22], [sflag:$0x1] =	stream.linear.gather [hbm4b:s10+s7], $0x600, $0x38;
	[tilespmem:$0x7E00] =	vst v63  }
0x2c8: {  	s10 =	sld [smem:$0x7D2];
	_ =	sdelay $0x2  }
0x2c9: {  	[tilespmem:s23], [sflag:$0x1] =	stream.linear.gather [hbm4b:s10+s7], $0x600, $0x38;
	[tilespmem:$0x7E00] =	vst v63  }
0x2ca: {  	s10 =	sld [smem:$0x7D3];
	_ =	sdelay $0x2  }
0x2cb: {  	[tilespmem:s24], [sflag:$0x1] =	stream.linear.gather [hbm4b:s10+s7], $0x600, $0x38;
	[tilespmem:$0x7E00] =	vst v63  }
0x2cc: {  	s10 =	sld [smem:$0x7D4];
	_ =	sdelay $0x2  }
0x2cd: {  	[tilespmem:s25], [sflag:$0x1] =	stream.linear.gather [hbm4b:s10+s7], $0x600, $0x38;
	[tilespmem:$0x7E00] =	vst v63  }
0x2ce: {  	s10 =	sld [smem:$0x7D5];
	_ =	sdelay $0x2  }
0x2cf: {  	[tilespmem:s26], [sflag:$0x1] =	stream.linear.gather [hbm4b:s10+s7], $0x600, $0x38;
	[tilespmem:$0x7E00] =	vst v63  }
0x2d0: {  	s10 =	sld [smem:$0x7D6];
	_ =	sdelay $0x2  }
0x2d1: {  	[tilespmem:s28], [sflag:$0x1] =	stream.linear.gather [hbm4b:s10+s7], $0x600, $0x38;
	[tilespmem:$0x7E00] =	vst v63  }
0x2d2: {  	s10 =	sld [smem:$0x7D7];
	_ =	sdelay $0x2  }
0x2d3: {  	[tilespmem:s29], [sflag:$0x1] =	stream.linear.gather [hbm4b:s10+s7], $0x600, $0x38;
	[tilespmem:$0x7E00] =	vst v63  }
0x2d4: {  	s10 =	sld [smem:$0x7D8];
	_ =	sdelay $0x2  }
0x2d5: {  	[tilespmem:s30], [sflag:$0x1] =	stream.linear.gather [hbm4b:s10+s7], $0x600, $0x38;
	[tilespmem:$0x7E00] =	vst v63  }
0x2d6: {  	s10 =	sld [smem:$0x7D9];
	_ =	sdelay $0x2  }
0x2d7: {  	[tilespmem:s31], [sflag:$0x1] =	stream.linear.gather [hbm4b:s10+s7], $0x600, $0x38;
	[tilespmem:$0x7E00] =	vst v63  }
0x2d8: {  	s10 =	sld [smem:$0x7DA];
	_ =	sdelay $0x2  }
0x2d9: {  	[tilespmem:s0], [sflag:$0x1] =	stream.linear.gather [hbm4b:s10+s7], $0x600, $0x38;
	[tilespmem:$0x7E00] =	vst v63  }
0x2da: {  	_ =	swait.ge [sflag:s1], $0x600  }
0x2db: {  	[sflag:s1] =	ssyncset.done $0x0  }
0x2dc: {  	[sflag:s1] =	ssyncadd.s32 $0xFFFFFA00  }
0x2dd: {  	_ =	swait.ge [sflag:s1], $0x600  }
0x2de: {  	[sflag:s1] =	ssyncset.done $0x0  }
0x2df: {  	[sflag:s1] =	ssyncadd.s32 $0xFFFFFA00  }
0x2e0: {  	_ =	swait.ge [sflag:s1], $0x600  }
0x2e1: {  	[sflag:s1] =	ssyncset.done $0x0  }
0x2e2: {  	[sflag:s1] =	ssyncadd.s32 $0xFFFFFA00  }
0x2e3: {  	_ =	swait.ge [sflag:s1], $0x600  }
0x2e4: {  	[sflag:s1] =	ssyncset.done $0x0  }
0x2e5: {  	[sflag:s1] =	ssyncadd.s32 $0xFFFFFA00  }
0x2e6: {  	_ =	swait.ge [sflag:s1], $0x600  }
0x2e7: {  	[sflag:s1] =	ssyncset.done $0x0  }
0x2e8: {  	[sflag:s1] =	ssyncadd.s32 $0xFFFFFA00  }
0x2e9: {  	_ =	swait.ge [sflag:s1], $0x600  }
0x2ea: {  	[sflag:s1] =	ssyncset.done $0x0  }
0x2eb: {  	[sflag:s1] =	ssyncadd.s32 $0xFFFFFA00  }
0x2ec: {  	_ =	swait.ge [sflag:s1], $0x600  }
0x2ed: {  	[sflag:s1] =	ssyncset.done $0x0  }
0x2ee: {  	[sflag:s1] =	ssyncadd.s32 $0xFFFFFA00  }
0x2ef: {  	_ =	swait.ge [sflag:s1], $0x600  }
0x2f0: {  	[sflag:s1] =	ssyncset.done $0x0  }
0x2f1: {  	[sflag:s1] =	ssyncadd.s32 $0xFFFFFA00  }
0x2f2: {  	_ =	swait.ge [sflag:s1], $0x600  }
0x2f3: {  	[sflag:s1] =	ssyncset.done $0x0  }
0x2f4: {  	[sflag:s1] =	ssyncadd.s32 $0xFFFFFA00  }
0x2f5: {  	_ =	swait.ge [sflag:s1], $0x600  }
0x2f6: {  	[sflag:s1] =	ssyncset.done $0x0  }
0x2f7: {  	[sflag:s1] =	ssyncadd.s32 $0xFFFFFA00  }
0x2f8: {  	_ =	swait.ge [sflag:s1], $0x600  }
0x2f9: {  	[sflag:s1] =	ssyncset.done $0x0  }
0x2fa: {  	[sflag:s1] =	ssyncadd.s32 $0xFFFFFA00  }
0x2fb: {  	_ =	swait.ge [sflag:s1], $0x600  }
0x2fc: {  	[sflag:s1] =	ssyncset.done $0x0  }
0x2fd: {  	[sflag:s1] =	ssyncadd.s32 $0xFFFFFA00  }
0x2fe: {  	_ =	swait.ge [sflag:s1], $0x600  }
0x2ff: {  	[sflag:s1] =	ssyncset.done $0x0  }
0x300: {  	[sflag:s1] =	ssyncadd.s32 $0xFFFFFA00  }
0x301: {  	_ =	swait.ge [sflag:s1], $0x600  }
0x302: {  	[sflag:s1] =	ssyncset.done $0x0  }
0x303: {  	[sflag:s1] =	ssyncadd.s32 $0xFFFFFA00  }
0x304: {  	_ =	swait.ge [sflag:s1], $0x600  }
0x305: {  	[sflag:s1] =	ssyncset.done $0x0  }
0x306: {  	[sflag:s1] =	ssyncadd.s32 $0xFFFFFA00  }
0x307: {  	_ =	swait.ge [sflag:s1], $0x600  }
0x308: {  	[sflag:s1] =	ssyncset.done $0x0  }
0x309: {  	[sflag:s1] =	ssyncadd.s32 $0xFFFFFA00  }
0x30a: {  	_ =	swait.ge [sflag:s1], $0x600  }
0x30b: {  	[sflag:s1] =	ssyncset.done $0x0  }
0x30c: {  	[sflag:s1] =	ssyncadd.s32 $0xFFFFFA00  }
0x30d: {  	_ =	swait.ge [sflag:s1], $0x600  }
0x30e: {  	[sflag:s1] =	ssyncset.done $0x0  }
0x30f: {  	[sflag:s1] =	ssyncadd.s32 $0xFFFFFA00  }
0x310: {  	_ =	swait.ge [sflag:s1], $0x600  }
0x311: {  	[sflag:s1] =	ssyncset.done $0x0  }
0x312: {  	[sflag:s1] =	ssyncadd.s32 $0xFFFFFA00  }
0x313: {  	s10 =	sand.u32 $0x7F0, s7;
	v1 =	vld [tilespmem:s7+$0x0]  }
0x314: {  	v2 =	vld [tilespmem:s10+$0x600];
	_ =	sdelay $0x1  }
0x315: {  	v3 =	vld [tilespmem:s10+$0xC00];
	_ =	sdelay $0x1  }
0x316: {  	v4 =	vld [tilespmem:s10+$0x1200]  }
0x317: {  	vm0 =	vgt.f32 v2, v1  }
0x318: {  	v1 =	vsel vm0, v2, v1;
	v2 =	vld [tilespmem:s10+$0x1800]  }
0x319: {  	vm1 =	vgt.f32 v3, v1  }
0x31a: {  	v1 =	vsel vm1, v3, v1;
	v3 =	vld [tilespmem:s10+$0x1E00]  }
0x31b: {  	vm2 =	vgt.f32 v4, v1  }
0x31c: {  	v59 =	vld [tilespmem:s10+$0x2400];
	v1 =	vsel vm2, v4, v1  }
0x31d: {  	vm3 =	vgt.f32 v2, v1  }
0x31e: {  	v1 =	vsel vm3, v2, v1;
	v2 =	vld [tilespmem:s10+$0x2A00]  }
0x31f: {  	vm4 =	vgt.f32 v3, v1  }
0x320: {  	v1 =	vsel vm4, v3, v1;
	v3 =	vld [tilespmem:s10+$0x3000]  }
0x321: {  	vm5 =	vgt.f32 v59, v1  }
0x322: {  	v60 =	vld [tilespmem:s10+$0x3600];
	v1 =	vsel vm5, v59, v1  }
0x323: {  	vm6 =	vgt.f32 v2, v1  }
0x324: {  	v1 =	vsel vm6, v2, v1;
	v2 =	vld [tilespmem:s10+$0x3C00]  }
0x325: {  	vm7 =	vgt.f32 v3, v1  }
0x326: {  	v1 =	vsel vm7, v3, v1;
	v3 =	vld [tilespmem:s10+$0x4200]  }
0x327: {  	vm8 =	vgt.f32 v60, v1  }
0x328: {  	v61 =	vld [tilespmem:s10+$0x4800];
	v1 =	vsel vm8, v60, v1  }
0x329: {  	vm9 =	vgt.f32 v2, v1  }
0x32a: {  	v5 =	vsel vm0, $0x1, v0;
	v1 =	vsel vm9, v2, v1;
	v2 =	vld [tilespmem:s10+$0x4E00]  }
0x32b: {  	v5 =	vsel vm1, $0x2, v5;
	vm14 =	vgt.f32 v3, v1  }
0x32c: {  	v5 =	vsel vm2, $0x3, v5;
	v1 =	vsel vm14, v3, v1;
	v3 =	vld [tilespmem:s10+$0x5400]  }
0x32d: {  	v5 =	vsel vm3, $0x4, v5;
	vm15 =	vgt.f32 v61, v1  }
0x32e: {  	v62 =	vld [tilespmem:s10+$0x5A00];
	v5 =	vsel vm4, $0x5, v5;
	v1 =	vsel vm15, v61, v1  }
0x32f: {  	v5 =	vsel vm5, $0x6, v5;
	vm10 =	vgt.f32 v2, v1  }
0x330: {  	v5 =	vsel vm6, $0x7, v5;
	v1 =	vsel vm10, v2, v1;
	v2 =	vld [tilespmem:s10+$0x6000]  }
0x331: {  	v5 =	vsel vm7, $0x8, v5;
	vm11 =	vgt.f32 v3, v1  }
0x332: {  	v5 =	vsel vm8, $0x9, v5;
	v1 =	vsel vm11, v3, v1;
	v3 =	vld [tilespmem:s10+$0x6600]  }
0x333: {  	v5 =	vsel vm9, $0xA, v5;
	vm12 =	vgt.f32 v62, v1  }
0x334: {  	v63 =	vld [tilespmem:s10+$0x6C00];
	v5 =	vsel vm14, $0xB, v5;
	v1 =	vsel vm12, v62, v1  }
0x335: {  	v5 =	vsel vm15, $0xC, v5;
	vm13 =	vgt.f32 v2, v1  }
0x336: {  	v5 =	vsel vm10, $0xD, v5;
	v1 =	vsel vm13, v2, v1  }
0x337: {  	v2 =	vsel vm11, $0xE, v5;
	vm14 =	vgt.f32 v3, v1  }
0x338: {  	v2 =	vsel vm12, $0xF, v2;
	v1 =	vsel vm14, v3, v1  }
0x339: {  	v2 =	vsel vm13, $0x10, v2;
	vm15 =	vgt.f32 v63, v1  }
0x33a: {  	v2 =	vsel vm14, $0x11, v2;
	v3 =	vsel vm15, v63, v1  }
0x33b: {  	s9 =	simm.s32 $0x10;
	v1 =	vsel vm15, $0x12, v2;
	[tilespmem:s5+$0x0] =	vst v3  }
.LBB2_8:
0x33c: {  	[tilespmem:s8+$0x0] =	vst v1;
	s7 =	sadd.s32 $0x10, s7;
	s5 =	sadd.s32 $0x10, s5;
	s8 =	sadd.s32 $0x10, s8  }
0x33d: {  	s10 =	sand.u32 $0x7F0, s9;
	p0 =	sne.s32 s9, $0x5F0;
	s9 =	sadd.s32 $0x10, s9;
	v1 =	vld [tilespmem:s7+$0x0]  }
0x33e: {  	v2 =	vld [tilespmem:s10+$0x600];
	_ =	sdelay $0x1  }
0x33f: {  	v3 =	vld [tilespmem:s10+$0xC00];
	_ =	sdelay $0x1  }
0x340: {  	v4 =	vld [tilespmem:s10+$0x1200]  }
0x341: {  	vm0 =	vgt.f32 v2, v1  }
0x342: {  	v1 =	vsel vm0, v2, v1;
	v2 =	vld [tilespmem:s10+$0x1800]  }
0x343: {  	vm1 =	vgt.f32 v3, v1  }
0x344: {  	v1 =	vsel vm1, v3, v1;
	v3 =	vld [tilespmem:s10+$0x1E00]  }
0x345: {  	vm2 =	vgt.f32 v4, v1  }
0x346: {  	v1 =	vsel vm2, v4, v1;
	v4 =	vld [tilespmem:s10+$0x2400]  }
0x347: {  	vm3 =	vgt.f32 v2, v1  }
0x348: {  	v1 =	vsel vm3, v2, v1;
	v2 =	vld [tilespmem:s10+$0x2A00]  }
0x349: {  	vm4 =	vgt.f32 v3, v1  }
0x34a: {  	v1 =	vsel vm4, v3, v1;
	v3 =	vld [tilespmem:s10+$0x3000]  }
0x34b: {  	vm5 =	vgt.f32 v4, v1  }
0x34c: {  	v1 =	vsel vm5, v4, v1;
	v4 =	vld [tilespmem:s10+$0x3600]  }
0x34d: {  	vm6 =	vgt.f32 v2, v1  }
0x34e: {  	v1 =	vsel vm6, v2, v1;
	v2 =	vld [tilespmem:s10+$0x3C00]  }
0x34f: {  	vm7 =	vgt.f32 v3, v1  }
0x350: {  	v1 =	vsel vm7, v3, v1;
	v3 =	vld [tilespmem:s10+$0x4200]  }
0x351: {  	vm8 =	vgt.f32 v4, v1  }
0x352: {  	v1 =	vsel vm8, v4, v1;
	v4 =	vld [tilespmem:s10+$0x4800]  }
0x353: {  	vm9 =	vgt.f32 v2, v1  }
0x354: {  	v5 =	vsel vm0, $0x1, v0;
	v1 =	vsel vm9, v2, v1;
	v2 =	vld [tilespmem:s10+$0x4E00]  }
0x355: {  	v5 =	vsel vm1, $0x2, v5;
	vm0 =	vgt.f32 v3, v1  }
0x356: {  	v5 =	vsel vm2, $0x3, v5;
	v1 =	vsel vm0, v3, v1;
	v3 =	vld [tilespmem:s10+$0x5400]  }
0x357: {  	v5 =	vsel vm3, $0x4, v5;
	vm1 =	vgt.f32 v4, v1  }
0x358: {  	v5 =	vsel vm4, $0x5, v5;
	v1 =	vsel vm1, v4, v1;
	v4 =	vld [tilespmem:s10+$0x5A00]  }
0x359: {  	v5 =	vsel vm5, $0x6, v5;
	vm2 =	vgt.f32 v2, v1  }
0x35a: {  	v5 =	vsel vm6, $0x7, v5;
	v1 =	vsel vm2, v2, v1;
	v2 =	vld [tilespmem:s10+$0x6000]  }
0x35b: {  	v5 =	vsel vm7, $0x8, v5;
	vm3 =	vgt.f32 v3, v1  }
0x35c: {  	v5 =	vsel vm8, $0x9, v5;
	v1 =	vsel vm3, v3, v1;
	v3 =	vld [tilespmem:s10+$0x6600]  }
0x35d: {  	v5 =	vsel vm9, $0xA, v5;
	vm4 =	vgt.f32 v4, v1  }
0x35e: {  	v5 =	vsel vm0, $0xB, v5;
	v1 =	vsel vm4, v4, v1;
	v4 =	vld [tilespmem:s10+$0x6C00]  }
0x35f: {  	v5 =	vsel vm1, $0xC, v5;
	vm0 =	vgt.f32 v2, v1  }
0x360: {  	v5 =	vsel vm2, $0xD, v5;
	v1 =	vsel vm0, v2, v1  }
.Ltmp3:
0x361: {  	v2 =	vsel vm3, $0xE, v5;
	vm1 =	vgt.f32 v3, v1;
	(pc) =	sbr.rel @p0 .LBB2_8-.Ltmp3, $4  }
0x362: {  	v2 =	vsel vm4, $0xF, v2;
	v1 =	vsel vm1, v3, v1  }
0x363: {  	v2 =	vsel vm0, $0x10, v2;
	vm0 =	vgt.f32 v4, v1  }
0x364: {  	v2 =	vsel vm1, $0x11, v2;
	v3 =	vsel vm0, v4, v1  }
0x365: {  	v1 =	vsel vm0, $0x12, v2;
	[tilespmem:s5+$0x0] =	vst v3  }
0x366: {  	[tilespmem:s8+$0x0] =	vst v1;
	s7 =	simm.s32 $0x0;
	s5 =	simm.s32 $0x7200;
	s9 =	rddreg [dreg:$0x10]  }
0x367: {  	[hbm4b:s9+s7] =	stream.linear.scatter [tilespmem:s5], [sflag:$0x2], $0x600, $0x38;
	[tilespmem:$0x7E00] =	vst v63  }
0x368: {  	_ =	swait.ge [sflag:s4], $0x600  }
0x369: {  	[sflag:s4] =	ssyncset.done $0x0  }
0x36a: {  	s8 =	simm.s32 $0x7800;
	s9 =	rddreg [dreg:$0x11];
	[sflag:s4] =	ssyncadd.s32 $0xFFFFFA00  }
0x36b: {  	[hbm4b:s9+s7] =	stream.linear.scatter [tilespmem:s8], [sflag:$0x2], $0x600, $0x38;
	[tilespmem:$0x7E00] =	vst v63  }
0x36c: {  	_ =	swait.ge [sflag:s4], $0x600  }
0x36d: {  	s10 =	sld [smem:$0x7DB]  }
0x36e: {  	[sflag:s4] =	ssyncset.done $0x0  }
0x36f: {  	[sflag:s4] =	ssyncadd.s32 $0xFFFFFA00  }
0x370: {  	[tilespmem:s7], [sflag:$0x1] =	stream.linear.gather [hbm4b:s10+s7], $0x600, $0x38;
	[tilespmem:$0x7E00] =	vst v63  }
0x371: {  	s10 =	sld [smem:$0x7DC];
	_ =	sdelay $0x2  }
0x372: {  	[tilespmem:s14], [sflag:$0x1] =	stream.linear.gather [hbm4b:s10+s7], $0x600, $0x38;
	[tilespmem:$0x7E00] =	vst v63  }
0x373: {  	s10 =	sld [smem:$0x7DD];
	_ =	sdelay $0x2  }
0x374: {  	[tilespmem:s15], [sflag:$0x1] =	stream.linear.gather [hbm4b:s10+s7], $0x600, $0x38;
	[tilespmem:$0x7E00] =	vst v63  }
0x375: {  	s10 =	sld [smem:$0x7DE];
	_ =	sdelay $0x2  }
0x376: {  	[tilespmem:s16], [sflag:$0x1] =	stream.linear.gather [hbm4b:s10+s7], $0x600, $0x38;
	[tilespmem:$0x7E00] =	vst v63  }
0x377: {  	s10 =	sld [smem:$0x7DF];
	_ =	sdelay $0x2  }
0x378: {  	[tilespmem:s17], [sflag:$0x1] =	stream.linear.gather [hbm4b:s10+s7], $0x600, $0x38;
	[tilespmem:$0x7E00] =	vst v63  }
0x379: {  	s10 =	sld [smem:$0x7E0];
	_ =	sdelay $0x2  }
0x37a: {  	[tilespmem:s18], [sflag:$0x1] =	stream.linear.gather [hbm4b:s10+s7], $0x600, $0x38;
	[tilespmem:$0x7E00] =	vst v63  }
0x37b: {  	s10 =	sld [smem:$0x7E1];
	_ =	sdelay $0x2  }
0x37c: {  	[tilespmem:s19], [sflag:$0x1] =	stream.linear.gather [hbm4b:s10+s7], $0x600, $0x38;
	[tilespmem:$0x7E00] =	vst v63  }
0x37d: {  	s10 =	sld [smem:$0x7E2];
	_ =	sdelay $0x2  }
0x37e: {  	[tilespmem:s20], [sflag:$0x1] =	stream.linear.gather [hbm4b:s10+s7], $0x600, $0x38;
	[tilespmem:$0x7E00] =	vst v63  }
0x37f: {  	s10 =	sld [smem:$0x7E3];
	_ =	sdelay $0x2  }
0x380: {  	[tilespmem:s21], [sflag:$0x1] =	stream.linear.gather [hbm4b:s10+s7], $0x600, $0x38;
	[tilespmem:$0x7E00] =	vst v63  }
0x381: {  	s10 =	sld [smem:$0x7E4];
	_ =	sdelay $0x2  }
0x382: {  	[tilespmem:s22], [sflag:$0x1] =	stream.linear.gather [hbm4b:s10+s7], $0x600, $0x38;
	[tilespmem:$0x7E00] =	vst v63  }
0x383: {  	s10 =	sld [smem:$0x7E5];
	_ =	sdelay $0x2  }
0x384: {  	[tilespmem:s23], [sflag:$0x1] =	stream.linear.gather [hbm4b:s10+s7], $0x600, $0x38;
	[tilespmem:$0x7E00] =	vst v63  }
0x385: {  	s10 =	sld [smem:$0x7E6];
	_ =	sdelay $0x2  }
0x386: {  	[tilespmem:s24], [sflag:$0x1] =	stream.linear.gather [hbm4b:s10+s7], $0x600, $0x38;
	[tilespmem:$0x7E00] =	vst v63  }
0x387: {  	s10 =	sld [smem:$0x7E7];
	_ =	sdelay $0x2  }
0x388: {  	[tilespmem:s25], [sflag:$0x1] =	stream.linear.gather [hbm4b:s10+s7], $0x600, $0x38;
	[tilespmem:$0x7E00] =	vst v63  }
0x389: {  	s10 =	sld [smem:$0x7E8];
	_ =	sdelay $0x2  }
0x38a: {  	[tilespmem:s26], [sflag:$0x1] =	stream.linear.gather [hbm4b:s10+s7], $0x600, $0x38;
	[tilespmem:$0x7E00] =	vst v63  }
0x38b: {  	s10 =	sld [smem:$0x7E9];
	_ =	sdelay $0x2  }
0x38c: {  	[tilespmem:s28], [sflag:$0x1] =	stream.linear.gather [hbm4b:s10+s7], $0x600, $0x38;
	[tilespmem:$0x7E00] =	vst v63  }
0x38d: {  	s10 =	sld [smem:$0x7EA];
	_ =	sdelay $0x2  }
0x38e: {  	[tilespmem:s29], [sflag:$0x1] =	stream.linear.gather [hbm4b:s10+s7], $0x600, $0x38;
	[tilespmem:$0x7E00] =	vst v63  }
0x38f: {  	s10 =	sld [smem:$0x7EB];
	_ =	sdelay $0x2  }
0x390: {  	[tilespmem:s30], [sflag:$0x1] =	stream.linear.gather [hbm4b:s10+s7], $0x600, $0x38;
	[tilespmem:$0x7E00] =	vst v63  }
0x391: {  	s10 =	sld [smem:$0x7EC];
	_ =	sdelay $0x2  }
0x392: {  	[tilespmem:s31], [sflag:$0x1] =	stream.linear.gather [hbm4b:s10+s7], $0x600, $0x38;
	[tilespmem:$0x7E00] =	vst v63  }
0x393: {  	s10 =	sld [smem:$0x7ED];
	_ =	sdelay $0x2  }
0x394: {  	[tilespmem:s0], [sflag:$0x1] =	stream.linear.gather [hbm4b:s10+s7], $0x600, $0x38;
	[tilespmem:$0x7E00] =	vst v63  }
0x395: {  	_ =	swait.ge [sflag:s1], $0x600  }
0x396: {  	[sflag:s1] =	ssyncset.done $0x0  }
0x397: {  	[sflag:s1] =	ssyncadd.s32 $0xFFFFFA00  }
0x398: {  	_ =	swait.ge [sflag:s1], $0x600  }
0x399: {  	[sflag:s1] =	ssyncset.done $0x0  }
0x39a: {  	[sflag:s1] =	ssyncadd.s32 $0xFFFFFA00  }
0x39b: {  	_ =	swait.ge [sflag:s1], $0x600  }
0x39c: {  	[sflag:s1] =	ssyncset.done $0x0  }
0x39d: {  	[sflag:s1] =	ssyncadd.s32 $0xFFFFFA00  }
0x39e: {  	_ =	swait.ge [sflag:s1], $0x600  }
0x39f: {  	[sflag:s1] =	ssyncset.done $0x0  }
0x3a0: {  	[sflag:s1] =	ssyncadd.s32 $0xFFFFFA00  }
0x3a1: {  	_ =	swait.ge [sflag:s1], $0x600  }
0x3a2: {  	[sflag:s1] =	ssyncset.done $0x0  }
0x3a3: {  	[sflag:s1] =	ssyncadd.s32 $0xFFFFFA00  }
0x3a4: {  	_ =	swait.ge [sflag:s1], $0x600  }
0x3a5: {  	[sflag:s1] =	ssyncset.done $0x0  }
0x3a6: {  	[sflag:s1] =	ssyncadd.s32 $0xFFFFFA00  }
0x3a7: {  	_ =	swait.ge [sflag:s1], $0x600  }
0x3a8: {  	[sflag:s1] =	ssyncset.done $0x0  }
0x3a9: {  	[sflag:s1] =	ssyncadd.s32 $0xFFFFFA00  }
0x3aa: {  	_ =	swait.ge [sflag:s1], $0x600  }
0x3ab: {  	[sflag:s1] =	ssyncset.done $0x0  }
0x3ac: {  	[sflag:s1] =	ssyncadd.s32 $0xFFFFFA00  }
0x3ad: {  	_ =	swait.ge [sflag:s1], $0x600  }
0x3ae: {  	[sflag:s1] =	ssyncset.done $0x0  }
0x3af: {  	[sflag:s1] =	ssyncadd.s32 $0xFFFFFA00  }
0x3b0: {  	_ =	swait.ge [sflag:s1], $0x600  }
0x3b1: {  	[sflag:s1] =	ssyncset.done $0x0  }
0x3b2: {  	[sflag:s1] =	ssyncadd.s32 $0xFFFFFA00  }
0x3b3: {  	_ =	swait.ge [sflag:s1], $0x600  }
0x3b4: {  	[sflag:s1] =	ssyncset.done $0x0  }
0x3b5: {  	[sflag:s1] =	ssyncadd.s32 $0xFFFFFA00  }
0x3b6: {  	_ =	swait.ge [sflag:s1], $0x600  }
0x3b7: {  	[sflag:s1] =	ssyncset.done $0x0  }
0x3b8: {  	[sflag:s1] =	ssyncadd.s32 $0xFFFFFA00  }
0x3b9: {  	_ =	swait.ge [sflag:s1], $0x600  }
0x3ba: {  	[sflag:s1] =	ssyncset.done $0x0  }
0x3bb: {  	[sflag:s1] =	ssyncadd.s32 $0xFFFFFA00  }
0x3bc: {  	_ =	swait.ge [sflag:s1], $0x600  }
0x3bd: {  	[sflag:s1] =	ssyncset.done $0x0  }
0x3be: {  	[sflag:s1] =	ssyncadd.s32 $0xFFFFFA00  }
0x3bf: {  	_ =	swait.ge [sflag:s1], $0x600  }
0x3c0: {  	[sflag:s1] =	ssyncset.done $0x0  }
0x3c1: {  	[sflag:s1] =	ssyncadd.s32 $0xFFFFFA00  }
0x3c2: {  	_ =	swait.ge [sflag:s1], $0x600  }
0x3c3: {  	[sflag:s1] =	ssyncset.done $0x0  }
0x3c4: {  	[sflag:s1] =	ssyncadd.s32 $0xFFFFFA00  }
0x3c5: {  	_ =	swait.ge [sflag:s1], $0x600  }
0x3c6: {  	[sflag:s1] =	ssyncset.done $0x0  }
0x3c7: {  	[sflag:s1] =	ssyncadd.s32 $0xFFFFFA00  }
0x3c8: {  	_ =	swait.ge [sflag:s1], $0x600  }
0x3c9: {  	[sflag:s1] =	ssyncset.done $0x0  }
0x3ca: {  	[sflag:s1] =	ssyncadd.s32 $0xFFFFFA00  }
0x3cb: {  	_ =	swait.ge [sflag:s1], $0x600  }
0x3cc: {  	[sflag:s1] =	ssyncset.done $0x0  }
0x3cd: {  	[sflag:s1] =	ssyncadd.s32 $0xFFFFFA00  }
0x3ce: {  	s10 =	sand.u32 $0x7F0, s7;
	v1 =	vld [tilespmem:s7+$0x0]  }
0x3cf: {  	v2 =	vld [tilespmem:s10+$0x600];
	_ =	sdelay $0x1  }
0x3d0: {  	v3 =	vld [tilespmem:s10+$0xC00];
	_ =	sdelay $0x1  }
0x3d1: {  	v4 =	vld [tilespmem:s10+$0x1200]  }
0x3d2: {  	vm0 =	vgt.f32 v2, v1  }
0x3d3: {  	v1 =	vsel vm0, v2, v1;
	v2 =	vld [tilespmem:s10+$0x1800]  }
0x3d4: {  	vm1 =	vgt.f32 v3, v1  }
0x3d5: {  	v1 =	vsel vm1, v3, v1;
	v3 =	vld [tilespmem:s10+$0x1E00]  }
0x3d6: {  	vm2 =	vgt.f32 v4, v1  }
0x3d7: {  	v59 =	vld [tilespmem:s10+$0x2400];
	v1 =	vsel vm2, v4, v1  }
0x3d8: {  	vm3 =	vgt.f32 v2, v1  }
0x3d9: {  	v1 =	vsel vm3, v2, v1;
	v2 =	vld [tilespmem:s10+$0x2A00]  }
0x3da: {  	vm4 =	vgt.f32 v3, v1  }
0x3db: {  	v1 =	vsel vm4, v3, v1;
	v3 =	vld [tilespmem:s10+$0x3000]  }
0x3dc: {  	vm5 =	vgt.f32 v59, v1  }
0x3dd: {  	v60 =	vld [tilespmem:s10+$0x3600];
	v1 =	vsel vm5, v59, v1  }
0x3de: {  	vm6 =	vgt.f32 v2, v1  }
0x3df: {  	v1 =	vsel vm6, v2, v1;
	v2 =	vld [tilespmem:s10+$0x3C00]  }
0x3e0: {  	vm7 =	vgt.f32 v3, v1  }
0x3e1: {  	v1 =	vsel vm7, v3, v1;
	v3 =	vld [tilespmem:s10+$0x4200]  }
0x3e2: {  	vm8 =	vgt.f32 v60, v1  }
0x3e3: {  	v61 =	vld [tilespmem:s10+$0x4800];
	v1 =	vsel vm8, v60, v1  }
0x3e4: {  	vm9 =	vgt.f32 v2, v1  }
0x3e5: {  	v5 =	vsel vm0, $0x1, v0;
	v1 =	vsel vm9, v2, v1;
	v2 =	vld [tilespmem:s10+$0x4E00]  }
0x3e6: {  	v5 =	vsel vm1, $0x2, v5;
	vm14 =	vgt.f32 v3, v1  }
0x3e7: {  	v5 =	vsel vm2, $0x3, v5;
	v1 =	vsel vm14, v3, v1;
	v3 =	vld [tilespmem:s10+$0x5400]  }
0x3e8: {  	v5 =	vsel vm3, $0x4, v5;
	vm15 =	vgt.f32 v61, v1  }
0x3e9: {  	v62 =	vld [tilespmem:s10+$0x5A00];
	v5 =	vsel vm4, $0x5, v5;
	v1 =	vsel vm15, v61, v1  }
0x3ea: {  	v5 =	vsel vm5, $0x6, v5;
	vm10 =	vgt.f32 v2, v1  }
0x3eb: {  	v5 =	vsel vm6, $0x7, v5;
	v1 =	vsel vm10, v2, v1;
	v2 =	vld [tilespmem:s10+$0x6000]  }
0x3ec: {  	v5 =	vsel vm7, $0x8, v5;
	vm11 =	vgt.f32 v3, v1  }
0x3ed: {  	v5 =	vsel vm8, $0x9, v5;
	v1 =	vsel vm11, v3, v1;
	v3 =	vld [tilespmem:s10+$0x6600]  }
0x3ee: {  	v5 =	vsel vm9, $0xA, v5;
	vm12 =	vgt.f32 v62, v1  }
0x3ef: {  	v63 =	vld [tilespmem:s10+$0x6C00];
	v5 =	vsel vm14, $0xB, v5;
	v1 =	vsel vm12, v62, v1  }
0x3f0: {  	v5 =	vsel vm15, $0xC, v5;
	vm13 =	vgt.f32 v2, v1  }
0x3f1: {  	v5 =	vsel vm10, $0xD, v5;
	v1 =	vsel vm13, v2, v1  }
0x3f2: {  	v2 =	vsel vm11, $0xE, v5;
	vm14 =	vgt.f32 v3, v1  }
0x3f3: {  	v2 =	vsel vm12, $0xF, v2;
	v1 =	vsel vm14, v3, v1  }
0x3f4: {  	v2 =	vsel vm13, $0x10, v2;
	vm15 =	vgt.f32 v63, v1  }
0x3f5: {  	v2 =	vsel vm14, $0x11, v2;
	v3 =	vsel vm15, v63, v1  }
0x3f6: {  	s9 =	simm.s32 $0x10;
	v1 =	vsel vm15, $0x12, v2;
	[tilespmem:s5+$0x0] =	vst v3  }
.LBB2_10:
0x3f7: {  	[tilespmem:s8+$0x0] =	vst v1;
	s7 =	sadd.s32 $0x10, s7;
	s5 =	sadd.s32 $0x10, s5;
	s8 =	sadd.s32 $0x10, s8  }
0x3f8: {  	s10 =	sand.u32 $0x7F0, s9;
	p0 =	sne.s32 s9, $0x5F0;
	s9 =	sadd.s32 $0x10, s9;
	v1 =	vld [tilespmem:s7+$0x0]  }
0x3f9: {  	v2 =	vld [tilespmem:s10+$0x600];
	_ =	sdelay $0x1  }
0x3fa: {  	v3 =	vld [tilespmem:s10+$0xC00];
	_ =	sdelay $0x1  }
0x3fb: {  	v4 =	vld [tilespmem:s10+$0x1200]  }
0x3fc: {  	vm0 =	vgt.f32 v2, v1  }
0x3fd: {  	v1 =	vsel vm0, v2, v1;
	v2 =	vld [tilespmem:s10+$0x1800]  }
0x3fe: {  	vm1 =	vgt.f32 v3, v1  }
0x3ff: {  	v1 =	vsel vm1, v3, v1;
	v3 =	vld [tilespmem:s10+$0x1E00]  }
0x400: {  	vm2 =	vgt.f32 v4, v1  }
0x401: {  	v1 =	vsel vm2, v4, v1;
	v4 =	vld [tilespmem:s10+$0x2400]  }
0x402: {  	vm3 =	vgt.f32 v2, v1  }
0x403: {  	v1 =	vsel vm3, v2, v1;
	v2 =	vld [tilespmem:s10+$0x2A00]  }
0x404: {  	vm4 =	vgt.f32 v3, v1  }
0x405: {  	v1 =	vsel vm4, v3, v1;
	v3 =	vld [tilespmem:s10+$0x3000]  }
0x406: {  	vm5 =	vgt.f32 v4, v1  }
0x407: {  	v1 =	vsel vm5, v4, v1;
	v4 =	vld [tilespmem:s10+$0x3600]  }
0x408: {  	vm6 =	vgt.f32 v2, v1  }
0x409: {  	v1 =	vsel vm6, v2, v1;
	v2 =	vld [tilespmem:s10+$0x3C00]  }
0x40a: {  	vm7 =	vgt.f32 v3, v1  }
0x40b: {  	v1 =	vsel vm7, v3, v1;
	v3 =	vld [tilespmem:s10+$0x4200]  }
0x40c: {  	vm8 =	vgt.f32 v4, v1  }
0x40d: {  	v1 =	vsel vm8, v4, v1;
	v4 =	vld [tilespmem:s10+$0x4800]  }
0x40e: {  	vm9 =	vgt.f32 v2, v1  }
0x40f: {  	v5 =	vsel vm0, $0x1, v0;
	v1 =	vsel vm9, v2, v1;
	v2 =	vld [tilespmem:s10+$0x4E00]  }
0x410: {  	v5 =	vsel vm1, $0x2, v5;
	vm0 =	vgt.f32 v3, v1  }
0x411: {  	v5 =	vsel vm2, $0x3, v5;
	v1 =	vsel vm0, v3, v1;
	v3 =	vld [tilespmem:s10+$0x5400]  }
0x412: {  	v5 =	vsel vm3, $0x4, v5;
	vm1 =	vgt.f32 v4, v1  }
0x413: {  	v5 =	vsel vm4, $0x5, v5;
	v1 =	vsel vm1, v4, v1;
	v4 =	vld [tilespmem:s10+$0x5A00]  }
0x414: {  	v5 =	vsel vm5, $0x6, v5;
	vm2 =	vgt.f32 v2, v1  }
0x415: {  	v5 =	vsel vm6, $0x7, v5;
	v1 =	vsel vm2, v2, v1;
	v2 =	vld [tilespmem:s10+$0x6000]  }
0x416: {  	v5 =	vsel vm7, $0x8, v5;
	vm3 =	vgt.f32 v3, v1  }
0x417: {  	v5 =	vsel vm8, $0x9, v5;
	v1 =	vsel vm3, v3, v1;
	v3 =	vld [tilespmem:s10+$0x6600]  }
0x418: {  	v5 =	vsel vm9, $0xA, v5;
	vm4 =	vgt.f32 v4, v1  }
0x419: {  	v5 =	vsel vm0, $0xB, v5;
	v1 =	vsel vm4, v4, v1;
	v4 =	vld [tilespmem:s10+$0x6C00]  }
0x41a: {  	v5 =	vsel vm1, $0xC, v5;
	vm0 =	vgt.f32 v2, v1  }
0x41b: {  	v5 =	vsel vm2, $0xD, v5;
	v1 =	vsel vm0, v2, v1  }
.Ltmp4:
0x41c: {  	v2 =	vsel vm3, $0xE, v5;
	vm1 =	vgt.f32 v3, v1;
	(pc) =	sbr.rel @p0 .LBB2_10-.Ltmp4, $4  }
0x41d: {  	v2 =	vsel vm4, $0xF, v2;
	v1 =	vsel vm1, v3, v1  }
0x41e: {  	v2 =	vsel vm0, $0x10, v2;
	vm0 =	vgt.f32 v4, v1  }
0x41f: {  	v2 =	vsel vm1, $0x11, v2;
	v3 =	vsel vm0, v4, v1  }
0x420: {  	v1 =	vsel vm0, $0x12, v2;
	[tilespmem:s5+$0x0] =	vst v3  }
0x421: {  	[tilespmem:s8+$0x0] =	vst v1;
	s7 =	simm.s32 $0x0;
	s5 =	simm.s32 $0x7200;
	s9 =	rddreg [dreg:$0x12]  }
0x422: {  	[hbm4b:s9+s7] =	stream.linear.scatter [tilespmem:s5], [sflag:$0x2], $0x600, $0x38;
	[tilespmem:$0x7E00] =	vst v63  }
0x423: {  	_ =	swait.ge [sflag:s4], $0x600  }
0x424: {  	[sflag:s4] =	ssyncset.done $0x0  }
0x425: {  	s8 =	simm.s32 $0x7800;
	s9 =	rddreg [dreg:$0x13];
	[sflag:s4] =	ssyncadd.s32 $0xFFFFFA00  }
0x426: {  	[hbm4b:s9+s7] =	stream.linear.scatter [tilespmem:s8], [sflag:$0x2], $0x600, $0x38;
	[tilespmem:$0x7E00] =	vst v63  }
0x427: {  	_ =	swait.ge [sflag:s4], $0x600  }
0x428: {  	s10 =	sld [smem:$0x7EE]  }
0x429: {  	[sflag:s4] =	ssyncset.done $0x0  }
0x42a: {  	[sflag:s4] =	ssyncadd.s32 $0xFFFFFA00  }
0x42b: {  	[tilespmem:s7], [sflag:$0x1] =	stream.linear.gather [hbm4b:s10+s7], $0x600, $0x38;
	[tilespmem:$0x7E00] =	vst v63  }
0x42c: {  	s10 =	sld [smem:$0x7EF];
	_ =	sdelay $0x2  }
0x42d: {  	[tilespmem:s14], [sflag:$0x1] =	stream.linear.gather [hbm4b:s10+s7], $0x600, $0x38;
	[tilespmem:$0x7E00] =	vst v63  }
0x42e: {  	s10 =	sld [smem:$0x7F0];
	_ =	sdelay $0x2  }
0x42f: {  	[tilespmem:s15], [sflag:$0x1] =	stream.linear.gather [hbm4b:s10+s7], $0x600, $0x38;
	[tilespmem:$0x7E00] =	vst v63  }
0x430: {  	s10 =	sld [smem:$0x7F1];
	_ =	sdelay $0x2  }
0x431: {  	[tilespmem:s16], [sflag:$0x1] =	stream.linear.gather [hbm4b:s10+s7], $0x600, $0x38;
	[tilespmem:$0x7E00] =	vst v63  }
0x432: {  	s10 =	sld [smem:$0x7F2];
	_ =	sdelay $0x2  }
0x433: {  	[tilespmem:s17], [sflag:$0x1] =	stream.linear.gather [hbm4b:s10+s7], $0x600, $0x38;
	[tilespmem:$0x7E00] =	vst v63  }
0x434: {  	s10 =	sld [smem:$0x7F3];
	_ =	sdelay $0x2  }
0x435: {  	[tilespmem:s18], [sflag:$0x1] =	stream.linear.gather [hbm4b:s10+s7], $0x600, $0x38;
	[tilespmem:$0x7E00] =	vst v63  }
0x436: {  	s10 =	sld [smem:$0x7F4];
	_ =	sdelay $0x2  }
0x437: {  	[tilespmem:s19], [sflag:$0x1] =	stream.linear.gather [hbm4b:s10+s7], $0x600, $0x38;
	[tilespmem:$0x7E00] =	vst v63  }
0x438: {  	s10 =	sld [smem:$0x7F5];
	_ =	sdelay $0x2  }
0x439: {  	[tilespmem:s20], [sflag:$0x1] =	stream.linear.gather [hbm4b:s10+s7], $0x600, $0x38;
	[tilespmem:$0x7E00] =	vst v63  }
0x43a: {  	s10 =	sld [smem:$0x7F6];
	_ =	sdelay $0x2  }
0x43b: {  	[tilespmem:s21], [sflag:$0x1] =	stream.linear.gather [hbm4b:s10+s7], $0x600, $0x38;
	[tilespmem:$0x7E00] =	vst v63  }
0x43c: {  	s10 =	sld [smem:$0x7F7];
	_ =	sdelay $0x2  }
0x43d: {  	[tilespmem:s22], [sflag:$0x1] =	stream.linear.gather [hbm4b:s10+s7], $0x600, $0x38;
	[tilespmem:$0x7E00] =	vst v63  }
0x43e: {  	s10 =	sld [smem:$0x7F8];
	_ =	sdelay $0x2  }
0x43f: {  	[tilespmem:s23], [sflag:$0x1] =	stream.linear.gather [hbm4b:s10+s7], $0x600, $0x38;
	[tilespmem:$0x7E00] =	vst v63  }
0x440: {  	s10 =	sld [smem:$0x7F9];
	_ =	sdelay $0x2  }
0x441: {  	[tilespmem:s24], [sflag:$0x1] =	stream.linear.gather [hbm4b:s10+s7], $0x600, $0x38;
	[tilespmem:$0x7E00] =	vst v63  }
0x442: {  	s10 =	sld [smem:$0x7FA];
	_ =	sdelay $0x2  }
0x443: {  	[tilespmem:s25], [sflag:$0x1] =	stream.linear.gather [hbm4b:s10+s7], $0x600, $0x38;
	[tilespmem:$0x7E00] =	vst v63  }
0x444: {  	s10 =	sld [smem:$0x7FB];
	_ =	sdelay $0x2  }
0x445: {  	[tilespmem:s26], [sflag:$0x1] =	stream.linear.gather [hbm4b:s10+s7], $0x600, $0x38;
	[tilespmem:$0x7E00] =	vst v63  }
0x446: {  	s10 =	sld [smem:$0x7FC];
	_ =	sdelay $0x2  }
0x447: {  	[tilespmem:s28], [sflag:$0x1] =	stream.linear.gather [hbm4b:s10+s7], $0x600, $0x38;
	[tilespmem:$0x7E00] =	vst v63  }
0x448: {  	s10 =	sld [smem:$0x7FD];
	_ =	sdelay $0x2  }
0x449: {  	[tilespmem:s29], [sflag:$0x1] =	stream.linear.gather [hbm4b:s10+s7], $0x600, $0x38;
	[tilespmem:$0x7E00] =	vst v63  }
0x44a: {  	_ = 	snop  }
0x44b: {  	[tilespmem:s30], [sflag:$0x1] =	stream.linear.gather [hbm4b:s11+s7], $0x600, $0x38;
	[tilespmem:$0x7E00] =	vst v63  }
0x44c: {  	_ = 	snop  }
0x44d: {  	[tilespmem:s31], [sflag:$0x1] =	stream.linear.gather [hbm4b:s12+s7], $0x600, $0x38;
	[tilespmem:$0x7E00] =	vst v63  }
0x44e: {  	_ = 	snop  }
0x44f: {  	[tilespmem:s0], [sflag:$0x1] =	stream.linear.gather [hbm4b:s13+s7], $0x600, $0x38;
	[tilespmem:$0x7E00] =	vst v63  }
0x450: {  	_ =	swait.ge [sflag:s1], $0x600  }
0x451: {  	[sflag:s1] =	ssyncset.done $0x0  }
0x452: {  	[sflag:s1] =	ssyncadd.s32 $0xFFFFFA00  }
0x453: {  	_ =	swait.ge [sflag:s1], $0x600  }
0x454: {  	[sflag:s1] =	ssyncset.done $0x0  }
0x455: {  	[sflag:s1] =	ssyncadd.s32 $0xFFFFFA00  }
0x456: {  	_ =	swait.ge [sflag:s1], $0x600  }
0x457: {  	[sflag:s1] =	ssyncset.done $0x0  }
0x458: {  	[sflag:s1] =	ssyncadd.s32 $0xFFFFFA00  }
0x459: {  	_ =	swait.ge [sflag:s1], $0x600  }
0x45a: {  	[sflag:s1] =	ssyncset.done $0x0  }
0x45b: {  	[sflag:s1] =	ssyncadd.s32 $0xFFFFFA00  }
0x45c: {  	_ =	swait.ge [sflag:s1], $0x600  }
0x45d: {  	[sflag:s1] =	ssyncset.done $0x0  }
0x45e: {  	[sflag:s1] =	ssyncadd.s32 $0xFFFFFA00  }
0x45f: {  	_ =	swait.ge [sflag:s1], $0x600  }
0x460: {  	[sflag:s1] =	ssyncset.done $0x0  }
0x461: {  	[sflag:s1] =	ssyncadd.s32 $0xFFFFFA00  }
0x462: {  	_ =	swait.ge [sflag:s1], $0x600  }
0x463: {  	[sflag:s1] =	ssyncset.done $0x0  }
0x464: {  	[sflag:s1] =	ssyncadd.s32 $0xFFFFFA00  }
0x465: {  	_ =	swait.ge [sflag:s1], $0x600  }
0x466: {  	[sflag:s1] =	ssyncset.done $0x0  }
0x467: {  	[sflag:s1] =	ssyncadd.s32 $0xFFFFFA00  }
0x468: {  	_ =	swait.ge [sflag:s1], $0x600  }
0x469: {  	[sflag:s1] =	ssyncset.done $0x0  }
0x46a: {  	[sflag:s1] =	ssyncadd.s32 $0xFFFFFA00  }
0x46b: {  	_ =	swait.ge [sflag:s1], $0x600  }
0x46c: {  	[sflag:s1] =	ssyncset.done $0x0  }
0x46d: {  	[sflag:s1] =	ssyncadd.s32 $0xFFFFFA00  }
0x46e: {  	_ =	swait.ge [sflag:s1], $0x600  }
0x46f: {  	[sflag:s1] =	ssyncset.done $0x0  }
0x470: {  	[sflag:s1] =	ssyncadd.s32 $0xFFFFFA00  }
0x471: {  	_ =	swait.ge [sflag:s1], $0x600  }
0x472: {  	[sflag:s1] =	ssyncset.done $0x0  }
0x473: {  	[sflag:s1] =	ssyncadd.s32 $0xFFFFFA00  }
0x474: {  	_ =	swait.ge [sflag:s1], $0x600  }
0x475: {  	[sflag:s1] =	ssyncset.done $0x0  }
0x476: {  	[sflag:s1] =	ssyncadd.s32 $0xFFFFFA00  }
0x477: {  	_ =	swait.ge [sflag:s1], $0x600  }
0x478: {  	[sflag:s1] =	ssyncset.done $0x0  }
0x479: {  	[sflag:s1] =	ssyncadd.s32 $0xFFFFFA00  }
0x47a: {  	_ =	swait.ge [sflag:s1], $0x600  }
0x47b: {  	[sflag:s1] =	ssyncset.done $0x0  }
0x47c: {  	[sflag:s1] =	ssyncadd.s32 $0xFFFFFA00  }
0x47d: {  	_ =	swait.ge [sflag:s1], $0x600  }
0x47e: {  	[sflag:s1] =	ssyncset.done $0x0  }
0x47f: {  	[sflag:s1] =	ssyncadd.s32 $0xFFFFFA00  }
0x480: {  	_ =	swait.ge [sflag:s1], $0x600  }
0x481: {  	[sflag:s1] =	ssyncset.done $0x0  }
0x482: {  	[sflag:s1] =	ssyncadd.s32 $0xFFFFFA00  }
0x483: {  	_ =	swait.ge [sflag:s1], $0x600  }
0x484: {  	[sflag:s1] =	ssyncset.done $0x0  }
0x485: {  	[sflag:s1] =	ssyncadd.s32 $0xFFFFFA00  }
0x486: {  	_ =	swait.ge [sflag:s1], $0x600  }
0x487: {  	[sflag:s1] =	ssyncset.done $0x0  }
0x488: {  	[sflag:s1] =	ssyncadd.s32 $0xFFFFFA00  }
0x489: {  	s10 =	sand.u32 $0x7F0, s7;
	v1 =	vld [tilespmem:s7+$0x0]  }
0x48a: {  	v2 =	vld [tilespmem:s10+$0x600];
	_ =	sdelay $0x1  }
0x48b: {  	v3 =	vld [tilespmem:s10+$0xC00];
	_ =	sdelay $0x1  }
0x48c: {  	v4 =	vld [tilespmem:s10+$0x1200]  }
0x48d: {  	vm0 =	vgt.f32 v2, v1  }
0x48e: {  	v1 =	vsel vm0, v2, v1;
	v2 =	vld [tilespmem:s10+$0x1800]  }
0x48f: {  	vm1 =	vgt.f32 v3, v1  }
0x490: {  	v1 =	vsel vm1, v3, v1;
	v3 =	vld [tilespmem:s10+$0x1E00]  }
0x491: {  	vm2 =	vgt.f32 v4, v1  }
0x492: {  	v59 =	vld [tilespmem:s10+$0x2400];
	v1 =	vsel vm2, v4, v1  }
0x493: {  	vm3 =	vgt.f32 v2, v1  }
0x494: {  	v1 =	vsel vm3, v2, v1;
	v2 =	vld [tilespmem:s10+$0x2A00]  }
0x495: {  	vm4 =	vgt.f32 v3, v1  }
0x496: {  	v1 =	vsel vm4, v3, v1;
	v3 =	vld [tilespmem:s10+$0x3000]  }
0x497: {  	vm5 =	vgt.f32 v59, v1  }
0x498: {  	v60 =	vld [tilespmem:s10+$0x3600];
	v1 =	vsel vm5, v59, v1  }
0x499: {  	vm6 =	vgt.f32 v2, v1  }
0x49a: {  	v1 =	vsel vm6, v2, v1;
	v2 =	vld [tilespmem:s10+$0x3C00]  }
0x49b: {  	vm7 =	vgt.f32 v3, v1  }
0x49c: {  	v1 =	vsel vm7, v3, v1;
	v3 =	vld [tilespmem:s10+$0x4200]  }
0x49d: {  	vm8 =	vgt.f32 v60, v1  }
0x49e: {  	v61 =	vld [tilespmem:s10+$0x4800];
	v1 =	vsel vm8, v60, v1  }
0x49f: {  	vm9 =	vgt.f32 v2, v1  }
0x4a0: {  	v5 =	vsel vm0, $0x1, v0;
	v1 =	vsel vm9, v2, v1;
	v2 =	vld [tilespmem:s10+$0x4E00]  }
0x4a1: {  	v5 =	vsel vm1, $0x2, v5;
	vm14 =	vgt.f32 v3, v1  }
0x4a2: {  	v5 =	vsel vm2, $0x3, v5;
	v1 =	vsel vm14, v3, v1;
	v3 =	vld [tilespmem:s10+$0x5400]  }
0x4a3: {  	v5 =	vsel vm3, $0x4, v5;
	vm15 =	vgt.f32 v61, v1  }
0x4a4: {  	v62 =	vld [tilespmem:s10+$0x5A00];
	v5 =	vsel vm4, $0x5, v5;
	v1 =	vsel vm15, v61, v1  }
0x4a5: {  	v5 =	vsel vm5, $0x6, v5;
	vm10 =	vgt.f32 v2, v1  }
0x4a6: {  	v5 =	vsel vm6, $0x7, v5;
	v1 =	vsel vm10, v2, v1;
	v2 =	vld [tilespmem:s10+$0x6000]  }
0x4a7: {  	v5 =	vsel vm7, $0x8, v5;
	vm11 =	vgt.f32 v3, v1  }
0x4a8: {  	v5 =	vsel vm8, $0x9, v5;
	v1 =	vsel vm11, v3, v1;
	v3 =	vld [tilespmem:s10+$0x6600]  }
0x4a9: {  	v5 =	vsel vm9, $0xA, v5;
	vm12 =	vgt.f32 v62, v1  }
0x4aa: {  	v63 =	vld [tilespmem:s10+$0x6C00];
	v5 =	vsel vm14, $0xB, v5;
	v1 =	vsel vm12, v62, v1  }
0x4ab: {  	v5 =	vsel vm15, $0xC, v5;
	vm13 =	vgt.f32 v2, v1  }
0x4ac: {  	v5 =	vsel vm10, $0xD, v5;
	v1 =	vsel vm13, v2, v1  }
0x4ad: {  	v2 =	vsel vm11, $0xE, v5;
	vm14 =	vgt.f32 v3, v1  }
0x4ae: {  	v2 =	vsel vm12, $0xF, v2;
	v1 =	vsel vm14, v3, v1  }
0x4af: {  	v2 =	vsel vm13, $0x10, v2;
	vm15 =	vgt.f32 v63, v1  }
0x4b0: {  	v2 =	vsel vm14, $0x11, v2;
	v3 =	vsel vm15, v63, v1  }
0x4b1: {  	s9 =	simm.s32 $0x10;
	v1 =	vsel vm15, $0x12, v2;
	[tilespmem:s5+$0x0] =	vst v3  }
.LBB2_12:
0x4b2: {  	[tilespmem:s8+$0x0] =	vst v1;
	s7 =	sadd.s32 $0x10, s7;
	s5 =	sadd.s32 $0x10, s5;
	s8 =	sadd.s32 $0x10, s8  }
0x4b3: {  	s10 =	sand.u32 $0x7F0, s9;
	p0 =	sne.s32 s9, $0x5F0;
	s9 =	sadd.s32 $0x10, s9;
	v1 =	vld [tilespmem:s7+$0x0]  }
0x4b4: {  	v2 =	vld [tilespmem:s10+$0x600];
	_ =	sdelay $0x1  }
0x4b5: {  	v3 =	vld [tilespmem:s10+$0xC00];
	_ =	sdelay $0x1  }
0x4b6: {  	v4 =	vld [tilespmem:s10+$0x1200]  }
0x4b7: {  	vm0 =	vgt.f32 v2, v1  }
0x4b8: {  	v1 =	vsel vm0, v2, v1;
	v2 =	vld [tilespmem:s10+$0x1800]  }
0x4b9: {  	vm1 =	vgt.f32 v3, v1  }
0x4ba: {  	v1 =	vsel vm1, v3, v1;
	v3 =	vld [tilespmem:s10+$0x1E00]  }
0x4bb: {  	vm2 =	vgt.f32 v4, v1  }
0x4bc: {  	v1 =	vsel vm2, v4, v1;
	v4 =	vld [tilespmem:s10+$0x2400]  }
0x4bd: {  	vm3 =	vgt.f32 v2, v1  }
0x4be: {  	v1 =	vsel vm3, v2, v1;
	v2 =	vld [tilespmem:s10+$0x2A00]  }
0x4bf: {  	vm4 =	vgt.f32 v3, v1  }
0x4c0: {  	v1 =	vsel vm4, v3, v1;
	v3 =	vld [tilespmem:s10+$0x3000]  }
0x4c1: {  	vm5 =	vgt.f32 v4, v1  }
0x4c2: {  	v1 =	vsel vm5, v4, v1;
	v4 =	vld [tilespmem:s10+$0x3600]  }
0x4c3: {  	vm6 =	vgt.f32 v2, v1  }
0x4c4: {  	v1 =	vsel vm6, v2, v1;
	v2 =	vld [tilespmem:s10+$0x3C00]  }
0x4c5: {  	vm7 =	vgt.f32 v3, v1  }
0x4c6: {  	v1 =	vsel vm7, v3, v1;
	v3 =	vld [tilespmem:s10+$0x4200]  }
0x4c7: {  	vm8 =	vgt.f32 v4, v1  }
0x4c8: {  	v1 =	vsel vm8, v4, v1;
	v4 =	vld [tilespmem:s10+$0x4800]  }
0x4c9: {  	vm9 =	vgt.f32 v2, v1  }
0x4ca: {  	v5 =	vsel vm0, $0x1, v0;
	v1 =	vsel vm9, v2, v1;
	v2 =	vld [tilespmem:s10+$0x4E00]  }
0x4cb: {  	v5 =	vsel vm1, $0x2, v5;
	vm0 =	vgt.f32 v3, v1  }
0x4cc: {  	v5 =	vsel vm2, $0x3, v5;
	v1 =	vsel vm0, v3, v1;
	v3 =	vld [tilespmem:s10+$0x5400]  }
0x4cd: {  	v5 =	vsel vm3, $0x4, v5;
	vm1 =	vgt.f32 v4, v1  }
0x4ce: {  	v5 =	vsel vm4, $0x5, v5;
	v1 =	vsel vm1, v4, v1;
	v4 =	vld [tilespmem:s10+$0x5A00]  }
0x4cf: {  	v5 =	vsel vm5, $0x6, v5;
	vm2 =	vgt.f32 v2, v1  }
0x4d0: {  	v5 =	vsel vm6, $0x7, v5;
	v1 =	vsel vm2, v2, v1;
	v2 =	vld [tilespmem:s10+$0x6000]  }
0x4d1: {  	v5 =	vsel vm7, $0x8, v5;
	vm3 =	vgt.f32 v3, v1  }
0x4d2: {  	v5 =	vsel vm8, $0x9, v5;
	v1 =	vsel vm3, v3, v1;
	v3 =	vld [tilespmem:s10+$0x6600]  }
0x4d3: {  	v5 =	vsel vm9, $0xA, v5;
	vm4 =	vgt.f32 v4, v1  }
0x4d4: {  	v5 =	vsel vm0, $0xB, v5;
	v1 =	vsel vm4, v4, v1;
	v4 =	vld [tilespmem:s10+$0x6C00]  }
0x4d5: {  	v5 =	vsel vm1, $0xC, v5;
	vm0 =	vgt.f32 v2, v1  }
0x4d6: {  	v5 =	vsel vm2, $0xD, v5;
	v1 =	vsel vm0, v2, v1  }
.Ltmp5:
0x4d7: {  	v2 =	vsel vm3, $0xE, v5;
	vm1 =	vgt.f32 v3, v1;
	(pc) =	sbr.rel @p0 .LBB2_12-.Ltmp5, $4  }
0x4d8: {  	v2 =	vsel vm4, $0xF, v2;
	v1 =	vsel vm1, v3, v1  }
0x4d9: {  	v2 =	vsel vm0, $0x10, v2;
	vm0 =	vgt.f32 v4, v1  }
0x4da: {  	v2 =	vsel vm1, $0x11, v2;
	v3 =	vsel vm0, v4, v1  }
0x4db: {  	v1 =	vsel vm0, $0x12, v2;
	[tilespmem:s5+$0x0] =	vst v3  }
0x4dc: {  	[tilespmem:s8+$0x0] =	vst v1;
	s5 =	rddreg [dreg:$0x14];
	s7 =	simm.s32 $0x7200  }
0x4dd: {  	[hbm4b:s5+s2] =	stream.linear.scatter [tilespmem:s7], [sflag:$0x2], $0x600, $0x38;
	[tilespmem:$0x7E00] =	vst v63  }
0x4de: {  	_ =	swait.ge [sflag:s4], $0x600  }
0x4df: {  	[sflag:s4] =	ssyncset.done $0x0  }
0x4e0: {  	s9 =	simm.s32 $0x7800;
	s8 =	rddreg [dreg:$0x15];
	[sflag:s4] =	ssyncadd.s32 $0xFFFFFA00  }
0x4e1: {  	[hbm4b:s8+s2] =	stream.linear.scatter [tilespmem:s9], [sflag:$0x2], $0x600, $0x38;
	[tilespmem:$0x7E00] =	vst v63  }
0x4e2: {  	_ =	swait.ge [sflag:s4], $0x600  }
0x4e3: {  	s6 =	sadd.s32 $0x1, s6;
	s10 =	rddreg [dreg:$0x17]  }
0x4e4: {  	p0 =	sne.s32 s6, s10  }
.Ltmp6:
0x4e5: {  	_ = 	snop;
	(pc) =	sbr.rel @p0 .LBB2_1-.Ltmp6, $3  }
0x4e6: {  	_ =	sdelay $0x1  }
0x4e7: {  	[sflag:s4] =	ssyncset.done $0x0  }
0x4e8: {  	[sflag:s4] =	ssyncadd.s32 $0xFFFFFA00  }
0x4e9: {  	_ =	sfence.sel $0x180000  }
0x4ea: {  	[bflag:$0x0] =	sbarrier.arrive $0xFFFF  }
0x4eb: {  	_ =	strace $0x90000047  }
0x4ec: {  	s0 =	stileid.u32;
	[bflag:$0x2] =	sbarrier.arrive $0xFFFF  }
0x4ed: {  	p0 =	sne.s32 s0, $0x0;
	s0 =	rddreg [dreg:$0x1]  }
0x4ee: {  	s0 =	sadd.s32 @!p0 $0x100000, s0  }
0x4ef: {  	[sflag:s0] =	ssyncadd.tile.s32 @!p0 $0x1;
	_ =	shalt  }
.Lfunc_end2:
_tile_overlayer_lowered:
.L_overlay_start_2:
0x4f0: {  	(tag) =	ssettag $0x2  }
0x4f1: {  	s0 =	rddreg [dreg:$0x0];
	s2 =	stileid.u32  }
0x4f2: {  	s1 =	rddreg [dreg:$0x1];
	p0 =	sne.s32 s2, $0x0  }
0x4f3: {  	s3 =	rddreg [dreg:$0x2];
	[bflag:$0x3] =	sbarrier.arrive $0xFFFF;
	s2 =	simm.s32 @!p0 $0x1C02  }
0x4f4: {  	[timem:s3], [sflag:s2] =	dma.local @!p0 [hbm:s0], s1  }
0x4f5: {  	s0 =	simm.s32 @!p0 $0x2  }
0x4f6: {  	_ =	swait.ge @!p0 [sflag:s0], s1  }
0x4f7: {  	s1 =	ssub.s32 @!p0 $0x0, s1;
	[sflag:s0] =	ssyncset.done @!p0 $0x0  }
0x4f8: {  	[sflag:s0] =	ssyncadd.s32 @!p0 s1  }
0x4f9: {  	[bflag:$0x3] =	sbarrier.arrive $0xFFFF  }
0x4fa: {  	_ =	shalt  }

</sc_bundles>
